<compile_context>
chip_gen: v7x
topology: tpu7x:2x2x1
jax: 0.10.2.dev20260603
libtpu: 0.0.44.dev20260713+nightly
codegen_flags: <defaults>
</compile_context>

<pallas_src>
import functools

import jax
import jax.numpy as jnp
from jax import lax
from jax.experimental import pallas as pl
from jax.experimental.pallas import tpu as pltpu
from jax.experimental.pallas import tpu_sc as plsc

NC, NS = 2, 16
NW = NC * NS
B, L, D = 1024, 200, 128
VOCAB = 100000
ROWS_W = B // NW
TOK_W = ROWS_W * L
PE_PAD = 200
PAD_W = TOK_W + 16
_OFFS = tuple(range(0, 208, 16))

WIN_SHIFT = 11
WIN = 1 << WIN_SHIFT
NWIN = (VOCAB + WIN - 1) // WIN
SEG = 64
ARENA = TOK_W + NWIN * SEG
PT = WIN // NS


RB = 1


def _body(embW, pe_ext, x_hbm, m_hbm, out, xf, mf, eidx, pidx,
          ridx_a, tpos_a, ppos_a, pe_l, gbuf, gbuf2, rl, tl, rl2, tl2,
          cnt_v, base_v, base_s, win_a,
          gsem, ssem, gsem2, ssem2, sem_a):
    c_ax = lax.axis_index("c")
    s_ax = lax.axis_index("s")
    w = s_ax * NC + c_ax
    tok0 = w * TOK_W

    pltpu.sync_copy(pe_ext, pe_l)
    pltpu.sync_copy(x_hbm.at[pl.ds(tok0, TOK_W)], xf.at[pl.ds(0, TOK_W)])
    pltpu.sync_copy(m_hbm.at[pl.ds(tok0, TOK_W)], mf.at[pl.ds(0, TOK_W)])

    lane = lax.iota(jnp.int32, 16)

    def row_body(r, _):
        carry = jnp.int32(0)
        base = pl.multiple_of(r * L, 8)
        for off in _OFFS:
            last = off == 192
            src = pl.multiple_of(base + off, 8)
            m = mf[pl.ds(src, 16)]
            xx = xf[pl.ds(src, 16)]
            if last:
                m = jnp.where(lane < 8, m, 0)
            cum = plsc.cumsum(m) + carry
            pv = jnp.where(m == 1, cum - 1, PE_PAD)
            ev = xx * m
            eidx[pl.ds(src, 16)] = ev
            pidx[pl.ds(src, 16)] = pv
            if not last:
                carry = carry + jnp.sum(m)
        return 0

    lax.fori_loop(0, ROWS_W, row_body, 0)

    zero16 = lane * 0
    def adflt(i, _):
        off = pl.multiple_of(i * 16, 8)
        ridx_a[pl.ds(off, 16)] = zero16
        tpos_a[pl.ds(off, 16)] = zero16 + tok0
        ppos_a[pl.ds(off, 16)] = zero16 + PE_PAD
        return 0

    lax.fori_loop(0, ARENA // 16, adflt, 0)
    for q in range(4):
        cnt_v[pl.ds(q * 16, 16)] = zero16

    def histo(g, _):
        ev = eidx[pl.ds(pl.multiple_of(g * 16, 8), 16)]
        bid = lax.shift_right_logical(ev, WIN_SHIFT)
        rank, lastm = plsc.scan_count(bid)
        cur = plsc.load_gather(cnt_v, [bid])
        plsc.store_scatter(cnt_v, [bid], cur + rank + (1 - RB), mask=lastm)
        return 0

    lax.fori_loop(0, TOK_W // 16, histo, 0)

    cs = [cnt_v[pl.ds(q * 16, 16)] for q in range(4)]
    rs = [((c + (SEG - 1)) >> 6) << 6 for c in cs]
    es = []
    run = jnp.int32(0)
    for q in range(4):
        es.append(plsc.cumsum(rs[q]) - rs[q] + run)
        run = run + jnp.sum(rs[q])
    for q in range(4):
        cnt_v[pl.ds(q * 16, 16)] = es[q]
        bv = es[q]
        if q == NWIN // 16:
            bv = bv + jnp.where(lane == NWIN % 16, rs[q], 0)
        base_v[pl.ds(q * 16, 16)] = bv
    for p in range(NWIN):
        base_s[p] = es[p // 16][p % 16]
    base_s[NWIN] = es[NWIN // 16][NWIN % 16] + rs[NWIN // 16][NWIN % 16]

    def scat(g, _):
        off = pl.multiple_of(g * 16, 8)
        ev = eidx[pl.ds(off, 16)]
        pv = pidx[pl.ds(off, 16)]
        bid = lax.shift_right_logical(ev, WIN_SHIFT)
        rank, lastm = plsc.scan_count(bid)
        cur = plsc.load_gather(cnt_v, [bid])
        tgt = cur + rank - RB
        plsc.store_scatter(ridx_a, [tgt], ev & (WIN - 1))
        plsc.store_scatter(tpos_a, [tgt], tok0 + off + lane)
        plsc.store_scatter(ppos_a, [tgt], pv)
        plsc.store_scatter(cnt_v, [bid], tgt + 1, mask=lastm)
        return 0

    lax.fori_loop(0, TOK_W // 16, scat, 0)

    def padfill(p, _):
        pvec = zero16 + p
        cur_end = plsc.load_gather(cnt_v, [pvec])
        nxt = plsc.load_gather(base_v, [pvec + 1])
        last = jnp.maximum(cur_end - 1, 0)
        rdup = plsc.load_gather(ridx_a, [last])
        tdup = plsc.load_gather(tpos_a, [last])
        pdup = plsc.load_gather(ppos_a, [last])
        for kp in range(SEG // 16):
            idxs = cur_end + kp * 16 + lane
            mskp = idxs < nxt
            plsc.store_scatter(ridx_a, [idxs], rdup, mask=mskp)
            plsc.store_scatter(tpos_a, [idxs], tdup, mask=mskp)
            plsc.store_scatter(ppos_a, [idxs], pdup, mask=mskp)
        return 0

    lax.fori_loop(0, NWIN, padfill, 0)

    def fire_stage(q, buf, sem):
        win_len = jnp.minimum(WIN, VOCAB - q * WIN)
        off_s = jnp.minimum(s_ax * PT, win_len - PT)

        @pl.when(s_ax * PT < win_len)
        def _():
            pltpu.async_copy(embW.at[pl.ds(q * WIN + off_s, PT)],
                             buf.at[pl.ds(off_s, PT)], sem)

    def wait_stage(q, buf, sem):
        win_len = jnp.minimum(WIN, VOCAB - q * WIN)

        @pl.when(s_ax * PT < win_len)
        def _():
            pltpu.make_async_copy(embW.at[pl.ds(0, PT)],
                                  buf.at[pl.ds(0, PT)], sem).wait()

    def consume(p, wbuf):
        base_p = base_s[p]
        nblk = (base_s[p + 1] - base_p) >> 6

        bufs = ((rl, tl, gbuf, gsem, ssem),
                (rl2, tl2, gbuf2, gsem2, ssem2))

        def stage_fire(j, side):
            rlx, tlx, gbx, gsx, _ = bufs[side]
            ab = pl.multiple_of(base_p + j * SEG, 8)
            for k in range(SEG // 16):
                rlx[pl.ds(k * 16, 16)] = ridx_a[pl.ds(ab + k * 16, 16)]
                tlx[pl.ds(k * 16, 16)] = tpos_a[pl.ds(ab + k * 16, 16)]
            pltpu.async_copy(wbuf.at[rlx], gbx, gsx)

        @pl.when(nblk > 0)
        def _():
            stage_fire(0, 0)

        def blk(j, _):
            def side_body(side):
                rlx, tlx, gbx, gsx, ssx = bufs[side]
                _, _, _, gsy, ssy = bufs[1 - side]
                ab = pl.multiple_of(base_p + j * SEG, 8)
                pltpu.make_async_copy(embW.at[pl.ds(0, SEG)], gbx,
                                      gsx).wait()

                @pl.when(j + 1 < nblk)
                def _():
                    @pl.when(j > 0)
                    def _():
                        pltpu.make_async_copy(
                            bufs[1 - side][2],
                            out.at[pl.ds(0, SEG)], ssy).wait()

                    stage_fire(j + 1, 1 - side)

                def peadd(q, _):
                    o2 = q * 16
                    pvec = ppos_a[pl.ds(ab + o2, 16)]
                    pps = [pvec[j2] for j2 in range(16)]

                    def pec(cc, _):
                        cof = pl.multiple_of(cc * 16, 16)
                        for j2 in range(16):
                            vec = pe_l[pps[j2], pl.ds(cof, 16)]
                            plsc.addupdate(
                                gbx.at[o2 + j2, pl.ds(cof, 16)], vec)
                        return 0

                    lax.fori_loop(0, D // 16, pec, 0)
                    return 0

                lax.fori_loop(0, SEG // 16, peadd, 0)
                pltpu.async_copy(gbx, out.at[tlx], ssx)

            pm2 = lax.rem(j, 2)

            @pl.when(pm2 == 0)
            def _():
                side_body(0)

            @pl.when(pm2 == 1)
            def _():
                side_body(1)
            return 0

        lax.fori_loop(0, nblk, blk, 0)

        @pl.when(nblk > 1)
        def _():
            pltpu.make_async_copy(gbuf, out.at[pl.ds(0, SEG)], ssem).wait()
            pltpu.make_async_copy(gbuf2, out.at[pl.ds(0, SEG)], ssem2).wait()

        @pl.when(nblk == 1)
        def _():
            pltpu.make_async_copy(gbuf, out.at[pl.ds(0, SEG)], ssem).wait()

    def window(p, _):
        plsc.subcore_barrier()
        fire_stage(p, win_a, sem_a)
        wait_stage(p, win_a, sem_a)
        plsc.subcore_barrier()
        consume(p, win_a)
        return 0

    lax.fori_loop(0, NWIN, window, 0)


@functools.partial(jax.jit, static_argnums=())
def kernel(embed_W, pe, x, mask):
    x = x.astype(jnp.int32).reshape(B * L)
    mask = mask.astype(jnp.int32).reshape(B * L)
    pe_ext = jnp.concatenate([pe, -embed_W[:1]], axis=0)
    mesh = plsc.VectorSubcoreMesh(core_axis_name="c", subcore_axis_name="s",
                                  num_cores=NC, num_subcores=NS)
    out = pl.kernel(
        _body,
        out_type=jax.ShapeDtypeStruct((B * L, D), jnp.float32),
        mesh=mesh,
        compiler_params=pltpu.CompilerParams(needs_layout_passes=False),
        scratch_types=[
            pltpu.VMEM((PAD_W,), jnp.int32),
            pltpu.VMEM((PAD_W,), jnp.int32),
            pltpu.VMEM((PAD_W,), jnp.int32),
            pltpu.VMEM((PAD_W,), jnp.int32),
            pltpu.VMEM((ARENA,), jnp.int32),
            pltpu.VMEM((ARENA,), jnp.int32),
            pltpu.VMEM((ARENA,), jnp.int32),
            pltpu.VMEM((L + 1, D), jnp.float32),
            pltpu.VMEM((SEG, D), jnp.float32),
            pltpu.VMEM((SEG, D), jnp.float32),
            pltpu.VMEM((SEG,), jnp.int32),
            pltpu.VMEM((SEG,), jnp.int32),
            pltpu.VMEM((SEG,), jnp.int32),
            pltpu.VMEM((SEG,), jnp.int32),
            pltpu.VMEM((64,), jnp.int32),
            pltpu.VMEM((64,), jnp.int32),
            pltpu.SMEM((NWIN + 2,), jnp.int32),
            pltpu.VMEM_SHARED((WIN, D), jnp.float32),
            pltpu.SemaphoreType.DMA,
            pltpu.SemaphoreType.DMA,
            pltpu.SemaphoreType.DMA,
            pltpu.SemaphoreType.DMA,
            pltpu.SemaphoreType.DMA,
        ],
    )(embed_W, pe_ext, x, mask)
    return out.reshape(B, L, D)

# --- scband reference (transcript-rebuilt; emitter-appended) ---
"""Pipeline reference for scband-transformer-embedder-22548578304362 (READ-ONLY COPY).

The authoritative reference and input builder live on the scoring server;
editing this copy changes nothing except your own understanding.
"""

import jax, jax.numpy as jnp
import numpy as np

VOCAB = 100000
D_EMB = 128
MAX_SEQ_LEN = 200
B = 1024
L = 200


def create_pe_embeddings(d_emb, max_seq_len):
    pos = np.arange(max_seq_len, dtype=np.float64)[:, None]
    i_emb = np.arange(d_emb, dtype=np.float64)[None, :]
    pe = (pos - 1.0) / np.power(10000.0, 2.0 * i_emb / d_emb)
    pe[:, 0::2] = np.sin(pe[:, 0::2])
    pe[:, 1::2] = np.cos(pe[:, 1::2])
    return jnp.asarray(pe, dtype=jnp.float32)


def setup_inputs(seed: int = 0) -> dict:
    key = jax.random.key(seed)
    k1, k2, k3 = jax.random.split(key, 3)
    x = jax.random.randint(k1, (B, L), 0, VOCAB)
    mask = jax.random.randint(k2, (B, L), 0, 2)
    embed_W = jax.random.normal(k3, (VOCAB, D_EMB), dtype=jnp.float32)
    pe = create_pe_embeddings(D_EMB, MAX_SEQ_LEN)
    return {"embed_W": embed_W, "pe": pe, "x": x, "mask": mask}


def reference(embed_W, pe, x, mask):
    # x = x * mask  (masked-out tokens map to index 0)
    xm = x * mask
    # embedded = self.embed(x)
    embedded = jnp.take(embed_W, xm, axis=0)
    # position = (mask.cumsum(dim=1) - 1) * mask
    position = (jnp.cumsum(mask, axis=1) - 1) * mask
    # embedded += self.positional_encoding(position)
    embedded = embedded + jnp.take(pe, position, axis=0)
    # mask = mask.unsqueeze(-1).expand(...).type(embedded.dtype)
    maskf = mask[..., None].astype(embedded.dtype)
    # embedded = embedded * mask
    return embedded * maskf

if __name__ == "__main__":
    import jax
    _d = setup_inputs()
    print(jax.jit(kernel)(*tuple(_d.values())))

</pallas_src>

<mosaic_0001>
#map = affine_map<(d0, d1) -> (0, 0)>
#map1 = affine_map<(d0, d1) -> (0)>
module attributes {stable_mosaic.version = 14 : i64} {
  func.func @_body(%arg0: i32, %arg1: i32, %arg2: memref<100000x128xf32, #tpu.memory_space<hbm>>, %arg3: memref<201x128xf32, #tpu.memory_space<hbm>>, %arg4: memref<204800xi32, #tpu.memory_space<hbm>>, %arg5: memref<204800xi32, #tpu.memory_space<hbm>>, %arg6: memref<204800x128xf32, #tpu.memory_space<hbm>>, %arg7: memref<6416xi32, #tpu.memory_space<vmem>>, %arg8: memref<6416xi32, #tpu.memory_space<vmem>>, %arg9: memref<6416xi32, #tpu.memory_space<vmem>>, %arg10: memref<6416xi32, #tpu.memory_space<vmem>>, %arg11: memref<9536xi32, #tpu.memory_space<vmem>>, %arg12: memref<9536xi32, #tpu.memory_space<vmem>>, %arg13: memref<9536xi32, #tpu.memory_space<vmem>>, %arg14: memref<201x128xf32, #tpu.memory_space<vmem>>, %arg15: memref<64x128xf32, #tpu.memory_space<vmem>>, %arg16: memref<64x128xf32, #tpu.memory_space<vmem>>, %arg17: memref<64xi32, #tpu.memory_space<vmem>>, %arg18: memref<64xi32, #tpu.memory_space<vmem>>, %arg19: memref<64xi32, #tpu.memory_space<vmem>>, %arg20: memref<64xi32, #tpu.memory_space<vmem>>, %arg21: memref<64xi32, #tpu.memory_space<vmem>>, %arg22: memref<64xi32, #tpu.memory_space<vmem>>, %arg23: memref<51xi32, #tpu.memory_space<smem>>, %arg24: memref<2048x128xf32, #tpu.memory_space<vmem_shared>>, %arg25: memref<!tpu.dma_semaphore, #tpu.memory_space<semaphore_mem>>, %arg26: memref<!tpu.dma_semaphore, #tpu.memory_space<semaphore_mem>>, %arg27: memref<!tpu.dma_semaphore, #tpu.memory_space<semaphore_mem>>, %arg28: memref<!tpu.dma_semaphore, #tpu.memory_space<semaphore_mem>>, %arg29: memref<!tpu.dma_semaphore, #tpu.memory_space<semaphore_mem>>) attributes {dimension_semantics = [#tpu.dimension_semantics<core_parallel>, #tpu.dimension_semantics<subcore_parallel>], iteration_bounds = array<i64: 2, 16>, scalar_prefetch = 0 : i64, scratch_operands = 23 : i64, tpu.core_type = #tpu.core_type<sc_vector_subcore>, window_params = [{transform_indices = #map}, {transform_indices = #map}, {transform_indices = #map1}, {transform_indices = #map1}, {transform_indices = #map}]} {
    %mul3A = arith.constant 2 : i32
    %mul3A_0 = arith.muli %arg1, %mul3A : i32
    %add3A = arith.addi %mul3A_0, %arg0 : i32
    %mul3A_1 = arith.constant 6400 : i32
    %mul3A_2 = arith.muli %add3A, %mul3A_1 : i32
    "tpu.region"() ({
      %run_scoped3A = tpu.sem_alloc : memref<!tpu.dma_semaphore, #tpu.memory_space<semaphore_mem>>
      tpu.enqueue_dma source(%arg3 : memref<201x128xf32, #tpu.memory_space<hbm>>) target(%arg14 : memref<201x128xf32, #tpu.memory_space<vmem>>) target_semaphore(%run_scoped3A : memref<!tpu.dma_semaphore, #tpu.memory_space<semaphore_mem>>)
      tpu.wait_dma2 semaphore(%run_scoped3A : memref<!tpu.dma_semaphore, #tpu.memory_space<semaphore_mem>>) src(%arg3 : memref<201x128xf32, #tpu.memory_space<hbm>>) dst(%arg14 : memref<201x128xf32, #tpu.memory_space<vmem>>)
      tpu.yield
    }) : () -> ()
    "tpu.region"() ({
      %run_scoped3A = tpu.sem_alloc : memref<!tpu.dma_semaphore, #tpu.memory_space<semaphore_mem>>
      %dma_start3A = arith.constant 0 : i32
      %dma_start3A_408 = tpu.memref_slice %arg7[%dma_start3A] : memref<6416xi32, #tpu.memory_space<vmem>> -> memref<6400xi32, #tpu.memory_space<vmem>>
      %dma_start3A_409 = tpu.memref_slice %arg4[%mul3A_2] : memref<204800xi32, #tpu.memory_space<hbm>> -> memref<6400xi32, #tpu.memory_space<hbm>>
      %dma_start3A_410 = arith.constant 0 : i32
      %dma_start3A_411 = tpu.memref_slice %arg7[%dma_start3A_410] : memref<6416xi32, #tpu.memory_space<vmem>> -> memref<6400xi32, #tpu.memory_space<vmem>>
      %dma_start3A_412 = tpu.memref_slice %arg4[%mul3A_2] : memref<204800xi32, #tpu.memory_space<hbm>> -> memref<6400xi32, #tpu.memory_space<hbm>>
      tpu.enqueue_dma source(%dma_start3A_412 : memref<6400xi32, #tpu.memory_space<hbm>>) target(%dma_start3A_411 : memref<6400xi32, #tpu.memory_space<vmem>>) target_semaphore(%run_scoped3A : memref<!tpu.dma_semaphore, #tpu.memory_space<semaphore_mem>>)
      %dma_wait3A = arith.constant 0 : i32
      %dma_wait3A_413 = tpu.memref_slice %arg7[%dma_wait3A] : memref<6416xi32, #tpu.memory_space<vmem>> -> memref<6400xi32, #tpu.memory_space<vmem>>
      %dma_wait3A_414 = tpu.memref_slice %arg4[%mul3A_2] : memref<204800xi32, #tpu.memory_space<hbm>> -> memref<6400xi32, #tpu.memory_space<hbm>>
      %dma_wait3A_415 = arith.constant 0 : i32
      %dma_wait3A_416 = tpu.memref_slice %arg7[%dma_wait3A_415] : memref<6416xi32, #tpu.memory_space<vmem>> -> memref<6400xi32, #tpu.memory_space<vmem>>
      %dma_wait3A_417 = tpu.memref_slice %arg4[%mul3A_2] : memref<204800xi32, #tpu.memory_space<hbm>> -> memref<6400xi32, #tpu.memory_space<hbm>>
      tpu.wait_dma2 semaphore(%run_scoped3A : memref<!tpu.dma_semaphore, #tpu.memory_space<semaphore_mem>>) src(%dma_wait3A_417 : memref<6400xi32, #tpu.memory_space<hbm>>) dst(%dma_wait3A_416 : memref<6400xi32, #tpu.memory_space<vmem>>)
      tpu.yield
    }) : () -> ()
    "tpu.region"() ({
      %run_scoped3A = tpu.sem_alloc : memref<!tpu.dma_semaphore, #tpu.memory_space<semaphore_mem>>
      %dma_start3A = arith.constant 0 : i32
      %dma_start3A_408 = tpu.memref_slice %arg8[%dma_start3A] : memref<6416xi32, #tpu.memory_space<vmem>> -> memref<6400xi32, #tpu.memory_space<vmem>>
      %dma_start3A_409 = tpu.memref_slice %arg5[%mul3A_2] : memref<204800xi32, #tpu.memory_space<hbm>> -> memref<6400xi32, #tpu.memory_space<hbm>>
      %dma_start3A_410 = arith.constant 0 : i32
      %dma_start3A_411 = tpu.memref_slice %arg8[%dma_start3A_410] : memref<6416xi32, #tpu.memory_space<vmem>> -> memref<6400xi32, #tpu.memory_space<vmem>>
      %dma_start3A_412 = tpu.memref_slice %arg5[%mul3A_2] : memref<204800xi32, #tpu.memory_space<hbm>> -> memref<6400xi32, #tpu.memory_space<hbm>>
      tpu.enqueue_dma source(%dma_start3A_412 : memref<6400xi32, #tpu.memory_space<hbm>>) target(%dma_start3A_411 : memref<6400xi32, #tpu.memory_space<vmem>>) target_semaphore(%run_scoped3A : memref<!tpu.dma_semaphore, #tpu.memory_space<semaphore_mem>>)
      %dma_wait3A = arith.constant 0 : i32
      %dma_wait3A_413 = tpu.memref_slice %arg8[%dma_wait3A] : memref<6416xi32, #tpu.memory_space<vmem>> -> memref<6400xi32, #tpu.memory_space<vmem>>
      %dma_wait3A_414 = tpu.memref_slice %arg5[%mul3A_2] : memref<204800xi32, #tpu.memory_space<hbm>> -> memref<6400xi32, #tpu.memory_space<hbm>>
      %dma_wait3A_415 = arith.constant 0 : i32
      %dma_wait3A_416 = tpu.memref_slice %arg8[%dma_wait3A_415] : memref<6416xi32, #tpu.memory_space<vmem>> -> memref<6400xi32, #tpu.memory_space<vmem>>
      %dma_wait3A_417 = tpu.memref_slice %arg5[%mul3A_2] : memref<204800xi32, #tpu.memory_space<hbm>> -> memref<6400xi32, #tpu.memory_space<hbm>>
      tpu.wait_dma2 semaphore(%run_scoped3A : memref<!tpu.dma_semaphore, #tpu.memory_space<semaphore_mem>>) src(%dma_wait3A_417 : memref<6400xi32, #tpu.memory_space<hbm>>) dst(%dma_wait3A_416 : memref<6400xi32, #tpu.memory_space<vmem>>)
      tpu.yield
    }) : () -> ()
    %iota3A = tpu.iota {dimensions = array<i32: 0>} : vector<16xi32>
    %scan3A = arith.constant 0 : i32
    %scan3A_3 = arith.constant 0 : i32
    %scan3A_4 = arith.constant 32 : i32
    %scan3A_5 = arith.addi %scan3A_3, %scan3A_4 : i32
    %scan3A_6 = arith.constant 1 : i32
    %scan3A_7 = scf.for %scan3A_408 = %scan3A_3 to %scan3A_5 step %scan3A_6 iter_args(%scan3A_409 = %scan3A) -> (i32)  : i32 {
      %mul3A_410 = arith.constant 200 : i32
      %mul3A_411 = arith.muli %scan3A_408, %mul3A_410 : i32
      %multiple_of3A = tpu.assume_multiple %mul3A_411, 8 : i32
      %add3A_412 = arith.constant 0 : i32
      %add3A_413 = arith.addi %multiple_of3A, %add3A_412 : i32
      %multiple_of3A_414 = tpu.assume_multiple %add3A_413, 8 : i32
      %get3A_415 = arith.index_cast %multiple_of3A_414 : i32 to index
      %get3A_416 = tpu.vector_load %arg8[%get3A_415] {strides = array<i32>} : memref<6416xi32, #tpu.memory_space<vmem>>, vector<16xi32>,
      %get3A_417 = arith.index_cast %multiple_of3A_414 : i32 to index
      %get3A_418 = tpu.vector_load %arg7[%get3A_417] {strides = array<i32>} : memref<6416xi32, #tpu.memory_space<vmem>>, vector<16xi32>,
      %broadcast_in_dim3A_419 = arith.constant true
      %broadcast_in_dim3A_420 = vector.broadcast %broadcast_in_dim3A_419 : i1 to vector<16xi1>
      %masked_cumsum3A_421 = tpu.scan <sum>, %get3A_416 masked %broadcast_in_dim3A_420 : vector<16xi32>, vector<16xi1> -> vector<16xi32>
      %add3A_422 = arith.constant 0 : i32
      %add3A_423 = vector.broadcast %add3A_422 : i32 to vector<16xi32>
      %add3A_424 = arith.addi %masked_cumsum3A_421, %add3A_423 : vector<16xi32>
      %eq3A_425 = arith.constant 1 : i32
      %eq3A_426 = vector.broadcast %eq3A_425 : i32 to vector<16xi32>
      %eq3A_427 = arith.cmpi eq, %get3A_416, %eq3A_426 : vector<16xi32>
      %sub3A_428 = arith.constant 1 : i32
      %sub3A_429 = vector.broadcast %sub3A_428 : i32 to vector<16xi32>
      %sub3A_430 = arith.subi %add3A_424, %sub3A_429 : vector<16xi32>
      %jit3A_431 = arith.constant 200 : i32
      %broadcast_in_dim3A_432 = vector.broadcast %jit3A_431 : i32 to vector<16xi32>
      %select_n3A_433 = arith.select %eq3A_427, %sub3A_430, %broadcast_in_dim3A_432 : vector<16xi1>, vector<16xi32>
      %mul3A_434 = arith.muli %get3A_418, %get3A_416 : vector<16xi32>
      %swap3A_435 = arith.index_cast %multiple_of3A_414 : i32 to index
      %swap3A_436 = tpu.vector_load %arg9[%swap3A_435] {strides = array<i32>} : memref<6416xi32, #tpu.memory_space<vmem>>, vector<16xi32>,
      tpu.vector_store %arg9[%swap3A_435], %mul3A_434 {strides = array<i32>} : memref<6416xi32, #tpu.memory_space<vmem>>, vector<16xi32>,
      %swap3A_437 = arith.index_cast %multiple_of3A_414 : i32 to index
      %swap3A_438 = tpu.vector_load %arg10[%swap3A_437] {strides = array<i32>} : memref<6416xi32, #tpu.memory_space<vmem>>, vector<16xi32>,
      tpu.vector_store %arg10[%swap3A_437], %select_n3A_433 {strides = array<i32>} : memref<6416xi32, #tpu.memory_space<vmem>>, vector<16xi32>,
      %reduce_sum3A_439 = arith.constant true
      %reduce_sum3A_440 = vector.broadcast %reduce_sum3A_439 : i1 to vector<16xi1>
      %reduce_sum3A_441 = tpu.scan <sum>, %get3A_416 masked %reduce_sum3A_440 : vector<16xi32>, vector<16xi1> -> vector<16xi32>
      %reduce_sum3A_442 = vector.extract %reduce_sum3A_441[15] : i32 from vector<16xi32>
      %add3A_443 = arith.constant 0 : i32
      %add3A_444 = arith.addi %add3A_443, %reduce_sum3A_442 : i32
      %add3A_445 = arith.constant 16 : i32
      %add3A_446 = arith.addi %multiple_of3A, %add3A_445 : i32
      %multiple_of3A_447 = tpu.assume_multiple %add3A_446, 8 : i32
      %get3A_448 = arith.index_cast %multiple_of3A_447 : i32 to index
      %get3A_449 = tpu.vector_load %arg8[%get3A_448] {strides = array<i32>} : memref<6416xi32, #tpu.memory_space<vmem>>, vector<16xi32>,
      %get3A_450 = arith.index_cast %multiple_of3A_447 : i32 to index
      %get3A_451 = tpu.vector_load %arg7[%get3A_450] {strides = array<i32>} : memref<6416xi32, #tpu.memory_space<vmem>>, vector<16xi32>,
      %broadcast_in_dim3A_452 = arith.constant true
      %broadcast_in_dim3A_453 = vector.broadcast %broadcast_in_dim3A_452 : i1 to vector<16xi1>
      %masked_cumsum3A_454 = tpu.scan <sum>, %get3A_449 masked %broadcast_in_dim3A_453 : vector<16xi32>, vector<16xi1> -> vector<16xi32>
      %add3A_455 = vector.broadcast %add3A_444 : i32 to vector<16xi32>
      %add3A_456 = arith.addi %masked_cumsum3A_454, %add3A_455 : vector<16xi32>
      %eq3A_457 = arith.constant 1 : i32
      %eq3A_458 = vector.broadcast %eq3A_457 : i32 to vector<16xi32>
      %eq3A_459 = arith.cmpi eq, %get3A_449, %eq3A_458 : vector<16xi32>
      %sub3A_460 = arith.constant 1 : i32
      %sub3A_461 = vector.broadcast %sub3A_460 : i32 to vector<16xi32>
      %sub3A_462 = arith.subi %add3A_456, %sub3A_461 : vector<16xi32>
      %jit3A_463 = arith.constant 200 : i32
      %broadcast_in_dim3A_464 = vector.broadcast %jit3A_463 : i32 to vector<16xi32>
      %select_n3A_465 = arith.select %eq3A_459, %sub3A_462, %broadcast_in_dim3A_464 : vector<16xi1>, vector<16xi32>
      %mul3A_466 = arith.muli %get3A_451, %get3A_449 : vector<16xi32>
      %swap3A_467 = arith.index_cast %multiple_of3A_447 : i32 to index
      %swap3A_468 = tpu.vector_load %arg9[%swap3A_467] {strides = array<i32>} : memref<6416xi32, #tpu.memory_space<vmem>>, vector<16xi32>,
      tpu.vector_store %arg9[%swap3A_467], %mul3A_466 {strides = array<i32>} : memref<6416xi32, #tpu.memory_space<vmem>>, vector<16xi32>,
      %swap3A_469 = arith.index_cast %multiple_of3A_447 : i32 to index
      %swap3A_470 = tpu.vector_load %arg10[%swap3A_469] {strides = array<i32>} : memref<6416xi32, #tpu.memory_space<vmem>>, vector<16xi32>,
      tpu.vector_store %arg10[%swap3A_469], %select_n3A_465 {strides = array<i32>} : memref<6416xi32, #tpu.memory_space<vmem>>, vector<16xi32>,
      %reduce_sum3A_471 = arith.constant true
      %reduce_sum3A_472 = vector.broadcast %reduce_sum3A_471 : i1 to vector<16xi1>
      %reduce_sum3A_473 = tpu.scan <sum>, %get3A_449 masked %reduce_sum3A_472 : vector<16xi32>, vector<16xi1> -> vector<16xi32>
      %reduce_sum3A_474 = vector.extract %reduce_sum3A_473[15] : i32 from vector<16xi32>
      %add3A_475 = arith.addi %add3A_444, %reduce_sum3A_474 : i32
      %add3A_476 = arith.constant 32 : i32
      %add3A_477 = arith.addi %multiple_of3A, %add3A_476 : i32
      %multiple_of3A_478 = tpu.assume_multiple %add3A_477, 8 : i32
      %get3A_479 = arith.index_cast %multiple_of3A_478 : i32 to index
      %get3A_480 = tpu.vector_load %arg8[%get3A_479] {strides = array<i32>} : memref<6416xi32, #tpu.memory_space<vmem>>, vector<16xi32>,
      %get3A_481 = arith.index_cast %multiple_of3A_478 : i32 to index
      %get3A_482 = tpu.vector_load %arg7[%get3A_481] {strides = array<i32>} : memref<6416xi32, #tpu.memory_space<vmem>>, vector<16xi32>,
      %broadcast_in_dim3A_483 = arith.constant true
      %broadcast_in_dim3A_484 = vector.broadcast %broadcast_in_dim3A_483 : i1 to vector<16xi1>
      %masked_cumsum3A_485 = tpu.scan <sum>, %get3A_480 masked %broadcast_in_dim3A_484 : vector<16xi32>, vector<16xi1> -> vector<16xi32>
      %add3A_486 = vector.broadcast %add3A_475 : i32 to vector<16xi32>
      %add3A_487 = arith.addi %masked_cumsum3A_485, %add3A_486 : vector<16xi32>
      %eq3A_488 = arith.constant 1 : i32
      %eq3A_489 = vector.broadcast %eq3A_488 : i32 to vector<16xi32>
      %eq3A_490 = arith.cmpi eq, %get3A_480, %eq3A_489 : vector<16xi32>
      %sub3A_491 = arith.constant 1 : i32
      %sub3A_492 = vector.broadcast %sub3A_491 : i32 to vector<16xi32>
      %sub3A_493 = arith.subi %add3A_487, %sub3A_492 : vector<16xi32>
      %jit3A_494 = arith.constant 200 : i32
      %broadcast_in_dim3A_495 = vector.broadcast %jit3A_494 : i32 to vector<16xi32>
      %select_n3A_496 = arith.select %eq3A_490, %sub3A_493, %broadcast_in_dim3A_495 : vector<16xi1>, vector<16xi32>
      %mul3A_497 = arith.muli %get3A_482, %get3A_480 : vector<16xi32>
      %swap3A_498 = arith.index_cast %multiple_of3A_478 : i32 to index
      %swap3A_499 = tpu.vector_load %arg9[%swap3A_498] {strides = array<i32>} : memref<6416xi32, #tpu.memory_space<vmem>>, vector<16xi32>,
      tpu.vector_store %arg9[%swap3A_498], %mul3A_497 {strides = array<i32>} : memref<6416xi32, #tpu.memory_space<vmem>>, vector<16xi32>,
      %swap3A_500 = arith.index_cast %multiple_of3A_478 : i32 to index
      %swap3A_501 = tpu.vector_load %arg10[%swap3A_500] {strides = array<i32>} : memref<6416xi32, #tpu.memory_space<vmem>>, vector<16xi32>,
      tpu.vector_store %arg10[%swap3A_500], %select_n3A_496 {strides = array<i32>} : memref<6416xi32, #tpu.memory_space<vmem>>, vector<16xi32>,
      %reduce_sum3A_502 = arith.constant true
      %reduce_sum3A_503 = vector.broadcast %reduce_sum3A_502 : i1 to vector<16xi1>
      %reduce_sum3A_504 = tpu.scan <sum>, %get3A_480 masked %reduce_sum3A_503 : vector<16xi32>, vector<16xi1> -> vector<16xi32>
      %reduce_sum3A_505 = vector.extract %reduce_sum3A_504[15] : i32 from vector<16xi32>
      %add3A_506 = arith.addi %add3A_475, %reduce_sum3A_505 : i32
      %add3A_507 = arith.constant 48 : i32
      %add3A_508 = arith.addi %multiple_of3A, %add3A_507 : i32
      %multiple_of3A_509 = tpu.assume_multiple %add3A_508, 8 : i32
      %get3A_510 = arith.index_cast %multiple_of3A_509 : i32 to index
      %get3A_511 = tpu.vector_load %arg8[%get3A_510] {strides = array<i32>} : memref<6416xi32, #tpu.memory_space<vmem>>, vector<16xi32>,
      %get3A_512 = arith.index_cast %multiple_of3A_509 : i32 to index
      %get3A_513 = tpu.vector_load %arg7[%get3A_512] {strides = array<i32>} : memref<6416xi32, #tpu.memory_space<vmem>>, vector<16xi32>,
      %broadcast_in_dim3A_514 = arith.constant true
      %broadcast_in_dim3A_515 = vector.broadcast %broadcast_in_dim3A_514 : i1 to vector<16xi1>
      %masked_cumsum3A_516 = tpu.scan <sum>, %get3A_511 masked %broadcast_in_dim3A_515 : vector<16xi32>, vector<16xi1> -> vector<16xi32>
      %add3A_517 = vector.broadcast %add3A_506 : i32 to vector<16xi32>
      %add3A_518 = arith.addi %masked_cumsum3A_516, %add3A_517 : vector<16xi32>
      %eq3A_519 = arith.constant 1 : i32
      %eq3A_520 = vector.broadcast %eq3A_519 : i32 to vector<16xi32>
      %eq3A_521 = arith.cmpi eq, %get3A_511, %eq3A_520 : vector<16xi32>
      %sub3A_522 = arith.constant 1 : i32
      %sub3A_523 = vector.broadcast %sub3A_522 : i32 to vector<16xi32>
      %sub3A_524 = arith.subi %add3A_518, %sub3A_523 : vector<16xi32>
      %jit3A_525 = arith.constant 200 : i32
      %broadcast_in_dim3A_526 = vector.broadcast %jit3A_525 : i32 to vector<16xi32>
      %select_n3A_527 = arith.select %eq3A_521, %sub3A_524, %broadcast_in_dim3A_526 : vector<16xi1>, vector<16xi32>
      %mul3A_528 = arith.muli %get3A_513, %get3A_511 : vector<16xi32>
      %swap3A_529 = arith.index_cast %multiple_of3A_509 : i32 to index
      %swap3A_530 = tpu.vector_load %arg9[%swap3A_529] {strides = array<i32>} : memref<6416xi32, #tpu.memory_space<vmem>>, vector<16xi32>,
      tpu.vector_store %arg9[%swap3A_529], %mul3A_528 {strides = array<i32>} : memref<6416xi32, #tpu.memory_space<vmem>>, vector<16xi32>,
      %swap3A_531 = arith.index_cast %multiple_of3A_509 : i32 to index
      %swap3A_532 = tpu.vector_load %arg10[%swap3A_531] {strides = array<i32>} : memref<6416xi32, #tpu.memory_space<vmem>>, vector<16xi32>,
      tpu.vector_store %arg10[%swap3A_531], %select_n3A_527 {strides = array<i32>} : memref<6416xi32, #tpu.memory_space<vmem>>, vector<16xi32>,
      %reduce_sum3A_533 = arith.constant true
      %reduce_sum3A_534 = vector.broadcast %reduce_sum3A_533 : i1 to vector<16xi1>
      %reduce_sum3A_535 = tpu.scan <sum>, %get3A_511 masked %reduce_sum3A_534 : vector<16xi32>, vector<16xi1> -> vector<16xi32>
      %reduce_sum3A_536 = vector.extract %reduce_sum3A_535[15] : i32 from vector<16xi32>
      %add3A_537 = arith.addi %add3A_506, %reduce_sum3A_536 : i32
      %add3A_538 = arith.constant 64 : i32
      %add3A_539 = arith.addi %multiple_of3A, %add3A_538 : i32
      %multiple_of3A_540 = tpu.assume_multiple %add3A_539, 8 : i32
      %get3A_541 = arith.index_cast %multiple_of3A_540 : i32 to index
      %get3A_542 = tpu.vector_load %arg8[%get3A_541] {strides = array<i32>} : memref<6416xi32, #tpu.memory_space<vmem>>, vector<16xi32>,
      %get3A_543 = arith.index_cast %multiple_of3A_540 : i32 to index
      %get3A_544 = tpu.vector_load %arg7[%get3A_543] {strides = array<i32>} : memref<6416xi32, #tpu.memory_space<vmem>>, vector<16xi32>,
      %broadcast_in_dim3A_545 = arith.constant true
      %broadcast_in_dim3A_546 = vector.broadcast %broadcast_in_dim3A_545 : i1 to vector<16xi1>
      %masked_cumsum3A_547 = tpu.scan <sum>, %get3A_542 masked %broadcast_in_dim3A_546 : vector<16xi32>, vector<16xi1> -> vector<16xi32>
      %add3A_548 = vector.broadcast %add3A_537 : i32 to vector<16xi32>
      %add3A_549 = arith.addi %masked_cumsum3A_547, %add3A_548 : vector<16xi32>
      %eq3A_550 = arith.constant 1 : i32
      %eq3A_551 = vector.broadcast %eq3A_550 : i32 to vector<16xi32>
      %eq3A_552 = arith.cmpi eq, %get3A_542, %eq3A_551 : vector<16xi32>
      %sub3A_553 = arith.constant 1 : i32
      %sub3A_554 = vector.broadcast %sub3A_553 : i32 to vector<16xi32>
      %sub3A_555 = arith.subi %add3A_549, %sub3A_554 : vector<16xi32>
      %jit3A_556 = arith.constant 200 : i32
      %broadcast_in_dim3A_557 = vector.broadcast %jit3A_556 : i32 to vector<16xi32>
      %select_n3A_558 = arith.select %eq3A_552, %sub3A_555, %broadcast_in_dim3A_557 : vector<16xi1>, vector<16xi32>
      %mul3A_559 = arith.muli %get3A_544, %get3A_542 : vector<16xi32>
      %swap3A_560 = arith.index_cast %multiple_of3A_540 : i32 to index
      %swap3A_561 = tpu.vector_load %arg9[%swap3A_560] {strides = array<i32>} : memref<6416xi32, #tpu.memory_space<vmem>>, vector<16xi32>,
      tpu.vector_store %arg9[%swap3A_560], %mul3A_559 {strides = array<i32>} : memref<6416xi32, #tpu.memory_space<vmem>>, vector<16xi32>,
      %swap3A_562 = arith.index_cast %multiple_of3A_540 : i32 to index
      %swap3A_563 = tpu.vector_load %arg10[%swap3A_562] {strides = array<i32>} : memref<6416xi32, #tpu.memory_space<vmem>>, vector<16xi32>,
      tpu.vector_store %arg10[%swap3A_562], %select_n3A_558 {strides = array<i32>} : memref<6416xi32, #tpu.memory_space<vmem>>, vector<16xi32>,
      %reduce_sum3A_564 = arith.constant true
      %reduce_sum3A_565 = vector.broadcast %reduce_sum3A_564 : i1 to vector<16xi1>
      %reduce_sum3A_566 = tpu.scan <sum>, %get3A_542 masked %reduce_sum3A_565 : vector<16xi32>, vector<16xi1> -> vector<16xi32>
      %reduce_sum3A_567 = vector.extract %reduce_sum3A_566[15] : i32 from vector<16xi32>
      %add3A_568 = arith.addi %add3A_537, %reduce_sum3A_567 : i32
      %add3A_569 = arith.constant 80 : i32
      %add3A_570 = arith.addi %multiple_of3A, %add3A_569 : i32
      %multiple_of3A_571 = tpu.assume_multiple %add3A_570, 8 : i32
      %get3A_572 = arith.index_cast %multiple_of3A_571 : i32 to index
      %get3A_573 = tpu.vector_load %arg8[%get3A_572] {strides = array<i32>} : memref<6416xi32, #tpu.memory_space<vmem>>, vector<16xi32>,
      %get3A_574 = arith.index_cast %multiple_of3A_571 : i32 to index
      %get3A_575 = tpu.vector_load %arg7[%get3A_574] {strides = array<i32>} : memref<6416xi32, #tpu.memory_space<vmem>>, vector<16xi32>,
      %broadcast_in_dim3A_576 = arith.constant true
      %broadcast_in_dim3A_577 = vector.broadcast %broadcast_in_dim3A_576 : i1 to vector<16xi1>
      %masked_cumsum3A_578 = tpu.scan <sum>, %get3A_573 masked %broadcast_in_dim3A_577 : vector<16xi32>, vector<16xi1> -> vector<16xi32>
      %add3A_579 = vector.broadcast %add3A_568 : i32 to vector<16xi32>
      %add3A_580 = arith.addi %masked_cumsum3A_578, %add3A_579 : vector<16xi32>
      %eq3A_581 = arith.constant 1 : i32
      %eq3A_582 = vector.broadcast %eq3A_581 : i32 to vector<16xi32>
      %eq3A_583 = arith.cmpi eq, %get3A_573, %eq3A_582 : vector<16xi32>
      %sub3A_584 = arith.constant 1 : i32
      %sub3A_585 = vector.broadcast %sub3A_584 : i32 to vector<16xi32>
      %sub3A_586 = arith.subi %add3A_580, %sub3A_585 : vector<16xi32>
      %jit3A_587 = arith.constant 200 : i32
      %broadcast_in_dim3A_588 = vector.broadcast %jit3A_587 : i32 to vector<16xi32>
      %select_n3A_589 = arith.select %eq3A_583, %sub3A_586, %broadcast_in_dim3A_588 : vector<16xi1>, vector<16xi32>
      %mul3A_590 = arith.muli %get3A_575, %get3A_573 : vector<16xi32>
      %swap3A_591 = arith.index_cast %multiple_of3A_571 : i32 to index
      %swap3A_592 = tpu.vector_load %arg9[%swap3A_591] {strides = array<i32>} : memref<6416xi32, #tpu.memory_space<vmem>>, vector<16xi32>,
      tpu.vector_store %arg9[%swap3A_591], %mul3A_590 {strides = array<i32>} : memref<6416xi32, #tpu.memory_space<vmem>>, vector<16xi32>,
      %swap3A_593 = arith.index_cast %multiple_of3A_571 : i32 to index
      %swap3A_594 = tpu.vector_load %arg10[%swap3A_593] {strides = array<i32>} : memref<6416xi32, #tpu.memory_space<vmem>>, vector<16xi32>,
      tpu.vector_store %arg10[%swap3A_593], %select_n3A_589 {strides = array<i32>} : memref<6416xi32, #tpu.memory_space<vmem>>, vector<16xi32>,
      %reduce_sum3A_595 = arith.constant true
      %reduce_sum3A_596 = vector.broadcast %reduce_sum3A_595 : i1 to vector<16xi1>
      %reduce_sum3A_597 = tpu.scan <sum>, %get3A_573 masked %reduce_sum3A_596 : vector<16xi32>, vector<16xi1> -> vector<16xi32>
      %reduce_sum3A_598 = vector.extract %reduce_sum3A_597[15] : i32 from vector<16xi32>
      %add3A_599 = arith.addi %add3A_568, %reduce_sum3A_598 : i32
      %add3A_600 = arith.constant 96 : i32
      %add3A_601 = arith.addi %multiple_of3A, %add3A_600 : i32
      %multiple_of3A_602 = tpu.assume_multiple %add3A_601, 8 : i32
      %get3A_603 = arith.index_cast %multiple_of3A_602 : i32 to index
      %get3A_604 = tpu.vector_load %arg8[%get3A_603] {strides = array<i32>} : memref<6416xi32, #tpu.memory_space<vmem>>, vector<16xi32>,
      %get3A_605 = arith.index_cast %multiple_of3A_602 : i32 to index
      %get3A_606 = tpu.vector_load %arg7[%get3A_605] {strides = array<i32>} : memref<6416xi32, #tpu.memory_space<vmem>>, vector<16xi32>,
      %broadcast_in_dim3A_607 = arith.constant true
      %broadcast_in_dim3A_608 = vector.broadcast %broadcast_in_dim3A_607 : i1 to vector<16xi1>
      %masked_cumsum3A_609 = tpu.scan <sum>, %get3A_604 masked %broadcast_in_dim3A_608 : vector<16xi32>, vector<16xi1> -> vector<16xi32>
      %add3A_610 = vector.broadcast %add3A_599 : i32 to vector<16xi32>
      %add3A_611 = arith.addi %masked_cumsum3A_609, %add3A_610 : vector<16xi32>
      %eq3A_612 = arith.constant 1 : i32
      %eq3A_613 = vector.broadcast %eq3A_612 : i32 to vector<16xi32>
      %eq3A_614 = arith.cmpi eq, %get3A_604, %eq3A_613 : vector<16xi32>
      %sub3A_615 = arith.constant 1 : i32
      %sub3A_616 = vector.broadcast %sub3A_615 : i32 to vector<16xi32>
      %sub3A_617 = arith.subi %add3A_611, %sub3A_616 : vector<16xi32>
      %jit3A_618 = arith.constant 200 : i32
      %broadcast_in_dim3A_619 = vector.broadcast %jit3A_618 : i32 to vector<16xi32>
      %select_n3A_620 = arith.select %eq3A_614, %sub3A_617, %broadcast_in_dim3A_619 : vector<16xi1>, vector<16xi32>
      %mul3A_621 = arith.muli %get3A_606, %get3A_604 : vector<16xi32>
      %swap3A_622 = arith.index_cast %multiple_of3A_602 : i32 to index
      %swap3A_623 = tpu.vector_load %arg9[%swap3A_622] {strides = array<i32>} : memref<6416xi32, #tpu.memory_space<vmem>>, vector<16xi32>,
      tpu.vector_store %arg9[%swap3A_622], %mul3A_621 {strides = array<i32>} : memref<6416xi32, #tpu.memory_space<vmem>>, vector<16xi32>,
      %swap3A_624 = arith.index_cast %multiple_of3A_602 : i32 to index
      %swap3A_625 = tpu.vector_load %arg10[%swap3A_624] {strides = array<i32>} : memref<6416xi32, #tpu.memory_space<vmem>>, vector<16xi32>,
      tpu.vector_store %arg10[%swap3A_624], %select_n3A_620 {strides = array<i32>} : memref<6416xi32, #tpu.memory_space<vmem>>, vector<16xi32>,
      %reduce_sum3A_626 = arith.constant true
      %reduce_sum3A_627 = vector.broadcast %reduce_sum3A_626 : i1 to vector<16xi1>
      %reduce_sum3A_628 = tpu.scan <sum>, %get3A_604 masked %reduce_sum3A_627 : vector<16xi32>, vector<16xi1> -> vector<16xi32>
      %reduce_sum3A_629 = vector.extract %reduce_sum3A_628[15] : i32 from vector<16xi32>
      %add3A_630 = arith.addi %add3A_599, %reduce_sum3A_629 : i32
      %add3A_631 = arith.constant 112 : i32
      %add3A_632 = arith.addi %multiple_of3A, %add3A_631 : i32
      %multiple_of3A_633 = tpu.assume_multiple %add3A_632, 8 : i32
      %get3A_634 = arith.index_cast %multiple_of3A_633 : i32 to index
      %get3A_635 = tpu.vector_load %arg8[%get3A_634] {strides = array<i32>} : memref<6416xi32, #tpu.memory_space<vmem>>, vector<16xi32>,
      %get3A_636 = arith.index_cast %multiple_of3A_633 : i32 to index
      %get3A_637 = tpu.vector_load %arg7[%get3A_636] {strides = array<i32>} : memref<6416xi32, #tpu.memory_space<vmem>>, vector<16xi32>,
      %broadcast_in_dim3A_638 = arith.constant true
      %broadcast_in_dim3A_639 = vector.broadcast %broadcast_in_dim3A_638 : i1 to vector<16xi1>
      %masked_cumsum3A_640 = tpu.scan <sum>, %get3A_635 masked %broadcast_in_dim3A_639 : vector<16xi32>, vector<16xi1> -> vector<16xi32>
      %add3A_641 = vector.broadcast %add3A_630 : i32 to vector<16xi32>
      %add3A_642 = arith.addi %masked_cumsum3A_640, %add3A_641 : vector<16xi32>
      %eq3A_643 = arith.constant 1 : i32
      %eq3A_644 = vector.broadcast %eq3A_643 : i32 to vector<16xi32>
      %eq3A_645 = arith.cmpi eq, %get3A_635, %eq3A_644 : vector<16xi32>
      %sub3A_646 = arith.constant 1 : i32
      %sub3A_647 = vector.broadcast %sub3A_646 : i32 to vector<16xi32>
      %sub3A_648 = arith.subi %add3A_642, %sub3A_647 : vector<16xi32>
      %jit3A_649 = arith.constant 200 : i32
      %broadcast_in_dim3A_650 = vector.broadcast %jit3A_649 : i32 to vector<16xi32>
      %select_n3A_651 = arith.select %eq3A_645, %sub3A_648, %broadcast_in_dim3A_650 : vector<16xi1>, vector<16xi32>
      %mul3A_652 = arith.muli %get3A_637, %get3A_635 : vector<16xi32>
      %swap3A_653 = arith.index_cast %multiple_of3A_633 : i32 to index
      %swap3A_654 = tpu.vector_load %arg9[%swap3A_653] {strides = array<i32>} : memref<6416xi32, #tpu.memory_space<vmem>>, vector<16xi32>,
      tpu.vector_store %arg9[%swap3A_653], %mul3A_652 {strides = array<i32>} : memref<6416xi32, #tpu.memory_space<vmem>>, vector<16xi32>,
      %swap3A_655 = arith.index_cast %multiple_of3A_633 : i32 to index
      %swap3A_656 = tpu.vector_load %arg10[%swap3A_655] {strides = array<i32>} : memref<6416xi32, #tpu.memory_space<vmem>>, vector<16xi32>,
      tpu.vector_store %arg10[%swap3A_655], %select_n3A_651 {strides = array<i32>} : memref<6416xi32, #tpu.memory_space<vmem>>, vector<16xi32>,
      %reduce_sum3A_657 = arith.constant true
      %reduce_sum3A_658 = vector.broadcast %reduce_sum3A_657 : i1 to vector<16xi1>
      %reduce_sum3A_659 = tpu.scan <sum>, %get3A_635 masked %reduce_sum3A_658 : vector<16xi32>, vector<16xi1> -> vector<16xi32>
      %reduce_sum3A_660 = vector.extract %reduce_sum3A_659[15] : i32 from vector<16xi32>
      %add3A_661 = arith.addi %add3A_630, %reduce_sum3A_660 : i32
      %add3A_662 = arith.constant 128 : i32
      %add3A_663 = arith.addi %multiple_of3A, %add3A_662 : i32
      %multiple_of3A_664 = tpu.assume_multiple %add3A_663, 8 : i32
      %get3A_665 = arith.index_cast %multiple_of3A_664 : i32 to index
      %get3A_666 = tpu.vector_load %arg8[%get3A_665] {strides = array<i32>} : memref<6416xi32, #tpu.memory_space<vmem>>, vector<16xi32>,
      %get3A_667 = arith.index_cast %multiple_of3A_664 : i32 to index
      %get3A_668 = tpu.vector_load %arg7[%get3A_667] {strides = array<i32>} : memref<6416xi32, #tpu.memory_space<vmem>>, vector<16xi32>,
      %broadcast_in_dim3A_669 = arith.constant true
      %broadcast_in_dim3A_670 = vector.broadcast %broadcast_in_dim3A_669 : i1 to vector<16xi1>
      %masked_cumsum3A_671 = tpu.scan <sum>, %get3A_666 masked %broadcast_in_dim3A_670 : vector<16xi32>, vector<16xi1> -> vector<16xi32>
      %add3A_672 = vector.broadcast %add3A_661 : i32 to vector<16xi32>
      %add3A_673 = arith.addi %masked_cumsum3A_671, %add3A_672 : vector<16xi32>
      %eq3A_674 = arith.constant 1 : i32
      %eq3A_675 = vector.broadcast %eq3A_674 : i32 to vector<16xi32>
      %eq3A_676 = arith.cmpi eq, %get3A_666, %eq3A_675 : vector<16xi32>
      %sub3A_677 = arith.constant 1 : i32
      %sub3A_678 = vector.broadcast %sub3A_677 : i32 to vector<16xi32>
      %sub3A_679 = arith.subi %add3A_673, %sub3A_678 : vector<16xi32>
      %jit3A_680 = arith.constant 200 : i32
      %broadcast_in_dim3A_681 = vector.broadcast %jit3A_680 : i32 to vector<16xi32>
      %select_n3A_682 = arith.select %eq3A_676, %sub3A_679, %broadcast_in_dim3A_681 : vector<16xi1>, vector<16xi32>
      %mul3A_683 = arith.muli %get3A_668, %get3A_666 : vector<16xi32>
      %swap3A_684 = arith.index_cast %multiple_of3A_664 : i32 to index
      %swap3A_685 = tpu.vector_load %arg9[%swap3A_684] {strides = array<i32>} : memref<6416xi32, #tpu.memory_space<vmem>>, vector<16xi32>,
      tpu.vector_store %arg9[%swap3A_684], %mul3A_683 {strides = array<i32>} : memref<6416xi32, #tpu.memory_space<vmem>>, vector<16xi32>,
      %swap3A_686 = arith.index_cast %multiple_of3A_664 : i32 to index
      %swap3A_687 = tpu.vector_load %arg10[%swap3A_686] {strides = array<i32>} : memref<6416xi32, #tpu.memory_space<vmem>>, vector<16xi32>,
      tpu.vector_store %arg10[%swap3A_686], %select_n3A_682 {strides = array<i32>} : memref<6416xi32, #tpu.memory_space<vmem>>, vector<16xi32>,
      %reduce_sum3A_688 = arith.constant true
      %reduce_sum3A_689 = vector.broadcast %reduce_sum3A_688 : i1 to vector<16xi1>
      %reduce_sum3A_690 = tpu.scan <sum>, %get3A_666 masked %reduce_sum3A_689 : vector<16xi32>, vector<16xi1> -> vector<16xi32>
      %reduce_sum3A_691 = vector.extract %reduce_sum3A_690[15] : i32 from vector<16xi32>
      %add3A_692 = arith.addi %add3A_661, %reduce_sum3A_691 : i32
      %add3A_693 = arith.constant 144 : i32
      %add3A_694 = arith.addi %multiple_of3A, %add3A_693 : i32
      %multiple_of3A_695 = tpu.assume_multiple %add3A_694, 8 : i32
      %get3A_696 = arith.index_cast %multiple_of3A_695 : i32 to index
      %get3A_697 = tpu.vector_load %arg8[%get3A_696] {strides = array<i32>} : memref<6416xi32, #tpu.memory_space<vmem>>, vector<16xi32>,
      %get3A_698 = arith.index_cast %multiple_of3A_695 : i32 to index
      %get3A_699 = tpu.vector_load %arg7[%get3A_698] {strides = array<i32>} : memref<6416xi32, #tpu.memory_space<vmem>>, vector<16xi32>,
      %broadcast_in_dim3A_700 = arith.constant true
      %broadcast_in_dim3A_701 = vector.broadcast %broadcast_in_dim3A_700 : i1 to vector<16xi1>
      %masked_cumsum3A_702 = tpu.scan <sum>, %get3A_697 masked %broadcast_in_dim3A_701 : vector<16xi32>, vector<16xi1> -> vector<16xi32>
      %add3A_703 = vector.broadcast %add3A_692 : i32 to vector<16xi32>
      %add3A_704 = arith.addi %masked_cumsum3A_702, %add3A_703 : vector<16xi32>
      %eq3A_705 = arith.constant 1 : i32
      %eq3A_706 = vector.broadcast %eq3A_705 : i32 to vector<16xi32>
      %eq3A_707 = arith.cmpi eq, %get3A_697, %eq3A_706 : vector<16xi32>
      %sub3A_708 = arith.constant 1 : i32
      %sub3A_709 = vector.broadcast %sub3A_708 : i32 to vector<16xi32>
      %sub3A_710 = arith.subi %add3A_704, %sub3A_709 : vector<16xi32>
      %jit3A_711 = arith.constant 200 : i32
      %broadcast_in_dim3A_712 = vector.broadcast %jit3A_711 : i32 to vector<16xi32>
      %select_n3A_713 = arith.select %eq3A_707, %sub3A_710, %broadcast_in_dim3A_712 : vector<16xi1>, vector<16xi32>
      %mul3A_714 = arith.muli %get3A_699, %get3A_697 : vector<16xi32>
      %swap3A_715 = arith.index_cast %multiple_of3A_695 : i32 to index
      %swap3A_716 = tpu.vector_load %arg9[%swap3A_715] {strides = array<i32>} : memref<6416xi32, #tpu.memory_space<vmem>>, vector<16xi32>,
      tpu.vector_store %arg9[%swap3A_715], %mul3A_714 {strides = array<i32>} : memref<6416xi32, #tpu.memory_space<vmem>>, vector<16xi32>,
      %swap3A_717 = arith.index_cast %multiple_of3A_695 : i32 to index
      %swap3A_718 = tpu.vector_load %arg10[%swap3A_717] {strides = array<i32>} : memref<6416xi32, #tpu.memory_space<vmem>>, vector<16xi32>,
      tpu.vector_store %arg10[%swap3A_717], %select_n3A_713 {strides = array<i32>} : memref<6416xi32, #tpu.memory_space<vmem>>, vector<16xi32>,
      %reduce_sum3A_719 = arith.constant true
      %reduce_sum3A_720 = vector.broadcast %reduce_sum3A_719 : i1 to vector<16xi1>
      %reduce_sum3A_721 = tpu.scan <sum>, %get3A_697 masked %reduce_sum3A_720 : vector<16xi32>, vector<16xi1> -> vector<16xi32>
      %reduce_sum3A_722 = vector.extract %reduce_sum3A_721[15] : i32 from vector<16xi32>
      %add3A_723 = arith.addi %add3A_692, %reduce_sum3A_722 : i32
      %add3A_724 = arith.constant 160 : i32
      %add3A_725 = arith.addi %multiple_of3A, %add3A_724 : i32
      %multiple_of3A_726 = tpu.assume_multiple %add3A_725, 8 : i32
      %get3A_727 = arith.index_cast %multiple_of3A_726 : i32 to index
      %get3A_728 = tpu.vector_load %arg8[%get3A_727] {strides = array<i32>} : memref<6416xi32, #tpu.memory_space<vmem>>, vector<16xi32>,
      %get3A_729 = arith.index_cast %multiple_of3A_726 : i32 to index
      %get3A_730 = tpu.vector_load %arg7[%get3A_729] {strides = array<i32>} : memref<6416xi32, #tpu.memory_space<vmem>>, vector<16xi32>,
      %broadcast_in_dim3A_731 = arith.constant true
      %broadcast_in_dim3A_732 = vector.broadcast %broadcast_in_dim3A_731 : i1 to vector<16xi1>
      %masked_cumsum3A_733 = tpu.scan <sum>, %get3A_728 masked %broadcast_in_dim3A_732 : vector<16xi32>, vector<16xi1> -> vector<16xi32>
      %add3A_734 = vector.broadcast %add3A_723 : i32 to vector<16xi32>
      %add3A_735 = arith.addi %masked_cumsum3A_733, %add3A_734 : vector<16xi32>
      %eq3A_736 = arith.constant 1 : i32
      %eq3A_737 = vector.broadcast %eq3A_736 : i32 to vector<16xi32>
      %eq3A_738 = arith.cmpi eq, %get3A_728, %eq3A_737 : vector<16xi32>
      %sub3A_739 = arith.constant 1 : i32
      %sub3A_740 = vector.broadcast %sub3A_739 : i32 to vector<16xi32>
      %sub3A_741 = arith.subi %add3A_735, %sub3A_740 : vector<16xi32>
      %jit3A_742 = arith.constant 200 : i32
      %broadcast_in_dim3A_743 = vector.broadcast %jit3A_742 : i32 to vector<16xi32>
      %select_n3A_744 = arith.select %eq3A_738, %sub3A_741, %broadcast_in_dim3A_743 : vector<16xi1>, vector<16xi32>
      %mul3A_745 = arith.muli %get3A_730, %get3A_728 : vector<16xi32>
      %swap3A_746 = arith.index_cast %multiple_of3A_726 : i32 to index
      %swap3A_747 = tpu.vector_load %arg9[%swap3A_746] {strides = array<i32>} : memref<6416xi32, #tpu.memory_space<vmem>>, vector<16xi32>,
      tpu.vector_store %arg9[%swap3A_746], %mul3A_745 {strides = array<i32>} : memref<6416xi32, #tpu.memory_space<vmem>>, vector<16xi32>,
      %swap3A_748 = arith.index_cast %multiple_of3A_726 : i32 to index
      %swap3A_749 = tpu.vector_load %arg10[%swap3A_748] {strides = array<i32>} : memref<6416xi32, #tpu.memory_space<vmem>>, vector<16xi32>,
      tpu.vector_store %arg10[%swap3A_748], %select_n3A_744 {strides = array<i32>} : memref<6416xi32, #tpu.memory_space<vmem>>, vector<16xi32>,
      %reduce_sum3A_750 = arith.constant true
      %reduce_sum3A_751 = vector.broadcast %reduce_sum3A_750 : i1 to vector<16xi1>
      %reduce_sum3A_752 = tpu.scan <sum>, %get3A_728 masked %reduce_sum3A_751 : vector<16xi32>, vector<16xi1> -> vector<16xi32>
      %reduce_sum3A_753 = vector.extract %reduce_sum3A_752[15] : i32 from vector<16xi32>
      %add3A_754 = arith.addi %add3A_723, %reduce_sum3A_753 : i32
      %add3A_755 = arith.constant 176 : i32
      %add3A_756 = arith.addi %multiple_of3A, %add3A_755 : i32
      %multiple_of3A_757 = tpu.assume_multiple %add3A_756, 8 : i32
      %get3A_758 = arith.index_cast %multiple_of3A_757 : i32 to index
      %get3A_759 = tpu.vector_load %arg8[%get3A_758] {strides = array<i32>} : memref<6416xi32, #tpu.memory_space<vmem>>, vector<16xi32>,
      %get3A_760 = arith.index_cast %multiple_of3A_757 : i32 to index
      %get3A_761 = tpu.vector_load %arg7[%get3A_760] {strides = array<i32>} : memref<6416xi32, #tpu.memory_space<vmem>>, vector<16xi32>,
      %broadcast_in_dim3A_762 = arith.constant true
      %broadcast_in_dim3A_763 = vector.broadcast %broadcast_in_dim3A_762 : i1 to vector<16xi1>
      %masked_cumsum3A_764 = tpu.scan <sum>, %get3A_759 masked %broadcast_in_dim3A_763 : vector<16xi32>, vector<16xi1> -> vector<16xi32>
      %add3A_765 = vector.broadcast %add3A_754 : i32 to vector<16xi32>
      %add3A_766 = arith.addi %masked_cumsum3A_764, %add3A_765 : vector<16xi32>
      %eq3A_767 = arith.constant 1 : i32
      %eq3A_768 = vector.broadcast %eq3A_767 : i32 to vector<16xi32>
      %eq3A_769 = arith.cmpi eq, %get3A_759, %eq3A_768 : vector<16xi32>
      %sub3A_770 = arith.constant 1 : i32
      %sub3A_771 = vector.broadcast %sub3A_770 : i32 to vector<16xi32>
      %sub3A_772 = arith.subi %add3A_766, %sub3A_771 : vector<16xi32>
      %jit3A_773 = arith.constant 200 : i32
      %broadcast_in_dim3A_774 = vector.broadcast %jit3A_773 : i32 to vector<16xi32>
      %select_n3A_775 = arith.select %eq3A_769, %sub3A_772, %broadcast_in_dim3A_774 : vector<16xi1>, vector<16xi32>
      %mul3A_776 = arith.muli %get3A_761, %get3A_759 : vector<16xi32>
      %swap3A_777 = arith.index_cast %multiple_of3A_757 : i32 to index
      %swap3A_778 = tpu.vector_load %arg9[%swap3A_777] {strides = array<i32>} : memref<6416xi32, #tpu.memory_space<vmem>>, vector<16xi32>,
      tpu.vector_store %arg9[%swap3A_777], %mul3A_776 {strides = array<i32>} : memref<6416xi32, #tpu.memory_space<vmem>>, vector<16xi32>,
      %swap3A_779 = arith.index_cast %multiple_of3A_757 : i32 to index
      %swap3A_780 = tpu.vector_load %arg10[%swap3A_779] {strides = array<i32>} : memref<6416xi32, #tpu.memory_space<vmem>>, vector<16xi32>,
      tpu.vector_store %arg10[%swap3A_779], %select_n3A_775 {strides = array<i32>} : memref<6416xi32, #tpu.memory_space<vmem>>, vector<16xi32>,
      %reduce_sum3A_781 = arith.constant true
      %reduce_sum3A_782 = vector.broadcast %reduce_sum3A_781 : i1 to vector<16xi1>
      %reduce_sum3A_783 = tpu.scan <sum>, %get3A_759 masked %reduce_sum3A_782 : vector<16xi32>, vector<16xi1> -> vector<16xi32>
      %reduce_sum3A_784 = vector.extract %reduce_sum3A_783[15] : i32 from vector<16xi32>
      %add3A_785 = arith.addi %add3A_754, %reduce_sum3A_784 : i32
      %add3A_786 = arith.constant 192 : i32
      %add3A_787 = arith.addi %multiple_of3A, %add3A_786 : i32
      %multiple_of3A_788 = tpu.assume_multiple %add3A_787, 8 : i32
      %get3A_789 = arith.index_cast %multiple_of3A_788 : i32 to index
      %get3A_790 = tpu.vector_load %arg8[%get3A_789] {strides = array<i32>} : memref<6416xi32, #tpu.memory_space<vmem>>, vector<16xi32>,
      %get3A_791 = arith.index_cast %multiple_of3A_788 : i32 to index
      %get3A_792 = tpu.vector_load %arg7[%get3A_791] {strides = array<i32>} : memref<6416xi32, #tpu.memory_space<vmem>>, vector<16xi32>,
      %lt3A = arith.constant 8 : i32
      %lt3A_793 = vector.broadcast %lt3A : i32 to vector<16xi32>
      %lt3A_794 = arith.cmpi slt, %iota3A, %lt3A_793 : vector<16xi32>
      %jit3A_795 = arith.constant 0 : i32
      %broadcast_in_dim3A_796 = vector.broadcast %jit3A_795 : i32 to vector<16xi32>
      %select_n3A_797 = arith.select %lt3A_794, %get3A_790, %broadcast_in_dim3A_796 : vector<16xi1>, vector<16xi32>
      %broadcast_in_dim3A_798 = arith.constant true
      %broadcast_in_dim3A_799 = vector.broadcast %broadcast_in_dim3A_798 : i1 to vector<16xi1>
      %masked_cumsum3A_800 = tpu.scan <sum>, %select_n3A_797 masked %broadcast_in_dim3A_799 : vector<16xi32>, vector<16xi1> -> vector<16xi32>
      %add3A_801 = vector.broadcast %add3A_785 : i32 to vector<16xi32>
      %add3A_802 = arith.addi %masked_cumsum3A_800, %add3A_801 : vector<16xi32>
      %eq3A_803 = arith.constant 1 : i32
      %eq3A_804 = vector.broadcast %eq3A_803 : i32 to vector<16xi32>
      %eq3A_805 = arith.cmpi eq, %select_n3A_797, %eq3A_804 : vector<16xi32>
      %sub3A_806 = arith.constant 1 : i32
      %sub3A_807 = vector.broadcast %sub3A_806 : i32 to vector<16xi32>
      %sub3A_808 = arith.subi %add3A_802, %sub3A_807 : vector<16xi32>
      %jit3A_809 = arith.constant 200 : i32
      %broadcast_in_dim3A_810 = vector.broadcast %jit3A_809 : i32 to vector<16xi32>
      %select_n3A_811 = arith.select %eq3A_805, %sub3A_808, %broadcast_in_dim3A_810 : vector<16xi1>, vector<16xi32>
      %mul3A_812 = arith.muli %get3A_792, %select_n3A_797 : vector<16xi32>
      %swap3A_813 = arith.index_cast %multiple_of3A_788 : i32 to index
      %swap3A_814 = tpu.vector_load %arg9[%swap3A_813] {strides = array<i32>} : memref<6416xi32, #tpu.memory_space<vmem>>, vector<16xi32>,
      tpu.vector_store %arg9[%swap3A_813], %mul3A_812 {strides = array<i32>} : memref<6416xi32, #tpu.memory_space<vmem>>, vector<16xi32>,
      %swap3A_815 = arith.index_cast %multiple_of3A_788 : i32 to index
      %swap3A_816 = tpu.vector_load %arg10[%swap3A_815] {strides = array<i32>} : memref<6416xi32, #tpu.memory_space<vmem>>, vector<16xi32>,
      tpu.vector_store %arg10[%swap3A_815], %select_n3A_811 {strides = array<i32>} : memref<6416xi32, #tpu.memory_space<vmem>>, vector<16xi32>,
      %scan3A_817 = arith.constant 0 : i32
      scf.yield %scan3A_817 : i32
    }
    %scan3A_8 = arith.constant 32 : i32
    %mul3A_9 = arith.constant 0 : i32
    %mul3A_10 = vector.broadcast %mul3A_9 : i32 to vector<16xi32>
    %mul3A_11 = arith.muli %iota3A, %mul3A_10 : vector<16xi32>
    %scan3A_12 = arith.constant 0 : i32
    %scan3A_13 = arith.constant 0 : i32
    %scan3A_14 = arith.constant 596 : i32
    %scan3A_15 = arith.addi %scan3A_13, %scan3A_14 : i32
    %scan3A_16 = arith.constant 1 : i32
    %scan3A_17 = scf.for %scan3A_408 = %scan3A_13 to %scan3A_15 step %scan3A_16 iter_args(%scan3A_409 = %scan3A_12) -> (i32)  : i32 {
      %mul3A_410 = arith.constant 16 : i32
      %mul3A_411 = arith.muli %scan3A_408, %mul3A_410 : i32
      %multiple_of3A = tpu.assume_multiple %mul3A_411, 8 : i32
      %swap3A_412 = arith.index_cast %multiple_of3A : i32 to index
      %swap3A_413 = tpu.vector_load %arg11[%swap3A_412] {strides = array<i32>} : memref<9536xi32, #tpu.memory_space<vmem>>, vector<16xi32>,
      tpu.vector_store %arg11[%swap3A_412], %mul3A_11 {strides = array<i32>} : memref<9536xi32, #tpu.memory_space<vmem>>, vector<16xi32>,
      %add3A_414 = vector.broadcast %mul3A_2 : i32 to vector<16xi32>
      %add3A_415 = arith.addi %mul3A_11, %add3A_414 : vector<16xi32>
      %swap3A_416 = arith.index_cast %multiple_of3A : i32 to index
      %swap3A_417 = tpu.vector_load %arg12[%swap3A_416] {strides = array<i32>} : memref<9536xi32, #tpu.memory_space<vmem>>, vector<16xi32>,
      tpu.vector_store %arg12[%swap3A_416], %add3A_415 {strides = array<i32>} : memref<9536xi32, #tpu.memory_space<vmem>>, vector<16xi32>,
      %add3A_418 = arith.constant 200 : i32
      %add3A_419 = vector.broadcast %add3A_418 : i32 to vector<16xi32>
      %add3A_420 = arith.addi %mul3A_11, %add3A_419 : vector<16xi32>
      %swap3A_421 = arith.index_cast %multiple_of3A : i32 to index
      %swap3A_422 = tpu.vector_load %arg13[%swap3A_421] {strides = array<i32>} : memref<9536xi32, #tpu.memory_space<vmem>>, vector<16xi32>,
      tpu.vector_store %arg13[%swap3A_421], %add3A_420 {strides = array<i32>} : memref<9536xi32, #tpu.memory_space<vmem>>, vector<16xi32>,
      %scan3A_423 = arith.constant 0 : i32
      scf.yield %scan3A_423 : i32
    }
    %scan3A_18 = arith.constant 596 : i32
    %swap3A = arith.constant 0 : index
    %swap3A_19 = tpu.vector_load %arg21[%swap3A] {strides = array<i32>} : memref<64xi32, #tpu.memory_space<vmem>>, vector<16xi32>,
    tpu.vector_store %arg21[%swap3A], %mul3A_11 {strides = array<i32>} : memref<64xi32, #tpu.memory_space<vmem>>, vector<16xi32>,
    %swap3A_20 = arith.constant 16 : index
    %swap3A_21 = tpu.vector_load %arg21[%swap3A_20] {strides = array<i32>} : memref<64xi32, #tpu.memory_space<vmem>>, vector<16xi32>,
    tpu.vector_store %arg21[%swap3A_20], %mul3A_11 {strides = array<i32>} : memref<64xi32, #tpu.memory_space<vmem>>, vector<16xi32>,
    %swap3A_22 = arith.constant 32 : index
    %swap3A_23 = tpu.vector_load %arg21[%swap3A_22] {strides = array<i32>} : memref<64xi32, #tpu.memory_space<vmem>>, vector<16xi32>,
    tpu.vector_store %arg21[%swap3A_22], %mul3A_11 {strides = array<i32>} : memref<64xi32, #tpu.memory_space<vmem>>, vector<16xi32>,
    %swap3A_24 = arith.constant 48 : index
    %swap3A_25 = tpu.vector_load %arg21[%swap3A_24] {strides = array<i32>} : memref<64xi32, #tpu.memory_space<vmem>>, vector<16xi32>,
    tpu.vector_store %arg21[%swap3A_24], %mul3A_11 {strides = array<i32>} : memref<64xi32, #tpu.memory_space<vmem>>, vector<16xi32>,
    %scan3A_26 = arith.constant 0 : i32
    %scan3A_27 = arith.constant 0 : i32
    %scan3A_28 = arith.constant 400 : i32
    %scan3A_29 = arith.addi %scan3A_27, %scan3A_28 : i32
    %scan3A_30 = arith.constant 1 : i32
    %scan3A_31 = scf.for %scan3A_408 = %scan3A_27 to %scan3A_29 step %scan3A_30 iter_args(%scan3A_409 = %scan3A_26) -> (i32)  : i32 {
      %mul3A_410 = arith.constant 16 : i32
      %mul3A_411 = arith.muli %scan3A_408, %mul3A_410 : i32
      %multiple_of3A = tpu.assume_multiple %mul3A_411, 8 : i32
      %get3A_412 = arith.index_cast %multiple_of3A : i32 to index
      %get3A_413 = tpu.vector_load %arg9[%get3A_412] {strides = array<i32>} : memref<6416xi32, #tpu.memory_space<vmem>>, vector<16xi32>,
      %shift_right_logical3A = arith.constant 11 : i32
      %shift_right_logical3A_414 = vector.broadcast %shift_right_logical3A : i32 to vector<16xi32>
      %shift_right_logical3A_415 = arith.shrui %get3A_413, %shift_right_logical3A_414 : vector<16xi32>
      %broadcast_in_dim3A_416 = arith.constant true
      %broadcast_in_dim3A_417 = vector.broadcast %broadcast_in_dim3A_416 : i1 to vector<16xi1>
      %unique3A, %unique3A_418 = tpu.scan_count mask(%broadcast_in_dim3A_417 : vector<16xi1>) value(%shift_right_logical3A_415 : vector<16xi32>) : vector<16xi1>, vector<16xi32>
      %gather3A = tpu.vector_load_idx %arg21[%shift_right_logical3A_415] : memref<64xi32, #tpu.memory_space<vmem>>[vector<16xi32>], vector<16xi32>,
      %add3A_419 = arith.addi %gather3A, %unique3A_418 : vector<16xi32>
      %add3A_420 = arith.constant 0 : i32
      %add3A_421 = vector.broadcast %add3A_420 : i32 to vector<16xi32>
      %add3A_422 = arith.addi %add3A_419, %add3A_421 : vector<16xi32>
      tpu.vector_store_idx %arg21[%shift_right_logical3A_415], %add3A_422 masked %unique3A : memref<64xi32, #tpu.memory_space<vmem>>[vector<16xi32>], vector<16xi32>, vector<16xi1>
      %scan3A_423 = arith.constant 0 : i32
      scf.yield %scan3A_423 : i32
    }
    %scan3A_32 = arith.constant 400 : i32
    %get3A = arith.constant 0 : index
    %get3A_33 = tpu.vector_load %arg21[%get3A] {strides = array<i32>} : memref<64xi32, #tpu.memory_space<vmem>>, vector<16xi32>,
    %get3A_34 = arith.constant 16 : index
    %get3A_35 = tpu.vector_load %arg21[%get3A_34] {strides = array<i32>} : memref<64xi32, #tpu.memory_space<vmem>>, vector<16xi32>,
    %get3A_36 = arith.constant 32 : index
    %get3A_37 = tpu.vector_load %arg21[%get3A_36] {strides = array<i32>} : memref<64xi32, #tpu.memory_space<vmem>>, vector<16xi32>,
    %get3A_38 = arith.constant 48 : index
    %get3A_39 = tpu.vector_load %arg21[%get3A_38] {strides = array<i32>} : memref<64xi32, #tpu.memory_space<vmem>>, vector<16xi32>,
    %add3A_40 = arith.constant 63 : i32
    %add3A_41 = vector.broadcast %add3A_40 : i32 to vector<16xi32>
    %add3A_42 = arith.addi %get3A_33, %add3A_41 : vector<16xi32>
    %shift_right_arithmetic3A = arith.constant 6 : i32
    %shift_right_arithmetic3A_43 = vector.broadcast %shift_right_arithmetic3A : i32 to vector<16xi32>
    %shift_right_arithmetic3A_44 = arith.shrsi %add3A_42, %shift_right_arithmetic3A_43 : vector<16xi32>
    %shift_left3A = arith.constant 6 : i32
    %shift_left3A_45 = vector.broadcast %shift_left3A : i32 to vector<16xi32>
    %shift_left3A_46 = arith.shli %shift_right_arithmetic3A_44, %shift_left3A_45 : vector<16xi32>
    %add3A_47 = arith.constant 63 : i32
    %add3A_48 = vector.broadcast %add3A_47 : i32 to vector<16xi32>
    %add3A_49 = arith.addi %get3A_35, %add3A_48 : vector<16xi32>
    %shift_right_arithmetic3A_50 = arith.constant 6 : i32
    %shift_right_arithmetic3A_51 = vector.broadcast %shift_right_arithmetic3A_50 : i32 to vector<16xi32>
    %shift_right_arithmetic3A_52 = arith.shrsi %add3A_49, %shift_right_arithmetic3A_51 : vector<16xi32>
    %shift_left3A_53 = arith.constant 6 : i32
    %shift_left3A_54 = vector.broadcast %shift_left3A_53 : i32 to vector<16xi32>
    %shift_left3A_55 = arith.shli %shift_right_arithmetic3A_52, %shift_left3A_54 : vector<16xi32>
    %add3A_56 = arith.constant 63 : i32
    %add3A_57 = vector.broadcast %add3A_56 : i32 to vector<16xi32>
    %add3A_58 = arith.addi %get3A_37, %add3A_57 : vector<16xi32>
    %shift_right_arithmetic3A_59 = arith.constant 6 : i32
    %shift_right_arithmetic3A_60 = vector.broadcast %shift_right_arithmetic3A_59 : i32 to vector<16xi32>
    %shift_right_arithmetic3A_61 = arith.shrsi %add3A_58, %shift_right_arithmetic3A_60 : vector<16xi32>
    %shift_left3A_62 = arith.constant 6 : i32
    %shift_left3A_63 = vector.broadcast %shift_left3A_62 : i32 to vector<16xi32>
    %shift_left3A_64 = arith.shli %shift_right_arithmetic3A_61, %shift_left3A_63 : vector<16xi32>
    %add3A_65 = arith.constant 63 : i32
    %add3A_66 = vector.broadcast %add3A_65 : i32 to vector<16xi32>
    %add3A_67 = arith.addi %get3A_39, %add3A_66 : vector<16xi32>
    %shift_right_arithmetic3A_68 = arith.constant 6 : i32
    %shift_right_arithmetic3A_69 = vector.broadcast %shift_right_arithmetic3A_68 : i32 to vector<16xi32>
    %shift_right_arithmetic3A_70 = arith.shrsi %add3A_67, %shift_right_arithmetic3A_69 : vector<16xi32>
    %shift_left3A_71 = arith.constant 6 : i32
    %shift_left3A_72 = vector.broadcast %shift_left3A_71 : i32 to vector<16xi32>
    %shift_left3A_73 = arith.shli %shift_right_arithmetic3A_70, %shift_left3A_72 : vector<16xi32>
    %broadcast_in_dim3A = arith.constant true
    %broadcast_in_dim3A_74 = vector.broadcast %broadcast_in_dim3A : i1 to vector<16xi1>
    %masked_cumsum3A = tpu.scan <sum>, %shift_left3A_46 masked %broadcast_in_dim3A_74 : vector<16xi32>, vector<16xi1> -> vector<16xi32>
    %sub3A = arith.subi %masked_cumsum3A, %shift_left3A_46 : vector<16xi32>
    %add3A_75 = arith.constant 0 : i32
    %add3A_76 = vector.broadcast %add3A_75 : i32 to vector<16xi32>
    %add3A_77 = arith.addi %sub3A, %add3A_76 : vector<16xi32>
    %reduce_sum3A = arith.constant true
    %reduce_sum3A_78 = vector.broadcast %reduce_sum3A : i1 to vector<16xi1>
    %reduce_sum3A_79 = tpu.scan <sum>, %shift_left3A_46 masked %reduce_sum3A_78 : vector<16xi32>, vector<16xi1> -> vector<16xi32>
    %reduce_sum3A_80 = vector.extract %reduce_sum3A_79[15] : i32 from vector<16xi32>
    %add3A_81 = arith.constant 0 : i32
    %add3A_82 = arith.addi %add3A_81, %reduce_sum3A_80 : i32
    %broadcast_in_dim3A_83 = arith.constant true
    %broadcast_in_dim3A_84 = vector.broadcast %broadcast_in_dim3A_83 : i1 to vector<16xi1>
    %masked_cumsum3A_85 = tpu.scan <sum>, %shift_left3A_55 masked %broadcast_in_dim3A_84 : vector<16xi32>, vector<16xi1> -> vector<16xi32>
    %sub3A_86 = arith.subi %masked_cumsum3A_85, %shift_left3A_55 : vector<16xi32>
    %add3A_87 = vector.broadcast %add3A_82 : i32 to vector<16xi32>
    %add3A_88 = arith.addi %sub3A_86, %add3A_87 : vector<16xi32>
    %reduce_sum3A_89 = arith.constant true
    %reduce_sum3A_90 = vector.broadcast %reduce_sum3A_89 : i1 to vector<16xi1>
    %reduce_sum3A_91 = tpu.scan <sum>, %shift_left3A_55 masked %reduce_sum3A_90 : vector<16xi32>, vector<16xi1> -> vector<16xi32>
    %reduce_sum3A_92 = vector.extract %reduce_sum3A_91[15] : i32 from vector<16xi32>
    %add3A_93 = arith.addi %add3A_82, %reduce_sum3A_92 : i32
    %broadcast_in_dim3A_94 = arith.constant true
    %broadcast_in_dim3A_95 = vector.broadcast %broadcast_in_dim3A_94 : i1 to vector<16xi1>
    %masked_cumsum3A_96 = tpu.scan <sum>, %shift_left3A_64 masked %broadcast_in_dim3A_95 : vector<16xi32>, vector<16xi1> -> vector<16xi32>
    %sub3A_97 = arith.subi %masked_cumsum3A_96, %shift_left3A_64 : vector<16xi32>
    %add3A_98 = vector.broadcast %add3A_93 : i32 to vector<16xi32>
    %add3A_99 = arith.addi %sub3A_97, %add3A_98 : vector<16xi32>
    %reduce_sum3A_100 = arith.constant true
    %reduce_sum3A_101 = vector.broadcast %reduce_sum3A_100 : i1 to vector<16xi1>
    %reduce_sum3A_102 = tpu.scan <sum>, %shift_left3A_64 masked %reduce_sum3A_101 : vector<16xi32>, vector<16xi1> -> vector<16xi32>
    %reduce_sum3A_103 = vector.extract %reduce_sum3A_102[15] : i32 from vector<16xi32>
    %add3A_104 = arith.addi %add3A_93, %reduce_sum3A_103 : i32
    %broadcast_in_dim3A_105 = arith.constant true
    %broadcast_in_dim3A_106 = vector.broadcast %broadcast_in_dim3A_105 : i1 to vector<16xi1>
    %masked_cumsum3A_107 = tpu.scan <sum>, %shift_left3A_73 masked %broadcast_in_dim3A_106 : vector<16xi32>, vector<16xi1> -> vector<16xi32>
    %sub3A_108 = arith.subi %masked_cumsum3A_107, %shift_left3A_73 : vector<16xi32>
    %add3A_109 = vector.broadcast %add3A_104 : i32 to vector<16xi32>
    %add3A_110 = arith.addi %sub3A_108, %add3A_109 : vector<16xi32>
    %reduce_sum3A_111 = arith.constant true
    %reduce_sum3A_112 = vector.broadcast %reduce_sum3A_111 : i1 to vector<16xi1>
    %reduce_sum3A_113 = tpu.scan <sum>, %shift_left3A_73 masked %reduce_sum3A_112 : vector<16xi32>, vector<16xi1> -> vector<16xi32>
    %reduce_sum3A_114 = vector.extract %reduce_sum3A_113[15] : i32 from vector<16xi32>
    %add3A_115 = arith.addi %add3A_104, %reduce_sum3A_114 : i32
    %swap3A_116 = arith.constant 0 : index
    %swap3A_117 = tpu.vector_load %arg21[%swap3A_116] {strides = array<i32>} : memref<64xi32, #tpu.memory_space<vmem>>, vector<16xi32>,
    tpu.vector_store %arg21[%swap3A_116], %add3A_77 {strides = array<i32>} : memref<64xi32, #tpu.memory_space<vmem>>, vector<16xi32>,
    %swap3A_118 = arith.constant 0 : index
    %swap3A_119 = tpu.vector_load %arg22[%swap3A_118] {strides = array<i32>} : memref<64xi32, #tpu.memory_space<vmem>>, vector<16xi32>,
    tpu.vector_store %arg22[%swap3A_118], %add3A_77 {strides = array<i32>} : memref<64xi32, #tpu.memory_space<vmem>>, vector<16xi32>,
    %swap3A_120 = arith.constant 16 : index
    %swap3A_121 = tpu.vector_load %arg21[%swap3A_120] {strides = array<i32>} : memref<64xi32, #tpu.memory_space<vmem>>, vector<16xi32>,
    tpu.vector_store %arg21[%swap3A_120], %add3A_88 {strides = array<i32>} : memref<64xi32, #tpu.memory_space<vmem>>, vector<16xi32>,
    %swap3A_122 = arith.constant 16 : index
    %swap3A_123 = tpu.vector_load %arg22[%swap3A_122] {strides = array<i32>} : memref<64xi32, #tpu.memory_space<vmem>>, vector<16xi32>,
    tpu.vector_store %arg22[%swap3A_122], %add3A_88 {strides = array<i32>} : memref<64xi32, #tpu.memory_space<vmem>>, vector<16xi32>,
    %swap3A_124 = arith.constant 32 : index
    %swap3A_125 = tpu.vector_load %arg21[%swap3A_124] {strides = array<i32>} : memref<64xi32, #tpu.memory_space<vmem>>, vector<16xi32>,
    tpu.vector_store %arg21[%swap3A_124], %add3A_99 {strides = array<i32>} : memref<64xi32, #tpu.memory_space<vmem>>, vector<16xi32>,
    %swap3A_126 = arith.constant 32 : index
    %swap3A_127 = tpu.vector_load %arg22[%swap3A_126] {strides = array<i32>} : memref<64xi32, #tpu.memory_space<vmem>>, vector<16xi32>,
    tpu.vector_store %arg22[%swap3A_126], %add3A_99 {strides = array<i32>} : memref<64xi32, #tpu.memory_space<vmem>>, vector<16xi32>,
    %swap3A_128 = arith.constant 48 : index
    %swap3A_129 = tpu.vector_load %arg21[%swap3A_128] {strides = array<i32>} : memref<64xi32, #tpu.memory_space<vmem>>, vector<16xi32>,
    tpu.vector_store %arg21[%swap3A_128], %add3A_110 {strides = array<i32>} : memref<64xi32, #tpu.memory_space<vmem>>, vector<16xi32>,
    %eq3A = arith.constant 1 : i32
    %eq3A_130 = vector.broadcast %eq3A : i32 to vector<16xi32>
    %eq3A_131 = arith.cmpi eq, %iota3A, %eq3A_130 : vector<16xi32>
    %jit3A = arith.constant 0 : i32
    %broadcast_in_dim3A_132 = vector.broadcast %jit3A : i32 to vector<16xi32>
    %select_n3A = arith.select %eq3A_131, %shift_left3A_73, %broadcast_in_dim3A_132 : vector<16xi1>, vector<16xi32>
    %add3A_133 = arith.addi %add3A_110, %select_n3A : vector<16xi32>
    %swap3A_134 = arith.constant 48 : index
    %swap3A_135 = tpu.vector_load %arg22[%swap3A_134] {strides = array<i32>} : memref<64xi32, #tpu.memory_space<vmem>>, vector<16xi32>,
    tpu.vector_store %arg22[%swap3A_134], %add3A_133 {strides = array<i32>} : memref<64xi32, #tpu.memory_space<vmem>>, vector<16xi32>,
    %slice3A = vector.extract_strided_slice %add3A_77 {offsets = [0], sizes = [1], strides = [1]} : vector<16xi32> to vector<1xi32>
    %squeeze3A = vector.extract %slice3A[0] : i32 from vector<1xi32>
    %swap3A_136 = arith.constant 0 : i32
    %swap3A_137 = arith.index_cast %swap3A_136 : i32 to index
    %swap3A_138 = memref.load %arg23[%swap3A_137] : memref<51xi32, #tpu.memory_space<smem>>
    memref.store %squeeze3A, %arg23[%swap3A_137] : memref<51xi32, #tpu.memory_space<smem>>
    %slice3A_139 = vector.extract_strided_slice %add3A_77 {offsets = [1], sizes = [1], strides = [1]} : vector<16xi32> to vector<1xi32>
    %squeeze3A_140 = vector.extract %slice3A_139[0] : i32 from vector<1xi32>
    %swap3A_141 = arith.constant 1 : i32
    %swap3A_142 = arith.index_cast %swap3A_141 : i32 to index
    %swap3A_143 = memref.load %arg23[%swap3A_142] : memref<51xi32, #tpu.memory_space<smem>>
    memref.store %squeeze3A_140, %arg23[%swap3A_142] : memref<51xi32, #tpu.memory_space<smem>>
    %slice3A_144 = vector.extract_strided_slice %add3A_77 {offsets = [2], sizes = [1], strides = [1]} : vector<16xi32> to vector<1xi32>
    %squeeze3A_145 = vector.extract %slice3A_144[0] : i32 from vector<1xi32>
    %swap3A_146 = arith.constant 2 : i32
    %swap3A_147 = arith.index_cast %swap3A_146 : i32 to index
    %swap3A_148 = memref.load %arg23[%swap3A_147] : memref<51xi32, #tpu.memory_space<smem>>
    memref.store %squeeze3A_145, %arg23[%swap3A_147] : memref<51xi32, #tpu.memory_space<smem>>
    %slice3A_149 = vector.extract_strided_slice %add3A_77 {offsets = [3], sizes = [1], strides = [1]} : vector<16xi32> to vector<1xi32>
    %squeeze3A_150 = vector.extract %slice3A_149[0] : i32 from vector<1xi32>
    %swap3A_151 = arith.constant 3 : i32
    %swap3A_152 = arith.index_cast %swap3A_151 : i32 to index
    %swap3A_153 = memref.load %arg23[%swap3A_152] : memref<51xi32, #tpu.memory_space<smem>>
    memref.store %squeeze3A_150, %arg23[%swap3A_152] : memref<51xi32, #tpu.memory_space<smem>>
    %slice3A_154 = vector.extract_strided_slice %add3A_77 {offsets = [4], sizes = [1], strides = [1]} : vector<16xi32> to vector<1xi32>
    %squeeze3A_155 = vector.extract %slice3A_154[0] : i32 from vector<1xi32>
    %swap3A_156 = arith.constant 4 : i32
    %swap3A_157 = arith.index_cast %swap3A_156 : i32 to index
    %swap3A_158 = memref.load %arg23[%swap3A_157] : memref<51xi32, #tpu.memory_space<smem>>
    memref.store %squeeze3A_155, %arg23[%swap3A_157] : memref<51xi32, #tpu.memory_space<smem>>
    %slice3A_159 = vector.extract_strided_slice %add3A_77 {offsets = [5], sizes = [1], strides = [1]} : vector<16xi32> to vector<1xi32>
    %squeeze3A_160 = vector.extract %slice3A_159[0] : i32 from vector<1xi32>
    %swap3A_161 = arith.constant 5 : i32
    %swap3A_162 = arith.index_cast %swap3A_161 : i32 to index
    %swap3A_163 = memref.load %arg23[%swap3A_162] : memref<51xi32, #tpu.memory_space<smem>>
    memref.store %squeeze3A_160, %arg23[%swap3A_162] : memref<51xi32, #tpu.memory_space<smem>>
    %slice3A_164 = vector.extract_strided_slice %add3A_77 {offsets = [6], sizes = [1], strides = [1]} : vector<16xi32> to vector<1xi32>
    %squeeze3A_165 = vector.extract %slice3A_164[0] : i32 from vector<1xi32>
    %swap3A_166 = arith.constant 6 : i32
    %swap3A_167 = arith.index_cast %swap3A_166 : i32 to index
    %swap3A_168 = memref.load %arg23[%swap3A_167] : memref<51xi32, #tpu.memory_space<smem>>
    memref.store %squeeze3A_165, %arg23[%swap3A_167] : memref<51xi32, #tpu.memory_space<smem>>
    %slice3A_169 = vector.extract_strided_slice %add3A_77 {offsets = [7], sizes = [1], strides = [1]} : vector<16xi32> to vector<1xi32>
    %squeeze3A_170 = vector.extract %slice3A_169[0] : i32 from vector<1xi32>
    %swap3A_171 = arith.constant 7 : i32
    %swap3A_172 = arith.index_cast %swap3A_171 : i32 to index
    %swap3A_173 = memref.load %arg23[%swap3A_172] : memref<51xi32, #tpu.memory_space<smem>>
    memref.store %squeeze3A_170, %arg23[%swap3A_172] : memref<51xi32, #tpu.memory_space<smem>>
    %slice3A_174 = vector.extract_strided_slice %add3A_77 {offsets = [8], sizes = [1], strides = [1]} : vector<16xi32> to vector<1xi32>
    %squeeze3A_175 = vector.extract %slice3A_174[0] : i32 from vector<1xi32>
    %swap3A_176 = arith.constant 8 : i32
    %swap3A_177 = arith.index_cast %swap3A_176 : i32 to index
    %swap3A_178 = memref.load %arg23[%swap3A_177] : memref<51xi32, #tpu.memory_space<smem>>
    memref.store %squeeze3A_175, %arg23[%swap3A_177] : memref<51xi32, #tpu.memory_space<smem>>
    %slice3A_179 = vector.extract_strided_slice %add3A_77 {offsets = [9], sizes = [1], strides = [1]} : vector<16xi32> to vector<1xi32>
    %squeeze3A_180 = vector.extract %slice3A_179[0] : i32 from vector<1xi32>
    %swap3A_181 = arith.constant 9 : i32
    %swap3A_182 = arith.index_cast %swap3A_181 : i32 to index
    %swap3A_183 = memref.load %arg23[%swap3A_182] : memref<51xi32, #tpu.memory_space<smem>>
    memref.store %squeeze3A_180, %arg23[%swap3A_182] : memref<51xi32, #tpu.memory_space<smem>>
    %slice3A_184 = vector.extract_strided_slice %add3A_77 {offsets = [10], sizes = [1], strides = [1]} : vector<16xi32> to vector<1xi32>
    %squeeze3A_185 = vector.extract %slice3A_184[0] : i32 from vector<1xi32>
    %swap3A_186 = arith.constant 10 : i32
    %swap3A_187 = arith.index_cast %swap3A_186 : i32 to index
    %swap3A_188 = memref.load %arg23[%swap3A_187] : memref<51xi32, #tpu.memory_space<smem>>
    memref.store %squeeze3A_185, %arg23[%swap3A_187] : memref<51xi32, #tpu.memory_space<smem>>
    %slice3A_189 = vector.extract_strided_slice %add3A_77 {offsets = [11], sizes = [1], strides = [1]} : vector<16xi32> to vector<1xi32>
    %squeeze3A_190 = vector.extract %slice3A_189[0] : i32 from vector<1xi32>
    %swap3A_191 = arith.constant 11 : i32
    %swap3A_192 = arith.index_cast %swap3A_191 : i32 to index
    %swap3A_193 = memref.load %arg23[%swap3A_192] : memref<51xi32, #tpu.memory_space<smem>>
    memref.store %squeeze3A_190, %arg23[%swap3A_192] : memref<51xi32, #tpu.memory_space<smem>>
    %slice3A_194 = vector.extract_strided_slice %add3A_77 {offsets = [12], sizes = [1], strides = [1]} : vector<16xi32> to vector<1xi32>
    %squeeze3A_195 = vector.extract %slice3A_194[0] : i32 from vector<1xi32>
    %swap3A_196 = arith.constant 12 : i32
    %swap3A_197 = arith.index_cast %swap3A_196 : i32 to index
    %swap3A_198 = memref.load %arg23[%swap3A_197] : memref<51xi32, #tpu.memory_space<smem>>
    memref.store %squeeze3A_195, %arg23[%swap3A_197] : memref<51xi32, #tpu.memory_space<smem>>
    %slice3A_199 = vector.extract_strided_slice %add3A_77 {offsets = [13], sizes = [1], strides = [1]} : vector<16xi32> to vector<1xi32>
    %squeeze3A_200 = vector.extract %slice3A_199[0] : i32 from vector<1xi32>
    %swap3A_201 = arith.constant 13 : i32
    %swap3A_202 = arith.index_cast %swap3A_201 : i32 to index
    %swap3A_203 = memref.load %arg23[%swap3A_202] : memref<51xi32, #tpu.memory_space<smem>>
    memref.store %squeeze3A_200, %arg23[%swap3A_202] : memref<51xi32, #tpu.memory_space<smem>>
    %slice3A_204 = vector.extract_strided_slice %add3A_77 {offsets = [14], sizes = [1], strides = [1]} : vector<16xi32> to vector<1xi32>
    %squeeze3A_205 = vector.extract %slice3A_204[0] : i32 from vector<1xi32>
    %swap3A_206 = arith.constant 14 : i32
    %swap3A_207 = arith.index_cast %swap3A_206 : i32 to index
    %swap3A_208 = memref.load %arg23[%swap3A_207] : memref<51xi32, #tpu.memory_space<smem>>
    memref.store %squeeze3A_205, %arg23[%swap3A_207] : memref<51xi32, #tpu.memory_space<smem>>
    %slice3A_209 = vector.extract_strided_slice %add3A_77 {offsets = [15], sizes = [1], strides = [1]} : vector<16xi32> to vector<1xi32>
    %squeeze3A_210 = vector.extract %slice3A_209[0] : i32 from vector<1xi32>
    %swap3A_211 = arith.constant 15 : i32
    %swap3A_212 = arith.index_cast %swap3A_211 : i32 to index
    %swap3A_213 = memref.load %arg23[%swap3A_212] : memref<51xi32, #tpu.memory_space<smem>>
    memref.store %squeeze3A_210, %arg23[%swap3A_212] : memref<51xi32, #tpu.memory_space<smem>>
    %slice3A_214 = vector.extract_strided_slice %add3A_88 {offsets = [0], sizes = [1], strides = [1]} : vector<16xi32> to vector<1xi32>
    %squeeze3A_215 = vector.extract %slice3A_214[0] : i32 from vector<1xi32>
    %swap3A_216 = arith.constant 16 : i32
    %swap3A_217 = arith.index_cast %swap3A_216 : i32 to index
    %swap3A_218 = memref.load %arg23[%swap3A_217] : memref<51xi32, #tpu.memory_space<smem>>
    memref.store %squeeze3A_215, %arg23[%swap3A_217] : memref<51xi32, #tpu.memory_space<smem>>
    %slice3A_219 = vector.extract_strided_slice %add3A_88 {offsets = [1], sizes = [1], strides = [1]} : vector<16xi32> to vector<1xi32>
    %squeeze3A_220 = vector.extract %slice3A_219[0] : i32 from vector<1xi32>
    %swap3A_221 = arith.constant 17 : i32
    %swap3A_222 = arith.index_cast %swap3A_221 : i32 to index
    %swap3A_223 = memref.load %arg23[%swap3A_222] : memref<51xi32, #tpu.memory_space<smem>>
    memref.store %squeeze3A_220, %arg23[%swap3A_222] : memref<51xi32, #tpu.memory_space<smem>>
    %slice3A_224 = vector.extract_strided_slice %add3A_88 {offsets = [2], sizes = [1], strides = [1]} : vector<16xi32> to vector<1xi32>
    %squeeze3A_225 = vector.extract %slice3A_224[0] : i32 from vector<1xi32>
    %swap3A_226 = arith.constant 18 : i32
    %swap3A_227 = arith.index_cast %swap3A_226 : i32 to index
    %swap3A_228 = memref.load %arg23[%swap3A_227] : memref<51xi32, #tpu.memory_space<smem>>
    memref.store %squeeze3A_225, %arg23[%swap3A_227] : memref<51xi32, #tpu.memory_space<smem>>
    %slice3A_229 = vector.extract_strided_slice %add3A_88 {offsets = [3], sizes = [1], strides = [1]} : vector<16xi32> to vector<1xi32>
    %squeeze3A_230 = vector.extract %slice3A_229[0] : i32 from vector<1xi32>
    %swap3A_231 = arith.constant 19 : i32
    %swap3A_232 = arith.index_cast %swap3A_231 : i32 to index
    %swap3A_233 = memref.load %arg23[%swap3A_232] : memref<51xi32, #tpu.memory_space<smem>>
    memref.store %squeeze3A_230, %arg23[%swap3A_232] : memref<51xi32, #tpu.memory_space<smem>>
    %slice3A_234 = vector.extract_strided_slice %add3A_88 {offsets = [4], sizes = [1], strides = [1]} : vector<16xi32> to vector<1xi32>
    %squeeze3A_235 = vector.extract %slice3A_234[0] : i32 from vector<1xi32>
    %swap3A_236 = arith.constant 20 : i32
    %swap3A_237 = arith.index_cast %swap3A_236 : i32 to index
    %swap3A_238 = memref.load %arg23[%swap3A_237] : memref<51xi32, #tpu.memory_space<smem>>
    memref.store %squeeze3A_235, %arg23[%swap3A_237] : memref<51xi32, #tpu.memory_space<smem>>
    %slice3A_239 = vector.extract_strided_slice %add3A_88 {offsets = [5], sizes = [1], strides = [1]} : vector<16xi32> to vector<1xi32>
    %squeeze3A_240 = vector.extract %slice3A_239[0] : i32 from vector<1xi32>
    %swap3A_241 = arith.constant 21 : i32
    %swap3A_242 = arith.index_cast %swap3A_241 : i32 to index
    %swap3A_243 = memref.load %arg23[%swap3A_242] : memref<51xi32, #tpu.memory_space<smem>>
    memref.store %squeeze3A_240, %arg23[%swap3A_242] : memref<51xi32, #tpu.memory_space<smem>>
    %slice3A_244 = vector.extract_strided_slice %add3A_88 {offsets = [6], sizes = [1], strides = [1]} : vector<16xi32> to vector<1xi32>
    %squeeze3A_245 = vector.extract %slice3A_244[0] : i32 from vector<1xi32>
    %swap3A_246 = arith.constant 22 : i32
    %swap3A_247 = arith.index_cast %swap3A_246 : i32 to index
    %swap3A_248 = memref.load %arg23[%swap3A_247] : memref<51xi32, #tpu.memory_space<smem>>
    memref.store %squeeze3A_245, %arg23[%swap3A_247] : memref<51xi32, #tpu.memory_space<smem>>
    %slice3A_249 = vector.extract_strided_slice %add3A_88 {offsets = [7], sizes = [1], strides = [1]} : vector<16xi32> to vector<1xi32>
    %squeeze3A_250 = vector.extract %slice3A_249[0] : i32 from vector<1xi32>
    %swap3A_251 = arith.constant 23 : i32
    %swap3A_252 = arith.index_cast %swap3A_251 : i32 to index
    %swap3A_253 = memref.load %arg23[%swap3A_252] : memref<51xi32, #tpu.memory_space<smem>>
    memref.store %squeeze3A_250, %arg23[%swap3A_252] : memref<51xi32, #tpu.memory_space<smem>>
    %slice3A_254 = vector.extract_strided_slice %add3A_88 {offsets = [8], sizes = [1], strides = [1]} : vector<16xi32> to vector<1xi32>
    %squeeze3A_255 = vector.extract %slice3A_254[0] : i32 from vector<1xi32>
    %swap3A_256 = arith.constant 24 : i32
    %swap3A_257 = arith.index_cast %swap3A_256 : i32 to index
    %swap3A_258 = memref.load %arg23[%swap3A_257] : memref<51xi32, #tpu.memory_space<smem>>
    memref.store %squeeze3A_255, %arg23[%swap3A_257] : memref<51xi32, #tpu.memory_space<smem>>
    %slice3A_259 = vector.extract_strided_slice %add3A_88 {offsets = [9], sizes = [1], strides = [1]} : vector<16xi32> to vector<1xi32>
    %squeeze3A_260 = vector.extract %slice3A_259[0] : i32 from vector<1xi32>
    %swap3A_261 = arith.constant 25 : i32
    %swap3A_262 = arith.index_cast %swap3A_261 : i32 to index
    %swap3A_263 = memref.load %arg23[%swap3A_262] : memref<51xi32, #tpu.memory_space<smem>>
    memref.store %squeeze3A_260, %arg23[%swap3A_262] : memref<51xi32, #tpu.memory_space<smem>>
    %slice3A_264 = vector.extract_strided_slice %add3A_88 {offsets = [10], sizes = [1], strides = [1]} : vector<16xi32> to vector<1xi32>
    %squeeze3A_265 = vector.extract %slice3A_264[0] : i32 from vector<1xi32>
    %swap3A_266 = arith.constant 26 : i32
    %swap3A_267 = arith.index_cast %swap3A_266 : i32 to index
    %swap3A_268 = memref.load %arg23[%swap3A_267] : memref<51xi32, #tpu.memory_space<smem>>
    memref.store %squeeze3A_265, %arg23[%swap3A_267] : memref<51xi32, #tpu.memory_space<smem>>
    %slice3A_269 = vector.extract_strided_slice %add3A_88 {offsets = [11], sizes = [1], strides = [1]} : vector<16xi32> to vector<1xi32>
    %squeeze3A_270 = vector.extract %slice3A_269[0] : i32 from vector<1xi32>
    %swap3A_271 = arith.constant 27 : i32
    %swap3A_272 = arith.index_cast %swap3A_271 : i32 to index
    %swap3A_273 = memref.load %arg23[%swap3A_272] : memref<51xi32, #tpu.memory_space<smem>>
    memref.store %squeeze3A_270, %arg23[%swap3A_272] : memref<51xi32, #tpu.memory_space<smem>>
    %slice3A_274 = vector.extract_strided_slice %add3A_88 {offsets = [12], sizes = [1], strides = [1]} : vector<16xi32> to vector<1xi32>
    %squeeze3A_275 = vector.extract %slice3A_274[0] : i32 from vector<1xi32>
    %swap3A_276 = arith.constant 28 : i32
    %swap3A_277 = arith.index_cast %swap3A_276 : i32 to index
    %swap3A_278 = memref.load %arg23[%swap3A_277] : memref<51xi32, #tpu.memory_space<smem>>
    memref.store %squeeze3A_275, %arg23[%swap3A_277] : memref<51xi32, #tpu.memory_space<smem>>
    %slice3A_279 = vector.extract_strided_slice %add3A_88 {offsets = [13], sizes = [1], strides = [1]} : vector<16xi32> to vector<1xi32>
    %squeeze3A_280 = vector.extract %slice3A_279[0] : i32 from vector<1xi32>
    %swap3A_281 = arith.constant 29 : i32
    %swap3A_282 = arith.index_cast %swap3A_281 : i32 to index
    %swap3A_283 = memref.load %arg23[%swap3A_282] : memref<51xi32, #tpu.memory_space<smem>>
    memref.store %squeeze3A_280, %arg23[%swap3A_282] : memref<51xi32, #tpu.memory_space<smem>>
    %slice3A_284 = vector.extract_strided_slice %add3A_88 {offsets = [14], sizes = [1], strides = [1]} : vector<16xi32> to vector<1xi32>
    %squeeze3A_285 = vector.extract %slice3A_284[0] : i32 from vector<1xi32>
    %swap3A_286 = arith.constant 30 : i32
    %swap3A_287 = arith.index_cast %swap3A_286 : i32 to index
    %swap3A_288 = memref.load %arg23[%swap3A_287] : memref<51xi32, #tpu.memory_space<smem>>
    memref.store %squeeze3A_285, %arg23[%swap3A_287] : memref<51xi32, #tpu.memory_space<smem>>
    %slice3A_289 = vector.extract_strided_slice %add3A_88 {offsets = [15], sizes = [1], strides = [1]} : vector<16xi32> to vector<1xi32>
    %squeeze3A_290 = vector.extract %slice3A_289[0] : i32 from vector<1xi32>
    %swap3A_291 = arith.constant 31 : i32
    %swap3A_292 = arith.index_cast %swap3A_291 : i32 to index
    %swap3A_293 = memref.load %arg23[%swap3A_292] : memref<51xi32, #tpu.memory_space<smem>>
    memref.store %squeeze3A_290, %arg23[%swap3A_292] : memref<51xi32, #tpu.memory_space<smem>>
    %slice3A_294 = vector.extract_strided_slice %add3A_99 {offsets = [0], sizes = [1], strides = [1]} : vector<16xi32> to vector<1xi32>
    %squeeze3A_295 = vector.extract %slice3A_294[0] : i32 from vector<1xi32>
    %swap3A_296 = arith.constant 32 : i32
    %swap3A_297 = arith.index_cast %swap3A_296 : i32 to index
    %swap3A_298 = memref.load %arg23[%swap3A_297] : memref<51xi32, #tpu.memory_space<smem>>
    memref.store %squeeze3A_295, %arg23[%swap3A_297] : memref<51xi32, #tpu.memory_space<smem>>
    %slice3A_299 = vector.extract_strided_slice %add3A_99 {offsets = [1], sizes = [1], strides = [1]} : vector<16xi32> to vector<1xi32>
    %squeeze3A_300 = vector.extract %slice3A_299[0] : i32 from vector<1xi32>
    %swap3A_301 = arith.constant 33 : i32
    %swap3A_302 = arith.index_cast %swap3A_301 : i32 to index
    %swap3A_303 = memref.load %arg23[%swap3A_302] : memref<51xi32, #tpu.memory_space<smem>>
    memref.store %squeeze3A_300, %arg23[%swap3A_302] : memref<51xi32, #tpu.memory_space<smem>>
    %slice3A_304 = vector.extract_strided_slice %add3A_99 {offsets = [2], sizes = [1], strides = [1]} : vector<16xi32> to vector<1xi32>
    %squeeze3A_305 = vector.extract %slice3A_304[0] : i32 from vector<1xi32>
    %swap3A_306 = arith.constant 34 : i32
    %swap3A_307 = arith.index_cast %swap3A_306 : i32 to index
    %swap3A_308 = memref.load %arg23[%swap3A_307] : memref<51xi32, #tpu.memory_space<smem>>
    memref.store %squeeze3A_305, %arg23[%swap3A_307] : memref<51xi32, #tpu.memory_space<smem>>
    %slice3A_309 = vector.extract_strided_slice %add3A_99 {offsets = [3], sizes = [1], strides = [1]} : vector<16xi32> to vector<1xi32>
    %squeeze3A_310 = vector.extract %slice3A_309[0] : i32 from vector<1xi32>
    %swap3A_311 = arith.constant 35 : i32
    %swap3A_312 = arith.index_cast %swap3A_311 : i32 to index
    %swap3A_313 = memref.load %arg23[%swap3A_312] : memref<51xi32, #tpu.memory_space<smem>>
    memref.store %squeeze3A_310, %arg23[%swap3A_312] : memref<51xi32, #tpu.memory_space<smem>>
    %slice3A_314 = vector.extract_strided_slice %add3A_99 {offsets = [4], sizes = [1], strides = [1]} : vector<16xi32> to vector<1xi32>
    %squeeze3A_315 = vector.extract %slice3A_314[0] : i32 from vector<1xi32>
    %swap3A_316 = arith.constant 36 : i32
    %swap3A_317 = arith.index_cast %swap3A_316 : i32 to index
    %swap3A_318 = memref.load %arg23[%swap3A_317] : memref<51xi32, #tpu.memory_space<smem>>
    memref.store %squeeze3A_315, %arg23[%swap3A_317] : memref<51xi32, #tpu.memory_space<smem>>
    %slice3A_319 = vector.extract_strided_slice %add3A_99 {offsets = [5], sizes = [1], strides = [1]} : vector<16xi32> to vector<1xi32>
    %squeeze3A_320 = vector.extract %slice3A_319[0] : i32 from vector<1xi32>
    %swap3A_321 = arith.constant 37 : i32
    %swap3A_322 = arith.index_cast %swap3A_321 : i32 to index
    %swap3A_323 = memref.load %arg23[%swap3A_322] : memref<51xi32, #tpu.memory_space<smem>>
    memref.store %squeeze3A_320, %arg23[%swap3A_322] : memref<51xi32, #tpu.memory_space<smem>>
    %slice3A_324 = vector.extract_strided_slice %add3A_99 {offsets = [6], sizes = [1], strides = [1]} : vector<16xi32> to vector<1xi32>
    %squeeze3A_325 = vector.extract %slice3A_324[0] : i32 from vector<1xi32>
    %swap3A_326 = arith.constant 38 : i32
    %swap3A_327 = arith.index_cast %swap3A_326 : i32 to index
    %swap3A_328 = memref.load %arg23[%swap3A_327] : memref<51xi32, #tpu.memory_space<smem>>
    memref.store %squeeze3A_325, %arg23[%swap3A_327] : memref<51xi32, #tpu.memory_space<smem>>
    %slice3A_329 = vector.extract_strided_slice %add3A_99 {offsets = [7], sizes = [1], strides = [1]} : vector<16xi32> to vector<1xi32>
    %squeeze3A_330 = vector.extract %slice3A_329[0] : i32 from vector<1xi32>
    %swap3A_331 = arith.constant 39 : i32
    %swap3A_332 = arith.index_cast %swap3A_331 : i32 to index
    %swap3A_333 = memref.load %arg23[%swap3A_332] : memref<51xi32, #tpu.memory_space<smem>>
    memref.store %squeeze3A_330, %arg23[%swap3A_332] : memref<51xi32, #tpu.memory_space<smem>>
    %slice3A_334 = vector.extract_strided_slice %add3A_99 {offsets = [8], sizes = [1], strides = [1]} : vector<16xi32> to vector<1xi32>
    %squeeze3A_335 = vector.extract %slice3A_334[0] : i32 from vector<1xi32>
    %swap3A_336 = arith.constant 40 : i32
    %swap3A_337 = arith.index_cast %swap3A_336 : i32 to index
    %swap3A_338 = memref.load %arg23[%swap3A_337] : memref<51xi32, #tpu.memory_space<smem>>
    memref.store %squeeze3A_335, %arg23[%swap3A_337] : memref<51xi32, #tpu.memory_space<smem>>
    %slice3A_339 = vector.extract_strided_slice %add3A_99 {offsets = [9], sizes = [1], strides = [1]} : vector<16xi32> to vector<1xi32>
    %squeeze3A_340 = vector.extract %slice3A_339[0] : i32 from vector<1xi32>
    %swap3A_341 = arith.constant 41 : i32
    %swap3A_342 = arith.index_cast %swap3A_341 : i32 to index
    %swap3A_343 = memref.load %arg23[%swap3A_342] : memref<51xi32, #tpu.memory_space<smem>>
    memref.store %squeeze3A_340, %arg23[%swap3A_342] : memref<51xi32, #tpu.memory_space<smem>>
    %slice3A_344 = vector.extract_strided_slice %add3A_99 {offsets = [10], sizes = [1], strides = [1]} : vector<16xi32> to vector<1xi32>
    %squeeze3A_345 = vector.extract %slice3A_344[0] : i32 from vector<1xi32>
    %swap3A_346 = arith.constant 42 : i32
    %swap3A_347 = arith.index_cast %swap3A_346 : i32 to index
    %swap3A_348 = memref.load %arg23[%swap3A_347] : memref<51xi32, #tpu.memory_space<smem>>
    memref.store %squeeze3A_345, %arg23[%swap3A_347] : memref<51xi32, #tpu.memory_space<smem>>
    %slice3A_349 = vector.extract_strided_slice %add3A_99 {offsets = [11], sizes = [1], strides = [1]} : vector<16xi32> to vector<1xi32>
    %squeeze3A_350 = vector.extract %slice3A_349[0] : i32 from vector<1xi32>
    %swap3A_351 = arith.constant 43 : i32
    %swap3A_352 = arith.index_cast %swap3A_351 : i32 to index
    %swap3A_353 = memref.load %arg23[%swap3A_352] : memref<51xi32, #tpu.memory_space<smem>>
    memref.store %squeeze3A_350, %arg23[%swap3A_352] : memref<51xi32, #tpu.memory_space<smem>>
    %slice3A_354 = vector.extract_strided_slice %add3A_99 {offsets = [12], sizes = [1], strides = [1]} : vector<16xi32> to vector<1xi32>
    %squeeze3A_355 = vector.extract %slice3A_354[0] : i32 from vector<1xi32>
    %swap3A_356 = arith.constant 44 : i32
    %swap3A_357 = arith.index_cast %swap3A_356 : i32 to index
    %swap3A_358 = memref.load %arg23[%swap3A_357] : memref<51xi32, #tpu.memory_space<smem>>
    memref.store %squeeze3A_355, %arg23[%swap3A_357] : memref<51xi32, #tpu.memory_space<smem>>
    %slice3A_359 = vector.extract_strided_slice %add3A_99 {offsets = [13], sizes = [1], strides = [1]} : vector<16xi32> to vector<1xi32>
    %squeeze3A_360 = vector.extract %slice3A_359[0] : i32 from vector<1xi32>
    %swap3A_361 = arith.constant 45 : i32
    %swap3A_362 = arith.index_cast %swap3A_361 : i32 to index
    %swap3A_363 = memref.load %arg23[%swap3A_362] : memref<51xi32, #tpu.memory_space<smem>>
    memref.store %squeeze3A_360, %arg23[%swap3A_362] : memref<51xi32, #tpu.memory_space<smem>>
    %slice3A_364 = vector.extract_strided_slice %add3A_99 {offsets = [14], sizes = [1], strides = [1]} : vector<16xi32> to vector<1xi32>
    %squeeze3A_365 = vector.extract %slice3A_364[0] : i32 from vector<1xi32>
    %swap3A_366 = arith.constant 46 : i32
    %swap3A_367 = arith.index_cast %swap3A_366 : i32 to index
    %swap3A_368 = memref.load %arg23[%swap3A_367] : memref<51xi32, #tpu.memory_space<smem>>
    memref.store %squeeze3A_365, %arg23[%swap3A_367] : memref<51xi32, #tpu.memory_space<smem>>
    %slice3A_369 = vector.extract_strided_slice %add3A_99 {offsets = [15], sizes = [1], strides = [1]} : vector<16xi32> to vector<1xi32>
    %squeeze3A_370 = vector.extract %slice3A_369[0] : i32 from vector<1xi32>
    %swap3A_371 = arith.constant 47 : i32
    %swap3A_372 = arith.index_cast %swap3A_371 : i32 to index
    %swap3A_373 = memref.load %arg23[%swap3A_372] : memref<51xi32, #tpu.memory_space<smem>>
    memref.store %squeeze3A_370, %arg23[%swap3A_372] : memref<51xi32, #tpu.memory_space<smem>>
    %slice3A_374 = vector.extract_strided_slice %add3A_110 {offsets = [0], sizes = [1], strides = [1]} : vector<16xi32> to vector<1xi32>
    %squeeze3A_375 = vector.extract %slice3A_374[0] : i32 from vector<1xi32>
    %swap3A_376 = arith.constant 48 : i32
    %swap3A_377 = arith.index_cast %swap3A_376 : i32 to index
    %swap3A_378 = memref.load %arg23[%swap3A_377] : memref<51xi32, #tpu.memory_space<smem>>
    memref.store %squeeze3A_375, %arg23[%swap3A_377] : memref<51xi32, #tpu.memory_space<smem>>
    %slice3A_379 = vector.extract_strided_slice %add3A_110 {offsets = [1], sizes = [1], strides = [1]} : vector<16xi32> to vector<1xi32>
    %squeeze3A_380 = vector.extract %slice3A_379[0] : i32 from vector<1xi32>
    %slice3A_381 = vector.extract_strided_slice %shift_left3A_73 {offsets = [1], sizes = [1], strides = [1]} : vector<16xi32> to vector<1xi32>
    %squeeze3A_382 = vector.extract %slice3A_381[0] : i32 from vector<1xi32>
    %add3A_383 = arith.addi %squeeze3A_380, %squeeze3A_382 : i32
    %swap3A_384 = arith.constant 49 : i32
    %swap3A_385 = arith.index_cast %swap3A_384 : i32 to index
    %swap3A_386 = memref.load %arg23[%swap3A_385] : memref<51xi32, #tpu.memory_space<smem>>
    memref.store %add3A_383, %arg23[%swap3A_385] : memref<51xi32, #tpu.memory_space<smem>>
    %scan3A_387 = arith.constant 0 : i32
    %scan3A_388 = arith.constant 0 : i32
    %scan3A_389 = arith.constant 400 : i32
    %scan3A_390 = arith.addi %scan3A_388, %scan3A_389 : i32
    %scan3A_391 = arith.constant 1 : i32
    %scan3A_392 = scf.for %scan3A_408 = %scan3A_388 to %scan3A_390 step %scan3A_391 iter_args(%scan3A_409 = %scan3A_387) -> (i32)  : i32 {
      %mul3A_410 = arith.constant 16 : i32
      %mul3A_411 = arith.muli %scan3A_408, %mul3A_410 : i32
      %multiple_of3A = tpu.assume_multiple %mul3A_411, 8 : i32
      %get3A_412 = arith.index_cast %multiple_of3A : i32 to index
      %get3A_413 = tpu.vector_load %arg9[%get3A_412] {strides = array<i32>} : memref<6416xi32, #tpu.memory_space<vmem>>, vector<16xi32>,
      %get3A_414 = arith.index_cast %multiple_of3A : i32 to index
      %get3A_415 = tpu.vector_load %arg10[%get3A_414] {strides = array<i32>} : memref<6416xi32, #tpu.memory_space<vmem>>, vector<16xi32>,
      %shift_right_logical3A = arith.constant 11 : i32
      %shift_right_logical3A_416 = vector.broadcast %shift_right_logical3A : i32 to vector<16xi32>
      %shift_right_logical3A_417 = arith.shrui %get3A_413, %shift_right_logical3A_416 : vector<16xi32>
      %broadcast_in_dim3A_418 = arith.constant true
      %broadcast_in_dim3A_419 = vector.broadcast %broadcast_in_dim3A_418 : i1 to vector<16xi1>
      %unique3A, %unique3A_420 = tpu.scan_count mask(%broadcast_in_dim3A_419 : vector<16xi1>) value(%shift_right_logical3A_417 : vector<16xi32>) : vector<16xi1>, vector<16xi32>
      %gather3A = tpu.vector_load_idx %arg21[%shift_right_logical3A_417] : memref<64xi32, #tpu.memory_space<vmem>>[vector<16xi32>], vector<16xi32>,
      %add3A_421 = arith.addi %gather3A, %unique3A_420 : vector<16xi32>
      %sub3A_422 = arith.constant 1 : i32
      %sub3A_423 = vector.broadcast %sub3A_422 : i32 to vector<16xi32>
      %sub3A_424 = arith.subi %add3A_421, %sub3A_423 : vector<16xi32>
      %and3A = arith.constant 2047 : i32
      %and3A_425 = vector.broadcast %and3A : i32 to vector<16xi32>
      %and3A_426 = arith.andi %get3A_413, %and3A_425 : vector<16xi32>
      tpu.vector_store_idx %arg11[%sub3A_424], %and3A_426 : memref<9536xi32, #tpu.memory_space<vmem>>[vector<16xi32>], vector<16xi32>,
      %add3A_427 = arith.addi %mul3A_2, %multiple_of3A : i32
      %add3A_428 = vector.broadcast %add3A_427 : i32 to vector<16xi32>
      %add3A_429 = arith.addi %add3A_428, %iota3A : vector<16xi32>
      tpu.vector_store_idx %arg12[%sub3A_424], %add3A_429 : memref<9536xi32, #tpu.memory_space<vmem>>[vector<16xi32>], vector<16xi32>,
      tpu.vector_store_idx %arg13[%sub3A_424], %get3A_415 : memref<9536xi32, #tpu.memory_space<vmem>>[vector<16xi32>], vector<16xi32>,
      %add3A_430 = arith.constant 1 : i32
      %add3A_431 = vector.broadcast %add3A_430 : i32 to vector<16xi32>
      %add3A_432 = arith.addi %sub3A_424, %add3A_431 : vector<16xi32>
      tpu.vector_store_idx %arg21[%shift_right_logical3A_417], %add3A_432 masked %unique3A : memref<64xi32, #tpu.memory_space<vmem>>[vector<16xi32>], vector<16xi32>, vector<16xi1>
      %scan3A_433 = arith.constant 0 : i32
      scf.yield %scan3A_433 : i32
    }
    %scan3A_393 = arith.constant 400 : i32
    %scan3A_394 = arith.constant 0 : i32
    %scan3A_395 = arith.constant 0 : i32
    %scan3A_396 = arith.constant 49 : i32
    %scan3A_397 = arith.addi %scan3A_395, %scan3A_396 : i32
    %scan3A_398 = arith.constant 1 : i32
    %scan3A_399 = scf.for %scan3A_408 = %scan3A_395 to %scan3A_397 step %scan3A_398 iter_args(%scan3A_409 = %scan3A_394) -> (i32)  : i32 {
      %add3A_410 = vector.broadcast %scan3A_408 : i32 to vector<16xi32>
      %add3A_411 = arith.addi %mul3A_11, %add3A_410 : vector<16xi32>
      %gather3A = tpu.vector_load_idx %arg21[%add3A_411] : memref<64xi32, #tpu.memory_space<vmem>>[vector<16xi32>], vector<16xi32>,
      %add3A_412 = arith.constant 1 : i32
      %add3A_413 = vector.broadcast %add3A_412 : i32 to vector<16xi32>
      %add3A_414 = arith.addi %add3A_411, %add3A_413 : vector<16xi32>
      %gather3A_415 = tpu.vector_load_idx %arg22[%add3A_414] : memref<64xi32, #tpu.memory_space<vmem>>[vector<16xi32>], vector<16xi32>,
      %sub3A_416 = arith.constant 1 : i32
      %sub3A_417 = vector.broadcast %sub3A_416 : i32 to vector<16xi32>
      %sub3A_418 = arith.subi %gather3A, %sub3A_417 : vector<16xi32>
      %max3A = arith.constant 0 : i32
      %max3A_419 = vector.broadcast %max3A : i32 to vector<16xi32>
      %max3A_420 = arith.maxsi %sub3A_418, %max3A_419 : vector<16xi32>
      %gather3A_421 = tpu.vector_load_idx %arg11[%max3A_420] : memref<9536xi32, #tpu.memory_space<vmem>>[vector<16xi32>], vector<16xi32>,
      %gather3A_422 = tpu.vector_load_idx %arg12[%max3A_420] : memref<9536xi32, #tpu.memory_space<vmem>>[vector<16xi32>], vector<16xi32>,
      %gather3A_423 = tpu.vector_load_idx %arg13[%max3A_420] : memref<9536xi32, #tpu.memory_space<vmem>>[vector<16xi32>], vector<16xi32>,
      %add3A_424 = arith.constant 0 : i32
      %add3A_425 = vector.broadcast %add3A_424 : i32 to vector<16xi32>
      %add3A_426 = arith.addi %gather3A, %add3A_425 : vector<16xi32>
      %add3A_427 = arith.addi %add3A_426, %iota3A : vector<16xi32>
      %lt3A = arith.cmpi slt, %add3A_427, %gather3A_415 : vector<16xi32>
      tpu.vector_store_idx %arg11[%add3A_427], %gather3A_421 masked %lt3A : memref<9536xi32, #tpu.memory_space<vmem>>[vector<16xi32>], vector<16xi32>, vector<16xi1>
      tpu.vector_store_idx %arg12[%add3A_427], %gather3A_422 masked %lt3A : memref<9536xi32, #tpu.memory_space<vmem>>[vector<16xi32>], vector<16xi32>, vector<16xi1>
      tpu.vector_store_idx %arg13[%add3A_427], %gather3A_423 masked %lt3A : memref<9536xi32, #tpu.memory_space<vmem>>[vector<16xi32>], vector<16xi32>, vector<16xi1>
      %add3A_428 = arith.constant 16 : i32
      %add3A_429 = vector.broadcast %add3A_428 : i32 to vector<16xi32>
      %add3A_430 = arith.addi %gather3A, %add3A_429 : vector<16xi32>
      %add3A_431 = arith.addi %add3A_430, %iota3A : vector<16xi32>
      %lt3A_432 = arith.cmpi slt, %add3A_431, %gather3A_415 : vector<16xi32>
      tpu.vector_store_idx %arg11[%add3A_431], %gather3A_421 masked %lt3A_432 : memref<9536xi32, #tpu.memory_space<vmem>>[vector<16xi32>], vector<16xi32>, vector<16xi1>
      tpu.vector_store_idx %arg12[%add3A_431], %gather3A_422 masked %lt3A_432 : memref<9536xi32, #tpu.memory_space<vmem>>[vector<16xi32>], vector<16xi32>, vector<16xi1>
      tpu.vector_store_idx %arg13[%add3A_431], %gather3A_423 masked %lt3A_432 : memref<9536xi32, #tpu.memory_space<vmem>>[vector<16xi32>], vector<16xi32>, vector<16xi1>
      %add3A_433 = arith.constant 32 : i32
      %add3A_434 = vector.broadcast %add3A_433 : i32 to vector<16xi32>
      %add3A_435 = arith.addi %gather3A, %add3A_434 : vector<16xi32>
      %add3A_436 = arith.addi %add3A_435, %iota3A : vector<16xi32>
      %lt3A_437 = arith.cmpi slt, %add3A_436, %gather3A_415 : vector<16xi32>
      tpu.vector_store_idx %arg11[%add3A_436], %gather3A_421 masked %lt3A_437 : memref<9536xi32, #tpu.memory_space<vmem>>[vector<16xi32>], vector<16xi32>, vector<16xi1>
      tpu.vector_store_idx %arg12[%add3A_436], %gather3A_422 masked %lt3A_437 : memref<9536xi32, #tpu.memory_space<vmem>>[vector<16xi32>], vector<16xi32>, vector<16xi1>
      tpu.vector_store_idx %arg13[%add3A_436], %gather3A_423 masked %lt3A_437 : memref<9536xi32, #tpu.memory_space<vmem>>[vector<16xi32>], vector<16xi32>, vector<16xi1>
      %add3A_438 = arith.constant 48 : i32
      %add3A_439 = vector.broadcast %add3A_438 : i32 to vector<16xi32>
      %add3A_440 = arith.addi %gather3A, %add3A_439 : vector<16xi32>
      %add3A_441 = arith.addi %add3A_440, %iota3A : vector<16xi32>
      %lt3A_442 = arith.cmpi slt, %add3A_441, %gather3A_415 : vector<16xi32>
      tpu.vector_store_idx %arg11[%add3A_441], %gather3A_421 masked %lt3A_442 : memref<9536xi32, #tpu.memory_space<vmem>>[vector<16xi32>], vector<16xi32>, vector<16xi1>
      tpu.vector_store_idx %arg12[%add3A_441], %gather3A_422 masked %lt3A_442 : memref<9536xi32, #tpu.memory_space<vmem>>[vector<16xi32>], vector<16xi32>, vector<16xi1>
      tpu.vector_store_idx %arg13[%add3A_441], %gather3A_423 masked %lt3A_442 : memref<9536xi32, #tpu.memory_space<vmem>>[vector<16xi32>], vector<16xi32>, vector<16xi1>
      %scan3A_443 = arith.constant 0 : i32
      scf.yield %scan3A_443 : i32
    }
    %scan3A_400 = arith.constant 49 : i32
    %scan3A_401 = arith.constant 0 : i32
    %scan3A_402 = arith.constant 0 : i32
    %scan3A_403 = arith.constant 49 : i32
    %scan3A_404 = arith.addi %scan3A_402, %scan3A_403 : i32
    %scan3A_405 = arith.constant 1 : i32
    %scan3A_406 = scf.for %scan3A_408 = %scan3A_402 to %scan3A_404 step %scan3A_405 iter_args(%scan3A_409 = %scan3A_401) -> (i32)  : i32 {
      %barrier3A = arith.constant 0 : index
      tpu.barrier barrier_id(%barrier3A)
      %mul3A_410 = arith.constant 2048 : i32
      %mul3A_411 = arith.muli %scan3A_408, %mul3A_410 : i32
      %sub3A_412 = arith.constant 100000 : i32
      %sub3A_413 = arith.subi %sub3A_412, %mul3A_411 : i32
      %min3A = arith.constant 2048 : i32
      %min3A_414 = arith.minsi %min3A, %sub3A_413 : i32
      %mul3A_415 = arith.constant 128 : i32
      %mul3A_416 = arith.muli %arg1, %mul3A_415 : i32
      %sub3A_417 = arith.constant 128 : i32
      %sub3A_418 = arith.subi %min3A_414, %sub3A_417 : i32
      %min3A_419 = arith.minsi %mul3A_416, %sub3A_418 : i32
      %mul3A_420 = arith.constant 128 : i32
      %mul3A_421 = arith.muli %arg1, %mul3A_420 : i32
      %lt3A = arith.cmpi slt, %mul3A_421, %min3A_414 : i32
      %convert_element_type3A = arith.extui %lt3A : i1 to i32
      %cond3A = arith.constant 0 : i32
      %cond3A_422 = arith.cmpi ne, %convert_element_type3A, %cond3A : i32
      scf.if %cond3A_422 {
        %mul3A_471 = arith.constant 2048 : i32
        %mul3A_472 = arith.muli %scan3A_408, %mul3A_471 : i32
        %add3A_473 = arith.addi %mul3A_472, %min3A_419 : i32
        %dma_start3A = arith.constant 0 : i32
        %dma_start3A_474 = tpu.memref_slice %arg24[%min3A_419, %dma_start3A] : memref<2048x128xf32, #tpu.memory_space<vmem_shared>> -> memref<128x128xf32, #tpu.memory_space<vmem_shared>>
        %dma_start3A_475 = arith.constant 0 : i32
        %dma_start3A_476 = tpu.memref_slice %arg2[%add3A_473, %dma_start3A_475] : memref<100000x128xf32, #tpu.memory_space<hbm>> -> memref<128x128xf32, #tpu.memory_space<hbm>>
        tpu.enqueue_dma source(%dma_start3A_476 : memref<128x128xf32, #tpu.memory_space<hbm>>) target(%dma_start3A_474 : memref<128x128xf32, #tpu.memory_space<vmem_shared>>) target_semaphore(%arg29 : memref<!tpu.dma_semaphore, #tpu.memory_space<semaphore_mem>>)
      } else {
      }
      %mul3A_423 = arith.constant 2048 : i32
      %mul3A_424 = arith.muli %scan3A_408, %mul3A_423 : i32
      %sub3A_425 = arith.constant 100000 : i32
      %sub3A_426 = arith.subi %sub3A_425, %mul3A_424 : i32
      %min3A_427 = arith.constant 2048 : i32
      %min3A_428 = arith.minsi %min3A_427, %sub3A_426 : i32
      %mul3A_429 = arith.constant 128 : i32
      %mul3A_430 = arith.muli %arg1, %mul3A_429 : i32
      %lt3A_431 = arith.cmpi slt, %mul3A_430, %min3A_428 : i32
      %convert_element_type3A_432 = arith.extui %lt3A_431 : i1 to i32
      %cond3A_433 = arith.constant 0 : i32
      %cond3A_434 = arith.cmpi ne, %convert_element_type3A_432, %cond3A_433 : i32
      scf.if %cond3A_434 {
        %dma_wait3A = arith.constant 0 : i32
        %dma_wait3A_471 = arith.constant 0 : i32
        %dma_wait3A_472 = tpu.memref_slice %arg24[%dma_wait3A, %dma_wait3A_471] : memref<2048x128xf32, #tpu.memory_space<vmem_shared>> -> memref<128x128xf32, #tpu.memory_space<vmem_shared>>
        %dma_wait3A_473 = arith.constant 0 : i32
        %dma_wait3A_474 = arith.constant 0 : i32
        %dma_wait3A_475 = tpu.memref_slice %arg2[%dma_wait3A_473, %dma_wait3A_474] : memref<100000x128xf32, #tpu.memory_space<hbm>> -> memref<128x128xf32, #tpu.memory_space<hbm>>
        tpu.wait_dma2 semaphore(%arg29 : memref<!tpu.dma_semaphore, #tpu.memory_space<semaphore_mem>>) src(%dma_wait3A_475 : memref<128x128xf32, #tpu.memory_space<hbm>>) dst(%dma_wait3A_472 : memref<128x128xf32, #tpu.memory_space<vmem_shared>>)
      } else {
      }
      %barrier3A_435 = arith.constant 0 : index
      tpu.barrier barrier_id(%barrier3A_435)
      %get3A_436 = arith.index_cast %scan3A_408 : i32 to index
      %get3A_437 = memref.load %arg23[%get3A_436] : memref<51xi32, #tpu.memory_space<smem>>
      %add3A_438 = arith.constant 1 : i32
      %add3A_439 = arith.addi %scan3A_408, %add3A_438 : i32
      %get3A_440 = arith.index_cast %add3A_439 : i32 to index
      %get3A_441 = memref.load %arg23[%get3A_440] : memref<51xi32, #tpu.memory_space<smem>>
      %sub3A_442 = arith.subi %get3A_441, %get3A_437 : i32
      %shift_right_arithmetic3A_443 = arith.constant 6 : i32
      %shift_right_arithmetic3A_444 = arith.shrsi %sub3A_442, %shift_right_arithmetic3A_443 : i32
      %gt3A = arith.constant 0 : i32
      %gt3A_445 = arith.cmpi sgt, %shift_right_arithmetic3A_444, %gt3A : i32
      %convert_element_type3A_446 = arith.extui %gt3A_445 : i1 to i32
      %cond3A_447 = arith.constant 0 : i32
      %cond3A_448 = arith.cmpi ne, %convert_element_type3A_446, %cond3A_447 : i32
      scf.if %cond3A_448 {
        %add3A_471 = arith.constant 0 : i32
        %add3A_472 = arith.addi %get3A_437, %add3A_471 : i32
        %multiple_of3A = tpu.assume_multiple %add3A_472, 8 : i32
        %add3A_473 = arith.constant 0 : i32
        %add3A_474 = arith.addi %multiple_of3A, %add3A_473 : i32
        %get3A_475 = arith.index_cast %add3A_474 : i32 to index
        %get3A_476 = tpu.vector_load %arg11[%get3A_475] {strides = array<i32>} : memref<9536xi32, #tpu.memory_space<vmem>>, vector<16xi32>,
        %swap3A_477 = arith.constant 0 : index
        %swap3A_478 = tpu.vector_load %arg17[%swap3A_477] {strides = array<i32>} : memref<64xi32, #tpu.memory_space<vmem>>, vector<16xi32>,
        tpu.vector_store %arg17[%swap3A_477], %get3A_476 {strides = array<i32>} : memref<64xi32, #tpu.memory_space<vmem>>, vector<16xi32>,
        %add3A_479 = arith.constant 0 : i32
        %add3A_480 = arith.addi %multiple_of3A, %add3A_479 : i32
        %get3A_481 = arith.index_cast %add3A_480 : i32 to index
        %get3A_482 = tpu.vector_load %arg12[%get3A_481] {strides = array<i32>} : memref<9536xi32, #tpu.memory_space<vmem>>, vector<16xi32>,
        %swap3A_483 = arith.constant 0 : index
        %swap3A_484 = tpu.vector_load %arg18[%swap3A_483] {strides = array<i32>} : memref<64xi32, #tpu.memory_space<vmem>>, vector<16xi32>,
        tpu.vector_store %arg18[%swap3A_483], %get3A_482 {strides = array<i32>} : memref<64xi32, #tpu.memory_space<vmem>>, vector<16xi32>,
        %add3A_485 = arith.constant 16 : i32
        %add3A_486 = arith.addi %multiple_of3A, %add3A_485 : i32
        %get3A_487 = arith.index_cast %add3A_486 : i32 to index
        %get3A_488 = tpu.vector_load %arg11[%get3A_487] {strides = array<i32>} : memref<9536xi32, #tpu.memory_space<vmem>>, vector<16xi32>,
        %swap3A_489 = arith.constant 16 : index
        %swap3A_490 = tpu.vector_load %arg17[%swap3A_489] {strides = array<i32>} : memref<64xi32, #tpu.memory_space<vmem>>, vector<16xi32>,
        tpu.vector_store %arg17[%swap3A_489], %get3A_488 {strides = array<i32>} : memref<64xi32, #tpu.memory_space<vmem>>, vector<16xi32>,
        %add3A_491 = arith.constant 16 : i32
        %add3A_492 = arith.addi %multiple_of3A, %add3A_491 : i32
        %get3A_493 = arith.index_cast %add3A_492 : i32 to index
        %get3A_494 = tpu.vector_load %arg12[%get3A_493] {strides = array<i32>} : memref<9536xi32, #tpu.memory_space<vmem>>, vector<16xi32>,
        %swap3A_495 = arith.constant 16 : index
        %swap3A_496 = tpu.vector_load %arg18[%swap3A_495] {strides = array<i32>} : memref<64xi32, #tpu.memory_space<vmem>>, vector<16xi32>,
        tpu.vector_store %arg18[%swap3A_495], %get3A_494 {strides = array<i32>} : memref<64xi32, #tpu.memory_space<vmem>>, vector<16xi32>,
        %add3A_497 = arith.constant 32 : i32
        %add3A_498 = arith.addi %multiple_of3A, %add3A_497 : i32
        %get3A_499 = arith.index_cast %add3A_498 : i32 to index
        %get3A_500 = tpu.vector_load %arg11[%get3A_499] {strides = array<i32>} : memref<9536xi32, #tpu.memory_space<vmem>>, vector<16xi32>,
        %swap3A_501 = arith.constant 32 : index
        %swap3A_502 = tpu.vector_load %arg17[%swap3A_501] {strides = array<i32>} : memref<64xi32, #tpu.memory_space<vmem>>, vector<16xi32>,
        tpu.vector_store %arg17[%swap3A_501], %get3A_500 {strides = array<i32>} : memref<64xi32, #tpu.memory_space<vmem>>, vector<16xi32>,
        %add3A_503 = arith.constant 32 : i32
        %add3A_504 = arith.addi %multiple_of3A, %add3A_503 : i32
        %get3A_505 = arith.index_cast %add3A_504 : i32 to index
        %get3A_506 = tpu.vector_load %arg12[%get3A_505] {strides = array<i32>} : memref<9536xi32, #tpu.memory_space<vmem>>, vector<16xi32>,
        %swap3A_507 = arith.constant 32 : index
        %swap3A_508 = tpu.vector_load %arg18[%swap3A_507] {strides = array<i32>} : memref<64xi32, #tpu.memory_space<vmem>>, vector<16xi32>,
        tpu.vector_store %arg18[%swap3A_507], %get3A_506 {strides = array<i32>} : memref<64xi32, #tpu.memory_space<vmem>>, vector<16xi32>,
        %add3A_509 = arith.constant 48 : i32
        %add3A_510 = arith.addi %multiple_of3A, %add3A_509 : i32
        %get3A_511 = arith.index_cast %add3A_510 : i32 to index
        %get3A_512 = tpu.vector_load %arg11[%get3A_511] {strides = array<i32>} : memref<9536xi32, #tpu.memory_space<vmem>>, vector<16xi32>,
        %swap3A_513 = arith.constant 48 : index
        %swap3A_514 = tpu.vector_load %arg17[%swap3A_513] {strides = array<i32>} : memref<64xi32, #tpu.memory_space<vmem>>, vector<16xi32>,
        tpu.vector_store %arg17[%swap3A_513], %get3A_512 {strides = array<i32>} : memref<64xi32, #tpu.memory_space<vmem>>, vector<16xi32>,
        %add3A_515 = arith.constant 48 : i32
        %add3A_516 = arith.addi %multiple_of3A, %add3A_515 : i32
        %get3A_517 = arith.index_cast %add3A_516 : i32 to index
        %get3A_518 = tpu.vector_load %arg12[%get3A_517] {strides = array<i32>} : memref<9536xi32, #tpu.memory_space<vmem>>, vector<16xi32>,
        %swap3A_519 = arith.constant 48 : index
        %swap3A_520 = tpu.vector_load %arg18[%swap3A_519] {strides = array<i32>} : memref<64xi32, #tpu.memory_space<vmem>>, vector<16xi32>,
        tpu.vector_store %arg18[%swap3A_519], %get3A_518 {strides = array<i32>} : memref<64xi32, #tpu.memory_space<vmem>>, vector<16xi32>,
        %dma_start3A = arith.constant 0 : i32
        %dma_start3A_521 = arith.constant 0 : i32
        %dma_start3A_522 = tpu.memref_slice %arg24[%dma_start3A, %dma_start3A_521] : memref<2048x128xf32, #tpu.memory_space<vmem_shared>> -> memref<2048x128xf32, #tpu.memory_space<vmem_shared>>
        tpu.enqueue_indirect_dma source(%dma_start3A_522 : memref<2048x128xf32, #tpu.memory_space<vmem_shared>>) target(%arg15 : memref<64x128xf32, #tpu.memory_space<vmem>>) offsets(%arg17 : memref<64xi32, #tpu.memory_space<vmem>>) semaphore(%arg25 : memref<!tpu.dma_semaphore, #tpu.memory_space<semaphore_mem>>)
      } else {
      }
      %while3A = arith.constant 0 : i32
      %while3A_449 = arith.constant 0 : i32
      %while3A_450 = arith.subi %shift_right_arithmetic3A_444, %while3A : i32
      %while3A_451 = arith.addi %while3A, %while3A_450 : i32
      %while3A_452 = arith.constant 1 : i32
      %while3A_453 = arith.divsi %while3A_450, %while3A_452 : i32
      %while3A_454 = arith.muli %while3A_453, %while3A_452 : i32
      %while3A_455 = arith.addi %while3A, %while3A_454 : i32
      %while3A_456 = arith.constant 1 : i32
      %while3A_457 = scf.for %while3A_471 = %while3A to %while3A_455 step %while3A_456 iter_args(%while3A_472 = %while3A_449) -> (i32)  : i32 {
        %rem3A = arith.constant 2 : i32
        %rem3A_473 = arith.remsi %while3A_471, %rem3A : i32
        %eq3A_474 = arith.constant 0 : i32
        %eq3A_475 = arith.cmpi eq, %rem3A_473, %eq3A_474 : i32
        %convert_element_type3A_476 = arith.extui %eq3A_475 : i1 to i32
        %cond3A_477 = arith.constant 0 : i32
        %cond3A_478 = arith.cmpi ne, %convert_element_type3A_476, %cond3A_477 : i32
        scf.if %cond3A_478 {
          %mul3A_485 = arith.constant 64 : i32
          %mul3A_486 = arith.muli %while3A_471, %mul3A_485 : i32
          %add3A_487 = arith.addi %get3A_437, %mul3A_486 : i32
          %multiple_of3A = tpu.assume_multiple %add3A_487, 8 : i32
          %dma_wait3A = arith.constant 0 : i32
          %dma_wait3A_488 = arith.constant 0 : i32
          %dma_wait3A_489 = tpu.memref_slice %arg2[%dma_wait3A, %dma_wait3A_488] : memref<100000x128xf32, #tpu.memory_space<hbm>> -> memref<64x128xf32, #tpu.memory_space<hbm>>
          %dma_wait3A_490 = arith.constant 0 : i32
          %dma_wait3A_491 = arith.constant 0 : i32
          %dma_wait3A_492 = tpu.memref_slice %arg2[%dma_wait3A_490, %dma_wait3A_491] : memref<100000x128xf32, #tpu.memory_space<hbm>> -> memref<64x128xf32, #tpu.memory_space<hbm>>
          tpu.wait_dma2 semaphore(%arg25 : memref<!tpu.dma_semaphore, #tpu.memory_space<semaphore_mem>>) src(%dma_wait3A_492 : memref<64x128xf32, #tpu.memory_space<hbm>>) dst(%arg15 : memref<64x128xf32, #tpu.memory_space<vmem>>)
          %add3A_493 = arith.constant 1 : i32
          %add3A_494 = arith.addi %while3A_471, %add3A_493 : i32
          %lt3A_495 = arith.cmpi slt, %add3A_494, %shift_right_arithmetic3A_444 : i32
          %convert_element_type3A_496 = arith.extui %lt3A_495 : i1 to i32
          %cond3A_497 = arith.constant 0 : i32
          %cond3A_498 = arith.cmpi ne, %convert_element_type3A_496, %cond3A_497 : i32
          scf.if %cond3A_498 {
            %gt3A_508 = arith.constant 0 : i32
            %gt3A_509 = arith.cmpi sgt, %while3A_471, %gt3A_508 : i32
            %convert_element_type3A_510 = arith.extui %gt3A_509 : i1 to i32
            %cond3A_511 = arith.constant 0 : i32
            %cond3A_512 = arith.cmpi ne, %convert_element_type3A_510, %cond3A_511 : i32
            scf.if %cond3A_512 {
              %dma_wait3A_570 = arith.constant 0 : i32
              %dma_wait3A_571 = arith.constant 0 : i32
              %dma_wait3A_572 = tpu.memref_slice %arg6[%dma_wait3A_570, %dma_wait3A_571] : memref<204800x128xf32, #tpu.memory_space<hbm>> -> memref<64x128xf32, #tpu.memory_space<hbm>>
              %dma_wait3A_573 = arith.constant 0 : i32
              %dma_wait3A_574 = arith.constant 0 : i32
              %dma_wait3A_575 = tpu.memref_slice %arg6[%dma_wait3A_573, %dma_wait3A_574] : memref<204800x128xf32, #tpu.memory_space<hbm>> -> memref<64x128xf32, #tpu.memory_space<hbm>>
              tpu.wait_dma2 semaphore(%arg28 : memref<!tpu.dma_semaphore, #tpu.memory_space<semaphore_mem>>) src(%arg16 : memref<64x128xf32, #tpu.memory_space<vmem>>) dst(%dma_wait3A_575 : memref<64x128xf32, #tpu.memory_space<hbm>>)
            } else {
            }
            %add3A_513 = arith.constant 1 : i32
            %add3A_514 = arith.addi %while3A_471, %add3A_513 : i32
            %mul3A_515 = arith.constant 64 : i32
            %mul3A_516 = arith.muli %add3A_514, %mul3A_515 : i32
            %add3A_517 = arith.addi %get3A_437, %mul3A_516 : i32
            %multiple_of3A_518 = tpu.assume_multiple %add3A_517, 8 : i32
            %add3A_519 = arith.constant 0 : i32
            %add3A_520 = arith.addi %multiple_of3A_518, %add3A_519 : i32
            %get3A_521 = arith.index_cast %add3A_520 : i32 to index
            %get3A_522 = tpu.vector_load %arg11[%get3A_521] {strides = array<i32>} : memref<9536xi32, #tpu.memory_space<vmem>>, vector<16xi32>,
            %swap3A_523 = arith.constant 0 : index
            %swap3A_524 = tpu.vector_load %arg19[%swap3A_523] {strides = array<i32>} : memref<64xi32, #tpu.memory_space<vmem>>, vector<16xi32>,
            tpu.vector_store %arg19[%swap3A_523], %get3A_522 {strides = array<i32>} : memref<64xi32, #tpu.memory_space<vmem>>, vector<16xi32>,
            %add3A_525 = arith.constant 0 : i32
            %add3A_526 = arith.addi %multiple_of3A_518, %add3A_525 : i32
            %get3A_527 = arith.index_cast %add3A_526 : i32 to index
            %get3A_528 = tpu.vector_load %arg12[%get3A_527] {strides = array<i32>} : memref<9536xi32, #tpu.memory_space<vmem>>, vector<16xi32>,
            %swap3A_529 = arith.constant 0 : index
            %swap3A_530 = tpu.vector_load %arg20[%swap3A_529] {strides = array<i32>} : memref<64xi32, #tpu.memory_space<vmem>>, vector<16xi32>,
            tpu.vector_store %arg20[%swap3A_529], %get3A_528 {strides = array<i32>} : memref<64xi32, #tpu.memory_space<vmem>>, vector<16xi32>,
            %add3A_531 = arith.constant 16 : i32
            %add3A_532 = arith.addi %multiple_of3A_518, %add3A_531 : i32
            %get3A_533 = arith.index_cast %add3A_532 : i32 to index
            %get3A_534 = tpu.vector_load %arg11[%get3A_533] {strides = array<i32>} : memref<9536xi32, #tpu.memory_space<vmem>>, vector<16xi32>,
            %swap3A_535 = arith.constant 16 : index
            %swap3A_536 = tpu.vector_load %arg19[%swap3A_535] {strides = array<i32>} : memref<64xi32, #tpu.memory_space<vmem>>, vector<16xi32>,
            tpu.vector_store %arg19[%swap3A_535], %get3A_534 {strides = array<i32>} : memref<64xi32, #tpu.memory_space<vmem>>, vector<16xi32>,
            %add3A_537 = arith.constant 16 : i32
            %add3A_538 = arith.addi %multiple_of3A_518, %add3A_537 : i32
            %get3A_539 = arith.index_cast %add3A_538 : i32 to index
            %get3A_540 = tpu.vector_load %arg12[%get3A_539] {strides = array<i32>} : memref<9536xi32, #tpu.memory_space<vmem>>, vector<16xi32>,
            %swap3A_541 = arith.constant 16 : index
            %swap3A_542 = tpu.vector_load %arg20[%swap3A_541] {strides = array<i32>} : memref<64xi32, #tpu.memory_space<vmem>>, vector<16xi32>,
            tpu.vector_store %arg20[%swap3A_541], %get3A_540 {strides = array<i32>} : memref<64xi32, #tpu.memory_space<vmem>>, vector<16xi32>,
            %add3A_543 = arith.constant 32 : i32
            %add3A_544 = arith.addi %multiple_of3A_518, %add3A_543 : i32
            %get3A_545 = arith.index_cast %add3A_544 : i32 to index
            %get3A_546 = tpu.vector_load %arg11[%get3A_545] {strides = array<i32>} : memref<9536xi32, #tpu.memory_space<vmem>>, vector<16xi32>,
            %swap3A_547 = arith.constant 32 : index
            %swap3A_548 = tpu.vector_load %arg19[%swap3A_547] {strides = array<i32>} : memref<64xi32, #tpu.memory_space<vmem>>, vector<16xi32>,
            tpu.vector_store %arg19[%swap3A_547], %get3A_546 {strides = array<i32>} : memref<64xi32, #tpu.memory_space<vmem>>, vector<16xi32>,
            %add3A_549 = arith.constant 32 : i32
            %add3A_550 = arith.addi %multiple_of3A_518, %add3A_549 : i32
            %get3A_551 = arith.index_cast %add3A_550 : i32 to index
            %get3A_552 = tpu.vector_load %arg12[%get3A_551] {strides = array<i32>} : memref<9536xi32, #tpu.memory_space<vmem>>, vector<16xi32>,
            %swap3A_553 = arith.constant 32 : index
            %swap3A_554 = tpu.vector_load %arg20[%swap3A_553] {strides = array<i32>} : memref<64xi32, #tpu.memory_space<vmem>>, vector<16xi32>,
            tpu.vector_store %arg20[%swap3A_553], %get3A_552 {strides = array<i32>} : memref<64xi32, #tpu.memory_space<vmem>>, vector<16xi32>,
            %add3A_555 = arith.constant 48 : i32
            %add3A_556 = arith.addi %multiple_of3A_518, %add3A_555 : i32
            %get3A_557 = arith.index_cast %add3A_556 : i32 to index
            %get3A_558 = tpu.vector_load %arg11[%get3A_557] {strides = array<i32>} : memref<9536xi32, #tpu.memory_space<vmem>>, vector<16xi32>,
            %swap3A_559 = arith.constant 48 : index
            %swap3A_560 = tpu.vector_load %arg19[%swap3A_559] {strides = array<i32>} : memref<64xi32, #tpu.memory_space<vmem>>, vector<16xi32>,
            tpu.vector_store %arg19[%swap3A_559], %get3A_558 {strides = array<i32>} : memref<64xi32, #tpu.memory_space<vmem>>, vector<16xi32>,
            %add3A_561 = arith.constant 48 : i32
            %add3A_562 = arith.addi %multiple_of3A_518, %add3A_561 : i32
            %get3A_563 = arith.index_cast %add3A_562 : i32 to index
            %get3A_564 = tpu.vector_load %arg12[%get3A_563] {strides = array<i32>} : memref<9536xi32, #tpu.memory_space<vmem>>, vector<16xi32>,
            %swap3A_565 = arith.constant 48 : index
            %swap3A_566 = tpu.vector_load %arg20[%swap3A_565] {strides = array<i32>} : memref<64xi32, #tpu.memory_space<vmem>>, vector<16xi32>,
            tpu.vector_store %arg20[%swap3A_565], %get3A_564 {strides = array<i32>} : memref<64xi32, #tpu.memory_space<vmem>>, vector<16xi32>,
            %dma_start3A_567 = arith.constant 0 : i32
            %dma_start3A_568 = arith.constant 0 : i32
            %dma_start3A_569 = tpu.memref_slice %arg24[%dma_start3A_567, %dma_start3A_568] : memref<2048x128xf32, #tpu.memory_space<vmem_shared>> -> memref<2048x128xf32, #tpu.memory_space<vmem_shared>>
            tpu.enqueue_indirect_dma source(%dma_start3A_569 : memref<2048x128xf32, #tpu.memory_space<vmem_shared>>) target(%arg16 : memref<64x128xf32, #tpu.memory_space<vmem>>) offsets(%arg19 : memref<64xi32, #tpu.memory_space<vmem>>) semaphore(%arg27 : memref<!tpu.dma_semaphore, #tpu.memory_space<semaphore_mem>>)
          } else {
          }
          %scan3A_499 = arith.constant 0 : i32
          %scan3A_500 = arith.constant 0 : i32
          %scan3A_501 = arith.constant 4 : i32
          %scan3A_502 = arith.addi %scan3A_500, %scan3A_501 : i32
          %scan3A_503 = arith.constant 1 : i32
          %scan3A_504 = scf.for %scan3A_508 = %scan3A_500 to %scan3A_502 step %scan3A_503 iter_args(%scan3A_509 = %scan3A_499) -> (i32)  : i32 {
            %mul3A_510 = arith.constant 16 : i32
            %mul3A_511 = arith.muli %scan3A_508, %mul3A_510 : i32
            %add3A_512 = arith.addi %multiple_of3A, %mul3A_511 : i32
            %get3A_513 = arith.index_cast %add3A_512 : i32 to index
            %get3A_514 = tpu.vector_load %arg13[%get3A_513] {strides = array<i32>} : memref<9536xi32, #tpu.memory_space<vmem>>, vector<16xi32>,
            %slice3A_515 = vector.extract_strided_slice %get3A_514 {offsets = [0], sizes = [1], strides = [1]} : vector<16xi32> to vector<1xi32>
            %squeeze3A_516 = vector.extract %slice3A_515[0] : i32 from vector<1xi32>
            %slice3A_517 = vector.extract_strided_slice %get3A_514 {offsets = [1], sizes = [1], strides = [1]} : vector<16xi32> to vector<1xi32>
            %squeeze3A_518 = vector.extract %slice3A_517[0] : i32 from vector<1xi32>
            %slice3A_519 = vector.extract_strided_slice %get3A_514 {offsets = [2], sizes = [1], strides = [1]} : vector<16xi32> to vector<1xi32>
            %squeeze3A_520 = vector.extract %slice3A_519[0] : i32 from vector<1xi32>
            %slice3A_521 = vector.extract_strided_slice %get3A_514 {offsets = [3], sizes = [1], strides = [1]} : vector<16xi32> to vector<1xi32>
            %squeeze3A_522 = vector.extract %slice3A_521[0] : i32 from vector<1xi32>
            %slice3A_523 = vector.extract_strided_slice %get3A_514 {offsets = [4], sizes = [1], strides = [1]} : vector<16xi32> to vector<1xi32>
            %squeeze3A_524 = vector.extract %slice3A_523[0] : i32 from vector<1xi32>
            %slice3A_525 = vector.extract_strided_slice %get3A_514 {offsets = [5], sizes = [1], strides = [1]} : vector<16xi32> to vector<1xi32>
            %squeeze3A_526 = vector.extract %slice3A_525[0] : i32 from vector<1xi32>
            %slice3A_527 = vector.extract_strided_slice %get3A_514 {offsets = [6], sizes = [1], strides = [1]} : vector<16xi32> to vector<1xi32>
            %squeeze3A_528 = vector.extract %slice3A_527[0] : i32 from vector<1xi32>
            %slice3A_529 = vector.extract_strided_slice %get3A_514 {offsets = [7], sizes = [1], strides = [1]} : vector<16xi32> to vector<1xi32>
            %squeeze3A_530 = vector.extract %slice3A_529[0] : i32 from vector<1xi32>
            %slice3A_531 = vector.extract_strided_slice %get3A_514 {offsets = [8], sizes = [1], strides = [1]} : vector<16xi32> to vector<1xi32>
            %squeeze3A_532 = vector.extract %slice3A_531[0] : i32 from vector<1xi32>
            %slice3A_533 = vector.extract_strided_slice %get3A_514 {offsets = [9], sizes = [1], strides = [1]} : vector<16xi32> to vector<1xi32>
            %squeeze3A_534 = vector.extract %slice3A_533[0] : i32 from vector<1xi32>
            %slice3A_535 = vector.extract_strided_slice %get3A_514 {offsets = [10], sizes = [1], strides = [1]} : vector<16xi32> to vector<1xi32>
            %squeeze3A_536 = vector.extract %slice3A_535[0] : i32 from vector<1xi32>
            %slice3A_537 = vector.extract_strided_slice %get3A_514 {offsets = [11], sizes = [1], strides = [1]} : vector<16xi32> to vector<1xi32>
            %squeeze3A_538 = vector.extract %slice3A_537[0] : i32 from vector<1xi32>
            %slice3A_539 = vector.extract_strided_slice %get3A_514 {offsets = [12], sizes = [1], strides = [1]} : vector<16xi32> to vector<1xi32>
            %squeeze3A_540 = vector.extract %slice3A_539[0] : i32 from vector<1xi32>
            %slice3A_541 = vector.extract_strided_slice %get3A_514 {offsets = [13], sizes = [1], strides = [1]} : vector<16xi32> to vector<1xi32>
            %squeeze3A_542 = vector.extract %slice3A_541[0] : i32 from vector<1xi32>
            %slice3A_543 = vector.extract_strided_slice %get3A_514 {offsets = [14], sizes = [1], strides = [1]} : vector<16xi32> to vector<1xi32>
            %squeeze3A_544 = vector.extract %slice3A_543[0] : i32 from vector<1xi32>
            %slice3A_545 = vector.extract_strided_slice %get3A_514 {offsets = [15], sizes = [1], strides = [1]} : vector<16xi32> to vector<1xi32>
            %squeeze3A_546 = vector.extract %slice3A_545[0] : i32 from vector<1xi32>
            %scan3A_547 = arith.constant 0 : i32
            %scan3A_548 = arith.constant 0 : i32
            %scan3A_549 = arith.constant 8 : i32
            %scan3A_550 = arith.addi %scan3A_548, %scan3A_549 : i32
            %scan3A_551 = arith.constant 1 : i32
            %scan3A_552 = scf.for %scan3A_555 = %scan3A_548 to %scan3A_550 step %scan3A_551 iter_args(%scan3A_556 = %scan3A_547) -> (i32)  : i32 {
              %mul3A_557 = arith.constant 16 : i32
              %mul3A_558 = arith.muli %scan3A_555, %mul3A_557 : i32
              %multiple_of3A_559 = tpu.assume_multiple %mul3A_558, 16 : i32
              %get3A_560 = arith.index_cast %squeeze3A_516 : i32 to index
              %get3A_561 = arith.index_cast %multiple_of3A_559 : i32 to index
              %get3A_562 = tpu.vector_load %arg14[%get3A_560, %get3A_561] {strides = array<i32>} : memref<201x128xf32, #tpu.memory_space<vmem>>, vector<16xf32>,
              %add3A_563 = arith.constant 0 : i32
              %add3A_564 = arith.addi %mul3A_511, %add3A_563 : i32
              %swap3A_565 = arith.index_cast %add3A_564 : i32 to index
              %swap3A_566 = arith.index_cast %multiple_of3A_559 : i32 to index
              %swap3A_567 = tpu.vector_load %arg15[%swap3A_565, %swap3A_566] {strides = array<i32>} : memref<64x128xf32, #tpu.memory_space<vmem>>, vector<16xf32>,
              tpu.vector_store %arg15[%swap3A_565, %swap3A_566], %get3A_562 {add = true, strides = array<i32>} : memref<64x128xf32, #tpu.memory_space<vmem>>, vector<16xf32>,
              %get3A_568 = arith.index_cast %squeeze3A_518 : i32 to index
              %get3A_569 = arith.index_cast %multiple_of3A_559 : i32 to index
              %get3A_570 = tpu.vector_load %arg14[%get3A_568, %get3A_569] {strides = array<i32>} : memref<201x128xf32, #tpu.memory_space<vmem>>, vector<16xf32>,
              %add3A_571 = arith.constant 1 : i32
              %add3A_572 = arith.addi %mul3A_511, %add3A_571 : i32
              %swap3A_573 = arith.index_cast %add3A_572 : i32 to index
              %swap3A_574 = arith.index_cast %multiple_of3A_559 : i32 to index
              %swap3A_575 = tpu.vector_load %arg15[%swap3A_573, %swap3A_574] {strides = array<i32>} : memref<64x128xf32, #tpu.memory_space<vmem>>, vector<16xf32>,
              tpu.vector_store %arg15[%swap3A_573, %swap3A_574], %get3A_570 {add = true, strides = array<i32>} : memref<64x128xf32, #tpu.memory_space<vmem>>, vector<16xf32>,
              %get3A_576 = arith.index_cast %squeeze3A_520 : i32 to index
              %get3A_577 = arith.index_cast %multiple_of3A_559 : i32 to index
              %get3A_578 = tpu.vector_load %arg14[%get3A_576, %get3A_577] {strides = array<i32>} : memref<201x128xf32, #tpu.memory_space<vmem>>, vector<16xf32>,
              %add3A_579 = arith.constant 2 : i32
              %add3A_580 = arith.addi %mul3A_511, %add3A_579 : i32
              %swap3A_581 = arith.index_cast %add3A_580 : i32 to index
              %swap3A_582 = arith.index_cast %multiple_of3A_559 : i32 to index
              %swap3A_583 = tpu.vector_load %arg15[%swap3A_581, %swap3A_582] {strides = array<i32>} : memref<64x128xf32, #tpu.memory_space<vmem>>, vector<16xf32>,
              tpu.vector_store %arg15[%swap3A_581, %swap3A_582], %get3A_578 {add = true, strides = array<i32>} : memref<64x128xf32, #tpu.memory_space<vmem>>, vector<16xf32>,
              %get3A_584 = arith.index_cast %squeeze3A_522 : i32 to index
              %get3A_585 = arith.index_cast %multiple_of3A_559 : i32 to index
              %get3A_586 = tpu.vector_load %arg14[%get3A_584, %get3A_585] {strides = array<i32>} : memref<201x128xf32, #tpu.memory_space<vmem>>, vector<16xf32>,
              %add3A_587 = arith.constant 3 : i32
              %add3A_588 = arith.addi %mul3A_511, %add3A_587 : i32
              %swap3A_589 = arith.index_cast %add3A_588 : i32 to index
              %swap3A_590 = arith.index_cast %multiple_of3A_559 : i32 to index
              %swap3A_591 = tpu.vector_load %arg15[%swap3A_589, %swap3A_590] {strides = array<i32>} : memref<64x128xf32, #tpu.memory_space<vmem>>, vector<16xf32>,
              tpu.vector_store %arg15[%swap3A_589, %swap3A_590], %get3A_586 {add = true, strides = array<i32>} : memref<64x128xf32, #tpu.memory_space<vmem>>, vector<16xf32>,
              %get3A_592 = arith.index_cast %squeeze3A_524 : i32 to index
              %get3A_593 = arith.index_cast %multiple_of3A_559 : i32 to index
              %get3A_594 = tpu.vector_load %arg14[%get3A_592, %get3A_593] {strides = array<i32>} : memref<201x128xf32, #tpu.memory_space<vmem>>, vector<16xf32>,
              %add3A_595 = arith.constant 4 : i32
              %add3A_596 = arith.addi %mul3A_511, %add3A_595 : i32
              %swap3A_597 = arith.index_cast %add3A_596 : i32 to index
              %swap3A_598 = arith.index_cast %multiple_of3A_559 : i32 to index
              %swap3A_599 = tpu.vector_load %arg15[%swap3A_597, %swap3A_598] {strides = array<i32>} : memref<64x128xf32, #tpu.memory_space<vmem>>, vector<16xf32>,
              tpu.vector_store %arg15[%swap3A_597, %swap3A_598], %get3A_594 {add = true, strides = array<i32>} : memref<64x128xf32, #tpu.memory_space<vmem>>, vector<16xf32>,
              %get3A_600 = arith.index_cast %squeeze3A_526 : i32 to index
              %get3A_601 = arith.index_cast %multiple_of3A_559 : i32 to index
              %get3A_602 = tpu.vector_load %arg14[%get3A_600, %get3A_601] {strides = array<i32>} : memref<201x128xf32, #tpu.memory_space<vmem>>, vector<16xf32>,
              %add3A_603 = arith.constant 5 : i32
              %add3A_604 = arith.addi %mul3A_511, %add3A_603 : i32
              %swap3A_605 = arith.index_cast %add3A_604 : i32 to index
              %swap3A_606 = arith.index_cast %multiple_of3A_559 : i32 to index
              %swap3A_607 = tpu.vector_load %arg15[%swap3A_605, %swap3A_606] {strides = array<i32>} : memref<64x128xf32, #tpu.memory_space<vmem>>, vector<16xf32>,
              tpu.vector_store %arg15[%swap3A_605, %swap3A_606], %get3A_602 {add = true, strides = array<i32>} : memref<64x128xf32, #tpu.memory_space<vmem>>, vector<16xf32>,
              %get3A_608 = arith.index_cast %squeeze3A_528 : i32 to index
              %get3A_609 = arith.index_cast %multiple_of3A_559 : i32 to index
              %get3A_610 = tpu.vector_load %arg14[%get3A_608, %get3A_609] {strides = array<i32>} : memref<201x128xf32, #tpu.memory_space<vmem>>, vector<16xf32>,
              %add3A_611 = arith.constant 6 : i32
              %add3A_612 = arith.addi %mul3A_511, %add3A_611 : i32
              %swap3A_613 = arith.index_cast %add3A_612 : i32 to index
              %swap3A_614 = arith.index_cast %multiple_of3A_559 : i32 to index
              %swap3A_615 = tpu.vector_load %arg15[%swap3A_613, %swap3A_614] {strides = array<i32>} : memref<64x128xf32, #tpu.memory_space<vmem>>, vector<16xf32>,
              tpu.vector_store %arg15[%swap3A_613, %swap3A_614], %get3A_610 {add = true, strides = array<i32>} : memref<64x128xf32, #tpu.memory_space<vmem>>, vector<16xf32>,
              %get3A_616 = arith.index_cast %squeeze3A_530 : i32 to index
              %get3A_617 = arith.index_cast %multiple_of3A_559 : i32 to index
              %get3A_618 = tpu.vector_load %arg14[%get3A_616, %get3A_617] {strides = array<i32>} : memref<201x128xf32, #tpu.memory_space<vmem>>, vector<16xf32>,
              %add3A_619 = arith.constant 7 : i32
              %add3A_620 = arith.addi %mul3A_511, %add3A_619 : i32
              %swap3A_621 = arith.index_cast %add3A_620 : i32 to index
              %swap3A_622 = arith.index_cast %multiple_of3A_559 : i32 to index
              %swap3A_623 = tpu.vector_load %arg15[%swap3A_621, %swap3A_622] {strides = array<i32>} : memref<64x128xf32, #tpu.memory_space<vmem>>, vector<16xf32>,
              tpu.vector_store %arg15[%swap3A_621, %swap3A_622], %get3A_618 {add = true, strides = array<i32>} : memref<64x128xf32, #tpu.memory_space<vmem>>, vector<16xf32>,
              %get3A_624 = arith.index_cast %squeeze3A_532 : i32 to index
              %get3A_625 = arith.index_cast %multiple_of3A_559 : i32 to index
              %get3A_626 = tpu.vector_load %arg14[%get3A_624, %get3A_625] {strides = array<i32>} : memref<201x128xf32, #tpu.memory_space<vmem>>, vector<16xf32>,
              %add3A_627 = arith.constant 8 : i32
              %add3A_628 = arith.addi %mul3A_511, %add3A_627 : i32
              %swap3A_629 = arith.index_cast %add3A_628 : i32 to index
              %swap3A_630 = arith.index_cast %multiple_of3A_559 : i32 to index
              %swap3A_631 = tpu.vector_load %arg15[%swap3A_629, %swap3A_630] {strides = array<i32>} : memref<64x128xf32, #tpu.memory_space<vmem>>, vector<16xf32>,
              tpu.vector_store %arg15[%swap3A_629, %swap3A_630], %get3A_626 {add = true, strides = array<i32>} : memref<64x128xf32, #tpu.memory_space<vmem>>, vector<16xf32>,
              %get3A_632 = arith.index_cast %squeeze3A_534 : i32 to index
              %get3A_633 = arith.index_cast %multiple_of3A_559 : i32 to index
              %get3A_634 = tpu.vector_load %arg14[%get3A_632, %get3A_633] {strides = array<i32>} : memref<201x128xf32, #tpu.memory_space<vmem>>, vector<16xf32>,
              %add3A_635 = arith.constant 9 : i32
              %add3A_636 = arith.addi %mul3A_511, %add3A_635 : i32
              %swap3A_637 = arith.index_cast %add3A_636 : i32 to index
              %swap3A_638 = arith.index_cast %multiple_of3A_559 : i32 to index
              %swap3A_639 = tpu.vector_load %arg15[%swap3A_637, %swap3A_638] {strides = array<i32>} : memref<64x128xf32, #tpu.memory_space<vmem>>, vector<16xf32>,
              tpu.vector_store %arg15[%swap3A_637, %swap3A_638], %get3A_634 {add = true, strides = array<i32>} : memref<64x128xf32, #tpu.memory_space<vmem>>, vector<16xf32>,
              %get3A_640 = arith.index_cast %squeeze3A_536 : i32 to index
              %get3A_641 = arith.index_cast %multiple_of3A_559 : i32 to index
              %get3A_642 = tpu.vector_load %arg14[%get3A_640, %get3A_641] {strides = array<i32>} : memref<201x128xf32, #tpu.memory_space<vmem>>, vector<16xf32>,
              %add3A_643 = arith.constant 10 : i32
              %add3A_644 = arith.addi %mul3A_511, %add3A_643 : i32
              %swap3A_645 = arith.index_cast %add3A_644 : i32 to index
              %swap3A_646 = arith.index_cast %multiple_of3A_559 : i32 to index
              %swap3A_647 = tpu.vector_load %arg15[%swap3A_645, %swap3A_646] {strides = array<i32>} : memref<64x128xf32, #tpu.memory_space<vmem>>, vector<16xf32>,
              tpu.vector_store %arg15[%swap3A_645, %swap3A_646], %get3A_642 {add = true, strides = array<i32>} : memref<64x128xf32, #tpu.memory_space<vmem>>, vector<16xf32>,
              %get3A_648 = arith.index_cast %squeeze3A_538 : i32 to index
              %get3A_649 = arith.index_cast %multiple_of3A_559 : i32 to index
              %get3A_650 = tpu.vector_load %arg14[%get3A_648, %get3A_649] {strides = array<i32>} : memref<201x128xf32, #tpu.memory_space<vmem>>, vector<16xf32>,
              %add3A_651 = arith.constant 11 : i32
              %add3A_652 = arith.addi %mul3A_511, %add3A_651 : i32
              %swap3A_653 = arith.index_cast %add3A_652 : i32 to index
              %swap3A_654 = arith.index_cast %multiple_of3A_559 : i32 to index
              %swap3A_655 = tpu.vector_load %arg15[%swap3A_653, %swap3A_654] {strides = array<i32>} : memref<64x128xf32, #tpu.memory_space<vmem>>, vector<16xf32>,
              tpu.vector_store %arg15[%swap3A_653, %swap3A_654], %get3A_650 {add = true, strides = array<i32>} : memref<64x128xf32, #tpu.memory_space<vmem>>, vector<16xf32>,
              %get3A_656 = arith.index_cast %squeeze3A_540 : i32 to index
              %get3A_657 = arith.index_cast %multiple_of3A_559 : i32 to index
              %get3A_658 = tpu.vector_load %arg14[%get3A_656, %get3A_657] {strides = array<i32>} : memref<201x128xf32, #tpu.memory_space<vmem>>, vector<16xf32>,
              %add3A_659 = arith.constant 12 : i32
              %add3A_660 = arith.addi %mul3A_511, %add3A_659 : i32
              %swap3A_661 = arith.index_cast %add3A_660 : i32 to index
              %swap3A_662 = arith.index_cast %multiple_of3A_559 : i32 to index
              %swap3A_663 = tpu.vector_load %arg15[%swap3A_661, %swap3A_662] {strides = array<i32>} : memref<64x128xf32, #tpu.memory_space<vmem>>, vector<16xf32>,
              tpu.vector_store %arg15[%swap3A_661, %swap3A_662], %get3A_658 {add = true, strides = array<i32>} : memref<64x128xf32, #tpu.memory_space<vmem>>, vector<16xf32>,
              %get3A_664 = arith.index_cast %squeeze3A_542 : i32 to index
              %get3A_665 = arith.index_cast %multiple_of3A_559 : i32 to index
              %get3A_666 = tpu.vector_load %arg14[%get3A_664, %get3A_665] {strides = array<i32>} : memref<201x128xf32, #tpu.memory_space<vmem>>, vector<16xf32>,
              %add3A_667 = arith.constant 13 : i32
              %add3A_668 = arith.addi %mul3A_511, %add3A_667 : i32
              %swap3A_669 = arith.index_cast %add3A_668 : i32 to index
              %swap3A_670 = arith.index_cast %multiple_of3A_559 : i32 to index
              %swap3A_671 = tpu.vector_load %arg15[%swap3A_669, %swap3A_670] {strides = array<i32>} : memref<64x128xf32, #tpu.memory_space<vmem>>, vector<16xf32>,
              tpu.vector_store %arg15[%swap3A_669, %swap3A_670], %get3A_666 {add = true, strides = array<i32>} : memref<64x128xf32, #tpu.memory_space<vmem>>, vector<16xf32>,
              %get3A_672 = arith.index_cast %squeeze3A_544 : i32 to index
              %get3A_673 = arith.index_cast %multiple_of3A_559 : i32 to index
              %get3A_674 = tpu.vector_load %arg14[%get3A_672, %get3A_673] {strides = array<i32>} : memref<201x128xf32, #tpu.memory_space<vmem>>, vector<16xf32>,
              %add3A_675 = arith.constant 14 : i32
              %add3A_676 = arith.addi %mul3A_511, %add3A_675 : i32
              %swap3A_677 = arith.index_cast %add3A_676 : i32 to index
              %swap3A_678 = arith.index_cast %multiple_of3A_559 : i32 to index
              %swap3A_679 = tpu.vector_load %arg15[%swap3A_677, %swap3A_678] {strides = array<i32>} : memref<64x128xf32, #tpu.memory_space<vmem>>, vector<16xf32>,
              tpu.vector_store %arg15[%swap3A_677, %swap3A_678], %get3A_674 {add = true, strides = array<i32>} : memref<64x128xf32, #tpu.memory_space<vmem>>, vector<16xf32>,
              %get3A_680 = arith.index_cast %squeeze3A_546 : i32 to index
              %get3A_681 = arith.index_cast %multiple_of3A_559 : i32 to index
              %get3A_682 = tpu.vector_load %arg14[%get3A_680, %get3A_681] {strides = array<i32>} : memref<201x128xf32, #tpu.memory_space<vmem>>, vector<16xf32>,
              %add3A_683 = arith.constant 15 : i32
              %add3A_684 = arith.addi %mul3A_511, %add3A_683 : i32
              %swap3A_685 = arith.index_cast %add3A_684 : i32 to index
              %swap3A_686 = arith.index_cast %multiple_of3A_559 : i32 to index
              %swap3A_687 = tpu.vector_load %arg15[%swap3A_685, %swap3A_686] {strides = array<i32>} : memref<64x128xf32, #tpu.memory_space<vmem>>, vector<16xf32>,
              tpu.vector_store %arg15[%swap3A_685, %swap3A_686], %get3A_682 {add = true, strides = array<i32>} : memref<64x128xf32, #tpu.memory_space<vmem>>, vector<16xf32>,
              %scan3A_688 = arith.constant 0 : i32
              scf.yield %scan3A_688 : i32
            }
            %scan3A_553 = arith.constant 8 : i32
            %scan3A_554 = arith.constant 0 : i32
            scf.yield %scan3A_554 : i32
          }
          %scan3A_505 = arith.constant 4 : i32
          %dma_start3A = arith.constant 0 : i32
          %dma_start3A_506 = arith.constant 0 : i32
          %dma_start3A_507 = tpu.memref_slice %arg6[%dma_start3A, %dma_start3A_506] : memref<204800x128xf32, #tpu.memory_space<hbm>> -> memref<204800x128xf32, #tpu.memory_space<hbm>>
          tpu.enqueue_indirect_dma source(%arg15 : memref<64x128xf32, #tpu.memory_space<vmem>>) target(%dma_start3A_507 : memref<204800x128xf32, #tpu.memory_space<hbm>>) offsets(%arg18 : memref<64xi32, #tpu.memory_space<vmem>>) semaphore(%arg26 : memref<!tpu.dma_semaphore, #tpu.memory_space<semaphore_mem>>)
        } else {
        }
        %eq3A_479 = arith.constant 1 : i32
        %eq3A_480 = arith.cmpi eq, %rem3A_473, %eq3A_479 : i32
        %convert_element_type3A_481 = arith.extui %eq3A_480 : i1 to i32
        %cond3A_482 = arith.constant 0 : i32
        %cond3A_483 = arith.cmpi ne, %convert_element_type3A_481, %cond3A_482 : i32
        scf.if %cond3A_483 {
          %mul3A_485 = arith.constant 64 : i32
          %mul3A_486 = arith.muli %while3A_471, %mul3A_485 : i32
          %add3A_487 = arith.addi %get3A_437, %mul3A_486 : i32
          %multiple_of3A = tpu.assume_multiple %add3A_487, 8 : i32
          %dma_wait3A = arith.constant 0 : i32
          %dma_wait3A_488 = arith.constant 0 : i32
          %dma_wait3A_489 = tpu.memref_slice %arg2[%dma_wait3A, %dma_wait3A_488] : memref<100000x128xf32, #tpu.memory_space<hbm>> -> memref<64x128xf32, #tpu.memory_space<hbm>>
          %dma_wait3A_490 = arith.constant 0 : i32
          %dma_wait3A_491 = arith.constant 0 : i32
          %dma_wait3A_492 = tpu.memref_slice %arg2[%dma_wait3A_490, %dma_wait3A_491] : memref<100000x128xf32, #tpu.memory_space<hbm>> -> memref<64x128xf32, #tpu.memory_space<hbm>>
          tpu.wait_dma2 semaphore(%arg27 : memref<!tpu.dma_semaphore, #tpu.memory_space<semaphore_mem>>) src(%dma_wait3A_492 : memref<64x128xf32, #tpu.memory_space<hbm>>) dst(%arg16 : memref<64x128xf32, #tpu.memory_space<vmem>>)
          %add3A_493 = arith.constant 1 : i32
          %add3A_494 = arith.addi %while3A_471, %add3A_493 : i32
          %lt3A_495 = arith.cmpi slt, %add3A_494, %shift_right_arithmetic3A_444 : i32
          %convert_element_type3A_496 = arith.extui %lt3A_495 : i1 to i32
          %cond3A_497 = arith.constant 0 : i32
          %cond3A_498 = arith.cmpi ne, %convert_element_type3A_496, %cond3A_497 : i32
          scf.if %cond3A_498 {
            %gt3A_508 = arith.constant 0 : i32
            %gt3A_509 = arith.cmpi sgt, %while3A_471, %gt3A_508 : i32
            %convert_element_type3A_510 = arith.extui %gt3A_509 : i1 to i32
            %cond3A_511 = arith.constant 0 : i32
            %cond3A_512 = arith.cmpi ne, %convert_element_type3A_510, %cond3A_511 : i32
            scf.if %cond3A_512 {
              %dma_wait3A_570 = arith.constant 0 : i32
              %dma_wait3A_571 = arith.constant 0 : i32
              %dma_wait3A_572 = tpu.memref_slice %arg6[%dma_wait3A_570, %dma_wait3A_571] : memref<204800x128xf32, #tpu.memory_space<hbm>> -> memref<64x128xf32, #tpu.memory_space<hbm>>
              %dma_wait3A_573 = arith.constant 0 : i32
              %dma_wait3A_574 = arith.constant 0 : i32
              %dma_wait3A_575 = tpu.memref_slice %arg6[%dma_wait3A_573, %dma_wait3A_574] : memref<204800x128xf32, #tpu.memory_space<hbm>> -> memref<64x128xf32, #tpu.memory_space<hbm>>
              tpu.wait_dma2 semaphore(%arg26 : memref<!tpu.dma_semaphore, #tpu.memory_space<semaphore_mem>>) src(%arg15 : memref<64x128xf32, #tpu.memory_space<vmem>>) dst(%dma_wait3A_575 : memref<64x128xf32, #tpu.memory_space<hbm>>)
            } else {
            }
            %add3A_513 = arith.constant 1 : i32
            %add3A_514 = arith.addi %while3A_471, %add3A_513 : i32
            %mul3A_515 = arith.constant 64 : i32
            %mul3A_516 = arith.muli %add3A_514, %mul3A_515 : i32
            %add3A_517 = arith.addi %get3A_437, %mul3A_516 : i32
            %multiple_of3A_518 = tpu.assume_multiple %add3A_517, 8 : i32
            %add3A_519 = arith.constant 0 : i32
            %add3A_520 = arith.addi %multiple_of3A_518, %add3A_519 : i32
            %get3A_521 = arith.index_cast %add3A_520 : i32 to index
            %get3A_522 = tpu.vector_load %arg11[%get3A_521] {strides = array<i32>} : memref<9536xi32, #tpu.memory_space<vmem>>, vector<16xi32>,
            %swap3A_523 = arith.constant 0 : index
            %swap3A_524 = tpu.vector_load %arg17[%swap3A_523] {strides = array<i32>} : memref<64xi32, #tpu.memory_space<vmem>>, vector<16xi32>,
            tpu.vector_store %arg17[%swap3A_523], %get3A_522 {strides = array<i32>} : memref<64xi32, #tpu.memory_space<vmem>>, vector<16xi32>,
            %add3A_525 = arith.constant 0 : i32
            %add3A_526 = arith.addi %multiple_of3A_518, %add3A_525 : i32
            %get3A_527 = arith.index_cast %add3A_526 : i32 to index
            %get3A_528 = tpu.vector_load %arg12[%get3A_527] {strides = array<i32>} : memref<9536xi32, #tpu.memory_space<vmem>>, vector<16xi32>,
            %swap3A_529 = arith.constant 0 : index
            %swap3A_530 = tpu.vector_load %arg18[%swap3A_529] {strides = array<i32>} : memref<64xi32, #tpu.memory_space<vmem>>, vector<16xi32>,
            tpu.vector_store %arg18[%swap3A_529], %get3A_528 {strides = array<i32>} : memref<64xi32, #tpu.memory_space<vmem>>, vector<16xi32>,
            %add3A_531 = arith.constant 16 : i32
            %add3A_532 = arith.addi %multiple_of3A_518, %add3A_531 : i32
            %get3A_533 = arith.index_cast %add3A_532 : i32 to index
            %get3A_534 = tpu.vector_load %arg11[%get3A_533] {strides = array<i32>} : memref<9536xi32, #tpu.memory_space<vmem>>, vector<16xi32>,
            %swap3A_535 = arith.constant 16 : index
            %swap3A_536 = tpu.vector_load %arg17[%swap3A_535] {strides = array<i32>} : memref<64xi32, #tpu.memory_space<vmem>>, vector<16xi32>,
            tpu.vector_store %arg17[%swap3A_535], %get3A_534 {strides = array<i32>} : memref<64xi32, #tpu.memory_space<vmem>>, vector<16xi32>,
            %add3A_537 = arith.constant 16 : i32
            %add3A_538 = arith.addi %multiple_of3A_518, %add3A_537 : i32
            %get3A_539 = arith.index_cast %add3A_538 : i32 to index
            %get3A_540 = tpu.vector_load %arg12[%get3A_539] {strides = array<i32>} : memref<9536xi32, #tpu.memory_space<vmem>>, vector<16xi32>,
            %swap3A_541 = arith.constant 16 : index
            %swap3A_542 = tpu.vector_load %arg18[%swap3A_541] {strides = array<i32>} : memref<64xi32, #tpu.memory_space<vmem>>, vector<16xi32>,
            tpu.vector_store %arg18[%swap3A_541], %get3A_540 {strides = array<i32>} : memref<64xi32, #tpu.memory_space<vmem>>, vector<16xi32>,
            %add3A_543 = arith.constant 32 : i32
            %add3A_544 = arith.addi %multiple_of3A_518, %add3A_543 : i32
            %get3A_545 = arith.index_cast %add3A_544 : i32 to index
            %get3A_546 = tpu.vector_load %arg11[%get3A_545] {strides = array<i32>} : memref<9536xi32, #tpu.memory_space<vmem>>, vector<16xi32>,
            %swap3A_547 = arith.constant 32 : index
            %swap3A_548 = tpu.vector_load %arg17[%swap3A_547] {strides = array<i32>} : memref<64xi32, #tpu.memory_space<vmem>>, vector<16xi32>,
            tpu.vector_store %arg17[%swap3A_547], %get3A_546 {strides = array<i32>} : memref<64xi32, #tpu.memory_space<vmem>>, vector<16xi32>,
            %add3A_549 = arith.constant 32 : i32
            %add3A_550 = arith.addi %multiple_of3A_518, %add3A_549 : i32
            %get3A_551 = arith.index_cast %add3A_550 : i32 to index
            %get3A_552 = tpu.vector_load %arg12[%get3A_551] {strides = array<i32>} : memref<9536xi32, #tpu.memory_space<vmem>>, vector<16xi32>,
            %swap3A_553 = arith.constant 32 : index
            %swap3A_554 = tpu.vector_load %arg18[%swap3A_553] {strides = array<i32>} : memref<64xi32, #tpu.memory_space<vmem>>, vector<16xi32>,
            tpu.vector_store %arg18[%swap3A_553], %get3A_552 {strides = array<i32>} : memref<64xi32, #tpu.memory_space<vmem>>, vector<16xi32>,
            %add3A_555 = arith.constant 48 : i32
            %add3A_556 = arith.addi %multiple_of3A_518, %add3A_555 : i32
            %get3A_557 = arith.index_cast %add3A_556 : i32 to index
            %get3A_558 = tpu.vector_load %arg11[%get3A_557] {strides = array<i32>} : memref<9536xi32, #tpu.memory_space<vmem>>, vector<16xi32>,
            %swap3A_559 = arith.constant 48 : index
            %swap3A_560 = tpu.vector_load %arg17[%swap3A_559] {strides = array<i32>} : memref<64xi32, #tpu.memory_space<vmem>>, vector<16xi32>,
            tpu.vector_store %arg17[%swap3A_559], %get3A_558 {strides = array<i32>} : memref<64xi32, #tpu.memory_space<vmem>>, vector<16xi32>,
            %add3A_561 = arith.constant 48 : i32
            %add3A_562 = arith.addi %multiple_of3A_518, %add3A_561 : i32
            %get3A_563 = arith.index_cast %add3A_562 : i32 to index
            %get3A_564 = tpu.vector_load %arg12[%get3A_563] {strides = array<i32>} : memref<9536xi32, #tpu.memory_space<vmem>>, vector<16xi32>,
            %swap3A_565 = arith.constant 48 : index
            %swap3A_566 = tpu.vector_load %arg18[%swap3A_565] {strides = array<i32>} : memref<64xi32, #tpu.memory_space<vmem>>, vector<16xi32>,
            tpu.vector_store %arg18[%swap3A_565], %get3A_564 {strides = array<i32>} : memref<64xi32, #tpu.memory_space<vmem>>, vector<16xi32>,
            %dma_start3A_567 = arith.constant 0 : i32
            %dma_start3A_568 = arith.constant 0 : i32
            %dma_start3A_569 = tpu.memref_slice %arg24[%dma_start3A_567, %dma_start3A_568] : memref<2048x128xf32, #tpu.memory_space<vmem_shared>> -> memref<2048x128xf32, #tpu.memory_space<vmem_shared>>
            tpu.enqueue_indirect_dma source(%dma_start3A_569 : memref<2048x128xf32, #tpu.memory_space<vmem_shared>>) target(%arg15 : memref<64x128xf32, #tpu.memory_space<vmem>>) offsets(%arg17 : memref<64xi32, #tpu.memory_space<vmem>>) semaphore(%arg25 : memref<!tpu.dma_semaphore, #tpu.memory_space<semaphore_mem>>)
          } else {
          }
          %scan3A_499 = arith.constant 0 : i32
          %scan3A_500 = arith.constant 0 : i32
          %scan3A_501 = arith.constant 4 : i32
          %scan3A_502 = arith.addi %scan3A_500, %scan3A_501 : i32
          %scan3A_503 = arith.constant 1 : i32
          %scan3A_504 = scf.for %scan3A_508 = %scan3A_500 to %scan3A_502 step %scan3A_503 iter_args(%scan3A_509 = %scan3A_499) -> (i32)  : i32 {
            %mul3A_510 = arith.constant 16 : i32
            %mul3A_511 = arith.muli %scan3A_508, %mul3A_510 : i32
            %add3A_512 = arith.addi %multiple_of3A, %mul3A_511 : i32
            %get3A_513 = arith.index_cast %add3A_512 : i32 to index
            %get3A_514 = tpu.vector_load %arg13[%get3A_513] {strides = array<i32>} : memref<9536xi32, #tpu.memory_space<vmem>>, vector<16xi32>,
            %slice3A_515 = vector.extract_strided_slice %get3A_514 {offsets = [0], sizes = [1], strides = [1]} : vector<16xi32> to vector<1xi32>
            %squeeze3A_516 = vector.extract %slice3A_515[0] : i32 from vector<1xi32>
            %slice3A_517 = vector.extract_strided_slice %get3A_514 {offsets = [1], sizes = [1], strides = [1]} : vector<16xi32> to vector<1xi32>
            %squeeze3A_518 = vector.extract %slice3A_517[0] : i32 from vector<1xi32>
            %slice3A_519 = vector.extract_strided_slice %get3A_514 {offsets = [2], sizes = [1], strides = [1]} : vector<16xi32> to vector<1xi32>
            %squeeze3A_520 = vector.extract %slice3A_519[0] : i32 from vector<1xi32>
            %slice3A_521 = vector.extract_strided_slice %get3A_514 {offsets = [3], sizes = [1], strides = [1]} : vector<16xi32> to vector<1xi32>
            %squeeze3A_522 = vector.extract %slice3A_521[0] : i32 from vector<1xi32>
            %slice3A_523 = vector.extract_strided_slice %get3A_514 {offsets = [4], sizes = [1], strides = [1]} : vector<16xi32> to vector<1xi32>
            %squeeze3A_524 = vector.extract %slice3A_523[0] : i32 from vector<1xi32>
            %slice3A_525 = vector.extract_strided_slice %get3A_514 {offsets = [5], sizes = [1], strides = [1]} : vector<16xi32> to vector<1xi32>
            %squeeze3A_526 = vector.extract %slice3A_525[0] : i32 from vector<1xi32>
            %slice3A_527 = vector.extract_strided_slice %get3A_514 {offsets = [6], sizes = [1], strides = [1]} : vector<16xi32> to vector<1xi32>
            %squeeze3A_528 = vector.extract %slice3A_527[0] : i32 from vector<1xi32>
            %slice3A_529 = vector.extract_strided_slice %get3A_514 {offsets = [7], sizes = [1], strides = [1]} : vector<16xi32> to vector<1xi32>
            %squeeze3A_530 = vector.extract %slice3A_529[0] : i32 from vector<1xi32>
            %slice3A_531 = vector.extract_strided_slice %get3A_514 {offsets = [8], sizes = [1], strides = [1]} : vector<16xi32> to vector<1xi32>
            %squeeze3A_532 = vector.extract %slice3A_531[0] : i32 from vector<1xi32>
            %slice3A_533 = vector.extract_strided_slice %get3A_514 {offsets = [9], sizes = [1], strides = [1]} : vector<16xi32> to vector<1xi32>
            %squeeze3A_534 = vector.extract %slice3A_533[0] : i32 from vector<1xi32>
            %slice3A_535 = vector.extract_strided_slice %get3A_514 {offsets = [10], sizes = [1], strides = [1]} : vector<16xi32> to vector<1xi32>
            %squeeze3A_536 = vector.extract %slice3A_535[0] : i32 from vector<1xi32>
            %slice3A_537 = vector.extract_strided_slice %get3A_514 {offsets = [11], sizes = [1], strides = [1]} : vector<16xi32> to vector<1xi32>
            %squeeze3A_538 = vector.extract %slice3A_537[0] : i32 from vector<1xi32>
            %slice3A_539 = vector.extract_strided_slice %get3A_514 {offsets = [12], sizes = [1], strides = [1]} : vector<16xi32> to vector<1xi32>
            %squeeze3A_540 = vector.extract %slice3A_539[0] : i32 from vector<1xi32>
            %slice3A_541 = vector.extract_strided_slice %get3A_514 {offsets = [13], sizes = [1], strides = [1]} : vector<16xi32> to vector<1xi32>
            %squeeze3A_542 = vector.extract %slice3A_541[0] : i32 from vector<1xi32>
            %slice3A_543 = vector.extract_strided_slice %get3A_514 {offsets = [14], sizes = [1], strides = [1]} : vector<16xi32> to vector<1xi32>
            %squeeze3A_544 = vector.extract %slice3A_543[0] : i32 from vector<1xi32>
            %slice3A_545 = vector.extract_strided_slice %get3A_514 {offsets = [15], sizes = [1], strides = [1]} : vector<16xi32> to vector<1xi32>
            %squeeze3A_546 = vector.extract %slice3A_545[0] : i32 from vector<1xi32>
            %scan3A_547 = arith.constant 0 : i32
            %scan3A_548 = arith.constant 0 : i32
            %scan3A_549 = arith.constant 8 : i32
            %scan3A_550 = arith.addi %scan3A_548, %scan3A_549 : i32
            %scan3A_551 = arith.constant 1 : i32
            %scan3A_552 = scf.for %scan3A_555 = %scan3A_548 to %scan3A_550 step %scan3A_551 iter_args(%scan3A_556 = %scan3A_547) -> (i32)  : i32 {
              %mul3A_557 = arith.constant 16 : i32
              %mul3A_558 = arith.muli %scan3A_555, %mul3A_557 : i32
              %multiple_of3A_559 = tpu.assume_multiple %mul3A_558, 16 : i32
              %get3A_560 = arith.index_cast %squeeze3A_516 : i32 to index
              %get3A_561 = arith.index_cast %multiple_of3A_559 : i32 to index
              %get3A_562 = tpu.vector_load %arg14[%get3A_560, %get3A_561] {strides = array<i32>} : memref<201x128xf32, #tpu.memory_space<vmem>>, vector<16xf32>,
              %add3A_563 = arith.constant 0 : i32
              %add3A_564 = arith.addi %mul3A_511, %add3A_563 : i32
              %swap3A_565 = arith.index_cast %add3A_564 : i32 to index
              %swap3A_566 = arith.index_cast %multiple_of3A_559 : i32 to index
              %swap3A_567 = tpu.vector_load %arg16[%swap3A_565, %swap3A_566] {strides = array<i32>} : memref<64x128xf32, #tpu.memory_space<vmem>>, vector<16xf32>,
              tpu.vector_store %arg16[%swap3A_565, %swap3A_566], %get3A_562 {add = true, strides = array<i32>} : memref<64x128xf32, #tpu.memory_space<vmem>>, vector<16xf32>,
              %get3A_568 = arith.index_cast %squeeze3A_518 : i32 to index
              %get3A_569 = arith.index_cast %multiple_of3A_559 : i32 to index
              %get3A_570 = tpu.vector_load %arg14[%get3A_568, %get3A_569] {strides = array<i32>} : memref<201x128xf32, #tpu.memory_space<vmem>>, vector<16xf32>,
              %add3A_571 = arith.constant 1 : i32
              %add3A_572 = arith.addi %mul3A_511, %add3A_571 : i32
              %swap3A_573 = arith.index_cast %add3A_572 : i32 to index
              %swap3A_574 = arith.index_cast %multiple_of3A_559 : i32 to index
              %swap3A_575 = tpu.vector_load %arg16[%swap3A_573, %swap3A_574] {strides = array<i32>} : memref<64x128xf32, #tpu.memory_space<vmem>>, vector<16xf32>,
              tpu.vector_store %arg16[%swap3A_573, %swap3A_574], %get3A_570 {add = true, strides = array<i32>} : memref<64x128xf32, #tpu.memory_space<vmem>>, vector<16xf32>,
              %get3A_576 = arith.index_cast %squeeze3A_520 : i32 to index
              %get3A_577 = arith.index_cast %multiple_of3A_559 : i32 to index
              %get3A_578 = tpu.vector_load %arg14[%get3A_576, %get3A_577] {strides = array<i32>} : memref<201x128xf32, #tpu.memory_space<vmem>>, vector<16xf32>,
              %add3A_579 = arith.constant 2 : i32
              %add3A_580 = arith.addi %mul3A_511, %add3A_579 : i32
              %swap3A_581 = arith.index_cast %add3A_580 : i32 to index
              %swap3A_582 = arith.index_cast %multiple_of3A_559 : i32 to index
              %swap3A_583 = tpu.vector_load %arg16[%swap3A_581, %swap3A_582] {strides = array<i32>} : memref<64x128xf32, #tpu.memory_space<vmem>>, vector<16xf32>,
              tpu.vector_store %arg16[%swap3A_581, %swap3A_582], %get3A_578 {add = true, strides = array<i32>} : memref<64x128xf32, #tpu.memory_space<vmem>>, vector<16xf32>,
              %get3A_584 = arith.index_cast %squeeze3A_522 : i32 to index
              %get3A_585 = arith.index_cast %multiple_of3A_559 : i32 to index
              %get3A_586 = tpu.vector_load %arg14[%get3A_584, %get3A_585] {strides = array<i32>} : memref<201x128xf32, #tpu.memory_space<vmem>>, vector<16xf32>,
              %add3A_587 = arith.constant 3 : i32
              %add3A_588 = arith.addi %mul3A_511, %add3A_587 : i32
              %swap3A_589 = arith.index_cast %add3A_588 : i32 to index
              %swap3A_590 = arith.index_cast %multiple_of3A_559 : i32 to index
              %swap3A_591 = tpu.vector_load %arg16[%swap3A_589, %swap3A_590] {strides = array<i32>} : memref<64x128xf32, #tpu.memory_space<vmem>>, vector<16xf32>,
              tpu.vector_store %arg16[%swap3A_589, %swap3A_590], %get3A_586 {add = true, strides = array<i32>} : memref<64x128xf32, #tpu.memory_space<vmem>>, vector<16xf32>,
              %get3A_592 = arith.index_cast %squeeze3A_524 : i32 to index
              %get3A_593 = arith.index_cast %multiple_of3A_559 : i32 to index
              %get3A_594 = tpu.vector_load %arg14[%get3A_592, %get3A_593] {strides = array<i32>} : memref<201x128xf32, #tpu.memory_space<vmem>>, vector<16xf32>,
              %add3A_595 = arith.constant 4 : i32
              %add3A_596 = arith.addi %mul3A_511, %add3A_595 : i32
              %swap3A_597 = arith.index_cast %add3A_596 : i32 to index
              %swap3A_598 = arith.index_cast %multiple_of3A_559 : i32 to index
              %swap3A_599 = tpu.vector_load %arg16[%swap3A_597, %swap3A_598] {strides = array<i32>} : memref<64x128xf32, #tpu.memory_space<vmem>>, vector<16xf32>,
              tpu.vector_store %arg16[%swap3A_597, %swap3A_598], %get3A_594 {add = true, strides = array<i32>} : memref<64x128xf32, #tpu.memory_space<vmem>>, vector<16xf32>,
              %get3A_600 = arith.index_cast %squeeze3A_526 : i32 to index
              %get3A_601 = arith.index_cast %multiple_of3A_559 : i32 to index
              %get3A_602 = tpu.vector_load %arg14[%get3A_600, %get3A_601] {strides = array<i32>} : memref<201x128xf32, #tpu.memory_space<vmem>>, vector<16xf32>,
              %add3A_603 = arith.constant 5 : i32
              %add3A_604 = arith.addi %mul3A_511, %add3A_603 : i32
              %swap3A_605 = arith.index_cast %add3A_604 : i32 to index
              %swap3A_606 = arith.index_cast %multiple_of3A_559 : i32 to index
              %swap3A_607 = tpu.vector_load %arg16[%swap3A_605, %swap3A_606] {strides = array<i32>} : memref<64x128xf32, #tpu.memory_space<vmem>>, vector<16xf32>,
              tpu.vector_store %arg16[%swap3A_605, %swap3A_606], %get3A_602 {add = true, strides = array<i32>} : memref<64x128xf32, #tpu.memory_space<vmem>>, vector<16xf32>,
              %get3A_608 = arith.index_cast %squeeze3A_528 : i32 to index
              %get3A_609 = arith.index_cast %multiple_of3A_559 : i32 to index
              %get3A_610 = tpu.vector_load %arg14[%get3A_608, %get3A_609] {strides = array<i32>} : memref<201x128xf32, #tpu.memory_space<vmem>>, vector<16xf32>,
              %add3A_611 = arith.constant 6 : i32
              %add3A_612 = arith.addi %mul3A_511, %add3A_611 : i32
              %swap3A_613 = arith.index_cast %add3A_612 : i32 to index
              %swap3A_614 = arith.index_cast %multiple_of3A_559 : i32 to index
              %swap3A_615 = tpu.vector_load %arg16[%swap3A_613, %swap3A_614] {strides = array<i32>} : memref<64x128xf32, #tpu.memory_space<vmem>>, vector<16xf32>,
              tpu.vector_store %arg16[%swap3A_613, %swap3A_614], %get3A_610 {add = true, strides = array<i32>} : memref<64x128xf32, #tpu.memory_space<vmem>>, vector<16xf32>,
              %get3A_616 = arith.index_cast %squeeze3A_530 : i32 to index
              %get3A_617 = arith.index_cast %multiple_of3A_559 : i32 to index
              %get3A_618 = tpu.vector_load %arg14[%get3A_616, %get3A_617] {strides = array<i32>} : memref<201x128xf32, #tpu.memory_space<vmem>>, vector<16xf32>,
              %add3A_619 = arith.constant 7 : i32
              %add3A_620 = arith.addi %mul3A_511, %add3A_619 : i32
              %swap3A_621 = arith.index_cast %add3A_620 : i32 to index
              %swap3A_622 = arith.index_cast %multiple_of3A_559 : i32 to index
              %swap3A_623 = tpu.vector_load %arg16[%swap3A_621, %swap3A_622] {strides = array<i32>} : memref<64x128xf32, #tpu.memory_space<vmem>>, vector<16xf32>,
              tpu.vector_store %arg16[%swap3A_621, %swap3A_622], %get3A_618 {add = true, strides = array<i32>} : memref<64x128xf32, #tpu.memory_space<vmem>>, vector<16xf32>,
              %get3A_624 = arith.index_cast %squeeze3A_532 : i32 to index
              %get3A_625 = arith.index_cast %multiple_of3A_559 : i32 to index
              %get3A_626 = tpu.vector_load %arg14[%get3A_624, %get3A_625] {strides = array<i32>} : memref<201x128xf32, #tpu.memory_space<vmem>>, vector<16xf32>,
              %add3A_627 = arith.constant 8 : i32
              %add3A_628 = arith.addi %mul3A_511, %add3A_627 : i32
              %swap3A_629 = arith.index_cast %add3A_628 : i32 to index
              %swap3A_630 = arith.index_cast %multiple_of3A_559 : i32 to index
              %swap3A_631 = tpu.vector_load %arg16[%swap3A_629, %swap3A_630] {strides = array<i32>} : memref<64x128xf32, #tpu.memory_space<vmem>>, vector<16xf32>,
              tpu.vector_store %arg16[%swap3A_629, %swap3A_630], %get3A_626 {add = true, strides = array<i32>} : memref<64x128xf32, #tpu.memory_space<vmem>>, vector<16xf32>,
              %get3A_632 = arith.index_cast %squeeze3A_534 : i32 to index
              %get3A_633 = arith.index_cast %multiple_of3A_559 : i32 to index
              %get3A_634 = tpu.vector_load %arg14[%get3A_632, %get3A_633] {strides = array<i32>} : memref<201x128xf32, #tpu.memory_space<vmem>>, vector<16xf32>,
              %add3A_635 = arith.constant 9 : i32
              %add3A_636 = arith.addi %mul3A_511, %add3A_635 : i32
              %swap3A_637 = arith.index_cast %add3A_636 : i32 to index
              %swap3A_638 = arith.index_cast %multiple_of3A_559 : i32 to index
              %swap3A_639 = tpu.vector_load %arg16[%swap3A_637, %swap3A_638] {strides = array<i32>} : memref<64x128xf32, #tpu.memory_space<vmem>>, vector<16xf32>,
              tpu.vector_store %arg16[%swap3A_637, %swap3A_638], %get3A_634 {add = true, strides = array<i32>} : memref<64x128xf32, #tpu.memory_space<vmem>>, vector<16xf32>,
              %get3A_640 = arith.index_cast %squeeze3A_536 : i32 to index
              %get3A_641 = arith.index_cast %multiple_of3A_559 : i32 to index
              %get3A_642 = tpu.vector_load %arg14[%get3A_640, %get3A_641] {strides = array<i32>} : memref<201x128xf32, #tpu.memory_space<vmem>>, vector<16xf32>,
              %add3A_643 = arith.constant 10 : i32
              %add3A_644 = arith.addi %mul3A_511, %add3A_643 : i32
              %swap3A_645 = arith.index_cast %add3A_644 : i32 to index
              %swap3A_646 = arith.index_cast %multiple_of3A_559 : i32 to index
              %swap3A_647 = tpu.vector_load %arg16[%swap3A_645, %swap3A_646] {strides = array<i32>} : memref<64x128xf32, #tpu.memory_space<vmem>>, vector<16xf32>,
              tpu.vector_store %arg16[%swap3A_645, %swap3A_646], %get3A_642 {add = true, strides = array<i32>} : memref<64x128xf32, #tpu.memory_space<vmem>>, vector<16xf32>,
              %get3A_648 = arith.index_cast %squeeze3A_538 : i32 to index
              %get3A_649 = arith.index_cast %multiple_of3A_559 : i32 to index
              %get3A_650 = tpu.vector_load %arg14[%get3A_648, %get3A_649] {strides = array<i32>} : memref<201x128xf32, #tpu.memory_space<vmem>>, vector<16xf32>,
              %add3A_651 = arith.constant 11 : i32
              %add3A_652 = arith.addi %mul3A_511, %add3A_651 : i32
              %swap3A_653 = arith.index_cast %add3A_652 : i32 to index
              %swap3A_654 = arith.index_cast %multiple_of3A_559 : i32 to index
              %swap3A_655 = tpu.vector_load %arg16[%swap3A_653, %swap3A_654] {strides = array<i32>} : memref<64x128xf32, #tpu.memory_space<vmem>>, vector<16xf32>,
              tpu.vector_store %arg16[%swap3A_653, %swap3A_654], %get3A_650 {add = true, strides = array<i32>} : memref<64x128xf32, #tpu.memory_space<vmem>>, vector<16xf32>,
              %get3A_656 = arith.index_cast %squeeze3A_540 : i32 to index
              %get3A_657 = arith.index_cast %multiple_of3A_559 : i32 to index
              %get3A_658 = tpu.vector_load %arg14[%get3A_656, %get3A_657] {strides = array<i32>} : memref<201x128xf32, #tpu.memory_space<vmem>>, vector<16xf32>,
              %add3A_659 = arith.constant 12 : i32
              %add3A_660 = arith.addi %mul3A_511, %add3A_659 : i32
              %swap3A_661 = arith.index_cast %add3A_660 : i32 to index
              %swap3A_662 = arith.index_cast %multiple_of3A_559 : i32 to index
              %swap3A_663 = tpu.vector_load %arg16[%swap3A_661, %swap3A_662] {strides = array<i32>} : memref<64x128xf32, #tpu.memory_space<vmem>>, vector<16xf32>,
              tpu.vector_store %arg16[%swap3A_661, %swap3A_662], %get3A_658 {add = true, strides = array<i32>} : memref<64x128xf32, #tpu.memory_space<vmem>>, vector<16xf32>,
              %get3A_664 = arith.index_cast %squeeze3A_542 : i32 to index
              %get3A_665 = arith.index_cast %multiple_of3A_559 : i32 to index
              %get3A_666 = tpu.vector_load %arg14[%get3A_664, %get3A_665] {strides = array<i32>} : memref<201x128xf32, #tpu.memory_space<vmem>>, vector<16xf32>,
              %add3A_667 = arith.constant 13 : i32
              %add3A_668 = arith.addi %mul3A_511, %add3A_667 : i32
              %swap3A_669 = arith.index_cast %add3A_668 : i32 to index
              %swap3A_670 = arith.index_cast %multiple_of3A_559 : i32 to index
              %swap3A_671 = tpu.vector_load %arg16[%swap3A_669, %swap3A_670] {strides = array<i32>} : memref<64x128xf32, #tpu.memory_space<vmem>>, vector<16xf32>,
              tpu.vector_store %arg16[%swap3A_669, %swap3A_670], %get3A_666 {add = true, strides = array<i32>} : memref<64x128xf32, #tpu.memory_space<vmem>>, vector<16xf32>,
              %get3A_672 = arith.index_cast %squeeze3A_544 : i32 to index
              %get3A_673 = arith.index_cast %multiple_of3A_559 : i32 to index
              %get3A_674 = tpu.vector_load %arg14[%get3A_672, %get3A_673] {strides = array<i32>} : memref<201x128xf32, #tpu.memory_space<vmem>>, vector<16xf32>,
              %add3A_675 = arith.constant 14 : i32
              %add3A_676 = arith.addi %mul3A_511, %add3A_675 : i32
              %swap3A_677 = arith.index_cast %add3A_676 : i32 to index
              %swap3A_678 = arith.index_cast %multiple_of3A_559 : i32 to index
              %swap3A_679 = tpu.vector_load %arg16[%swap3A_677, %swap3A_678] {strides = array<i32>} : memref<64x128xf32, #tpu.memory_space<vmem>>, vector<16xf32>,
              tpu.vector_store %arg16[%swap3A_677, %swap3A_678], %get3A_674 {add = true, strides = array<i32>} : memref<64x128xf32, #tpu.memory_space<vmem>>, vector<16xf32>,
              %get3A_680 = arith.index_cast %squeeze3A_546 : i32 to index
              %get3A_681 = arith.index_cast %multiple_of3A_559 : i32 to index
              %get3A_682 = tpu.vector_load %arg14[%get3A_680, %get3A_681] {strides = array<i32>} : memref<201x128xf32, #tpu.memory_space<vmem>>, vector<16xf32>,
              %add3A_683 = arith.constant 15 : i32
              %add3A_684 = arith.addi %mul3A_511, %add3A_683 : i32
              %swap3A_685 = arith.index_cast %add3A_684 : i32 to index
              %swap3A_686 = arith.index_cast %multiple_of3A_559 : i32 to index
              %swap3A_687 = tpu.vector_load %arg16[%swap3A_685, %swap3A_686] {strides = array<i32>} : memref<64x128xf32, #tpu.memory_space<vmem>>, vector<16xf32>,
              tpu.vector_store %arg16[%swap3A_685, %swap3A_686], %get3A_682 {add = true, strides = array<i32>} : memref<64x128xf32, #tpu.memory_space<vmem>>, vector<16xf32>,
              %scan3A_688 = arith.constant 0 : i32
              scf.yield %scan3A_688 : i32
            }
            %scan3A_553 = arith.constant 8 : i32
            %scan3A_554 = arith.constant 0 : i32
            scf.yield %scan3A_554 : i32
          }
          %scan3A_505 = arith.constant 4 : i32
          %dma_start3A = arith.constant 0 : i32
          %dma_start3A_506 = arith.constant 0 : i32
          %dma_start3A_507 = tpu.memref_slice %arg6[%dma_start3A, %dma_start3A_506] : memref<204800x128xf32, #tpu.memory_space<hbm>> -> memref<204800x128xf32, #tpu.memory_space<hbm>>
          tpu.enqueue_indirect_dma source(%arg16 : memref<64x128xf32, #tpu.memory_space<vmem>>) target(%dma_start3A_507 : memref<204800x128xf32, #tpu.memory_space<hbm>>) offsets(%arg20 : memref<64xi32, #tpu.memory_space<vmem>>) semaphore(%arg28 : memref<!tpu.dma_semaphore, #tpu.memory_space<semaphore_mem>>)
        } else {
        }
        %while3A_484 = arith.constant 0 : i32
        scf.yield %while3A_484 : i32
      }
      %while3A_458 = arith.constant 1 : i32
      %while3A_459 = scf.for %while3A_471 = %while3A_455 to %while3A_451 step %while3A_458 iter_args(%while3A_472 = %while3A_457) -> (i32)  : i32 {
        %rem3A = arith.constant 2 : i32
        %rem3A_473 = arith.remsi %while3A_471, %rem3A : i32
        %eq3A_474 = arith.constant 0 : i32
        %eq3A_475 = arith.cmpi eq, %rem3A_473, %eq3A_474 : i32
        %convert_element_type3A_476 = arith.extui %eq3A_475 : i1 to i32
        %cond3A_477 = arith.constant 0 : i32
        %cond3A_478 = arith.cmpi ne, %convert_element_type3A_476, %cond3A_477 : i32
        scf.if %cond3A_478 {
          %mul3A_485 = arith.constant 64 : i32
          %mul3A_486 = arith.muli %while3A_471, %mul3A_485 : i32
          %add3A_487 = arith.addi %get3A_437, %mul3A_486 : i32
          %multiple_of3A = tpu.assume_multiple %add3A_487, 8 : i32
          %dma_wait3A = arith.constant 0 : i32
          %dma_wait3A_488 = arith.constant 0 : i32
          %dma_wait3A_489 = tpu.memref_slice %arg2[%dma_wait3A, %dma_wait3A_488] : memref<100000x128xf32, #tpu.memory_space<hbm>> -> memref<64x128xf32, #tpu.memory_space<hbm>>
          %dma_wait3A_490 = arith.constant 0 : i32
          %dma_wait3A_491 = arith.constant 0 : i32
          %dma_wait3A_492 = tpu.memref_slice %arg2[%dma_wait3A_490, %dma_wait3A_491] : memref<100000x128xf32, #tpu.memory_space<hbm>> -> memref<64x128xf32, #tpu.memory_space<hbm>>
          tpu.wait_dma2 semaphore(%arg25 : memref<!tpu.dma_semaphore, #tpu.memory_space<semaphore_mem>>) src(%dma_wait3A_492 : memref<64x128xf32, #tpu.memory_space<hbm>>) dst(%arg15 : memref<64x128xf32, #tpu.memory_space<vmem>>)
          %add3A_493 = arith.constant 1 : i32
          %add3A_494 = arith.addi %while3A_471, %add3A_493 : i32
          %lt3A_495 = arith.cmpi slt, %add3A_494, %shift_right_arithmetic3A_444 : i32
          %convert_element_type3A_496 = arith.extui %lt3A_495 : i1 to i32
          %cond3A_497 = arith.constant 0 : i32
          %cond3A_498 = arith.cmpi ne, %convert_element_type3A_496, %cond3A_497 : i32
          scf.if %cond3A_498 {
            %gt3A_508 = arith.constant 0 : i32
            %gt3A_509 = arith.cmpi sgt, %while3A_471, %gt3A_508 : i32
            %convert_element_type3A_510 = arith.extui %gt3A_509 : i1 to i32
            %cond3A_511 = arith.constant 0 : i32
            %cond3A_512 = arith.cmpi ne, %convert_element_type3A_510, %cond3A_511 : i32
            scf.if %cond3A_512 {
              %dma_wait3A_570 = arith.constant 0 : i32
              %dma_wait3A_571 = arith.constant 0 : i32
              %dma_wait3A_572 = tpu.memref_slice %arg6[%dma_wait3A_570, %dma_wait3A_571] : memref<204800x128xf32, #tpu.memory_space<hbm>> -> memref<64x128xf32, #tpu.memory_space<hbm>>
              %dma_wait3A_573 = arith.constant 0 : i32
              %dma_wait3A_574 = arith.constant 0 : i32
              %dma_wait3A_575 = tpu.memref_slice %arg6[%dma_wait3A_573, %dma_wait3A_574] : memref<204800x128xf32, #tpu.memory_space<hbm>> -> memref<64x128xf32, #tpu.memory_space<hbm>>
              tpu.wait_dma2 semaphore(%arg28 : memref<!tpu.dma_semaphore, #tpu.memory_space<semaphore_mem>>) src(%arg16 : memref<64x128xf32, #tpu.memory_space<vmem>>) dst(%dma_wait3A_575 : memref<64x128xf32, #tpu.memory_space<hbm>>)
            } else {
            }
            %add3A_513 = arith.constant 1 : i32
            %add3A_514 = arith.addi %while3A_471, %add3A_513 : i32
            %mul3A_515 = arith.constant 64 : i32
            %mul3A_516 = arith.muli %add3A_514, %mul3A_515 : i32
            %add3A_517 = arith.addi %get3A_437, %mul3A_516 : i32
            %multiple_of3A_518 = tpu.assume_multiple %add3A_517, 8 : i32
            %add3A_519 = arith.constant 0 : i32
            %add3A_520 = arith.addi %multiple_of3A_518, %add3A_519 : i32
            %get3A_521 = arith.index_cast %add3A_520 : i32 to index
            %get3A_522 = tpu.vector_load %arg11[%get3A_521] {strides = array<i32>} : memref<9536xi32, #tpu.memory_space<vmem>>, vector<16xi32>,
            %swap3A_523 = arith.constant 0 : index
            %swap3A_524 = tpu.vector_load %arg19[%swap3A_523] {strides = array<i32>} : memref<64xi32, #tpu.memory_space<vmem>>, vector<16xi32>,
            tpu.vector_store %arg19[%swap3A_523], %get3A_522 {strides = array<i32>} : memref<64xi32, #tpu.memory_space<vmem>>, vector<16xi32>,
            %add3A_525 = arith.constant 0 : i32
            %add3A_526 = arith.addi %multiple_of3A_518, %add3A_525 : i32
            %get3A_527 = arith.index_cast %add3A_526 : i32 to index
            %get3A_528 = tpu.vector_load %arg12[%get3A_527] {strides = array<i32>} : memref<9536xi32, #tpu.memory_space<vmem>>, vector<16xi32>,
            %swap3A_529 = arith.constant 0 : index
            %swap3A_530 = tpu.vector_load %arg20[%swap3A_529] {strides = array<i32>} : memref<64xi32, #tpu.memory_space<vmem>>, vector<16xi32>,
            tpu.vector_store %arg20[%swap3A_529], %get3A_528 {strides = array<i32>} : memref<64xi32, #tpu.memory_space<vmem>>, vector<16xi32>,
            %add3A_531 = arith.constant 16 : i32
            %add3A_532 = arith.addi %multiple_of3A_518, %add3A_531 : i32
            %get3A_533 = arith.index_cast %add3A_532 : i32 to index
            %get3A_534 = tpu.vector_load %arg11[%get3A_533] {strides = array<i32>} : memref<9536xi32, #tpu.memory_space<vmem>>, vector<16xi32>,
            %swap3A_535 = arith.constant 16 : index
            %swap3A_536 = tpu.vector_load %arg19[%swap3A_535] {strides = array<i32>} : memref<64xi32, #tpu.memory_space<vmem>>, vector<16xi32>,
            tpu.vector_store %arg19[%swap3A_535], %get3A_534 {strides = array<i32>} : memref<64xi32, #tpu.memory_space<vmem>>, vector<16xi32>,
            %add3A_537 = arith.constant 16 : i32
            %add3A_538 = arith.addi %multiple_of3A_518, %add3A_537 : i32
            %get3A_539 = arith.index_cast %add3A_538 : i32 to index
            %get3A_540 = tpu.vector_load %arg12[%get3A_539] {strides = array<i32>} : memref<9536xi32, #tpu.memory_space<vmem>>, vector<16xi32>,
            %swap3A_541 = arith.constant 16 : index
            %swap3A_542 = tpu.vector_load %arg20[%swap3A_541] {strides = array<i32>} : memref<64xi32, #tpu.memory_space<vmem>>, vector<16xi32>,
            tpu.vector_store %arg20[%swap3A_541], %get3A_540 {strides = array<i32>} : memref<64xi32, #tpu.memory_space<vmem>>, vector<16xi32>,
            %add3A_543 = arith.constant 32 : i32
            %add3A_544 = arith.addi %multiple_of3A_518, %add3A_543 : i32
            %get3A_545 = arith.index_cast %add3A_544 : i32 to index
            %get3A_546 = tpu.vector_load %arg11[%get3A_545] {strides = array<i32>} : memref<9536xi32, #tpu.memory_space<vmem>>, vector<16xi32>,
            %swap3A_547 = arith.constant 32 : index
            %swap3A_548 = tpu.vector_load %arg19[%swap3A_547] {strides = array<i32>} : memref<64xi32, #tpu.memory_space<vmem>>, vector<16xi32>,
            tpu.vector_store %arg19[%swap3A_547], %get3A_546 {strides = array<i32>} : memref<64xi32, #tpu.memory_space<vmem>>, vector<16xi32>,
            %add3A_549 = arith.constant 32 : i32
            %add3A_550 = arith.addi %multiple_of3A_518, %add3A_549 : i32
            %get3A_551 = arith.index_cast %add3A_550 : i32 to index
            %get3A_552 = tpu.vector_load %arg12[%get3A_551] {strides = array<i32>} : memref<9536xi32, #tpu.memory_space<vmem>>, vector<16xi32>,
            %swap3A_553 = arith.constant 32 : index
            %swap3A_554 = tpu.vector_load %arg20[%swap3A_553] {strides = array<i32>} : memref<64xi32, #tpu.memory_space<vmem>>, vector<16xi32>,
            tpu.vector_store %arg20[%swap3A_553], %get3A_552 {strides = array<i32>} : memref<64xi32, #tpu.memory_space<vmem>>, vector<16xi32>,
            %add3A_555 = arith.constant 48 : i32
            %add3A_556 = arith.addi %multiple_of3A_518, %add3A_555 : i32
            %get3A_557 = arith.index_cast %add3A_556 : i32 to index
            %get3A_558 = tpu.vector_load %arg11[%get3A_557] {strides = array<i32>} : memref<9536xi32, #tpu.memory_space<vmem>>, vector<16xi32>,
            %swap3A_559 = arith.constant 48 : index
            %swap3A_560 = tpu.vector_load %arg19[%swap3A_559] {strides = array<i32>} : memref<64xi32, #tpu.memory_space<vmem>>, vector<16xi32>,
            tpu.vector_store %arg19[%swap3A_559], %get3A_558 {strides = array<i32>} : memref<64xi32, #tpu.memory_space<vmem>>, vector<16xi32>,
            %add3A_561 = arith.constant 48 : i32
            %add3A_562 = arith.addi %multiple_of3A_518, %add3A_561 : i32
            %get3A_563 = arith.index_cast %add3A_562 : i32 to index
            %get3A_564 = tpu.vector_load %arg12[%get3A_563] {strides = array<i32>} : memref<9536xi32, #tpu.memory_space<vmem>>, vector<16xi32>,
            %swap3A_565 = arith.constant 48 : index
            %swap3A_566 = tpu.vector_load %arg20[%swap3A_565] {strides = array<i32>} : memref<64xi32, #tpu.memory_space<vmem>>, vector<16xi32>,
            tpu.vector_store %arg20[%swap3A_565], %get3A_564 {strides = array<i32>} : memref<64xi32, #tpu.memory_space<vmem>>, vector<16xi32>,
            %dma_start3A_567 = arith.constant 0 : i32
            %dma_start3A_568 = arith.constant 0 : i32
            %dma_start3A_569 = tpu.memref_slice %arg24[%dma_start3A_567, %dma_start3A_568] : memref<2048x128xf32, #tpu.memory_space<vmem_shared>> -> memref<2048x128xf32, #tpu.memory_space<vmem_shared>>
            tpu.enqueue_indirect_dma source(%dma_start3A_569 : memref<2048x128xf32, #tpu.memory_space<vmem_shared>>) target(%arg16 : memref<64x128xf32, #tpu.memory_space<vmem>>) offsets(%arg19 : memref<64xi32, #tpu.memory_space<vmem>>) semaphore(%arg27 : memref<!tpu.dma_semaphore, #tpu.memory_space<semaphore_mem>>)
          } else {
          }
          %scan3A_499 = arith.constant 0 : i32
          %scan3A_500 = arith.constant 0 : i32
          %scan3A_501 = arith.constant 4 : i32
          %scan3A_502 = arith.addi %scan3A_500, %scan3A_501 : i32
          %scan3A_503 = arith.constant 1 : i32
          %scan3A_504 = scf.for %scan3A_508 = %scan3A_500 to %scan3A_502 step %scan3A_503 iter_args(%scan3A_509 = %scan3A_499) -> (i32)  : i32 {
            %mul3A_510 = arith.constant 16 : i32
            %mul3A_511 = arith.muli %scan3A_508, %mul3A_510 : i32
            %add3A_512 = arith.addi %multiple_of3A, %mul3A_511 : i32
            %get3A_513 = arith.index_cast %add3A_512 : i32 to index
            %get3A_514 = tpu.vector_load %arg13[%get3A_513] {strides = array<i32>} : memref<9536xi32, #tpu.memory_space<vmem>>, vector<16xi32>,
            %slice3A_515 = vector.extract_strided_slice %get3A_514 {offsets = [0], sizes = [1], strides = [1]} : vector<16xi32> to vector<1xi32>
            %squeeze3A_516 = vector.extract %slice3A_515[0] : i32 from vector<1xi32>
            %slice3A_517 = vector.extract_strided_slice %get3A_514 {offsets = [1], sizes = [1], strides = [1]} : vector<16xi32> to vector<1xi32>
            %squeeze3A_518 = vector.extract %slice3A_517[0] : i32 from vector<1xi32>
            %slice3A_519 = vector.extract_strided_slice %get3A_514 {offsets = [2], sizes = [1], strides = [1]} : vector<16xi32> to vector<1xi32>
            %squeeze3A_520 = vector.extract %slice3A_519[0] : i32 from vector<1xi32>
            %slice3A_521 = vector.extract_strided_slice %get3A_514 {offsets = [3], sizes = [1], strides = [1]} : vector<16xi32> to vector<1xi32>
            %squeeze3A_522 = vector.extract %slice3A_521[0] : i32 from vector<1xi32>
            %slice3A_523 = vector.extract_strided_slice %get3A_514 {offsets = [4], sizes = [1], strides = [1]} : vector<16xi32> to vector<1xi32>
            %squeeze3A_524 = vector.extract %slice3A_523[0] : i32 from vector<1xi32>
            %slice3A_525 = vector.extract_strided_slice %get3A_514 {offsets = [5], sizes = [1], strides = [1]} : vector<16xi32> to vector<1xi32>
            %squeeze3A_526 = vector.extract %slice3A_525[0] : i32 from vector<1xi32>
            %slice3A_527 = vector.extract_strided_slice %get3A_514 {offsets = [6], sizes = [1], strides = [1]} : vector<16xi32> to vector<1xi32>
            %squeeze3A_528 = vector.extract %slice3A_527[0] : i32 from vector<1xi32>
            %slice3A_529 = vector.extract_strided_slice %get3A_514 {offsets = [7], sizes = [1], strides = [1]} : vector<16xi32> to vector<1xi32>
            %squeeze3A_530 = vector.extract %slice3A_529[0] : i32 from vector<1xi32>
            %slice3A_531 = vector.extract_strided_slice %get3A_514 {offsets = [8], sizes = [1], strides = [1]} : vector<16xi32> to vector<1xi32>
            %squeeze3A_532 = vector.extract %slice3A_531[0] : i32 from vector<1xi32>
            %slice3A_533 = vector.extract_strided_slice %get3A_514 {offsets = [9], sizes = [1], strides = [1]} : vector<16xi32> to vector<1xi32>
            %squeeze3A_534 = vector.extract %slice3A_533[0] : i32 from vector<1xi32>
            %slice3A_535 = vector.extract_strided_slice %get3A_514 {offsets = [10], sizes = [1], strides = [1]} : vector<16xi32> to vector<1xi32>
            %squeeze3A_536 = vector.extract %slice3A_535[0] : i32 from vector<1xi32>
            %slice3A_537 = vector.extract_strided_slice %get3A_514 {offsets = [11], sizes = [1], strides = [1]} : vector<16xi32> to vector<1xi32>
            %squeeze3A_538 = vector.extract %slice3A_537[0] : i32 from vector<1xi32>
            %slice3A_539 = vector.extract_strided_slice %get3A_514 {offsets = [12], sizes = [1], strides = [1]} : vector<16xi32> to vector<1xi32>
            %squeeze3A_540 = vector.extract %slice3A_539[0] : i32 from vector<1xi32>
            %slice3A_541 = vector.extract_strided_slice %get3A_514 {offsets = [13], sizes = [1], strides = [1]} : vector<16xi32> to vector<1xi32>
            %squeeze3A_542 = vector.extract %slice3A_541[0] : i32 from vector<1xi32>
            %slice3A_543 = vector.extract_strided_slice %get3A_514 {offsets = [14], sizes = [1], strides = [1]} : vector<16xi32> to vector<1xi32>
            %squeeze3A_544 = vector.extract %slice3A_543[0] : i32 from vector<1xi32>
            %slice3A_545 = vector.extract_strided_slice %get3A_514 {offsets = [15], sizes = [1], strides = [1]} : vector<16xi32> to vector<1xi32>
            %squeeze3A_546 = vector.extract %slice3A_545[0] : i32 from vector<1xi32>
            %scan3A_547 = arith.constant 0 : i32
            %scan3A_548 = arith.constant 0 : i32
            %scan3A_549 = arith.constant 8 : i32
            %scan3A_550 = arith.addi %scan3A_548, %scan3A_549 : i32
            %scan3A_551 = arith.constant 1 : i32
            %scan3A_552 = scf.for %scan3A_555 = %scan3A_548 to %scan3A_550 step %scan3A_551 iter_args(%scan3A_556 = %scan3A_547) -> (i32)  : i32 {
              %mul3A_557 = arith.constant 16 : i32
              %mul3A_558 = arith.muli %scan3A_555, %mul3A_557 : i32
              %multiple_of3A_559 = tpu.assume_multiple %mul3A_558, 16 : i32
              %get3A_560 = arith.index_cast %squeeze3A_516 : i32 to index
              %get3A_561 = arith.index_cast %multiple_of3A_559 : i32 to index
              %get3A_562 = tpu.vector_load %arg14[%get3A_560, %get3A_561] {strides = array<i32>} : memref<201x128xf32, #tpu.memory_space<vmem>>, vector<16xf32>,
              %add3A_563 = arith.constant 0 : i32
              %add3A_564 = arith.addi %mul3A_511, %add3A_563 : i32
              %swap3A_565 = arith.index_cast %add3A_564 : i32 to index
              %swap3A_566 = arith.index_cast %multiple_of3A_559 : i32 to index
              %swap3A_567 = tpu.vector_load %arg15[%swap3A_565, %swap3A_566] {strides = array<i32>} : memref<64x128xf32, #tpu.memory_space<vmem>>, vector<16xf32>,
              tpu.vector_store %arg15[%swap3A_565, %swap3A_566], %get3A_562 {add = true, strides = array<i32>} : memref<64x128xf32, #tpu.memory_space<vmem>>, vector<16xf32>,
              %get3A_568 = arith.index_cast %squeeze3A_518 : i32 to index
              %get3A_569 = arith.index_cast %multiple_of3A_559 : i32 to index
              %get3A_570 = tpu.vector_load %arg14[%get3A_568, %get3A_569] {strides = array<i32>} : memref<201x128xf32, #tpu.memory_space<vmem>>, vector<16xf32>,
              %add3A_571 = arith.constant 1 : i32
              %add3A_572 = arith.addi %mul3A_511, %add3A_571 : i32
              %swap3A_573 = arith.index_cast %add3A_572 : i32 to index
              %swap3A_574 = arith.index_cast %multiple_of3A_559 : i32 to index
              %swap3A_575 = tpu.vector_load %arg15[%swap3A_573, %swap3A_574] {strides = array<i32>} : memref<64x128xf32, #tpu.memory_space<vmem>>, vector<16xf32>,
              tpu.vector_store %arg15[%swap3A_573, %swap3A_574], %get3A_570 {add = true, strides = array<i32>} : memref<64x128xf32, #tpu.memory_space<vmem>>, vector<16xf32>,
              %get3A_576 = arith.index_cast %squeeze3A_520 : i32 to index
              %get3A_577 = arith.index_cast %multiple_of3A_559 : i32 to index
              %get3A_578 = tpu.vector_load %arg14[%get3A_576, %get3A_577] {strides = array<i32>} : memref<201x128xf32, #tpu.memory_space<vmem>>, vector<16xf32>,
              %add3A_579 = arith.constant 2 : i32
              %add3A_580 = arith.addi %mul3A_511, %add3A_579 : i32
              %swap3A_581 = arith.index_cast %add3A_580 : i32 to index
              %swap3A_582 = arith.index_cast %multiple_of3A_559 : i32 to index
              %swap3A_583 = tpu.vector_load %arg15[%swap3A_581, %swap3A_582] {strides = array<i32>} : memref<64x128xf32, #tpu.memory_space<vmem>>, vector<16xf32>,
              tpu.vector_store %arg15[%swap3A_581, %swap3A_582], %get3A_578 {add = true, strides = array<i32>} : memref<64x128xf32, #tpu.memory_space<vmem>>, vector<16xf32>,
              %get3A_584 = arith.index_cast %squeeze3A_522 : i32 to index
              %get3A_585 = arith.index_cast %multiple_of3A_559 : i32 to index
              %get3A_586 = tpu.vector_load %arg14[%get3A_584, %get3A_585] {strides = array<i32>} : memref<201x128xf32, #tpu.memory_space<vmem>>, vector<16xf32>,
              %add3A_587 = arith.constant 3 : i32
              %add3A_588 = arith.addi %mul3A_511, %add3A_587 : i32
              %swap3A_589 = arith.index_cast %add3A_588 : i32 to index
              %swap3A_590 = arith.index_cast %multiple_of3A_559 : i32 to index
              %swap3A_591 = tpu.vector_load %arg15[%swap3A_589, %swap3A_590] {strides = array<i32>} : memref<64x128xf32, #tpu.memory_space<vmem>>, vector<16xf32>,
              tpu.vector_store %arg15[%swap3A_589, %swap3A_590], %get3A_586 {add = true, strides = array<i32>} : memref<64x128xf32, #tpu.memory_space<vmem>>, vector<16xf32>,
              %get3A_592 = arith.index_cast %squeeze3A_524 : i32 to index
              %get3A_593 = arith.index_cast %multiple_of3A_559 : i32 to index
              %get3A_594 = tpu.vector_load %arg14[%get3A_592, %get3A_593] {strides = array<i32>} : memref<201x128xf32, #tpu.memory_space<vmem>>, vector<16xf32>,
              %add3A_595 = arith.constant 4 : i32
              %add3A_596 = arith.addi %mul3A_511, %add3A_595 : i32
              %swap3A_597 = arith.index_cast %add3A_596 : i32 to index
              %swap3A_598 = arith.index_cast %multiple_of3A_559 : i32 to index
              %swap3A_599 = tpu.vector_load %arg15[%swap3A_597, %swap3A_598] {strides = array<i32>} : memref<64x128xf32, #tpu.memory_space<vmem>>, vector<16xf32>,
              tpu.vector_store %arg15[%swap3A_597, %swap3A_598], %get3A_594 {add = true, strides = array<i32>} : memref<64x128xf32, #tpu.memory_space<vmem>>, vector<16xf32>,
              %get3A_600 = arith.index_cast %squeeze3A_526 : i32 to index
              %get3A_601 = arith.index_cast %multiple_of3A_559 : i32 to index
              %get3A_602 = tpu.vector_load %arg14[%get3A_600, %get3A_601] {strides = array<i32>} : memref<201x128xf32, #tpu.memory_space<vmem>>, vector<16xf32>,
              %add3A_603 = arith.constant 5 : i32
              %add3A_604 = arith.addi %mul3A_511, %add3A_603 : i32
              %swap3A_605 = arith.index_cast %add3A_604 : i32 to index
              %swap3A_606 = arith.index_cast %multiple_of3A_559 : i32 to index
              %swap3A_607 = tpu.vector_load %arg15[%swap3A_605, %swap3A_606] {strides = array<i32>} : memref<64x128xf32, #tpu.memory_space<vmem>>, vector<16xf32>,
              tpu.vector_store %arg15[%swap3A_605, %swap3A_606], %get3A_602 {add = true, strides = array<i32>} : memref<64x128xf32, #tpu.memory_space<vmem>>, vector<16xf32>,
              %get3A_608 = arith.index_cast %squeeze3A_528 : i32 to index
              %get3A_609 = arith.index_cast %multiple_of3A_559 : i32 to index
              %get3A_610 = tpu.vector_load %arg14[%get3A_608, %get3A_609] {strides = array<i32>} : memref<201x128xf32, #tpu.memory_space<vmem>>, vector<16xf32>,
              %add3A_611 = arith.constant 6 : i32
              %add3A_612 = arith.addi %mul3A_511, %add3A_611 : i32
              %swap3A_613 = arith.index_cast %add3A_612 : i32 to index
              %swap3A_614 = arith.index_cast %multiple_of3A_559 : i32 to index
              %swap3A_615 = tpu.vector_load %arg15[%swap3A_613, %swap3A_614] {strides = array<i32>} : memref<64x128xf32, #tpu.memory_space<vmem>>, vector<16xf32>,
              tpu.vector_store %arg15[%swap3A_613, %swap3A_614], %get3A_610 {add = true, strides = array<i32>} : memref<64x128xf32, #tpu.memory_space<vmem>>, vector<16xf32>,
              %get3A_616 = arith.index_cast %squeeze3A_530 : i32 to index
              %get3A_617 = arith.index_cast %multiple_of3A_559 : i32 to index
              %get3A_618 = tpu.vector_load %arg14[%get3A_616, %get3A_617] {strides = array<i32>} : memref<201x128xf32, #tpu.memory_space<vmem>>, vector<16xf32>,
              %add3A_619 = arith.constant 7 : i32
              %add3A_620 = arith.addi %mul3A_511, %add3A_619 : i32
              %swap3A_621 = arith.index_cast %add3A_620 : i32 to index
              %swap3A_622 = arith.index_cast %multiple_of3A_559 : i32 to index
              %swap3A_623 = tpu.vector_load %arg15[%swap3A_621, %swap3A_622] {strides = array<i32>} : memref<64x128xf32, #tpu.memory_space<vmem>>, vector<16xf32>,
              tpu.vector_store %arg15[%swap3A_621, %swap3A_622], %get3A_618 {add = true, strides = array<i32>} : memref<64x128xf32, #tpu.memory_space<vmem>>, vector<16xf32>,
              %get3A_624 = arith.index_cast %squeeze3A_532 : i32 to index
              %get3A_625 = arith.index_cast %multiple_of3A_559 : i32 to index
              %get3A_626 = tpu.vector_load %arg14[%get3A_624, %get3A_625] {strides = array<i32>} : memref<201x128xf32, #tpu.memory_space<vmem>>, vector<16xf32>,
              %add3A_627 = arith.constant 8 : i32
              %add3A_628 = arith.addi %mul3A_511, %add3A_627 : i32
              %swap3A_629 = arith.index_cast %add3A_628 : i32 to index
              %swap3A_630 = arith.index_cast %multiple_of3A_559 : i32 to index
              %swap3A_631 = tpu.vector_load %arg15[%swap3A_629, %swap3A_630] {strides = array<i32>} : memref<64x128xf32, #tpu.memory_space<vmem>>, vector<16xf32>,
              tpu.vector_store %arg15[%swap3A_629, %swap3A_630], %get3A_626 {add = true, strides = array<i32>} : memref<64x128xf32, #tpu.memory_space<vmem>>, vector<16xf32>,
              %get3A_632 = arith.index_cast %squeeze3A_534 : i32 to index
              %get3A_633 = arith.index_cast %multiple_of3A_559 : i32 to index
              %get3A_634 = tpu.vector_load %arg14[%get3A_632, %get3A_633] {strides = array<i32>} : memref<201x128xf32, #tpu.memory_space<vmem>>, vector<16xf32>,
              %add3A_635 = arith.constant 9 : i32
              %add3A_636 = arith.addi %mul3A_511, %add3A_635 : i32
              %swap3A_637 = arith.index_cast %add3A_636 : i32 to index
              %swap3A_638 = arith.index_cast %multiple_of3A_559 : i32 to index
              %swap3A_639 = tpu.vector_load %arg15[%swap3A_637, %swap3A_638] {strides = array<i32>} : memref<64x128xf32, #tpu.memory_space<vmem>>, vector<16xf32>,
              tpu.vector_store %arg15[%swap3A_637, %swap3A_638], %get3A_634 {add = true, strides = array<i32>} : memref<64x128xf32, #tpu.memory_space<vmem>>, vector<16xf32>,
              %get3A_640 = arith.index_cast %squeeze3A_536 : i32 to index
              %get3A_641 = arith.index_cast %multiple_of3A_559 : i32 to index
              %get3A_642 = tpu.vector_load %arg14[%get3A_640, %get3A_641] {strides = array<i32>} : memref<201x128xf32, #tpu.memory_space<vmem>>, vector<16xf32>,
              %add3A_643 = arith.constant 10 : i32
              %add3A_644 = arith.addi %mul3A_511, %add3A_643 : i32
              %swap3A_645 = arith.index_cast %add3A_644 : i32 to index
              %swap3A_646 = arith.index_cast %multiple_of3A_559 : i32 to index
              %swap3A_647 = tpu.vector_load %arg15[%swap3A_645, %swap3A_646] {strides = array<i32>} : memref<64x128xf32, #tpu.memory_space<vmem>>, vector<16xf32>,
              tpu.vector_store %arg15[%swap3A_645, %swap3A_646], %get3A_642 {add = true, strides = array<i32>} : memref<64x128xf32, #tpu.memory_space<vmem>>, vector<16xf32>,
              %get3A_648 = arith.index_cast %squeeze3A_538 : i32 to index
              %get3A_649 = arith.index_cast %multiple_of3A_559 : i32 to index
              %get3A_650 = tpu.vector_load %arg14[%get3A_648, %get3A_649] {strides = array<i32>} : memref<201x128xf32, #tpu.memory_space<vmem>>, vector<16xf32>,
              %add3A_651 = arith.constant 11 : i32
              %add3A_652 = arith.addi %mul3A_511, %add3A_651 : i32
              %swap3A_653 = arith.index_cast %add3A_652 : i32 to index
              %swap3A_654 = arith.index_cast %multiple_of3A_559 : i32 to index
              %swap3A_655 = tpu.vector_load %arg15[%swap3A_653, %swap3A_654] {strides = array<i32>} : memref<64x128xf32, #tpu.memory_space<vmem>>, vector<16xf32>,
              tpu.vector_store %arg15[%swap3A_653, %swap3A_654], %get3A_650 {add = true, strides = array<i32>} : memref<64x128xf32, #tpu.memory_space<vmem>>, vector<16xf32>,
              %get3A_656 = arith.index_cast %squeeze3A_540 : i32 to index
              %get3A_657 = arith.index_cast %multiple_of3A_559 : i32 to index
              %get3A_658 = tpu.vector_load %arg14[%get3A_656, %get3A_657] {strides = array<i32>} : memref<201x128xf32, #tpu.memory_space<vmem>>, vector<16xf32>,
              %add3A_659 = arith.constant 12 : i32
              %add3A_660 = arith.addi %mul3A_511, %add3A_659 : i32
              %swap3A_661 = arith.index_cast %add3A_660 : i32 to index
              %swap3A_662 = arith.index_cast %multiple_of3A_559 : i32 to index
              %swap3A_663 = tpu.vector_load %arg15[%swap3A_661, %swap3A_662] {strides = array<i32>} : memref<64x128xf32, #tpu.memory_space<vmem>>, vector<16xf32>,
              tpu.vector_store %arg15[%swap3A_661, %swap3A_662], %get3A_658 {add = true, strides = array<i32>} : memref<64x128xf32, #tpu.memory_space<vmem>>, vector<16xf32>,
              %get3A_664 = arith.index_cast %squeeze3A_542 : i32 to index
              %get3A_665 = arith.index_cast %multiple_of3A_559 : i32 to index
              %get3A_666 = tpu.vector_load %arg14[%get3A_664, %get3A_665] {strides = array<i32>} : memref<201x128xf32, #tpu.memory_space<vmem>>, vector<16xf32>,
              %add3A_667 = arith.constant 13 : i32
              %add3A_668 = arith.addi %mul3A_511, %add3A_667 : i32
              %swap3A_669 = arith.index_cast %add3A_668 : i32 to index
              %swap3A_670 = arith.index_cast %multiple_of3A_559 : i32 to index
              %swap3A_671 = tpu.vector_load %arg15[%swap3A_669, %swap3A_670] {strides = array<i32>} : memref<64x128xf32, #tpu.memory_space<vmem>>, vector<16xf32>,
              tpu.vector_store %arg15[%swap3A_669, %swap3A_670], %get3A_666 {add = true, strides = array<i32>} : memref<64x128xf32, #tpu.memory_space<vmem>>, vector<16xf32>,
              %get3A_672 = arith.index_cast %squeeze3A_544 : i32 to index
              %get3A_673 = arith.index_cast %multiple_of3A_559 : i32 to index
              %get3A_674 = tpu.vector_load %arg14[%get3A_672, %get3A_673] {strides = array<i32>} : memref<201x128xf32, #tpu.memory_space<vmem>>, vector<16xf32>,
              %add3A_675 = arith.constant 14 : i32
              %add3A_676 = arith.addi %mul3A_511, %add3A_675 : i32
              %swap3A_677 = arith.index_cast %add3A_676 : i32 to index
              %swap3A_678 = arith.index_cast %multiple_of3A_559 : i32 to index
              %swap3A_679 = tpu.vector_load %arg15[%swap3A_677, %swap3A_678] {strides = array<i32>} : memref<64x128xf32, #tpu.memory_space<vmem>>, vector<16xf32>,
              tpu.vector_store %arg15[%swap3A_677, %swap3A_678], %get3A_674 {add = true, strides = array<i32>} : memref<64x128xf32, #tpu.memory_space<vmem>>, vector<16xf32>,
              %get3A_680 = arith.index_cast %squeeze3A_546 : i32 to index
              %get3A_681 = arith.index_cast %multiple_of3A_559 : i32 to index
              %get3A_682 = tpu.vector_load %arg14[%get3A_680, %get3A_681] {strides = array<i32>} : memref<201x128xf32, #tpu.memory_space<vmem>>, vector<16xf32>,
              %add3A_683 = arith.constant 15 : i32
              %add3A_684 = arith.addi %mul3A_511, %add3A_683 : i32
              %swap3A_685 = arith.index_cast %add3A_684 : i32 to index
              %swap3A_686 = arith.index_cast %multiple_of3A_559 : i32 to index
              %swap3A_687 = tpu.vector_load %arg15[%swap3A_685, %swap3A_686] {strides = array<i32>} : memref<64x128xf32, #tpu.memory_space<vmem>>, vector<16xf32>,
              tpu.vector_store %arg15[%swap3A_685, %swap3A_686], %get3A_682 {add = true, strides = array<i32>} : memref<64x128xf32, #tpu.memory_space<vmem>>, vector<16xf32>,
              %scan3A_688 = arith.constant 0 : i32
              scf.yield %scan3A_688 : i32
            }
            %scan3A_553 = arith.constant 8 : i32
            %scan3A_554 = arith.constant 0 : i32
            scf.yield %scan3A_554 : i32
          }
          %scan3A_505 = arith.constant 4 : i32
          %dma_start3A = arith.constant 0 : i32
          %dma_start3A_506 = arith.constant 0 : i32
          %dma_start3A_507 = tpu.memref_slice %arg6[%dma_start3A, %dma_start3A_506] : memref<204800x128xf32, #tpu.memory_space<hbm>> -> memref<204800x128xf32, #tpu.memory_space<hbm>>
          tpu.enqueue_indirect_dma source(%arg15 : memref<64x128xf32, #tpu.memory_space<vmem>>) target(%dma_start3A_507 : memref<204800x128xf32, #tpu.memory_space<hbm>>) offsets(%arg18 : memref<64xi32, #tpu.memory_space<vmem>>) semaphore(%arg26 : memref<!tpu.dma_semaphore, #tpu.memory_space<semaphore_mem>>)
        } else {
        }
        %eq3A_479 = arith.constant 1 : i32
        %eq3A_480 = arith.cmpi eq, %rem3A_473, %eq3A_479 : i32
        %convert_element_type3A_481 = arith.extui %eq3A_480 : i1 to i32
        %cond3A_482 = arith.constant 0 : i32
        %cond3A_483 = arith.cmpi ne, %convert_element_type3A_481, %cond3A_482 : i32
        scf.if %cond3A_483 {
          %mul3A_485 = arith.constant 64 : i32
          %mul3A_486 = arith.muli %while3A_471, %mul3A_485 : i32
          %add3A_487 = arith.addi %get3A_437, %mul3A_486 : i32
          %multiple_of3A = tpu.assume_multiple %add3A_487, 8 : i32
          %dma_wait3A = arith.constant 0 : i32
          %dma_wait3A_488 = arith.constant 0 : i32
          %dma_wait3A_489 = tpu.memref_slice %arg2[%dma_wait3A, %dma_wait3A_488] : memref<100000x128xf32, #tpu.memory_space<hbm>> -> memref<64x128xf32, #tpu.memory_space<hbm>>
          %dma_wait3A_490 = arith.constant 0 : i32
          %dma_wait3A_491 = arith.constant 0 : i32
          %dma_wait3A_492 = tpu.memref_slice %arg2[%dma_wait3A_490, %dma_wait3A_491] : memref<100000x128xf32, #tpu.memory_space<hbm>> -> memref<64x128xf32, #tpu.memory_space<hbm>>
          tpu.wait_dma2 semaphore(%arg27 : memref<!tpu.dma_semaphore, #tpu.memory_space<semaphore_mem>>) src(%dma_wait3A_492 : memref<64x128xf32, #tpu.memory_space<hbm>>) dst(%arg16 : memref<64x128xf32, #tpu.memory_space<vmem>>)
          %add3A_493 = arith.constant 1 : i32
          %add3A_494 = arith.addi %while3A_471, %add3A_493 : i32
          %lt3A_495 = arith.cmpi slt, %add3A_494, %shift_right_arithmetic3A_444 : i32
          %convert_element_type3A_496 = arith.extui %lt3A_495 : i1 to i32
          %cond3A_497 = arith.constant 0 : i32
          %cond3A_498 = arith.cmpi ne, %convert_element_type3A_496, %cond3A_497 : i32
          scf.if %cond3A_498 {
            %gt3A_508 = arith.constant 0 : i32
            %gt3A_509 = arith.cmpi sgt, %while3A_471, %gt3A_508 : i32
            %convert_element_type3A_510 = arith.extui %gt3A_509 : i1 to i32
            %cond3A_511 = arith.constant 0 : i32
            %cond3A_512 = arith.cmpi ne, %convert_element_type3A_510, %cond3A_511 : i32
            scf.if %cond3A_512 {
              %dma_wait3A_570 = arith.constant 0 : i32
              %dma_wait3A_571 = arith.constant 0 : i32
              %dma_wait3A_572 = tpu.memref_slice %arg6[%dma_wait3A_570, %dma_wait3A_571] : memref<204800x128xf32, #tpu.memory_space<hbm>> -> memref<64x128xf32, #tpu.memory_space<hbm>>
              %dma_wait3A_573 = arith.constant 0 : i32
              %dma_wait3A_574 = arith.constant 0 : i32
              %dma_wait3A_575 = tpu.memref_slice %arg6[%dma_wait3A_573, %dma_wait3A_574] : memref<204800x128xf32, #tpu.memory_space<hbm>> -> memref<64x128xf32, #tpu.memory_space<hbm>>
              tpu.wait_dma2 semaphore(%arg26 : memref<!tpu.dma_semaphore, #tpu.memory_space<semaphore_mem>>) src(%arg15 : memref<64x128xf32, #tpu.memory_space<vmem>>) dst(%dma_wait3A_575 : memref<64x128xf32, #tpu.memory_space<hbm>>)
            } else {
            }
            %add3A_513 = arith.constant 1 : i32
            %add3A_514 = arith.addi %while3A_471, %add3A_513 : i32
            %mul3A_515 = arith.constant 64 : i32
            %mul3A_516 = arith.muli %add3A_514, %mul3A_515 : i32
            %add3A_517 = arith.addi %get3A_437, %mul3A_516 : i32
            %multiple_of3A_518 = tpu.assume_multiple %add3A_517, 8 : i32
            %add3A_519 = arith.constant 0 : i32
            %add3A_520 = arith.addi %multiple_of3A_518, %add3A_519 : i32
            %get3A_521 = arith.index_cast %add3A_520 : i32 to index
            %get3A_522 = tpu.vector_load %arg11[%get3A_521] {strides = array<i32>} : memref<9536xi32, #tpu.memory_space<vmem>>, vector<16xi32>,
            %swap3A_523 = arith.constant 0 : index
            %swap3A_524 = tpu.vector_load %arg17[%swap3A_523] {strides = array<i32>} : memref<64xi32, #tpu.memory_space<vmem>>, vector<16xi32>,
            tpu.vector_store %arg17[%swap3A_523], %get3A_522 {strides = array<i32>} : memref<64xi32, #tpu.memory_space<vmem>>, vector<16xi32>,
            %add3A_525 = arith.constant 0 : i32
            %add3A_526 = arith.addi %multiple_of3A_518, %add3A_525 : i32
            %get3A_527 = arith.index_cast %add3A_526 : i32 to index
            %get3A_528 = tpu.vector_load %arg12[%get3A_527] {strides = array<i32>} : memref<9536xi32, #tpu.memory_space<vmem>>, vector<16xi32>,
            %swap3A_529 = arith.constant 0 : index
            %swap3A_530 = tpu.vector_load %arg18[%swap3A_529] {strides = array<i32>} : memref<64xi32, #tpu.memory_space<vmem>>, vector<16xi32>,
            tpu.vector_store %arg18[%swap3A_529], %get3A_528 {strides = array<i32>} : memref<64xi32, #tpu.memory_space<vmem>>, vector<16xi32>,
            %add3A_531 = arith.constant 16 : i32
            %add3A_532 = arith.addi %multiple_of3A_518, %add3A_531 : i32
            %get3A_533 = arith.index_cast %add3A_532 : i32 to index
            %get3A_534 = tpu.vector_load %arg11[%get3A_533] {strides = array<i32>} : memref<9536xi32, #tpu.memory_space<vmem>>, vector<16xi32>,
            %swap3A_535 = arith.constant 16 : index
            %swap3A_536 = tpu.vector_load %arg17[%swap3A_535] {strides = array<i32>} : memref<64xi32, #tpu.memory_space<vmem>>, vector<16xi32>,
            tpu.vector_store %arg17[%swap3A_535], %get3A_534 {strides = array<i32>} : memref<64xi32, #tpu.memory_space<vmem>>, vector<16xi32>,
            %add3A_537 = arith.constant 16 : i32
            %add3A_538 = arith.addi %multiple_of3A_518, %add3A_537 : i32
            %get3A_539 = arith.index_cast %add3A_538 : i32 to index
            %get3A_540 = tpu.vector_load %arg12[%get3A_539] {strides = array<i32>} : memref<9536xi32, #tpu.memory_space<vmem>>, vector<16xi32>,
            %swap3A_541 = arith.constant 16 : index
            %swap3A_542 = tpu.vector_load %arg18[%swap3A_541] {strides = array<i32>} : memref<64xi32, #tpu.memory_space<vmem>>, vector<16xi32>,
            tpu.vector_store %arg18[%swap3A_541], %get3A_540 {strides = array<i32>} : memref<64xi32, #tpu.memory_space<vmem>>, vector<16xi32>,
            %add3A_543 = arith.constant 32 : i32
            %add3A_544 = arith.addi %multiple_of3A_518, %add3A_543 : i32
            %get3A_545 = arith.index_cast %add3A_544 : i32 to index
            %get3A_546 = tpu.vector_load %arg11[%get3A_545] {strides = array<i32>} : memref<9536xi32, #tpu.memory_space<vmem>>, vector<16xi32>,
            %swap3A_547 = arith.constant 32 : index
            %swap3A_548 = tpu.vector_load %arg17[%swap3A_547] {strides = array<i32>} : memref<64xi32, #tpu.memory_space<vmem>>, vector<16xi32>,
            tpu.vector_store %arg17[%swap3A_547], %get3A_546 {strides = array<i32>} : memref<64xi32, #tpu.memory_space<vmem>>, vector<16xi32>,
            %add3A_549 = arith.constant 32 : i32
            %add3A_550 = arith.addi %multiple_of3A_518, %add3A_549 : i32
            %get3A_551 = arith.index_cast %add3A_550 : i32 to index
            %get3A_552 = tpu.vector_load %arg12[%get3A_551] {strides = array<i32>} : memref<9536xi32, #tpu.memory_space<vmem>>, vector<16xi32>,
            %swap3A_553 = arith.constant 32 : index
            %swap3A_554 = tpu.vector_load %arg18[%swap3A_553] {strides = array<i32>} : memref<64xi32, #tpu.memory_space<vmem>>, vector<16xi32>,
            tpu.vector_store %arg18[%swap3A_553], %get3A_552 {strides = array<i32>} : memref<64xi32, #tpu.memory_space<vmem>>, vector<16xi32>,
            %add3A_555 = arith.constant 48 : i32
            %add3A_556 = arith.addi %multiple_of3A_518, %add3A_555 : i32
            %get3A_557 = arith.index_cast %add3A_556 : i32 to index
            %get3A_558 = tpu.vector_load %arg11[%get3A_557] {strides = array<i32>} : memref<9536xi32, #tpu.memory_space<vmem>>, vector<16xi32>,
            %swap3A_559 = arith.constant 48 : index
            %swap3A_560 = tpu.vector_load %arg17[%swap3A_559] {strides = array<i32>} : memref<64xi32, #tpu.memory_space<vmem>>, vector<16xi32>,
            tpu.vector_store %arg17[%swap3A_559], %get3A_558 {strides = array<i32>} : memref<64xi32, #tpu.memory_space<vmem>>, vector<16xi32>,
            %add3A_561 = arith.constant 48 : i32
            %add3A_562 = arith.addi %multiple_of3A_518, %add3A_561 : i32
            %get3A_563 = arith.index_cast %add3A_562 : i32 to index
            %get3A_564 = tpu.vector_load %arg12[%get3A_563] {strides = array<i32>} : memref<9536xi32, #tpu.memory_space<vmem>>, vector<16xi32>,
            %swap3A_565 = arith.constant 48 : index
            %swap3A_566 = tpu.vector_load %arg18[%swap3A_565] {strides = array<i32>} : memref<64xi32, #tpu.memory_space<vmem>>, vector<16xi32>,
            tpu.vector_store %arg18[%swap3A_565], %get3A_564 {strides = array<i32>} : memref<64xi32, #tpu.memory_space<vmem>>, vector<16xi32>,
            %dma_start3A_567 = arith.constant 0 : i32
            %dma_start3A_568 = arith.constant 0 : i32
            %dma_start3A_569 = tpu.memref_slice %arg24[%dma_start3A_567, %dma_start3A_568] : memref<2048x128xf32, #tpu.memory_space<vmem_shared>> -> memref<2048x128xf32, #tpu.memory_space<vmem_shared>>
            tpu.enqueue_indirect_dma source(%dma_start3A_569 : memref<2048x128xf32, #tpu.memory_space<vmem_shared>>) target(%arg15 : memref<64x128xf32, #tpu.memory_space<vmem>>) offsets(%arg17 : memref<64xi32, #tpu.memory_space<vmem>>) semaphore(%arg25 : memref<!tpu.dma_semaphore, #tpu.memory_space<semaphore_mem>>)
          } else {
          }
          %scan3A_499 = arith.constant 0 : i32
          %scan3A_500 = arith.constant 0 : i32
          %scan3A_501 = arith.constant 4 : i32
          %scan3A_502 = arith.addi %scan3A_500, %scan3A_501 : i32
          %scan3A_503 = arith.constant 1 : i32
          %scan3A_504 = scf.for %scan3A_508 = %scan3A_500 to %scan3A_502 step %scan3A_503 iter_args(%scan3A_509 = %scan3A_499) -> (i32)  : i32 {
            %mul3A_510 = arith.constant 16 : i32
            %mul3A_511 = arith.muli %scan3A_508, %mul3A_510 : i32
            %add3A_512 = arith.addi %multiple_of3A, %mul3A_511 : i32
            %get3A_513 = arith.index_cast %add3A_512 : i32 to index
            %get3A_514 = tpu.vector_load %arg13[%get3A_513] {strides = array<i32>} : memref<9536xi32, #tpu.memory_space<vmem>>, vector<16xi32>,
            %slice3A_515 = vector.extract_strided_slice %get3A_514 {offsets = [0], sizes = [1], strides = [1]} : vector<16xi32> to vector<1xi32>
            %squeeze3A_516 = vector.extract %slice3A_515[0] : i32 from vector<1xi32>
            %slice3A_517 = vector.extract_strided_slice %get3A_514 {offsets = [1], sizes = [1], strides = [1]} : vector<16xi32> to vector<1xi32>
            %squeeze3A_518 = vector.extract %slice3A_517[0] : i32 from vector<1xi32>
            %slice3A_519 = vector.extract_strided_slice %get3A_514 {offsets = [2], sizes = [1], strides = [1]} : vector<16xi32> to vector<1xi32>
            %squeeze3A_520 = vector.extract %slice3A_519[0] : i32 from vector<1xi32>
            %slice3A_521 = vector.extract_strided_slice %get3A_514 {offsets = [3], sizes = [1], strides = [1]} : vector<16xi32> to vector<1xi32>
            %squeeze3A_522 = vector.extract %slice3A_521[0] : i32 from vector<1xi32>
            %slice3A_523 = vector.extract_strided_slice %get3A_514 {offsets = [4], sizes = [1], strides = [1]} : vector<16xi32> to vector<1xi32>
            %squeeze3A_524 = vector.extract %slice3A_523[0] : i32 from vector<1xi32>
            %slice3A_525 = vector.extract_strided_slice %get3A_514 {offsets = [5], sizes = [1], strides = [1]} : vector<16xi32> to vector<1xi32>
            %squeeze3A_526 = vector.extract %slice3A_525[0] : i32 from vector<1xi32>
            %slice3A_527 = vector.extract_strided_slice %get3A_514 {offsets = [6], sizes = [1], strides = [1]} : vector<16xi32> to vector<1xi32>
            %squeeze3A_528 = vector.extract %slice3A_527[0] : i32 from vector<1xi32>
            %slice3A_529 = vector.extract_strided_slice %get3A_514 {offsets = [7], sizes = [1], strides = [1]} : vector<16xi32> to vector<1xi32>
            %squeeze3A_530 = vector.extract %slice3A_529[0] : i32 from vector<1xi32>
            %slice3A_531 = vector.extract_strided_slice %get3A_514 {offsets = [8], sizes = [1], strides = [1]} : vector<16xi32> to vector<1xi32>
            %squeeze3A_532 = vector.extract %slice3A_531[0] : i32 from vector<1xi32>
            %slice3A_533 = vector.extract_strided_slice %get3A_514 {offsets = [9], sizes = [1], strides = [1]} : vector<16xi32> to vector<1xi32>
            %squeeze3A_534 = vector.extract %slice3A_533[0] : i32 from vector<1xi32>
            %slice3A_535 = vector.extract_strided_slice %get3A_514 {offsets = [10], sizes = [1], strides = [1]} : vector<16xi32> to vector<1xi32>
            %squeeze3A_536 = vector.extract %slice3A_535[0] : i32 from vector<1xi32>
            %slice3A_537 = vector.extract_strided_slice %get3A_514 {offsets = [11], sizes = [1], strides = [1]} : vector<16xi32> to vector<1xi32>
            %squeeze3A_538 = vector.extract %slice3A_537[0] : i32 from vector<1xi32>
            %slice3A_539 = vector.extract_strided_slice %get3A_514 {offsets = [12], sizes = [1], strides = [1]} : vector<16xi32> to vector<1xi32>
            %squeeze3A_540 = vector.extract %slice3A_539[0] : i32 from vector<1xi32>
            %slice3A_541 = vector.extract_strided_slice %get3A_514 {offsets = [13], sizes = [1], strides = [1]} : vector<16xi32> to vector<1xi32>
            %squeeze3A_542 = vector.extract %slice3A_541[0] : i32 from vector<1xi32>
            %slice3A_543 = vector.extract_strided_slice %get3A_514 {offsets = [14], sizes = [1], strides = [1]} : vector<16xi32> to vector<1xi32>
            %squeeze3A_544 = vector.extract %slice3A_543[0] : i32 from vector<1xi32>
            %slice3A_545 = vector.extract_strided_slice %get3A_514 {offsets = [15], sizes = [1], strides = [1]} : vector<16xi32> to vector<1xi32>
            %squeeze3A_546 = vector.extract %slice3A_545[0] : i32 from vector<1xi32>
            %scan3A_547 = arith.constant 0 : i32
            %scan3A_548 = arith.constant 0 : i32
            %scan3A_549 = arith.constant 8 : i32
            %scan3A_550 = arith.addi %scan3A_548, %scan3A_549 : i32
            %scan3A_551 = arith.constant 1 : i32
            %scan3A_552 = scf.for %scan3A_555 = %scan3A_548 to %scan3A_550 step %scan3A_551 iter_args(%scan3A_556 = %scan3A_547) -> (i32)  : i32 {
              %mul3A_557 = arith.constant 16 : i32
              %mul3A_558 = arith.muli %scan3A_555, %mul3A_557 : i32
              %multiple_of3A_559 = tpu.assume_multiple %mul3A_558, 16 : i32
              %get3A_560 = arith.index_cast %squeeze3A_516 : i32 to index
              %get3A_561 = arith.index_cast %multiple_of3A_559 : i32 to index
              %get3A_562 = tpu.vector_load %arg14[%get3A_560, %get3A_561] {strides = array<i32>} : memref<201x128xf32, #tpu.memory_space<vmem>>, vector<16xf32>,
              %add3A_563 = arith.constant 0 : i32
              %add3A_564 = arith.addi %mul3A_511, %add3A_563 : i32
              %swap3A_565 = arith.index_cast %add3A_564 : i32 to index
              %swap3A_566 = arith.index_cast %multiple_of3A_559 : i32 to index
              %swap3A_567 = tpu.vector_load %arg16[%swap3A_565, %swap3A_566] {strides = array<i32>} : memref<64x128xf32, #tpu.memory_space<vmem>>, vector<16xf32>,
              tpu.vector_store %arg16[%swap3A_565, %swap3A_566], %get3A_562 {add = true, strides = array<i32>} : memref<64x128xf32, #tpu.memory_space<vmem>>, vector<16xf32>,
              %get3A_568 = arith.index_cast %squeeze3A_518 : i32 to index
              %get3A_569 = arith.index_cast %multiple_of3A_559 : i32 to index
              %get3A_570 = tpu.vector_load %arg14[%get3A_568, %get3A_569] {strides = array<i32>} : memref<201x128xf32, #tpu.memory_space<vmem>>, vector<16xf32>,
              %add3A_571 = arith.constant 1 : i32
              %add3A_572 = arith.addi %mul3A_511, %add3A_571 : i32
              %swap3A_573 = arith.index_cast %add3A_572 : i32 to index
              %swap3A_574 = arith.index_cast %multiple_of3A_559 : i32 to index
              %swap3A_575 = tpu.vector_load %arg16[%swap3A_573, %swap3A_574] {strides = array<i32>} : memref<64x128xf32, #tpu.memory_space<vmem>>, vector<16xf32>,
              tpu.vector_store %arg16[%swap3A_573, %swap3A_574], %get3A_570 {add = true, strides = array<i32>} : memref<64x128xf32, #tpu.memory_space<vmem>>, vector<16xf32>,
              %get3A_576 = arith.index_cast %squeeze3A_520 : i32 to index
              %get3A_577 = arith.index_cast %multiple_of3A_559 : i32 to index
              %get3A_578 = tpu.vector_load %arg14[%get3A_576, %get3A_577] {strides = array<i32>} : memref<201x128xf32, #tpu.memory_space<vmem>>, vector<16xf32>,
              %add3A_579 = arith.constant 2 : i32
              %add3A_580 = arith.addi %mul3A_511, %add3A_579 : i32
              %swap3A_581 = arith.index_cast %add3A_580 : i32 to index
              %swap3A_582 = arith.index_cast %multiple_of3A_559 : i32 to index
              %swap3A_583 = tpu.vector_load %arg16[%swap3A_581, %swap3A_582] {strides = array<i32>} : memref<64x128xf32, #tpu.memory_space<vmem>>, vector<16xf32>,
              tpu.vector_store %arg16[%swap3A_581, %swap3A_582], %get3A_578 {add = true, strides = array<i32>} : memref<64x128xf32, #tpu.memory_space<vmem>>, vector<16xf32>,
              %get3A_584 = arith.index_cast %squeeze3A_522 : i32 to index
              %get3A_585 = arith.index_cast %multiple_of3A_559 : i32 to index
              %get3A_586 = tpu.vector_load %arg14[%get3A_584, %get3A_585] {strides = array<i32>} : memref<201x128xf32, #tpu.memory_space<vmem>>, vector<16xf32>,
              %add3A_587 = arith.constant 3 : i32
              %add3A_588 = arith.addi %mul3A_511, %add3A_587 : i32
              %swap3A_589 = arith.index_cast %add3A_588 : i32 to index
              %swap3A_590 = arith.index_cast %multiple_of3A_559 : i32 to index
              %swap3A_591 = tpu.vector_load %arg16[%swap3A_589, %swap3A_590] {strides = array<i32>} : memref<64x128xf32, #tpu.memory_space<vmem>>, vector<16xf32>,
              tpu.vector_store %arg16[%swap3A_589, %swap3A_590], %get3A_586 {add = true, strides = array<i32>} : memref<64x128xf32, #tpu.memory_space<vmem>>, vector<16xf32>,
              %get3A_592 = arith.index_cast %squeeze3A_524 : i32 to index
              %get3A_593 = arith.index_cast %multiple_of3A_559 : i32 to index
              %get3A_594 = tpu.vector_load %arg14[%get3A_592, %get3A_593] {strides = array<i32>} : memref<201x128xf32, #tpu.memory_space<vmem>>, vector<16xf32>,
              %add3A_595 = arith.constant 4 : i32
              %add3A_596 = arith.addi %mul3A_511, %add3A_595 : i32
              %swap3A_597 = arith.index_cast %add3A_596 : i32 to index
              %swap3A_598 = arith.index_cast %multiple_of3A_559 : i32 to index
              %swap3A_599 = tpu.vector_load %arg16[%swap3A_597, %swap3A_598] {strides = array<i32>} : memref<64x128xf32, #tpu.memory_space<vmem>>, vector<16xf32>,
              tpu.vector_store %arg16[%swap3A_597, %swap3A_598], %get3A_594 {add = true, strides = array<i32>} : memref<64x128xf32, #tpu.memory_space<vmem>>, vector<16xf32>,
              %get3A_600 = arith.index_cast %squeeze3A_526 : i32 to index
              %get3A_601 = arith.index_cast %multiple_of3A_559 : i32 to index
              %get3A_602 = tpu.vector_load %arg14[%get3A_600, %get3A_601] {strides = array<i32>} : memref<201x128xf32, #tpu.memory_space<vmem>>, vector<16xf32>,
              %add3A_603 = arith.constant 5 : i32
              %add3A_604 = arith.addi %mul3A_511, %add3A_603 : i32
              %swap3A_605 = arith.index_cast %add3A_604 : i32 to index
              %swap3A_606 = arith.index_cast %multiple_of3A_559 : i32 to index
              %swap3A_607 = tpu.vector_load %arg16[%swap3A_605, %swap3A_606] {strides = array<i32>} : memref<64x128xf32, #tpu.memory_space<vmem>>, vector<16xf32>,
              tpu.vector_store %arg16[%swap3A_605, %swap3A_606], %get3A_602 {add = true, strides = array<i32>} : memref<64x128xf32, #tpu.memory_space<vmem>>, vector<16xf32>,
              %get3A_608 = arith.index_cast %squeeze3A_528 : i32 to index
              %get3A_609 = arith.index_cast %multiple_of3A_559 : i32 to index
              %get3A_610 = tpu.vector_load %arg14[%get3A_608, %get3A_609] {strides = array<i32>} : memref<201x128xf32, #tpu.memory_space<vmem>>, vector<16xf32>,
              %add3A_611 = arith.constant 6 : i32
              %add3A_612 = arith.addi %mul3A_511, %add3A_611 : i32
              %swap3A_613 = arith.index_cast %add3A_612 : i32 to index
              %swap3A_614 = arith.index_cast %multiple_of3A_559 : i32 to index
              %swap3A_615 = tpu.vector_load %arg16[%swap3A_613, %swap3A_614] {strides = array<i32>} : memref<64x128xf32, #tpu.memory_space<vmem>>, vector<16xf32>,
              tpu.vector_store %arg16[%swap3A_613, %swap3A_614], %get3A_610 {add = true, strides = array<i32>} : memref<64x128xf32, #tpu.memory_space<vmem>>, vector<16xf32>,
              %get3A_616 = arith.index_cast %squeeze3A_530 : i32 to index
              %get3A_617 = arith.index_cast %multiple_of3A_559 : i32 to index
              %get3A_618 = tpu.vector_load %arg14[%get3A_616, %get3A_617] {strides = array<i32>} : memref<201x128xf32, #tpu.memory_space<vmem>>, vector<16xf32>,
              %add3A_619 = arith.constant 7 : i32
              %add3A_620 = arith.addi %mul3A_511, %add3A_619 : i32
              %swap3A_621 = arith.index_cast %add3A_620 : i32 to index
              %swap3A_622 = arith.index_cast %multiple_of3A_559 : i32 to index
              %swap3A_623 = tpu.vector_load %arg16[%swap3A_621, %swap3A_622] {strides = array<i32>} : memref<64x128xf32, #tpu.memory_space<vmem>>, vector<16xf32>,
              tpu.vector_store %arg16[%swap3A_621, %swap3A_622], %get3A_618 {add = true, strides = array<i32>} : memref<64x128xf32, #tpu.memory_space<vmem>>, vector<16xf32>,
              %get3A_624 = arith.index_cast %squeeze3A_532 : i32 to index
              %get3A_625 = arith.index_cast %multiple_of3A_559 : i32 to index
              %get3A_626 = tpu.vector_load %arg14[%get3A_624, %get3A_625] {strides = array<i32>} : memref<201x128xf32, #tpu.memory_space<vmem>>, vector<16xf32>,
              %add3A_627 = arith.constant 8 : i32
              %add3A_628 = arith.addi %mul3A_511, %add3A_627 : i32
              %swap3A_629 = arith.index_cast %add3A_628 : i32 to index
              %swap3A_630 = arith.index_cast %multiple_of3A_559 : i32 to index
              %swap3A_631 = tpu.vector_load %arg16[%swap3A_629, %swap3A_630] {strides = array<i32>} : memref<64x128xf32, #tpu.memory_space<vmem>>, vector<16xf32>,
              tpu.vector_store %arg16[%swap3A_629, %swap3A_630], %get3A_626 {add = true, strides = array<i32>} : memref<64x128xf32, #tpu.memory_space<vmem>>, vector<16xf32>,
              %get3A_632 = arith.index_cast %squeeze3A_534 : i32 to index
              %get3A_633 = arith.index_cast %multiple_of3A_559 : i32 to index
              %get3A_634 = tpu.vector_load %arg14[%get3A_632, %get3A_633] {strides = array<i32>} : memref<201x128xf32, #tpu.memory_space<vmem>>, vector<16xf32>,
              %add3A_635 = arith.constant 9 : i32
              %add3A_636 = arith.addi %mul3A_511, %add3A_635 : i32
              %swap3A_637 = arith.index_cast %add3A_636 : i32 to index
              %swap3A_638 = arith.index_cast %multiple_of3A_559 : i32 to index
              %swap3A_639 = tpu.vector_load %arg16[%swap3A_637, %swap3A_638] {strides = array<i32>} : memref<64x128xf32, #tpu.memory_space<vmem>>, vector<16xf32>,
              tpu.vector_store %arg16[%swap3A_637, %swap3A_638], %get3A_634 {add = true, strides = array<i32>} : memref<64x128xf32, #tpu.memory_space<vmem>>, vector<16xf32>,
              %get3A_640 = arith.index_cast %squeeze3A_536 : i32 to index
              %get3A_641 = arith.index_cast %multiple_of3A_559 : i32 to index
              %get3A_642 = tpu.vector_load %arg14[%get3A_640, %get3A_641] {strides = array<i32>} : memref<201x128xf32, #tpu.memory_space<vmem>>, vector<16xf32>,
              %add3A_643 = arith.constant 10 : i32
              %add3A_644 = arith.addi %mul3A_511, %add3A_643 : i32
              %swap3A_645 = arith.index_cast %add3A_644 : i32 to index
              %swap3A_646 = arith.index_cast %multiple_of3A_559 : i32 to index
              %swap3A_647 = tpu.vector_load %arg16[%swap3A_645, %swap3A_646] {strides = array<i32>} : memref<64x128xf32, #tpu.memory_space<vmem>>, vector<16xf32>,
              tpu.vector_store %arg16[%swap3A_645, %swap3A_646], %get3A_642 {add = true, strides = array<i32>} : memref<64x128xf32, #tpu.memory_space<vmem>>, vector<16xf32>,
              %get3A_648 = arith.index_cast %squeeze3A_538 : i32 to index
              %get3A_649 = arith.index_cast %multiple_of3A_559 : i32 to index
              %get3A_650 = tpu.vector_load %arg14[%get3A_648, %get3A_649] {strides = array<i32>} : memref<201x128xf32, #tpu.memory_space<vmem>>, vector<16xf32>,
              %add3A_651 = arith.constant 11 : i32
              %add3A_652 = arith.addi %mul3A_511, %add3A_651 : i32
              %swap3A_653 = arith.index_cast %add3A_652 : i32 to index
              %swap3A_654 = arith.index_cast %multiple_of3A_559 : i32 to index
              %swap3A_655 = tpu.vector_load %arg16[%swap3A_653, %swap3A_654] {strides = array<i32>} : memref<64x128xf32, #tpu.memory_space<vmem>>, vector<16xf32>,
              tpu.vector_store %arg16[%swap3A_653, %swap3A_654], %get3A_650 {add = true, strides = array<i32>} : memref<64x128xf32, #tpu.memory_space<vmem>>, vector<16xf32>,
              %get3A_656 = arith.index_cast %squeeze3A_540 : i32 to index
              %get3A_657 = arith.index_cast %multiple_of3A_559 : i32 to index
              %get3A_658 = tpu.vector_load %arg14[%get3A_656, %get3A_657] {strides = array<i32>} : memref<201x128xf32, #tpu.memory_space<vmem>>, vector<16xf32>,
              %add3A_659 = arith.constant 12 : i32
              %add3A_660 = arith.addi %mul3A_511, %add3A_659 : i32
              %swap3A_661 = arith.index_cast %add3A_660 : i32 to index
              %swap3A_662 = arith.index_cast %multiple_of3A_559 : i32 to index
              %swap3A_663 = tpu.vector_load %arg16[%swap3A_661, %swap3A_662] {strides = array<i32>} : memref<64x128xf32, #tpu.memory_space<vmem>>, vector<16xf32>,
              tpu.vector_store %arg16[%swap3A_661, %swap3A_662], %get3A_658 {add = true, strides = array<i32>} : memref<64x128xf32, #tpu.memory_space<vmem>>, vector<16xf32>,
              %get3A_664 = arith.index_cast %squeeze3A_542 : i32 to index
              %get3A_665 = arith.index_cast %multiple_of3A_559 : i32 to index
              %get3A_666 = tpu.vector_load %arg14[%get3A_664, %get3A_665] {strides = array<i32>} : memref<201x128xf32, #tpu.memory_space<vmem>>, vector<16xf32>,
              %add3A_667 = arith.constant 13 : i32
              %add3A_668 = arith.addi %mul3A_511, %add3A_667 : i32
              %swap3A_669 = arith.index_cast %add3A_668 : i32 to index
              %swap3A_670 = arith.index_cast %multiple_of3A_559 : i32 to index
              %swap3A_671 = tpu.vector_load %arg16[%swap3A_669, %swap3A_670] {strides = array<i32>} : memref<64x128xf32, #tpu.memory_space<vmem>>, vector<16xf32>,
              tpu.vector_store %arg16[%swap3A_669, %swap3A_670], %get3A_666 {add = true, strides = array<i32>} : memref<64x128xf32, #tpu.memory_space<vmem>>, vector<16xf32>,
              %get3A_672 = arith.index_cast %squeeze3A_544 : i32 to index
              %get3A_673 = arith.index_cast %multiple_of3A_559 : i32 to index
              %get3A_674 = tpu.vector_load %arg14[%get3A_672, %get3A_673] {strides = array<i32>} : memref<201x128xf32, #tpu.memory_space<vmem>>, vector<16xf32>,
              %add3A_675 = arith.constant 14 : i32
              %add3A_676 = arith.addi %mul3A_511, %add3A_675 : i32
              %swap3A_677 = arith.index_cast %add3A_676 : i32 to index
              %swap3A_678 = arith.index_cast %multiple_of3A_559 : i32 to index
              %swap3A_679 = tpu.vector_load %arg16[%swap3A_677, %swap3A_678] {strides = array<i32>} : memref<64x128xf32, #tpu.memory_space<vmem>>, vector<16xf32>,
              tpu.vector_store %arg16[%swap3A_677, %swap3A_678], %get3A_674 {add = true, strides = array<i32>} : memref<64x128xf32, #tpu.memory_space<vmem>>, vector<16xf32>,
              %get3A_680 = arith.index_cast %squeeze3A_546 : i32 to index
              %get3A_681 = arith.index_cast %multiple_of3A_559 : i32 to index
              %get3A_682 = tpu.vector_load %arg14[%get3A_680, %get3A_681] {strides = array<i32>} : memref<201x128xf32, #tpu.memory_space<vmem>>, vector<16xf32>,
              %add3A_683 = arith.constant 15 : i32
              %add3A_684 = arith.addi %mul3A_511, %add3A_683 : i32
              %swap3A_685 = arith.index_cast %add3A_684 : i32 to index
              %swap3A_686 = arith.index_cast %multiple_of3A_559 : i32 to index
              %swap3A_687 = tpu.vector_load %arg16[%swap3A_685, %swap3A_686] {strides = array<i32>} : memref<64x128xf32, #tpu.memory_space<vmem>>, vector<16xf32>,
              tpu.vector_store %arg16[%swap3A_685, %swap3A_686], %get3A_682 {add = true, strides = array<i32>} : memref<64x128xf32, #tpu.memory_space<vmem>>, vector<16xf32>,
              %scan3A_688 = arith.constant 0 : i32
              scf.yield %scan3A_688 : i32
            }
            %scan3A_553 = arith.constant 8 : i32
            %scan3A_554 = arith.constant 0 : i32
            scf.yield %scan3A_554 : i32
          }
          %scan3A_505 = arith.constant 4 : i32
          %dma_start3A = arith.constant 0 : i32
          %dma_start3A_506 = arith.constant 0 : i32
          %dma_start3A_507 = tpu.memref_slice %arg6[%dma_start3A, %dma_start3A_506] : memref<204800x128xf32, #tpu.memory_space<hbm>> -> memref<204800x128xf32, #tpu.memory_space<hbm>>
          tpu.enqueue_indirect_dma source(%arg16 : memref<64x128xf32, #tpu.memory_space<vmem>>) target(%dma_start3A_507 : memref<204800x128xf32, #tpu.memory_space<hbm>>) offsets(%arg20 : memref<64xi32, #tpu.memory_space<vmem>>) semaphore(%arg28 : memref<!tpu.dma_semaphore, #tpu.memory_space<semaphore_mem>>)
        } else {
        }
        %while3A_484 = arith.constant 0 : i32
        scf.yield %while3A_484 : i32
      }
      %gt3A_460 = arith.constant 1 : i32
      %gt3A_461 = arith.cmpi sgt, %shift_right_arithmetic3A_444, %gt3A_460 : i32
      %convert_element_type3A_462 = arith.extui %gt3A_461 : i1 to i32
      %cond3A_463 = arith.constant 0 : i32
      %cond3A_464 = arith.cmpi ne, %convert_element_type3A_462, %cond3A_463 : i32
      scf.if %cond3A_464 {
        %dma_wait3A = arith.constant 0 : i32
        %dma_wait3A_471 = arith.constant 0 : i32
        %dma_wait3A_472 = tpu.memref_slice %arg6[%dma_wait3A, %dma_wait3A_471] : memref<204800x128xf32, #tpu.memory_space<hbm>> -> memref<64x128xf32, #tpu.memory_space<hbm>>
        %dma_wait3A_473 = arith.constant 0 : i32
        %dma_wait3A_474 = arith.constant 0 : i32
        %dma_wait3A_475 = tpu.memref_slice %arg6[%dma_wait3A_473, %dma_wait3A_474] : memref<204800x128xf32, #tpu.memory_space<hbm>> -> memref<64x128xf32, #tpu.memory_space<hbm>>
        tpu.wait_dma2 semaphore(%arg26 : memref<!tpu.dma_semaphore, #tpu.memory_space<semaphore_mem>>) src(%arg15 : memref<64x128xf32, #tpu.memory_space<vmem>>) dst(%dma_wait3A_475 : memref<64x128xf32, #tpu.memory_space<hbm>>)
        %dma_wait3A_476 = arith.constant 0 : i32
        %dma_wait3A_477 = arith.constant 0 : i32
        %dma_wait3A_478 = tpu.memref_slice %arg6[%dma_wait3A_476, %dma_wait3A_477] : memref<204800x128xf32, #tpu.memory_space<hbm>> -> memref<64x128xf32, #tpu.memory_space<hbm>>
        %dma_wait3A_479 = arith.constant 0 : i32
        %dma_wait3A_480 = arith.constant 0 : i32
        %dma_wait3A_481 = tpu.memref_slice %arg6[%dma_wait3A_479, %dma_wait3A_480] : memref<204800x128xf32, #tpu.memory_space<hbm>> -> memref<64x128xf32, #tpu.memory_space<hbm>>
        tpu.wait_dma2 semaphore(%arg28 : memref<!tpu.dma_semaphore, #tpu.memory_space<semaphore_mem>>) src(%arg16 : memref<64x128xf32, #tpu.memory_space<vmem>>) dst(%dma_wait3A_481 : memref<64x128xf32, #tpu.memory_space<hbm>>)
      } else {
      }
      %eq3A_465 = arith.constant 1 : i32
      %eq3A_466 = arith.cmpi eq, %shift_right_arithmetic3A_444, %eq3A_465 : i32
      %convert_element_type3A_467 = arith.extui %eq3A_466 : i1 to i32
      %cond3A_468 = arith.constant 0 : i32
      %cond3A_469 = arith.cmpi ne, %convert_element_type3A_467, %cond3A_468 : i32
      scf.if %cond3A_469 {
        %dma_wait3A = arith.constant 0 : i32
        %dma_wait3A_471 = arith.constant 0 : i32
        %dma_wait3A_472 = tpu.memref_slice %arg6[%dma_wait3A, %dma_wait3A_471] : memref<204800x128xf32, #tpu.memory_space<hbm>> -> memref<64x128xf32, #tpu.memory_space<hbm>>
        %dma_wait3A_473 = arith.constant 0 : i32
        %dma_wait3A_474 = arith.constant 0 : i32
        %dma_wait3A_475 = tpu.memref_slice %arg6[%dma_wait3A_473, %dma_wait3A_474] : memref<204800x128xf32, #tpu.memory_space<hbm>> -> memref<64x128xf32, #tpu.memory_space<hbm>>
        tpu.wait_dma2 semaphore(%arg26 : memref<!tpu.dma_semaphore, #tpu.memory_space<semaphore_mem>>) src(%arg15 : memref<64x128xf32, #tpu.memory_space<vmem>>) dst(%dma_wait3A_475 : memref<64x128xf32, #tpu.memory_space<hbm>>)
      } else {
      }
      %scan3A_470 = arith.constant 0 : i32
      scf.yield %scan3A_470 : i32
    }
    %scan3A_407 = arith.constant 49 : i32
    return
  }
}

</mosaic_0001>

<sc_bundles>
// kernel: kernel.3.cloned.1.call-start
scs
__scs_entry_jumppad:
0x0: {  	(pc) =	sbr.rel $0x88, $3  }
0x1: {  	(tag) =	ssettag $0x0;
	lr =	simm.s32 $0x1  }
0x2: {  	[smem:$0x3F9D] =	sst lr;
	_ =	strace $0xD0000000  }
0x3: {  	_ = 	snop  }
0x4: {  	_ = 	snop  }
0x5: {  	_ = 	snop  }
0x6: {  	_ = 	snop  }
0x7: {  	_ = 	snop  }
__scs_overlays_trampoline_lowered:
0x8: {  	[smem:$0x3FAC] =	sst s0  }
0x9: {  	[smem:$0x3FAD] =	sst s1  }
0xa: {  	[smem:$0x3FAE] =	sst s2  }
0xb: {  	[smem:$0x3FAF] =	sst s3  }
0xc: {  	[smem:$0x3FB0] =	sst s4  }
0xd: {  	[smem:$0x3FB1] =	sst s5  }
0xe: {  	[smem:$0x3FB2] =	sst s6  }
0xf: {  	[smem:$0x3FB3] =	sst s7  }
0x10: {  	[smem:$0x3FB4] =	sst s8  }
0x11: {  	[smem:$0x3FB5] =	sst s9;
	s0 =	simm.s32 @!p0 $0x0  }
0x12: {  	s1 =	sld [smem:$0x3F9B];
	s0 =	simm.s32 @p0 $0x1  }
0x13: {  	[smem:$0x3FB6] =	sst s0;
	s0 =	simm.s32 @!p1 $0x0  }
0x14: {  	s2 =	sld [smem:$0x3F9A];
	s0 =	simm.s32 @p1 $0x1  }
0x15: {  	[smem:$0x3FB7] =	sst s0;
	s0 =	simm.s32 @!p2 $0x0  }
0x16: {  	s3 =	sld [smem:$0x3FDB];
	s0 =	simm.s32 @p2 $0x1  }
0x17: {  	s4 =	simm.s32 $0x1BF5;
	[smem:$0x3FB9] =	sst s0  }
0x18: {  	s0 =	sld [smem:$0x3F9C];
	_ =	swait.ge [sflag:s4], $0x0  }
0x19: {  	s7 =	sld [smem:$0x3F9D]  }
0x1a: {  	s8 =	sadd.s32 $0xFFFFE003, lr  }
0x1b: {  	s9 =	sadd.s32 $0xFFFFFEF7, lr;
	s5 =	simm.s32 $0xFFFFFFFF;
	p2 =	slt.u32 s8, $0xFFFFF086  }
0x1c: {  	p1 =	slt.u32 s9, $0xF7A;
	s5 =	simm.s32 @!p2 $0x0  }
0x1d: {  	s5 =	simm.s32 @p1 $0x1;
	p0 =	seq.s32 s7, s2  }
0x1e: {  	s7 =	smul.u32 @!p0 $0xF7A, s2;
	p2 =	seq.s32 @!p0 s5, $0x0  }
0x1f: {  	s9 =	smul.u32 $0xF7A, s1;
	s8 =	simm.s32 @!p0 $0x1BF5;
	p2 =	por !p2, p0  }
0x20: {  	[sflag:s8] =	ssyncset.s32 @!p0 $0xFFFFF086;
	s6 =	sadd.s32 @!p0 s3, s7;
	s7 =	simm.s32 @!p0 $0x108  }
0x21: {  	s3 =	sadd.s32 s3, s9;
	s6 =	sadd.s32 @!p0 $0x88, s6;
	s7 =	simm.s32 @p2 $0x1082  }
0x22: {  	[simem:s7], [sflag:s8] =	dma.local @!p0 [hbm:s6], $0xF7A  }
0x23: {  	s9 =	sor.u32 $0xD0000000, s2;
	s6 =	simm.s32 $0x108;
	_ =	swait.ge @!p0 [sflag:s8], $0x0  }
0x24: {  	s3 =	sadd.s32 $0x88, s3;
	s6 =	simm.s32 @!p1 $0x1082;
	[sflag:s4] =	ssyncset.s32 $0xFFFFF086  }
0x25: {  	[simem:s6], [sflag:s4] =	dma.local [hbm:s3], $0xF7A  }
0x26: {  	[smem:$0x3F9D] =	sst s1;
	(tag) =	ssettag s2;
	_ =	strace s9  }
0x27: {  	s1 =	sld [smem:$0x3FAD]  }
0x28: {  	s2 =	sld [smem:$0x3FAE]  }
0x29: {  	s4 =	sld [smem:$0x3FB0]  }
0x2a: {  	p0 =	seq.s32 s5, $0x0;
	s5 =	sld [smem:$0x3FB1]  }
0x2b: {  	s6 =	sld [smem:$0x3FB2]  }
0x2c: {  	s7 =	sld [smem:$0x3FB3]  }
0x2d: {  	s3 =	simm.s32 $0x108;
	s8 =	sld [smem:$0x3FB4]  }
0x2e: {  	s3 =	simm.s32 @!p0 $0x1082;
	s9 =	sld [smem:$0x3FB5]  }
0x2f: {  	lr =	sadd.s32 s0, s3;
	s0 =	sld [smem:$0x3FAC]  }
0x30: {  	s3 =	sld [smem:$0x3FAF]  }
0x31: {  	[smem:$0x3FB8] =	sst s10  }
0x32: {  	s10 =	sld [smem:$0x3FB6];
	_ =	sdelay $0x3  }
0x33: {  	p0 =	seq.s32 s10, $0x1;
	s10 =	sld [smem:$0x3FB8];
	_ =	sdelay $0x3  }
0x34: {  	[smem:$0x3FB8] =	sst s10  }
0x35: {  	s10 =	sld [smem:$0x3FB7];
	_ =	sdelay $0x3  }
0x36: {  	p1 =	seq.s32 s10, $0x1;
	s10 =	sld [smem:$0x3FB8];
	_ =	sdelay $0x3  }
0x37: {  	[smem:$0x3FB8] =	sst s10  }
0x38: {  	s10 =	sld [smem:$0x3FB9]  }
0x39: {  	_ = 	snop;
	(pc) =	sbr.ind lr, $3  }
0x3a: {  	_ = 	snop  }
0x3b: {  	_ = 	snop  }
0x3c: {  	p2 =	seq.s32 s10, $0x1;
	s10 =	sld [smem:$0x3FB8]  }
0x3d: {  	_ =	shalt  }
0x3e: {  	_ =	shalt  }
0x3f: {  	_ =	shalt  }
0x40: {  	_ =	shalt  }
0x41: {  	_ =	shalt  }
0x42: {  	_ =	shalt  }
0x43: {  	_ =	shalt  }
0x44: {  	_ =	shalt  }
0x45: {  	_ =	shalt  }
0x46: {  	_ =	shalt  }
0x47: {  	_ =	shalt  }
0x48: {  	_ =	shalt  }
0x49: {  	_ =	shalt  }
0x4a: {  	_ =	shalt  }
0x4b: {  	_ =	shalt  }
0x4c: {  	_ =	shalt  }
0x4d: {  	_ =	shalt  }
0x4e: {  	_ =	shalt  }
0x4f: {  	_ =	shalt  }
0x50: {  	_ =	shalt  }
0x51: {  	_ =	shalt  }
0x52: {  	_ =	shalt  }
0x53: {  	_ =	shalt  }
0x54: {  	_ =	shalt  }
0x55: {  	_ =	shalt  }
0x56: {  	_ =	shalt  }
0x57: {  	_ =	shalt  }
0x58: {  	_ =	shalt  }
0x59: {  	_ =	shalt  }
0x5a: {  	_ =	shalt  }
0x5b: {  	_ =	shalt  }
0x5c: {  	_ =	shalt  }
0x5d: {  	_ =	shalt  }
0x5e: {  	_ =	shalt  }
0x5f: {  	_ =	shalt  }
0x60: {  	_ =	shalt  }
0x61: {  	_ =	shalt  }
0x62: {  	_ =	shalt  }
0x63: {  	_ =	shalt  }
0x64: {  	_ =	shalt  }
0x65: {  	_ =	shalt  }
0x66: {  	_ =	shalt  }
0x67: {  	_ =	shalt  }
0x68: {  	_ =	shalt  }
0x69: {  	_ =	shalt  }
0x6a: {  	_ =	shalt  }
0x6b: {  	_ =	shalt  }
0x6c: {  	_ =	shalt  }
0x6d: {  	_ =	shalt  }
0x6e: {  	_ =	shalt  }
0x6f: {  	_ =	shalt  }
0x70: {  	_ =	shalt  }
0x71: {  	_ =	shalt  }
0x72: {  	_ =	shalt  }
0x73: {  	_ =	shalt  }
0x74: {  	_ =	shalt  }
0x75: {  	_ =	shalt  }
0x76: {  	_ =	shalt  }
0x77: {  	_ =	shalt  }
0x78: {  	_ =	shalt  }
0x79: {  	_ =	shalt  }
0x7a: {  	_ =	shalt  }
0x7b: {  	_ =	shalt  }
0x7c: {  	_ =	shalt  }
0x7d: {  	_ =	shalt  }
0x7e: {  	_ =	shalt  }
0x7f: {  	_ =	shalt  }
0x80: {  	_ =	shalt  }
0x81: {  	_ =	shalt  }
0x82: {  	_ =	shalt  }
0x83: {  	_ =	shalt  }
0x84: {  	_ =	shalt  }
0x85: {  	_ =	shalt  }
0x86: {  	_ =	shalt  }
0x87: {  	_ =	shalt  }
.Lfunc_end0:
.L_simem_size_0:
called_computation_lowered:
.L_overlay_start_0:
0x88: {  	s2 =	sld [smem:$0x3FD9]  }
0x89: {  	s3 =	sld [smem:$0x3FFE];
	_ =	sdelay $0x1  }
0x8a: {  	s1 =	srdreg.scid  }
0x8b: {  	s0 =	sand.u32 $0x1, s1  }
0x8c: {  	s17 =	sshll.u32 s0, $0xA;
	s2 =	sadd.s32 s3, s2  }
0x8d: {  	s2 =	sadd.s32 s2, s17  }
0x8e: {  	[smem:$0x3FC4] =	sst s2  }
0x8f: {  	_ = 	snop  }
0x90: {  	s2 =	sld [smem:$0x3FC9]  }
0x91: {  	s18 =	sld [smem:$0x3FD0];
	(tm) =	ssettm $0x1  }
0x92: {  	s4 =	sld [smem:$0x3FFB];
	_ =	sdelay $0x3  }
0x93: {  	_ =	strace s4  }
0x94: {  	s4 =	sld [smem:$0x3FFC];
	_ =	sdelay $0x3  }
0x95: {  	_ =	strace s4  }
0x96: {  	s4 =	sld [smem:$0x3FFD];
	_ =	sdelay $0x3  }
0x97: {  	_ =	strace s4  }
0x98: {  	_ =	strace $0x8FFFFFFF  }
0x99: {  	s19 =	sld [smem:$0x3FDB];
	_ =	sdelay $0x1  }
0x9a: {  	s5 =	simm.s32 $_scs_section_size  }
0x9b: {  	s6 =	simm.s32 $_size__tile_overlayer_lowered;
	s7 =	simm.s32 $_tile_overlayer_lowered  }
0x9c: {  	s22 =	simm.s32 $0x1BFF;
	s21 =	sshll.u32 s7, $0x1;
	s4 =	sadd.s32 s5, s19  }
0x9d: {  	s8 =	simm.s32 $0x0;
	s20 =	sshll.u32 s6, $0x1;
	s6 =	sadd.s32 s21, s4  }
0x9e: {  	[timem:s8], [sflag:s22] =	dma.local [hbm:s6], s20  }
0x9f: {  	_ =	swait.ge [sflag:s22], s20  }
0xa0: {  	s5 =	ssub.s32 $0x0, s20;
	[sflag:s22] =	ssyncset.done $0x0  }
0xa1: {  	[sflag:s22] =	ssyncadd.s32 s5;
	_ =	sdelay $0x1  }
0xa2: {  	s23 =	simm.s32 $0x1B8B  }
0xa3: {  	_ =	swait.ge [sflag:s23], $0x1  }
0xa4: {  	[sflag:s23] =	ssyncset.done $0x0  }
0xa5: {  	s25 =	simm.s32 $0x1B8E;
	s24 =	sld [smem:$0x3FFE];
	[sflag:s23] =	ssyncadd.s32 $0xFFFFFFFF  }
0xa6: {  	s26 =	simm.s32 $execute0_lowered;
	[smem:$0x3FD2] =	sst s25  }
0xa7: {  	s6 =	sshll.u32 s26, $0x1;
	_ =	strace $0x80000046;
	[dreg:$0x1] =	wrdreg $0xFFFFFFFF  }
0xa8: {  	s28 =	simm.s32 $_size_execute0_lowered;
	s4 =	sadd.s32 s4, s6;
	[dreg:$0x0] =	wrdreg $0x0  }
0xa9: {  	s6 =	sshll.u32 s28, $0x1;
	[dreg:$0x2] =	wrdreg s4  }
0xaa: {  	[dreg:$0x3] =	wrdreg s6  }
0xab: {  	[dreg:$0x4] =	wrdreg $0xC0  }
0xac: {  	_ =	task [dreg:s8], $0x5FFFF  }
0xad: {  	[dreg:$0x1] =	wrdreg $0xFFFFFFFF  }
0xae: {  	[dreg:$0x0] =	wrdreg $0x60  }
0xaf: {  	[dreg:$0x2] =	wrdreg s2  }
0xb0: {  	[dreg:$0x3] =	wrdreg s24  }
0xb1: {  	[dreg:$0x4] =	wrdreg s18  }
0xb2: {  	[dreg:$0x5] =	wrdreg $0x181800  }
0xb3: {  	[dreg:$0x6] =	wrdreg $0x9  }
0xb4: {  	_ =	task.clear_ibuf [dreg:s8], $0x7FFFF;
	_ =	strace $0x90000046  }
0xb5: {  	s29 =	simm.s32 $0x9;
	_ =	strace $0x80000048  }
0xb6: {  	_ =	swait.ge [sflag:s29], $0x1  }
0xb7: {  	[sflag:s29] =	ssyncadd.s32 $0xFFFFFFFF  }
0xb8: {  	_ =	strace $0x90000048  }
0xb9: {  	_ =	sfence  }
0xba: {  	s30 =	sld [smem:$0x0];
	_ =	sdelay $0x2  }
0xbb: {  	s31 =	sshll.u32 s1, $0xD;
	s1 =	sshrl.u32 s1, $0x2  }
0xbc: {  	s3 =	sand.u32 $0x4000, s31;
	s1 =	sadd.s32 s1, s30  }
0xbd: {  	s0 =	sor.u32 s3, s0;
	s1 =	sshll.u32 s1, $0x11  }
0xbe: {  	s0 =	sor.u32 s1, s0  }
0xbf: {  	s0 =	sadd.s32 $0x8F2B, s0  }
0xc0: {  	[sflag:s0] =	ssyncadd.remote.s32 $0x1  }
0xc1: {  	_ =	sfence.sel $0xFFFF  }
0xc2: {  	[dreg:$0x0] =	wrdreg $0xFFFFFFFF;
	(pc) =	sbr.abs _section_cstart, $3  }
0xc3: {  	[dreg:$0x1] =	wrdreg $0xFFFFFFFF  }
0xc4: {  	_ =	task.clear_ibuf [dreg:s8], $0x2FFFF;
	_ =	strace $0x9FFFFFFF  }
0xc5: {  	(tm) =	ssettm $0x7FFFFFFF  }
tec
execute0_lowered:
.L_overlay_start_1:
0x0: {  	(tag) =	ssettag $0x1  }
0x1: {  	s0 =	rddreg [dreg:$0x1]  }
0x2: {  	s1 =	srdreg.scid;
	s7 =	stileid.u32  }
0x3: {  	s4 =	rddreg [dreg:$0x3];
	s3 =	simm.s32 $0x0;
	s15 =	simm.s32 $0x18080  }
0x4: {  	s16 =	simm.s32 $0x6600;
	s17 =	simm.s32 $0x8B80;
	s1 =	sand.u32 $0x1, s1  }
0x5: {  	s2 =	sshll.u32 s7, $0x1;
	[smem:$0x7FF] =	sst s3;
	s24 =	sadd.s32 $0xCC00, s0  }
0x6: {  	s6 =	smul.u32 $0x3200, s7;
	s29 =	sshll.u32 s7, $0x7;
	s2 =	sor.u32 s1, s2  }
0x7: {  	_ =	strace $0x80000047;
	s5 =	ssub.s32 $0x2, s1;
	s1 =	smul.u32 $0x1900, s1  }
0x8: {  	[dreg:$0x5] =	wrdreg s24;
	s2 =	smul.u32 $0x1900, s2;
	s26 =	sshrl.u32 s5, $0x1  }
0x9: {  	s18 =	simm.s32 $0xB100;
	[dreg:$0x8] =	wrdreg s29;
	s3 =	ssub.s32 s5, s26  }
.Ltmp0:
0xa: {  	s31 =	sadd.s32 s1, s6;
	s25 =	sshrl.u32 s2, $0x3;
	(pc) =	sbr.rel .LBB2_1-.Ltmp0, $4  }
0xb: {  	s30 =	smax.u32 s3, $0x1;
	[dreg:$0xa] =	wrdreg s31;
	s0 =	sadd.s32 s25, s0  }
0xc: {  	vm0 =	vmmov $0xff;
	v1 =	vimm.s32 $0x0;
	s20 =	simm.s32 $0x40;
	v3 =	vlaneseq.u32;
	[dreg:$0x9] =	wrdreg s30;
	s28 =	sadd.s32 $0x400, s0  }
0xd: {  	v2 =	vimm.s32 $0xC8;
	vm1 =	vcmask $0x308;
	s23 =	simm.s32 $0x3;
	v4 =	vor.u32 $0x10, v3;
	s0 =	sadd.s32 $0x6800, s0;
	[dreg:$0x6] =	wrdreg s28  }
0xe: {  	v5 =	vor.u32 $0x20, v3;
	v6 =	vor.u32 $0x30, v3;
	s26 =	simm.s32 $0x1;
	s1 =	simm.s32 $0x0;
	v0 =	vmov s2;
	[dreg:$0x7] =	wrdreg s0  }
.LBB2_24:
0xf: {  	s1 =	rddreg [dreg:$0xb]  }
0x10: {  	s0 =	rddreg [dreg:$0x9];
	s1 =	sadd.s32 $0x1, s1  }
0x11: {  	p0 =	sne.s32 s1, s0  }
.Ltmp1:
0x12: {  	_ = 	snop;
	(pc) =	sbr.rel @!p0 .LBB2_25-.Ltmp1, $1  }
0x13: {  	_ =	sdelay $0x3  }
.LBB2_1:
0x14: {  	[dreg:$0xb] =	wrdreg s1;
	s3 =	simm.s32 $0x0  }
0x15: {  	s0 =	rddreg [dreg:$0x5];
	s2 =	simm.s32 $0xD680;
	s5 =	simm.s32 $0x6  }
0x16: {  	[tilespmem:s2], [sflag:$0x6] =	stream.linear.gather [hbm4b:s0+s3], $0x6480, $0x38;
	[tilespmem:$0x1C180] =	vst v63  }
0x17: {  	_ =	swait.ge [sflag:s5], $0x6480  }
0x18: {  	[sflag:s5] =	ssyncset.done $0x0  }
0x19: {  	s6 =	rddreg [dreg:$0x6];
	[sflag:s5] =	ssyncadd.s32 $0xFFFF9B80  }
0x1a: {  	[tilespmem:s3], [sflag:$0x6] =	stream.linear.gather [hbm4b:s6+s3], $0x1900, $0x38;
	[tilespmem:$0x1C180] =	vst v63  }
0x1b: {  	_ =	swait.ge [sflag:s5], $0x1900  }
0x1c: {  	[sflag:s5] =	ssyncset.done $0x0  }
0x1d: {  	s2 =	simm.s32 $0x1980;
	s7 =	rddreg [dreg:$0x7];
	[sflag:s5] =	ssyncadd.s32 $0xFFFFE700  }
0x1e: {  	[tilespmem:s2], [sflag:$0x6] =	stream.linear.gather [hbm4b:s7+s3], $0x1900, $0x38;
	[tilespmem:$0x1C180] =	vst v63  }
0x1f: {  	_ =	swait.ge [sflag:s5], $0x1900  }
0x20: {  	[sflag:s5] =	ssyncset.done $0x0  }
0x21: {  	s2 =	simm.s32 $0x19E0;
	[sflag:s5] =	ssyncadd.s32 $0xFFFFE700  }
0x22: {  	v7 =	vld [tilespmem:s2+$0xFFFFFFA0];
	_ =	sdelay $0x4  }
0x23: {  	s12 =	simm.s32 $0x60;
	(xrf0) =	vadd.scan.msk.s32 $0xffff, v7  }
0x24: {  	v8 =	vld [tilespmem:s12+$0xFFFFFFA0];
	_ =	sdelay $0x4  }
0x25: {  	v8 =	vmul.u32 v7, v8;
	v9, _, _ =	vpop (xrf0)  }
0x26: {  	s30 =	simm.s32 $0x3360;
	vm2 =	veq.s32 v7, $0x1;
	v7 =	vadd.s32 $0xFFFFFFFF, v9  }
0x27: {  	s31 =	simm.s32 $0x4CE0;
	[tilespmem:s30+$0xFFFFFFA0] =	vst v8;
	v10 =	vnsel vm2, $0xC8, v7  }
0x28: {  	[tilespmem:s31+$0xFFFFFFA0] =	vst v10  }
0x29: {  	v8 =	vld [tilespmem:s2+$0xFFFFFFB0];
	_ =	sdelay $0x4  }
0x2a: {  	(xrf0) =	vadd.scan.msk.s32 $0xffff, v8;
	_ =	sdelay $0x5  }
0x2b: {  	(v2sf) =	vpush v9, $0xF;
	v10 =	vld [tilespmem:s12+$0xFFFFFFB0];
	v41, _, _ =	vpop (xrf0)  }
0x2c: {  	(v2sf) =	vpush v41, $0xF;
	_ =	sdelay $0x2  }
0x2d: {  	v7 =	vbroadcast v7, $0xF  }
0x2e: {  	v10 =	vmul.u32 v8, v10  }
0x2f: {  	vm2 =	veq.s32 v8, $0x1;
	v7 =	vadd.s32 v41, v7  }
0x30: {  	[tilespmem:s30+$0xFFFFFFB0] =	vst v10;
	v7 =	vnsel vm2, $0xC8, v7  }
0x31: {  	[tilespmem:s31+$0xFFFFFFB0] =	vst v7  }
0x32: {  	v7 =	vld [tilespmem:s2+$0xFFFFFFC0];
	_ =	sdelay $0x4  }
0x33: {  	(xrf0) =	vadd.scan.msk.s32 $0xffff, v7  }
0x34: {  	s8 =	spop (v2sf)  }
0x35: {  	v8 =	vld [tilespmem:s12+$0xFFFFFFC0];
	s9 =	spop (v2sf)  }
0x36: {  	s0 =	sadd.s32 s8, s9  }
0x37: {  	v42 =	vmov s0  }
0x38: {  	v9 =	vadd.s32 $0xFFFFFFFF, v42  }
0x39: {  	v43, _, _ =	vpop (xrf0);
	v9 =	vbroadcast v9, $0x0  }
0x3a: {  	v8 =	vmul.u32 v7, v8;
	(v2sf) =	vpush v43, $0xF  }
0x3b: {  	vm2 =	veq.s32 v7, $0x1;
	v7 =	vadd.s32 v43, v9  }
0x3c: {  	[tilespmem:s30+$0xFFFFFFC0] =	vst v8;
	v7 =	vnsel vm2, $0xC8, v7  }
0x3d: {  	[tilespmem:s31+$0xFFFFFFC0] =	vst v7  }
0x3e: {  	v7 =	vld [tilespmem:s2+$0xFFFFFFD0];
	_ =	sdelay $0x4  }
0x3f: {  	(xrf0) =	vadd.scan.msk.s32 $0xffff, v7;
	_ =	sdelay $0x5  }
0x40: {  	v8 =	vld [tilespmem:s12+$0xFFFFFFD0];
	s10 =	spop (v2sf);
	v44, _, _ =	vpop (xrf0)  }
0x41: {  	s0 =	sadd.s32 s0, s10;
	(v2sf) =	vpush v44, $0xF  }
0x42: {  	v45 =	vmov s0  }
0x43: {  	v10 =	vadd.s32 $0xFFFFFFFF, v45  }
0x44: {  	v10 =	vbroadcast v10, $0x0  }
0x45: {  	v8 =	vmul.u32 v7, v8  }
0x46: {  	vm2 =	veq.s32 v7, $0x1;
	v7 =	vadd.s32 v44, v10  }
0x47: {  	[tilespmem:s30+$0xFFFFFFD0] =	vst v8;
	v7 =	vnsel vm2, $0xC8, v7  }
0x48: {  	[tilespmem:s31+$0xFFFFFFD0] =	vst v7  }
0x49: {  	v7 =	vld [tilespmem:s2+$0xFFFFFFE0];
	_ =	sdelay $0x4  }
0x4a: {  	(xrf0) =	vadd.scan.msk.s32 $0xffff, v7;
	_ =	sdelay $0x1  }
0x4b: {  	v8 =	vld [tilespmem:s12+$0xFFFFFFE0];
	s11 =	spop (v2sf)  }
0x4c: {  	s0 =	sadd.s32 s0, s11  }
0x4d: {  	v46 =	vmov s0  }
0x4e: {  	v9 =	vadd.s32 $0xFFFFFFFF, v46  }
0x4f: {  	v47, _, _ =	vpop (xrf0);
	v9 =	vbroadcast v9, $0x0  }
0x50: {  	v8 =	vmul.u32 v7, v8;
	(v2sf) =	vpush v47, $0xF  }
0x51: {  	vm2 =	veq.s32 v7, $0x1;
	v7 =	vadd.s32 v47, v9  }
0x52: {  	[tilespmem:s30+$0xFFFFFFE0] =	vst v8;
	v7 =	vnsel vm2, $0xC8, v7  }
0x53: {  	[tilespmem:s31+$0xFFFFFFE0] =	vst v7  }
0x54: {  	v7 =	vld [tilespmem:s2+$0xFFFFFFF0];
	_ =	sdelay $0x4  }
0x55: {  	(xrf0) =	vadd.scan.msk.s32 $0xffff, v7;
	_ =	sdelay $0x5  }
0x56: {  	v8 =	vld [tilespmem:s12+$0xFFFFFFF0];
	s13 =	spop (v2sf);
	v48, _, _ =	vpop (xrf0)  }
0x57: {  	s0 =	sadd.s32 s0, s13;
	(v2sf) =	vpush v48, $0xF  }
0x58: {  	v49 =	vmov s0  }
0x59: {  	v10 =	vadd.s32 $0xFFFFFFFF, v49  }
0x5a: {  	v10 =	vbroadcast v10, $0x0  }
0x5b: {  	v8 =	vmul.u32 v7, v8  }
0x5c: {  	vm2 =	veq.s32 v7, $0x1;
	v7 =	vadd.s32 v48, v10  }
0x5d: {  	[tilespmem:s30+$0xFFFFFFF0] =	vst v8;
	v7 =	vnsel vm2, $0xC8, v7  }
0x5e: {  	[tilespmem:s31+$0xFFFFFFF0] =	vst v7  }
0x5f: {  	v7 =	vld [tilespmem:s2+$0x0];
	_ =	sdelay $0x4  }
0x60: {  	(xrf0) =	vadd.scan.msk.s32 $0xffff, v7;
	_ =	sdelay $0x1  }
0x61: {  	v8 =	vld [tilespmem:s12+$0x0];
	s14 =	spop (v2sf)  }
0x62: {  	s0 =	sadd.s32 s0, s14  }
0x63: {  	v50 =	vmov s0  }
0x64: {  	v9 =	vadd.s32 $0xFFFFFFFF, v50  }
0x65: {  	v51, _, _ =	vpop (xrf0);
	v9 =	vbroadcast v9, $0x0  }
0x66: {  	v8 =	vmul.u32 v7, v8;
	(v2sf) =	vpush v51, $0xF  }
0x67: {  	vm2 =	veq.s32 v7, $0x1;
	v7 =	vadd.s32 v51, v9  }
0x68: {  	[tilespmem:s30+$0x0] =	vst v8;
	v7 =	vnsel vm2, $0xC8, v7  }
0x69: {  	[tilespmem:s31+$0x0] =	vst v7  }
0x6a: {  	v7 =	vld [tilespmem:s2+$0x10];
	_ =	sdelay $0x4  }
0x6b: {  	(xrf0) =	vadd.scan.msk.s32 $0xffff, v7;
	_ =	sdelay $0x5  }
0x6c: {  	v8 =	vld [tilespmem:s12+$0x10];
	s19 =	spop (v2sf);
	v52, _, _ =	vpop (xrf0)  }
0x6d: {  	s0 =	sadd.s32 s0, s19;
	(v2sf) =	vpush v52, $0xF  }
0x6e: {  	v53 =	vmov s0  }
0x6f: {  	v10 =	vadd.s32 $0xFFFFFFFF, v53  }
0x70: {  	v10 =	vbroadcast v10, $0x0  }
0x71: {  	v8 =	vmul.u32 v7, v8  }
0x72: {  	vm2 =	veq.s32 v7, $0x1;
	v7 =	vadd.s32 v52, v10  }
0x73: {  	[tilespmem:s30+$0x10] =	vst v8;
	v7 =	vnsel vm2, $0xC8, v7  }
0x74: {  	s21 =	sand.u32 $0x1FF8, s3;
	[tilespmem:s31+$0x10] =	vst v7  }
0x75: {  	v7 =	vld [tilespmem:s21+$0x1A00];
	_ =	sdelay $0x4  }
0x76: {  	(xrf0) =	vadd.scan.msk.s32 $0xffff, v7;
	_ =	sdelay $0x1  }
0x77: {  	v8 =	vld [tilespmem:s21+$0x80];
	s22 =	spop (v2sf)  }
0x78: {  	s0 =	sadd.s32 s0, s22  }
0x79: {  	v54 =	vmov s0  }
0x7a: {  	v9 =	vadd.s32 $0xFFFFFFFF, v54  }
0x7b: {  	v55, _, _ =	vpop (xrf0);
	v9 =	vbroadcast v9, $0x0  }
0x7c: {  	v8 =	vmul.u32 v7, v8;
	(v2sf) =	vpush v55, $0xF  }
0x7d: {  	vm2 =	veq.s32 v7, $0x1;
	v7 =	vadd.s32 v55, v9  }
0x7e: {  	[tilespmem:s21+$0x3380] =	vst v8;
	v7 =	vnsel vm2, $0xC8, v7  }
0x7f: {  	[tilespmem:s21+$0x4D00] =	vst v7  }
0x80: {  	v7 =	vld [tilespmem:s2+$0x30];
	_ =	sdelay $0x4  }
0x81: {  	(xrf0) =	vadd.scan.msk.s32 $0xffff, v7;
	_ =	sdelay $0x5  }
0x82: {  	v8 =	vld [tilespmem:s12+$0x30];
	s24 =	spop (v2sf);
	v56, _, _ =	vpop (xrf0)  }
0x83: {  	s0 =	sadd.s32 s0, s24;
	(v2sf) =	vpush v56, $0xF  }
0x84: {  	v57 =	vmov s0  }
0x85: {  	v10 =	vadd.s32 $0xFFFFFFFF, v57  }
0x86: {  	v10 =	vbroadcast v10, $0x0  }
0x87: {  	v8 =	vmul.u32 v7, v8  }
0x88: {  	vm2 =	veq.s32 v7, $0x1;
	v7 =	vadd.s32 v56, v10  }
0x89: {  	[tilespmem:s30+$0x30] =	vst v8;
	v7 =	vnsel vm2, $0xC8, v7  }
0x8a: {  	[tilespmem:s31+$0x30] =	vst v7  }
0x8b: {  	v7 =	vld [tilespmem:s2+$0x40];
	_ =	sdelay $0x4  }
0x8c: {  	(xrf0) =	vadd.scan.msk.s32 $0xffff, v7;
	_ =	sdelay $0x1  }
0x8d: {  	v8 =	vld [tilespmem:s12+$0x40];
	s25 =	spop (v2sf)  }
0x8e: {  	s0 =	sadd.s32 s0, s25  }
0x8f: {  	v58 =	vmov s0  }
0x90: {  	v9 =	vadd.s32 $0xFFFFFFFF, v58  }
0x91: {  	v59, _, _ =	vpop (xrf0);
	v9 =	vbroadcast v9, $0x0  }
0x92: {  	v8 =	vmul.u32 v7, v8;
	(v2sf) =	vpush v59, $0xF  }
0x93: {  	vm2 =	veq.s32 v7, $0x1;
	v7 =	vadd.s32 v59, v9  }
0x94: {  	[tilespmem:s30+$0x40] =	vst v8;
	v7 =	vnsel vm2, $0xC8, v7  }
0x95: {  	[tilespmem:s31+$0x40] =	vst v7  }
0x96: {  	v7 =	vld [tilespmem:s2+$0x50];
	_ =	sdelay $0x4  }
0x97: {  	(xrf0) =	vadd.scan.msk.s32 $0xffff, v7;
	_ =	sdelay $0x5  }
0x98: {  	v8 =	vld [tilespmem:s12+$0x50];
	s28 =	spop (v2sf);
	v60, _, _ =	vpop (xrf0)  }
0x99: {  	s0 =	sadd.s32 s0, s28;
	(v2sf) =	vpush v60, $0xF  }
0x9a: {  	v61 =	vmov s0  }
0x9b: {  	v10 =	vadd.s32 $0xFFFFFFFF, v61  }
0x9c: {  	v10 =	vbroadcast v10, $0x0  }
0x9d: {  	v8 =	vmul.u32 v7, v8  }
0x9e: {  	vm2 =	veq.s32 v7, $0x1;
	v7 =	vadd.s32 v60, v10  }
0x9f: {  	[tilespmem:s30+$0x50] =	vst v8;
	v7 =	vnsel vm2, $0xC8, v7  }
0xa0: {  	[tilespmem:s31+$0x50] =	vst v7  }
0xa1: {  	v7 =	vld [tilespmem:s2+$0x60];
	_ =	sdelay $0x4  }
0xa2: {  	v7 =	vnsel vm0, $0x0, v7  }
0xa3: {  	(xrf0) =	vadd.scan.msk.s32 $0xffff, v7  }
0xa4: {  	v8 =	vld [tilespmem:s12+$0x60];
	s29 =	spop (v2sf)  }
0xa5: {  	s0 =	sadd.s32 s0, s29  }
0xa6: {  	v62 =	vmov s0  }
0xa7: {  	v9 =	vadd.s32 $0xFFFFFFFF, v62  }
0xa8: {  	v9 =	vbroadcast v9, $0x0  }
0xa9: {  	v8 =	vmul.u32 v7, v8;
	v63, _, _ =	vpop (xrf0)  }
0xaa: {  	vm2 =	veq.s32 v7, $0x1;
	v7 =	vadd.s32 v63, v9  }
0xab: {  	s6 =	simm.s32 $0x4DA8;
	s14 =	simm.s32 $0xC8;
	[tilespmem:s30+$0x60] =	vst v8;
	v7 =	vnsel vm2, $0xC8, v7  }
.LBB2_2:
0xac: {  	[tilespmem:s31+$0x60] =	vst v7;
	s2 =	sadd.s32 $0xC8, s2;
	s12 =	sadd.s32 $0xC8, s12;
	s30 =	sadd.s32 $0xC8, s30  }
0xad: {  	p0 =	sne.s32 s14, $0x1838;
	s7 =	smov.u32 s14;
	s14 =	sadd.s32 $0xC8, s14;
	v7 =	vld [tilespmem:s2+$0xFFFFFFA0]  }
0xae: {  	s31 =	smov.u32 s6;
	_ =	sdelay $0x3  }
0xaf: {  	(xrf0) =	vadd.scan.msk.s32 $0xffff, v7  }
0xb0: {  	v8 =	vld [tilespmem:s12+$0xFFFFFFA0];
	_ =	sdelay $0x4  }
0xb1: {  	v8 =	vmul.u32 v7, v8;
	v9, _, _ =	vpop (xrf0)  }
0xb2: {  	vm2 =	veq.s32 v7, $0x1;
	v7 =	vadd.s32 $0xFFFFFFFF, v9  }
0xb3: {  	v10 =	vnsel vm2, $0xC8, v7;
	[tilespmem:s30+$0xFFFFFFA0] =	vst v8  }
0xb4: {  	[tilespmem:s6+$0xFFFFFFA0] =	vst v10  }
0xb5: {  	v8 =	vld [tilespmem:s2+$0xFFFFFFB0];
	_ =	sdelay $0x4  }
0xb6: {  	(xrf0) =	vadd.scan.msk.s32 $0xffff, v8;
	_ =	sdelay $0x4  }
0xb7: {  	v7 =	vbroadcast v7, $0xF  }
0xb8: {  	v10 =	vld [tilespmem:s12+$0xFFFFFFB0];
	(v2sf) =	vpush v9, $0xF;
	v9, _, _ =	vpop (xrf0)  }
0xb9: {  	vm2 =	veq.s32 v8, $0x1;
	v7 =	vadd.s32 v9, v7;
	(v2sf) =	vpush v9, $0xF  }
0xba: {  	v7 =	vnsel vm2, $0xC8, v7;
	_ =	sdelay $0x2  }
0xbb: {  	v8 =	vmul.u32 v8, v10;
	_ =	sdelay $0x1  }
0xbc: {  	[tilespmem:s30+$0xFFFFFFB0] =	vst v8  }
0xbd: {  	[tilespmem:s6+$0xFFFFFFB0] =	vst v7  }
0xbe: {  	v7 =	vld [tilespmem:s2+$0xFFFFFFC0];
	_ =	sdelay $0x4  }
0xbf: {  	(xrf0) =	vadd.scan.msk.s32 $0xffff, v7  }
0xc0: {  	s0 =	spop (v2sf)  }
0xc1: {  	v8 =	vld [tilespmem:s12+$0xFFFFFFC0];
	s1 =	spop (v2sf)  }
0xc2: {  	s0 =	sadd.s32 s0, s1  }
0xc3: {  	v9 =	vmov s0  }
0xc4: {  	v9 =	vadd.s32 $0xFFFFFFFF, v9  }
0xc5: {  	v9 =	vbroadcast v9, $0x0;
	v10, _, _ =	vpop (xrf0)  }
0xc6: {  	v8 =	vmul.u32 v7, v8;
	(v2sf) =	vpush v10, $0xF  }
0xc7: {  	vm2 =	veq.s32 v7, $0x1;
	v7 =	vadd.s32 v10, v9  }
0xc8: {  	v7 =	vnsel vm2, $0xC8, v7;
	[tilespmem:s30+$0xFFFFFFC0] =	vst v8  }
0xc9: {  	[tilespmem:s6+$0xFFFFFFC0] =	vst v7  }
0xca: {  	v7 =	vld [tilespmem:s2+$0xFFFFFFD0];
	_ =	sdelay $0x4  }
0xcb: {  	(xrf0) =	vadd.scan.msk.s32 $0xffff, v7;
	_ =	sdelay $0x5  }
0xcc: {  	v8 =	vld [tilespmem:s12+$0xFFFFFFD0];
	s1 =	spop (v2sf);
	v9, _, _ =	vpop (xrf0)  }
0xcd: {  	s0 =	sadd.s32 s0, s1;
	(v2sf) =	vpush v9, $0xF  }
0xce: {  	v10 =	vmov s0  }
0xcf: {  	v10 =	vadd.s32 $0xFFFFFFFF, v10  }
0xd0: {  	v10 =	vbroadcast v10, $0x0  }
0xd1: {  	v8 =	vmul.u32 v7, v8  }
0xd2: {  	vm2 =	veq.s32 v7, $0x1;
	v7 =	vadd.s32 v9, v10  }
0xd3: {  	v7 =	vnsel vm2, $0xC8, v7;
	[tilespmem:s30+$0xFFFFFFD0] =	vst v8  }
0xd4: {  	[tilespmem:s6+$0xFFFFFFD0] =	vst v7  }
0xd5: {  	v7 =	vld [tilespmem:s2+$0xFFFFFFE0];
	_ =	sdelay $0x4  }
0xd6: {  	(xrf0) =	vadd.scan.msk.s32 $0xffff, v7;
	_ =	sdelay $0x1  }
0xd7: {  	v8 =	vld [tilespmem:s12+$0xFFFFFFE0];
	s1 =	spop (v2sf)  }
0xd8: {  	s0 =	sadd.s32 s0, s1  }
0xd9: {  	v9 =	vmov s0  }
0xda: {  	v9 =	vadd.s32 $0xFFFFFFFF, v9  }
0xdb: {  	v9 =	vbroadcast v9, $0x0;
	v10, _, _ =	vpop (xrf0)  }
0xdc: {  	v8 =	vmul.u32 v7, v8;
	(v2sf) =	vpush v10, $0xF  }
0xdd: {  	vm2 =	veq.s32 v7, $0x1;
	v7 =	vadd.s32 v10, v9  }
0xde: {  	v7 =	vnsel vm2, $0xC8, v7;
	[tilespmem:s30+$0xFFFFFFE0] =	vst v8  }
0xdf: {  	[tilespmem:s6+$0xFFFFFFE0] =	vst v7  }
0xe0: {  	v7 =	vld [tilespmem:s2+$0xFFFFFFF0];
	_ =	sdelay $0x4  }
0xe1: {  	(xrf0) =	vadd.scan.msk.s32 $0xffff, v7;
	_ =	sdelay $0x5  }
0xe2: {  	v8 =	vld [tilespmem:s12+$0xFFFFFFF0];
	s1 =	spop (v2sf);
	v9, _, _ =	vpop (xrf0)  }
0xe3: {  	s0 =	sadd.s32 s0, s1;
	(v2sf) =	vpush v9, $0xF  }
0xe4: {  	v10 =	vmov s0  }
0xe5: {  	v10 =	vadd.s32 $0xFFFFFFFF, v10  }
0xe6: {  	v10 =	vbroadcast v10, $0x0  }
0xe7: {  	v8 =	vmul.u32 v7, v8  }
0xe8: {  	vm2 =	veq.s32 v7, $0x1;
	v7 =	vadd.s32 v9, v10  }
0xe9: {  	v7 =	vnsel vm2, $0xC8, v7;
	[tilespmem:s30+$0xFFFFFFF0] =	vst v8  }
0xea: {  	[tilespmem:s6+$0xFFFFFFF0] =	vst v7  }
0xeb: {  	v7 =	vld [tilespmem:s2+$0x0]  }
0xec: {  	v8 =	vld [tilespmem:s12+$0x0];
	_ =	sdelay $0x3  }
0xed: {  	(xrf0) =	vadd.scan.msk.s32 $0xffff, v7  }
0xee: {  	v8 =	vmul.u32 v7, v8  }
0xef: {  	s1 =	spop (v2sf)  }
0xf0: {  	s0 =	sadd.s32 s0, s1;
	[tilespmem:s30+$0x0] =	vst v8  }
0xf1: {  	v8 =	vmov s0  }
0xf2: {  	v8 =	vadd.s32 $0xFFFFFFFF, v8  }
0xf3: {  	v8 =	vbroadcast v8, $0x0;
	v9, _, _ =	vpop (xrf0)  }
0xf4: {  	(v2sf) =	vpush v9, $0xF  }
0xf5: {  	vm2 =	veq.s32 v7, $0x1;
	v7 =	vadd.s32 v9, v8  }
0xf6: {  	v7 =	vnsel vm2, $0xC8, v7  }
0xf7: {  	[tilespmem:s6+$0x0] =	vst v7  }
0xf8: {  	v7 =	vld [tilespmem:s2+$0x10]  }
0xf9: {  	v8 =	vld [tilespmem:s12+$0x10];
	_ =	sdelay $0x3  }
0xfa: {  	(xrf0) =	vadd.scan.msk.s32 $0xffff, v7  }
0xfb: {  	v8 =	vmul.u32 v7, v8;
	_ =	sdelay $0x1  }
0xfc: {  	[tilespmem:s30+$0x10] =	vst v8;
	_ =	sdelay $0x2  }
0xfd: {  	s1 =	spop (v2sf);
	v8, _, _ =	vpop (xrf0)  }
0xfe: {  	s0 =	sadd.s32 s0, s1;
	(v2sf) =	vpush v8, $0xF  }
0xff: {  	v9 =	vmov s0  }
0x100: {  	v9 =	vadd.s32 $0xFFFFFFFF, v9  }
0x101: {  	v9 =	vbroadcast v9, $0x0;
	_ =	sdelay $0x1  }
0x102: {  	vm2 =	veq.s32 v7, $0x1;
	v7 =	vadd.s32 v8, v9  }
0x103: {  	v7 =	vnsel vm2, $0xC8, v7  }
0x104: {  	s1 =	sand.u32 $0x1FF8, s7;
	[tilespmem:s6+$0x10] =	vst v7  }
0x105: {  	v7 =	vld [tilespmem:s1+$0x1A00]  }
0x106: {  	v8 =	vld [tilespmem:s1+$0x80];
	_ =	sdelay $0x3  }
0x107: {  	(xrf0) =	vadd.scan.msk.s32 $0xffff, v7  }
0x108: {  	v8 =	vmul.u32 v7, v8  }
0x109: {  	s3 =	spop (v2sf)  }
0x10a: {  	s0 =	sadd.s32 s0, s3;
	[tilespmem:s1+$0x3380] =	vst v8  }
0x10b: {  	v8 =	vmov s0  }
0x10c: {  	v8 =	vadd.s32 $0xFFFFFFFF, v8  }
0x10d: {  	v8 =	vbroadcast v8, $0x0;
	v9, _, _ =	vpop (xrf0)  }
0x10e: {  	(v2sf) =	vpush v9, $0xF  }
0x10f: {  	vm2 =	veq.s32 v7, $0x1;
	v7 =	vadd.s32 v9, v8  }
0x110: {  	v7 =	vnsel vm2, $0xC8, v7  }
0x111: {  	[tilespmem:s1+$0x4D00] =	vst v7  }
0x112: {  	v7 =	vld [tilespmem:s2+$0x30]  }
0x113: {  	v8 =	vld [tilespmem:s12+$0x30];
	_ =	sdelay $0x3  }
0x114: {  	(xrf0) =	vadd.scan.msk.s32 $0xffff, v7  }
0x115: {  	v8 =	vmul.u32 v7, v8;
	_ =	sdelay $0x1  }
0x116: {  	[tilespmem:s30+$0x30] =	vst v8;
	_ =	sdelay $0x2  }
0x117: {  	s1 =	spop (v2sf);
	v8, _, _ =	vpop (xrf0)  }
0x118: {  	s0 =	sadd.s32 s0, s1;
	(v2sf) =	vpush v8, $0xF  }
0x119: {  	v9 =	vmov s0  }
0x11a: {  	v9 =	vadd.s32 $0xFFFFFFFF, v9  }
0x11b: {  	v9 =	vbroadcast v9, $0x0;
	_ =	sdelay $0x1  }
0x11c: {  	vm2 =	veq.s32 v7, $0x1;
	v7 =	vadd.s32 v8, v9  }
0x11d: {  	v7 =	vnsel vm2, $0xC8, v7  }
0x11e: {  	[tilespmem:s6+$0x30] =	vst v7  }
0x11f: {  	v7 =	vld [tilespmem:s2+$0x40]  }
0x120: {  	v8 =	vld [tilespmem:s12+$0x40];
	_ =	sdelay $0x3  }
0x121: {  	(xrf0) =	vadd.scan.msk.s32 $0xffff, v7  }
0x122: {  	v8 =	vmul.u32 v7, v8  }
0x123: {  	s1 =	spop (v2sf)  }
0x124: {  	s0 =	sadd.s32 s0, s1;
	[tilespmem:s30+$0x40] =	vst v8  }
0x125: {  	v8 =	vmov s0  }
0x126: {  	v8 =	vadd.s32 $0xFFFFFFFF, v8  }
0x127: {  	v8 =	vbroadcast v8, $0x0;
	v9, _, _ =	vpop (xrf0)  }
0x128: {  	(v2sf) =	vpush v9, $0xF  }
0x129: {  	vm2 =	veq.s32 v7, $0x1;
	v7 =	vadd.s32 v9, v8  }
0x12a: {  	v7 =	vnsel vm2, $0xC8, v7  }
0x12b: {  	[tilespmem:s6+$0x40] =	vst v7  }
0x12c: {  	v7 =	vld [tilespmem:s2+$0x50]  }
0x12d: {  	v8 =	vld [tilespmem:s12+$0x50];
	_ =	sdelay $0x3  }
0x12e: {  	(xrf0) =	vadd.scan.msk.s32 $0xffff, v7  }
0x12f: {  	v8 =	vmul.u32 v7, v8;
	_ =	sdelay $0x1  }
0x130: {  	[tilespmem:s30+$0x50] =	vst v8;
	_ =	sdelay $0x2  }
0x131: {  	s1 =	spop (v2sf);
	v8, _, _ =	vpop (xrf0)  }
0x132: {  	s0 =	sadd.s32 s0, s1;
	(v2sf) =	vpush v8, $0xF  }
0x133: {  	v9 =	vmov s0  }
0x134: {  	v9 =	vadd.s32 $0xFFFFFFFF, v9  }
0x135: {  	v9 =	vbroadcast v9, $0x0;
	_ =	sdelay $0x1  }
0x136: {  	vm2 =	veq.s32 v7, $0x1;
	v7 =	vadd.s32 v8, v9  }
0x137: {  	v7 =	vnsel vm2, $0xC8, v7  }
0x138: {  	[tilespmem:s6+$0x50] =	vst v7  }
0x139: {  	v7 =	vld [tilespmem:s2+$0x60]  }
0x13a: {  	v8 =	vld [tilespmem:s12+$0x60];
	_ =	sdelay $0x3  }
0x13b: {  	v7 =	vnsel vm0, $0x0, v7  }
0x13c: {  	v8 =	vmul.u32 v7, v8;
	(xrf0) =	vadd.scan.msk.s32 $0xffff, v7  }
0x13d: {  	s1 =	spop (v2sf)  }
0x13e: {  	s0 =	sadd.s32 s0, s1;
	[tilespmem:s30+$0x60] =	vst v8  }
0x13f: {  	v8 =	vmov s0  }
.Ltmp2:
0x140: {  	v8 =	vadd.s32 $0xFFFFFFFF, v8;
	(pc) =	sbr.rel @p0 .LBB2_2-.Ltmp2, $4  }
0x141: {  	v8 =	vbroadcast v8, $0x0  }
0x142: {  	v9, _, _ =	vpop (xrf0)  }
0x143: {  	vm2 =	veq.s32 v7, $0x1;
	v7 =	vadd.s32 v9, v8  }
0x144: {  	s6 =	sadd.s32 $0xC8, s6;
	v7 =	vnsel vm2, $0xC8, v7  }
0x145: {  	[tilespmem:s31+$0x60] =	vst v7;
	s0 =	simm.s32 $0x40;
	s1 =	simm.s32 $0x0  }
.LBB2_4:
0x146: {  	p0 =	sne.s32 s0, $0x94C0;
	[tilespmem:s1+$0xB100] =	vst v2;
	s2 =	smov.u32 s0;
	s0 =	sadd.s32 $0x40, s0  }
.Ltmp3:
0x147: {  	[tilespmem:s1+$0x6600] =	vst v1;
	(pc) =	sbr.rel @p0 .LBB2_4-.Ltmp3, $2  }
0x148: {  	[tilespmem:s1+$0x8B80] =	vst v0;
	_ =	sdelay $0x2  }
0x149: {  	s1 =	sshra.s32 s2, $0x2  }
0x14a: {  	[tilespmem:s1+$0xB100] =	vst v2  }
0x14b: {  	[tilespmem:s1+$0x6600] =	vst v1  }
0x14c: {  	[tilespmem:s1+$0x8B80] =	vst v0  }
0x14d: {  	[tilespmem:$0x18080] =	vst v1  }
0x14e: {  	[tilespmem:$0x18090] =	vst v1  }
0x14f: {  	[tilespmem:$0x180A0] =	vst v1  }
0x150: {  	s1 =	simm.s32 $0x0;
	s0 =	simm.s32 $0x40;
	[tilespmem:$0x180B0] =	vst v1  }
.LBB2_6:
0x151: {  	p0 =	sne.s32 s0, $0x63C0;
	v7 =	vld [tilespmem:s1+$0x3300];
	_ =	sdelay $0x4  }
0x152: {  	v7 =	vshrl.u32 v7, $0xB  }
0x153: {  	(xrf1) =	vunique.msk.u32 $0xffff, v7;
	_ =	sdelay $0xc  }
0x154: {  	v8 =	vld.idx.msk [tilespmem:v7+s15+$0x0], $0xffff  }
0x155: {  	_, v9, vm2 =	vpop (xrf1);
	_ =	sdelay $0x1  }
.Ltmp4:
0x156: {  	(pc) =	sbr.rel @p0 .LBB2_6-.Ltmp4, $3  }
0x157: {  	_ =	sdelay $0x1  }
0x158: {  	v8 =	vadd.s32 v8, v9  }
0x159: {  	s1 =	sshra.s32 s0, $0x2;
	s0 =	sadd.s32 $0x40, s0;
	[tilespmem:v7+s15+$0x0] =	vst.idx.msk vm2, v8  }
0x15a: {  	v7 =	vld [tilespmem:s1+$0x3300];
	_ =	sdelay $0x4  }
0x15b: {  	v7 =	vshrl.u32 v7, $0xB  }
0x15c: {  	(xrf1) =	vunique.msk.u32 $0xffff, v7;
	_ =	sdelay $0xd  }
0x15d: {  	v8 =	vld.idx.msk [tilespmem:v7+s15+$0x0], $0xffff;
	_, v9, vm2 =	vpop (xrf1);
	_ =	sdelay $0x4  }
0x15e: {  	v8 =	vadd.s32 v8, v9  }
0x15f: {  	[tilespmem:v7+s15+$0x0] =	vst.idx.msk vm2, v8  }
0x160: {  	v7 =	vld [tilespmem:$0x18080]  }
0x161: {  	v8 =	vld [tilespmem:$0x18090]  }
0x162: {  	v9 =	vld [tilespmem:$0x180A0];
	_ =	sdelay $0x2  }
0x163: {  	v7 =	vadd.s32 $0x3F, v7  }
0x164: {  	v8 =	vadd.s32 $0x3F, v8;
	v7 =	vand.u32 $0xFFFFFFC0, v7  }
0x165: {  	v9 =	vadd.s32 $0x3F, v9;
	v8 =	vand.u32 $0xFFFFFFC0, v8;
	(xrf0) =	vadd.scan.msk.s32 $0xffff, v7  }
0x166: {  	v9 =	vand.u32 $0xFFFFFFC0, v9;
	(xrf0) =	vadd.scan.msk.s32 $0xffff, v8  }
0x167: {  	(xrf0) =	vadd.scan.msk.s32 $0xffff, v9;
	_ =	sdelay $0x3  }
0x168: {  	v10, _, _ =	vpop (xrf0)  }
0x169: {  	v11, _, _ =	vpop (xrf0);
	(v2sf) =	vpush v10, $0xF  }
0x16a: {  	(v2sf) =	vpush v11, $0xF;
	v12, _, _ =	vpop (xrf0)  }
0x16b: {  	v7 =	vsub.s32 v10, v7;
	(v2sf) =	vpush v12, $0xF  }
0x16c: {  	(v2sf) =	vpush v7, $0x0  }
0x16d: {  	(v2sf) =	vpush v7, $0x1  }
0x16e: {  	(v2sf) =	vpush v7, $0x2  }
0x16f: {  	(v2sf) =	vpush v7, $0x3  }
0x170: {  	(v2sf) =	vpush v7, $0x4  }
0x171: {  	(v2sf) =	vpush v7, $0x5  }
0x172: {  	(v2sf) =	vpush v7, $0x6  }
0x173: {  	(v2sf) =	vpush v7, $0x7  }
0x174: {  	(v2sf) =	vpush v7, $0x8  }
0x175: {  	(v2sf) =	vpush v7, $0x9  }
0x176: {  	(v2sf) =	vpush v7, $0xA  }
0x177: {  	(v2sf) =	vpush v7, $0xB  }
0x178: {  	s0 =	spop (v2sf);
	(v2sf) =	vpush v7, $0xC  }
0x179: {  	v10 =	vbroadcast v10, $0xF;
	s10 =	spop (v2sf);
	(v2sf) =	vpush v7, $0xD  }
0x17a: {  	v8 =	vsub.s32 v11, v8;
	s2 =	spop (v2sf);
	(v2sf) =	vpush v7, $0xE  }
0x17b: {  	v8 =	vadd.s32 v10, v8;
	s3 =	spop (v2sf);
	(v2sf) =	vpush v7, $0xF  }
0x17c: {  	v10 =	vld [tilespmem:$0x180B0];
	s5 =	spop (v2sf);
	(v2sf) =	vpush v8, $0x0  }
0x17d: {  	[smem:$0x0] =	sst s3;
	s6 =	spop (v2sf);
	(v2sf) =	vpush v8, $0x1  }
0x17e: {  	[smem:$0x1] =	sst s5;
	s11 =	spop (v2sf);
	(v2sf) =	vpush v8, $0x2  }
0x17f: {  	[smem:$0x2] =	sst s6;
	s12 =	spop (v2sf);
	(v2sf) =	vpush v8, $0x3  }
0x180: {  	[smem:$0x3] =	sst s11;
	s13 =	spop (v2sf);
	(v2sf) =	vpush v8, $0x4  }
0x181: {  	v10 =	vadd.s32 $0x3F, v10;
	[smem:$0x4] =	sst s12;
	s14 =	spop (v2sf);
	(v2sf) =	vpush v8, $0x5  }
0x182: {  	v10 =	vand.u32 $0xFFFFFFC0, v10;
	[smem:$0x5] =	sst s13;
	s19 =	spop (v2sf);
	(v2sf) =	vpush v8, $0x6  }
0x183: {  	(xrf0) =	vadd.scan.msk.s32 $0xffff, v10;
	[smem:$0x6] =	sst s14;
	s21 =	spop (v2sf);
	(v2sf) =	vpush v8, $0x7  }
0x184: {  	[smem:$0x7] =	sst s19;
	s22 =	spop (v2sf);
	(v2sf) =	vpush v8, $0x8  }
0x185: {  	[smem:$0x8] =	sst s21;
	s24 =	spop (v2sf);
	(v2sf) =	vpush v8, $0x9  }
0x186: {  	[tilespmem:$0x18080] =	vst v7;
	[smem:$0x9] =	sst s22;
	s25 =	spop (v2sf);
	(v2sf) =	vpush v8, $0xA  }
0x187: {  	[tilespmem:$0x18100] =	vst v7;
	[smem:$0xA] =	sst s24;
	s28 =	spop (v2sf);
	(v2sf) =	vpush v8, $0xB  }
0x188: {  	[tilespmem:$0x18090] =	vst v8;
	s0 =	sadd.s32 s0, s10;
	v7 =	vsub.s32 v12, v9;
	[smem:$0xB] =	sst s25;
	s29 =	spop (v2sf);
	(v2sf) =	vpush v8, $0xC  }
0x189: {  	[tilespmem:$0x18110] =	vst v8;
	v9, _, _ =	vpop (xrf0);
	v7 =	vadd.s32 s0, v7;
	[smem:$0xC] =	sst s28;
	s30 =	spop (v2sf);
	(v2sf) =	vpush v8, $0xD  }
0x18a: {  	s0 =	sadd.s32 s2, s0;
	v9 =	vsub.s32 v9, v10;
	[tilespmem:$0x180A0] =	vst v7;
	[smem:$0xD] =	sst s29;
	s31 =	spop (v2sf);
	(v2sf) =	vpush v8, $0xE  }
0x18b: {  	[tilespmem:$0x18120] =	vst v7;
	[smem:$0xE] =	sst s30;
	s6 =	spop (v2sf);
	(v2sf) =	vpush v8, $0xF;
	v8 =	vadd.s32 s0, v9;
	v9 =	vsel vm1, $0x0, v10  }
0x18c: {  	[smem:$0xF] =	sst s31;
	s7 =	spop (v2sf);
	(v2sf) =	vpush v7, $0x0;
	[tilespmem:$0x180B0] =	vst v8;
	v9 =	vadd.s32 v9, v8  }
0x18d: {  	s0 =	simm.s32 $0x0;
	[smem:$0x10] =	sst s6;
	s8 =	spop (v2sf);
	(v2sf) =	vpush v7, $0x1;
	[tilespmem:$0x18130] =	vst v9  }
0x18e: {  	[smem:$0x11] =	sst s7;
	s9 =	spop (v2sf);
	(v2sf) =	vpush v7, $0x2;
	v9 =	vld [tilespmem:s0+$0x3300]  }
0x18f: {  	[smem:$0x12] =	sst s8;
	s10 =	spop (v2sf);
	(v2sf) =	vpush v7, $0x3  }
0x190: {  	[smem:$0x13] =	sst s9;
	s11 =	spop (v2sf);
	(v2sf) =	vpush v7, $0x4  }
0x191: {  	[smem:$0x14] =	sst s10;
	s12 =	spop (v2sf);
	(v2sf) =	vpush v7, $0x5  }
0x192: {  	[smem:$0x15] =	sst s11;
	s13 =	spop (v2sf);
	(v2sf) =	vpush v7, $0x6  }
0x193: {  	[smem:$0x16] =	sst s12;
	s14 =	spop (v2sf);
	(v2sf) =	vpush v7, $0x7;
	v11 =	vshrl.u32 v9, $0xB  }
0x194: {  	[smem:$0x17] =	sst s13;
	s19 =	spop (v2sf);
	(v2sf) =	vpush v7, $0x8;
	(xrf1) =	vunique.msk.u32 $0xffff, v11  }
0x195: {  	[smem:$0x18] =	sst s14;
	s21 =	spop (v2sf);
	(v2sf) =	vpush v7, $0x9  }
0x196: {  	[smem:$0x19] =	sst s19;
	s22 =	spop (v2sf);
	(v2sf) =	vpush v7, $0xA  }
0x197: {  	[smem:$0x1A] =	sst s21;
	s24 =	spop (v2sf);
	(v2sf) =	vpush v7, $0xB  }
0x198: {  	[smem:$0x1B] =	sst s22;
	s25 =	spop (v2sf);
	(v2sf) =	vpush v7, $0xC  }
0x199: {  	[smem:$0x1C] =	sst s24;
	s28 =	spop (v2sf);
	(v2sf) =	vpush v7, $0xD  }
0x19a: {  	[smem:$0x1D] =	sst s25;
	s29 =	spop (v2sf);
	(v2sf) =	vpush v7, $0xE  }
0x19b: {  	s25 =	rddreg [dreg:$0xa];
	s30 =	spop (v2sf);
	(v2sf) =	vpush v7, $0xF  }
0x19c: {  	[smem:$0x1E] =	sst s28;
	s31 =	spop (v2sf);
	(v2sf) =	vpush v8, $0x0  }
0x19d: {  	[smem:$0x1F] =	sst s29;
	s5 =	spop (v2sf);
	(v2sf) =	vpush v8, $0x1  }
0x19e: {  	v7 =	vld.idx.msk [tilespmem:v11+s15+$0x0], $0xffff;
	[smem:$0x20] =	sst s30;
	s6 =	spop (v2sf);
	(v2sf) =	vpush v10, $0x1  }
0x19f: {  	[smem:$0x21] =	sst s31;
	s7 =	spop (v2sf)  }
0x1a0: {  	[smem:$0x22] =	sst s5;
	s8 =	spop (v2sf)  }
0x1a1: {  	[smem:$0x23] =	sst s6;
	s9 =	spop (v2sf)  }
0x1a2: {  	[smem:$0x24] =	sst s7;
	s10 =	spop (v2sf);
	_, v8, vm2 =	vpop (xrf1)  }
0x1a3: {  	[smem:$0x25] =	sst s8;
	s11 =	spop (v2sf);
	v7 =	vadd.s32 v7, v8  }
0x1a4: {  	[smem:$0x26] =	sst s9;
	s12 =	spop (v2sf);
	v8 =	vadd.s32 $0xFFFFFFFF, v7  }
0x1a5: {  	[smem:$0x27] =	sst s10;
	s13 =	spop (v2sf)  }
0x1a6: {  	v10 =	vld [tilespmem:s0+$0x4C80];
	[smem:$0x28] =	sst s11;
	s14 =	spop (v2sf)  }
0x1a7: {  	[smem:$0x29] =	sst s12;
	s19 =	spop (v2sf)  }
0x1a8: {  	v9 =	vand.u32 $0x7FF, v9;
	[smem:$0x2A] =	sst s13;
	s21 =	spop (v2sf)  }
0x1a9: {  	[smem:$0x2B] =	sst s14;
	s22 =	spop (v2sf);
	[tilespmem:v8+s16+$0x0] =	vst.idx.msk $0xffff, v9;
	v9 =	vor.u32 s25, v3  }
0x1aa: {  	[smem:$0x2C] =	sst s19;
	s24 =	spop (v2sf);
	[tilespmem:v8+s17+$0x0] =	vst.idx.msk $0xffff, v9  }
0x1ab: {  	[smem:$0x2D] =	sst s21;
	s28 =	spop (v2sf);
	[tilespmem:v8+s18+$0x0] =	vst.idx.msk $0xffff, v10  }
0x1ac: {  	s31 =	simm.s32 $0x10;
	[smem:$0x2E] =	sst s22;
	s29 =	spop (v2sf);
	[tilespmem:v11+s15+$0x0] =	vst.idx.msk vm2, v7  }
0x1ad: {  	[smem:$0x2F] =	sst s24;
	s30 =	spop (v2sf);
	v8 =	vld [tilespmem:s31+$0x3300]  }
0x1ae: {  	s2 =	simm.s32 $0x80;
	[smem:$0x30] =	sst s28;
	s0 =	sadd.s32 s30, s29  }
0x1af: {  	s1 =	smov.u32 s25;
	v7 =	vld [tilespmem:s31+$0x4C80];
	[smem:$0x31] =	sst s0;
	s0 =	simm.s32 $0x0  }
.LBB2_8:
0x1b0: {  	p0 =	sne.s32 s2, $0x63C0;
	_ =	sdelay $0x1  }
0x1b1: {  	v9 =	vshrl.u32 v8, $0xB  }
0x1b2: {  	(xrf1) =	vunique.msk.u32 $0xffff, v9;
	_ =	sdelay $0x8  }
0x1b3: {  	v10 =	vld.idx.msk [tilespmem:v9+s15+$0x0], $0xffff;
	_ =	sdelay $0x4  }
0x1b4: {  	_, v11, vm2 =	vpop (xrf1)  }
0x1b5: {  	v10 =	vadd.s32 v10, v11  }
0x1b6: {  	v11 =	vadd.s32 $0xFFFFFFFF, v10;
	_ =	sdelay $0x3  }
0x1b7: {  	s1 =	sadd.s32 $0x10, s1;
	v8 =	vand.u32 $0x7FF, v8  }
0x1b8: {  	[tilespmem:v11+s16+$0x0] =	vst.idx.msk $0xffff, v8;
	v8 =	vor.u32 s1, v3  }
0x1b9: {  	[tilespmem:v11+s17+$0x0] =	vst.idx.msk $0xffff, v8  }
.Ltmp5:
0x1ba: {  	[tilespmem:v11+s18+$0x0] =	vst.idx.msk $0xffff, v7;
	(pc) =	sbr.rel @p0 .LBB2_8-.Ltmp5, $4  }
0x1bb: {  	s3 =	sshra.s32 s2, $0x2;
	[tilespmem:v9+s15+$0x0] =	vst.idx.msk vm2, v10  }
0x1bc: {  	v8 =	vld [tilespmem:s3+$0x3300]  }
0x1bd: {  	v7 =	vld [tilespmem:s3+$0x4C80]  }
0x1be: {  	s2 =	sadd.s32 $0x40, s2  }
0x1bf: {  	_ =	sdelay $0x1  }
0x1c0: {  	v9 =	vshrl.u32 v8, $0xB  }
0x1c1: {  	(xrf1) =	vunique.msk.u32 $0xffff, v9;
	_ =	sdelay $0x9  }
0x1c2: {  	v10 =	vld.idx.msk [tilespmem:v9+s15+$0x0], $0xffff;
	_ =	sdelay $0x3  }
0x1c3: {  	_, v11, vm2 =	vpop (xrf1)  }
0x1c4: {  	v10 =	vadd.s32 v10, v11  }
0x1c5: {  	v11 =	vadd.s32 $0xFFFFFFFF, v10;
	_ =	sdelay $0x3  }
0x1c6: {  	s1 =	sadd.s32 $0x10, s1;
	v8 =	vand.u32 $0x7FF, v8  }
0x1c7: {  	[tilespmem:v11+s16+$0x0] =	vst.idx.msk $0xffff, v8;
	v8 =	vor.u32 s1, v3  }
0x1c8: {  	[tilespmem:v11+s17+$0x0] =	vst.idx.msk $0xffff, v8  }
0x1c9: {  	[tilespmem:v11+s18+$0x0] =	vst.idx.msk $0xffff, v7  }
0x1ca: {  	s1 =	simm.s32 $0x18100;
	[tilespmem:v9+s15+$0x0] =	vst.idx.msk vm2, v10  }
.LBB2_10:
0x1cb: {  	v7 =	vmov s0;
	_ =	sdelay $0x4  }
0x1cc: {  	v8 =	vld.idx.msk [tilespmem:v7+s15+$0x0], $0xffff  }
0x1cd: {  	v7 =	vadd.s32 $0x1, v7;
	_ =	sdelay $0x3  }
0x1ce: {  	v9 =	vadd.s32 $0xFFFFFFFF, v8  }
0x1cf: {  	v7 =	vld.idx.msk [tilespmem:v7+s1+$0x0], $0xffff;
	vm2 =	vgt.s32 v9, $0x0  }
0x1d0: {  	v9 =	vnsel vm2, $0x0, v9;
	_ =	sdelay $0x2  }
0x1d1: {  	v10 =	vadd.s32 v3, v8  }
0x1d2: {  	vm2 =	vlt.s32 v10, v7  }
0x1d3: {  	v11 =	vld.idx.msk [tilespmem:v9+s16+$0x0], $0xffff  }
0x1d4: {  	v13 =	vadd.s32 v4, v8;
	v12 =	vld.idx.msk [tilespmem:v9+s17+$0x0], $0xffff  }
0x1d5: {  	vm3 =	vlt.s32 v13, v7;
	v9 =	vld.idx.msk [tilespmem:v9+s18+$0x0], $0xffff;
	_ =	sdelay $0x1  }
0x1d6: {  	v14 =	vadd.s32 v5, v8  }
0x1d7: {  	vm4 =	vlt.s32 v14, v7;
	[tilespmem:v10+s16+$0x0] =	vst.idx.msk vm2, v11  }
0x1d8: {  	[tilespmem:v10+s17+$0x0] =	vst.idx.msk vm2, v12  }
0x1d9: {  	v8 =	vadd.s32 v6, v8;
	[tilespmem:v10+s18+$0x0] =	vst.idx.msk vm2, v9  }
0x1da: {  	vm2 =	vlt.s32 v8, v7;
	[tilespmem:v13+s16+$0x0] =	vst.idx.msk vm3, v11  }
0x1db: {  	[tilespmem:v13+s17+$0x0] =	vst.idx.msk vm3, v12  }
0x1dc: {  	[tilespmem:v13+s18+$0x0] =	vst.idx.msk vm3, v9  }
0x1dd: {  	p0 =	sne.s32 s0, $0x30;
	[tilespmem:v14+s16+$0x0] =	vst.idx.msk vm4, v11  }
.Ltmp6:
0x1de: {  	[tilespmem:v14+s17+$0x0] =	vst.idx.msk vm4, v12;
	(pc) =	sbr.rel @p0 .LBB2_10-.Ltmp6, $4  }
0x1df: {  	[tilespmem:v14+s18+$0x0] =	vst.idx.msk vm4, v9  }
0x1e0: {  	[tilespmem:v8+s16+$0x0] =	vst.idx.msk vm2, v11  }
0x1e1: {  	[tilespmem:v8+s17+$0x0] =	vst.idx.msk vm2, v12  }
0x1e2: {  	s0 =	sadd.s32 $0x1, s0;
	[tilespmem:v8+s18+$0x0] =	vst.idx.msk vm2, v9  }
.Ltmp7:
0x1e3: {  	(pc) =	sbr.rel .LBB2_12-.Ltmp7, $2  }
0x1e4: {  	_ =	sdelay $0x2  }
0x1e5: {  	s30 =	simm.s32 $0x0  }
.LBB2_22:
0x1e6: {  	p0 =	seq.s32 s31, $0x1  }
0x1e7: {  	s0 =	simm.s32 @!p0 $0x2  }
0x1e8: {  	_ =	swait.ge @!p0 [sflag:s0], $0x2000  }
0x1e9: {  	s1 =	simm.s32 @!p0 $0x4;
	[sflag:s0] =	ssyncset.done @!p0 $0x0  }
0x1ea: {  	s1 =	simm.s32 @p0 $0x2;
	[sflag:s0] =	ssyncadd.s32 @!p0 $0xFFFFE000  }
0x1eb: {  	_ =	swait.ge [sflag:s1], $0x2000  }
0x1ec: {  	[sflag:s1] =	ssyncset.done $0x0  }
0x1ed: {  	[sflag:s1] =	ssyncadd.s32 $0xFFFFE000  }
.LBB2_23:
0x1ee: {  	s30 =	sadd.s32 $0x1, s30  }
0x1ef: {  	p0 =	sne.s32 s30, $0x31  }
.Ltmp8:
0x1f0: {  	_ = 	snop;
	(pc) =	sbr.rel @!p0 .LBB2_24-.Ltmp8, $1  }
0x1f1: {  	_ =	sdelay $0x3  }
.LBB2_12:
0x1f2: {  	s0 =	sshll.u32 s30, $0xB  }
0x1f3: {  	s1 =	ssub.s32 $0x186A0, s0  }
0x1f4: {  	s2 =	rddreg [dreg:$0x8];
	s1 =	smin.u32 s1, $0x800  }
0x1f5: {  	p0 =	sge.u32 s2, s1  }
0x1f6: {  	s1 =	sadd.s32 @!p0 $0xFFFFFF80, s1  }
0x1f7: {  	p1 =	slt.s32 @!p0 s2, s1  }
0x1f8: {  	p1 =	por !p1, p0  }
0x1f9: {  	[bflag:$0x0] =	sbarrier.arrive $0xFFFF;
	s2 =	smov.u32 @p1 s1  }
0x1fa: {  	s3 =	rddreg [dreg:$0x0];
	s1 =	sshll.u32 @!p0 s2, $0x9  }
0x1fb: {  	s0 =	sadd.s32 @!p0 s0, s2;
	s2 =	stileid.u32;
	s1 =	sshra.s32 @!p0 s1, $0x2  }
0x1fc: {  	s0 =	sshll.u32 @!p0 s0, $0x4;
	s2 =	sshll.u32 @!p0 s2, $0x6;
	s1 =	sadd.s32 @!p0 s1, s4  }
0x1fd: {  	s0 =	sadd.s32 @!p0 s3, s0;
	s2 =	sor.u32 @!p0 $0x1C05, s2;
	s1 =	sshrl.u32 @!p0 s1, $0x3  }
0x1fe: {  	[spmem:s1], [sflag:s2] =	dma.local @!p0 [hbm:s0], $0x800  }
0x1ff: {  	s0 =	simm.s32 @!p0 $0x5  }
0x200: {  	_ =	swait.ge @!p0 [sflag:s0], $0x800  }
0x201: {  	[sflag:s0] =	ssyncset.done @!p0 $0x0  }
0x202: {  	[sflag:s0] =	ssyncadd.s32 @!p0 $0xFFFFF800  }
0x203: {  	[bflag:$0x0] =	sbarrier.arrive $0xFFFF  }
0x204: {  	s1 =	sld [smem:s30+$0x0]  }
0x205: {  	s29 =	sld [smem:s30+$0x1];
	_ =	sdelay $0x2  }
0x206: {  	s0 =	ssub.s32 s29, s1  }
0x207: {  	s31 =	sshra.s32 s0, $0x6  }
0x208: {  	p0 =	slt.s32 s31, $0x1  }
.Ltmp9:
0x209: {  	_ = 	snop;
	(pc) =	sbr.rel @p0 .LBB2_23-.Ltmp9, $1  }
0x20a: {  	_ =	sdelay $0x3  }
0x20b: {  	v7 =	vld [tilespmem:s1+$0x6600];
	_ =	sdelay $0x4  }
0x20c: {  	[tilespmem:$0x17E80] =	vst v7  }
0x20d: {  	v7 =	vld [tilespmem:s1+$0x8B80];
	_ =	sdelay $0x4  }
0x20e: {  	[tilespmem:$0x17F00] =	vst v7  }
0x20f: {  	v7 =	vld [tilespmem:s1+$0x6610];
	_ =	sdelay $0x4  }
0x210: {  	[tilespmem:$0x17E90] =	vst v7  }
0x211: {  	v7 =	vld [tilespmem:s1+$0x8B90];
	_ =	sdelay $0x4  }
0x212: {  	[tilespmem:$0x17F10] =	vst v7  }
0x213: {  	v7 =	vld [tilespmem:s1+$0x6620];
	_ =	sdelay $0x4  }
0x214: {  	[tilespmem:$0x17EA0] =	vst v7  }
0x215: {  	v7 =	vld [tilespmem:s1+$0x8BA0];
	_ =	sdelay $0x4  }
0x216: {  	[tilespmem:$0x17F20] =	vst v7  }
0x217: {  	v7 =	vld [tilespmem:s1+$0x6630];
	_ =	sdelay $0x4  }
0x218: {  	[tilespmem:$0x17EB0] =	vst v7  }
0x219: {  	v7 =	vld [tilespmem:s1+$0x8BB0];
	_ =	sdelay $0x2  }
.Ltmp10:
0x21a: {  	_ = 	snop;
	(pc) =	sbr.rel .LBB2_14-.Ltmp10, $4  }
0x21b: {  	_ = 	snop  }
0x21c: {  	s0 =	simm.s32 $0x17E80;
	s2 =	simm.s32 $0x13E80;
	[tilespmem:$0x17F30] =	vst v7  }
0x21d: {  	[tilespmem:s2], [sflag:$0x1] =	stream.indirect.gather [spmem:s4], $0x80, s0, s20, $0xb8;
	[tilespmem:$0x1C180] =	vst v63  }
0x21e: {  	v7 =	vmov s1;
	s2 =	sadd.s32 $0xB100, s1;
	s0 =	simm.s32 $0x0  }
.LBB2_17:
0x21f: {  	s0 =	rddreg [dreg:$0x2];
	s1 =	simm.s32 $0x13E80;
	s3 =	simm.s32 $0x17F00  }
0x220: {  	[hbm4b:s0+s20] =	stream.indirect.scatter [tilespmem:s1], [sflag:$0x2], $0x80, s3, s20, $0xb8;
	[tilespmem:$0x1C180] =	vst v63  }
.LBB2_21:
0x221: {  	p0 =	sne.s32 s12, s31  }
.Ltmp11:
0x222: {  	_ = 	snop;
	(pc) =	sbr.rel @!p0 .LBB2_22-.Ltmp11, $2  }
0x223: {  	_ =	sdelay $0x2  }
0x224: {  	s0 =	smov.u32 s12  }
.LBB2_14:
0x225: {  	s1 =	sand.u32 $0x1, s0  }
0x226: {  	p0 =	seq.s32 s1, $0x1  }
.Ltmp12:
0x227: {  	_ = 	snop;
	(pc) =	sbr.rel @!p0 .LBB2_15-.Ltmp12, $1  }
0x228: {  	_ =	sdelay $0x3  }
0x229: {  	_ =	swait.ge [sflag:s23], $0x2000;
	s12 =	sadd.s32 $0x1, s0  }
0x22a: {  	[sflag:s23] =	ssyncset.done $0x0;
	p0 =	sge.s32 s12, s31  }
0x22b: {  	[sflag:s23] =	ssyncadd.s32 $0xFFFFE000;
	s1 =	simm.s32 @!p0 $0x2  }
0x22c: {  	_ =	swait.ge @!p0 [sflag:s1], $0x2000  }
0x22d: {  	[sflag:s1] =	ssyncset.done @!p0 $0x0  }
0x22e: {  	[sflag:s1] =	ssyncadd.s32 @!p0 $0xFFFFE000;
	s1 =	sshll.u32 @!p0 s12, $0x6  }
0x22f: {  	v8 =	vld.idx.msk @!p0 [tilespmem:v7+s1+$0x6600 ss:$0x1], $0xffff;
	_ =	sdelay $0x4  }
0x230: {  	[tilespmem:$0x17E80] =	vst @!p0 v8  }
0x231: {  	v8 =	vld.idx.msk @!p0 [tilespmem:v7+s1+$0x8B80 ss:$0x1], $0xffff;
	_ =	sdelay $0x4  }
0x232: {  	[tilespmem:$0x17F00] =	vst @!p0 v8  }
0x233: {  	v8 =	vld.idx.msk @!p0 [tilespmem:v7+s1+$0x6610 ss:$0x1], $0xffff;
	_ =	sdelay $0x4  }
0x234: {  	[tilespmem:$0x17E90] =	vst @!p0 v8  }
0x235: {  	v8 =	vld.idx.msk @!p0 [tilespmem:v7+s1+$0x8B90 ss:$0x1], $0xffff;
	_ =	sdelay $0x4  }
0x236: {  	[tilespmem:$0x17F10] =	vst @!p0 v8  }
0x237: {  	v8 =	vld.idx.msk @!p0 [tilespmem:v7+s1+$0x6620 ss:$0x1], $0xffff;
	_ =	sdelay $0x4  }
0x238: {  	[tilespmem:$0x17EA0] =	vst @!p0 v8  }
0x239: {  	v8 =	vld.idx.msk @!p0 [tilespmem:v7+s1+$0x8BA0 ss:$0x1], $0xffff;
	_ =	sdelay $0x4  }
0x23a: {  	[tilespmem:$0x17F20] =	vst @!p0 v8  }
0x23b: {  	v8 =	vld.idx.msk @!p0 [tilespmem:v7+s1+$0x6630 ss:$0x1], $0xffff;
	_ =	sdelay $0x4  }
0x23c: {  	[tilespmem:$0x17EB0] =	vst @!p0 v8  }
0x23d: {  	v8 =	vld.idx.msk @!p0 [tilespmem:v7+s1+$0x8BB0 ss:$0x1], $0xffff;
	_ =	sdelay $0x2  }
0x23e: {  	s29 =	sshll.u32 s0, $0x8  }
0x23f: {  	s14 =	simm.s32 $0x0;
	s0 =	sshra.s32 s29, $0x2;
	s3 =	simm.s32 @!p0 $0x17E80  }
0x240: {  	s5 =	simm.s32 @!p0 $0x13E80;
	s6 =	sadd.s32 s0, s2;
	s1 =	simm.s32 @!p0 $0x40;
	[tilespmem:$0x17F30] =	vst @!p0 v8  }
0x241: {  	[tilespmem:s5], [sflag:$0x1] =	stream.indirect.gather @!p0 [spmem:s4], $0x80, s3, s1, $0xb8;
	[tilespmem:$0x1C180] =	vst v63  }
.LBB2_19:
0x242: {  	v8 =	vld [tilespmem:s6+$0x0];
	_ =	sdelay $0x4  }
0x243: {  	v8 =	vshll.u32 v8, $0x9  }
0x244: {  	v8 =	vshra.s32 v8, $0x2  }
0x245: {  	(v2sf) =	vpush v8, $0xF  }
0x246: {  	(v2sf) =	vpush v8, $0xE  }
0x247: {  	(v2sf) =	vpush v8, $0xD  }
0x248: {  	(v2sf) =	vpush v8, $0xC  }
0x249: {  	(v2sf) =	vpush v8, $0xB  }
0x24a: {  	(v2sf) =	vpush v8, $0xA  }
0x24b: {  	(v2sf) =	vpush v8, $0x9  }
0x24c: {  	(v2sf) =	vpush v8, $0x8  }
0x24d: {  	(v2sf) =	vpush v8, $0x7  }
0x24e: {  	(v2sf) =	vpush v8, $0x6  }
0x24f: {  	(v2sf) =	vpush v8, $0x5  }
0x250: {  	(v2sf) =	vpush v8, $0x4  }
0x251: {  	(v2sf) =	vpush v8, $0x3  }
0x252: {  	(v2sf) =	vpush v8, $0x2  }
0x253: {  	(v2sf) =	vpush v8, $0x1  }
0x254: {  	s7 =	spop (v2sf);
	(v2sf) =	vpush v8, $0x0  }
0x255: {  	s8 =	spop (v2sf)  }
0x256: {  	s10 =	spop (v2sf)  }
0x257: {  	s5 =	spop (v2sf)  }
0x258: {  	s11 =	spop (v2sf)  }
0x259: {  	s29 =	spop (v2sf)  }
0x25a: {  	s21 =	spop (v2sf)  }
0x25b: {  	s1 =	spop (v2sf)  }
0x25c: {  	s0 =	spop (v2sf)  }
0x25d: {  	s19 =	spop (v2sf)  }
0x25e: {  	s9 =	spop (v2sf)  }
0x25f: {  	s24 =	spop (v2sf)  }
0x260: {  	s25 =	spop (v2sf)  }
0x261: {  	s28 =	spop (v2sf)  }
0x262: {  	s22 =	spop (v2sf)  }
0x263: {  	s3 =	spop (v2sf)  }
0x264: {  	v8 =	vld [tilespmem:s3+$0xD680];
	_ =	sdelay $0x3  }
0x265: {  	s13 =	sshra.s32 s14, $0x2  }
0x266: {  	[tilespmem:s13+$0x15E80] =	vst.add.f32.msk $0xffff, v8  }
0x267: {  	v8 =	vld [tilespmem:s22+$0xD680];
	_ =	sdelay $0x4  }
0x268: {  	[tilespmem:s13+$0x15F00] =	vst.add.f32.msk $0xffff, v8  }
0x269: {  	v8 =	vld [tilespmem:s28+$0xD680];
	_ =	sdelay $0x4  }
0x26a: {  	[tilespmem:s13+$0x15F80] =	vst.add.f32.msk $0xffff, v8  }
0x26b: {  	v8 =	vld [tilespmem:s25+$0xD680];
	_ =	sdelay $0x4  }
0x26c: {  	[tilespmem:s13+$0x16000] =	vst.add.f32.msk $0xffff, v8  }
0x26d: {  	v8 =	vld [tilespmem:s24+$0xD680];
	_ =	sdelay $0x4  }
0x26e: {  	[tilespmem:s13+$0x16080] =	vst.add.f32.msk $0xffff, v8  }
0x26f: {  	v8 =	vld [tilespmem:s9+$0xD680];
	_ =	sdelay $0x4  }
0x270: {  	[tilespmem:s13+$0x16100] =	vst.add.f32.msk $0xffff, v8  }
0x271: {  	v8 =	vld [tilespmem:s19+$0xD680];
	_ =	sdelay $0x4  }
0x272: {  	[tilespmem:s13+$0x16180] =	vst.add.f32.msk $0xffff, v8  }
0x273: {  	v8 =	vld [tilespmem:s0+$0xD680];
	_ =	sdelay $0x4  }
0x274: {  	[tilespmem:s13+$0x16200] =	vst.add.f32.msk $0xffff, v8  }
0x275: {  	v8 =	vld [tilespmem:s1+$0xD680];
	_ =	sdelay $0x4  }
0x276: {  	[tilespmem:s13+$0x16280] =	vst.add.f32.msk $0xffff, v8  }
0x277: {  	v8 =	vld [tilespmem:s21+$0xD680];
	_ =	sdelay $0x4  }
0x278: {  	[tilespmem:s13+$0x16300] =	vst.add.f32.msk $0xffff, v8  }
0x279: {  	v8 =	vld [tilespmem:s29+$0xD680];
	_ =	sdelay $0x4  }
0x27a: {  	[tilespmem:s13+$0x16380] =	vst.add.f32.msk $0xffff, v8  }
0x27b: {  	v8 =	vld [tilespmem:s11+$0xD680];
	_ =	sdelay $0x4  }
0x27c: {  	[tilespmem:s13+$0x16400] =	vst.add.f32.msk $0xffff, v8  }
0x27d: {  	v8 =	vld [tilespmem:s5+$0xD680];
	_ =	sdelay $0x4  }
0x27e: {  	[tilespmem:s13+$0x16480] =	vst.add.f32.msk $0xffff, v8  }
0x27f: {  	v8 =	vld [tilespmem:s10+$0xD680];
	_ =	sdelay $0x4  }
0x280: {  	[tilespmem:s13+$0x16500] =	vst.add.f32.msk $0xffff, v8  }
0x281: {  	v8 =	vld [tilespmem:s8+$0xD680];
	_ =	sdelay $0x4  }
0x282: {  	[tilespmem:s13+$0x16580] =	vst.add.f32.msk $0xffff, v8  }
0x283: {  	v8 =	vld [tilespmem:s7+$0xD680];
	_ =	sdelay $0x4  }
0x284: {  	[tilespmem:s13+$0x16600] =	vst.add.f32.msk $0xffff, v8  }
0x285: {  	v8 =	vld [tilespmem:s3+$0xD690];
	_ =	sdelay $0x4  }
0x286: {  	[tilespmem:s13+$0x15E90] =	vst.add.f32.msk $0xffff, v8  }
0x287: {  	v8 =	vld [tilespmem:s22+$0xD690];
	_ =	sdelay $0x4  }
0x288: {  	[tilespmem:s13+$0x15F10] =	vst.add.f32.msk $0xffff, v8  }
0x289: {  	v8 =	vld [tilespmem:s28+$0xD690];
	_ =	sdelay $0x4  }
0x28a: {  	[tilespmem:s13+$0x15F90] =	vst.add.f32.msk $0xffff, v8  }
0x28b: {  	v8 =	vld [tilespmem:s25+$0xD690];
	_ =	sdelay $0x4  }
0x28c: {  	[tilespmem:s13+$0x16010] =	vst.add.f32.msk $0xffff, v8  }
0x28d: {  	v8 =	vld [tilespmem:s24+$0xD690];
	_ =	sdelay $0x4  }
0x28e: {  	[tilespmem:s13+$0x16090] =	vst.add.f32.msk $0xffff, v8  }
0x28f: {  	v8 =	vld [tilespmem:s9+$0xD690];
	_ =	sdelay $0x4  }
0x290: {  	[tilespmem:s13+$0x16110] =	vst.add.f32.msk $0xffff, v8  }
0x291: {  	v8 =	vld [tilespmem:s19+$0xD690];
	_ =	sdelay $0x4  }
0x292: {  	[tilespmem:s13+$0x16190] =	vst.add.f32.msk $0xffff, v8  }
0x293: {  	v8 =	vld [tilespmem:s0+$0xD690];
	_ =	sdelay $0x4  }
0x294: {  	[tilespmem:s13+$0x16210] =	vst.add.f32.msk $0xffff, v8  }
0x295: {  	v8 =	vld [tilespmem:s1+$0xD690];
	_ =	sdelay $0x4  }
0x296: {  	[tilespmem:s13+$0x16290] =	vst.add.f32.msk $0xffff, v8  }
0x297: {  	v8 =	vld [tilespmem:s21+$0xD690];
	_ =	sdelay $0x4  }
0x298: {  	[tilespmem:s13+$0x16310] =	vst.add.f32.msk $0xffff, v8  }
0x299: {  	v8 =	vld [tilespmem:s29+$0xD690];
	_ =	sdelay $0x4  }
0x29a: {  	[tilespmem:s13+$0x16390] =	vst.add.f32.msk $0xffff, v8  }
0x29b: {  	v8 =	vld [tilespmem:s11+$0xD690];
	_ =	sdelay $0x4  }
0x29c: {  	[tilespmem:s13+$0x16410] =	vst.add.f32.msk $0xffff, v8  }
0x29d: {  	v8 =	vld [tilespmem:s5+$0xD690];
	_ =	sdelay $0x4  }
0x29e: {  	[tilespmem:s13+$0x16490] =	vst.add.f32.msk $0xffff, v8  }
0x29f: {  	v8 =	vld [tilespmem:s10+$0xD690];
	_ =	sdelay $0x4  }
0x2a0: {  	[tilespmem:s13+$0x16510] =	vst.add.f32.msk $0xffff, v8  }
0x2a1: {  	v8 =	vld [tilespmem:s8+$0xD690];
	_ =	sdelay $0x4  }
0x2a2: {  	[tilespmem:s13+$0x16590] =	vst.add.f32.msk $0xffff, v8  }
0x2a3: {  	v8 =	vld [tilespmem:s7+$0xD690];
	_ =	sdelay $0x4  }
0x2a4: {  	[tilespmem:s13+$0x16610] =	vst.add.f32.msk $0xffff, v8  }
0x2a5: {  	v8 =	vld [tilespmem:s3+$0xD6A0];
	_ =	sdelay $0x4  }
0x2a6: {  	[tilespmem:s13+$0x15EA0] =	vst.add.f32.msk $0xffff, v8  }
0x2a7: {  	v8 =	vld [tilespmem:s22+$0xD6A0];
	_ =	sdelay $0x4  }
0x2a8: {  	[tilespmem:s13+$0x15F20] =	vst.add.f32.msk $0xffff, v8  }
0x2a9: {  	v8 =	vld [tilespmem:s28+$0xD6A0];
	_ =	sdelay $0x4  }
0x2aa: {  	[tilespmem:s13+$0x15FA0] =	vst.add.f32.msk $0xffff, v8  }
0x2ab: {  	v8 =	vld [tilespmem:s25+$0xD6A0];
	_ =	sdelay $0x4  }
0x2ac: {  	[tilespmem:s13+$0x16020] =	vst.add.f32.msk $0xffff, v8  }
0x2ad: {  	v8 =	vld [tilespmem:s24+$0xD6A0];
	_ =	sdelay $0x4  }
0x2ae: {  	[tilespmem:s13+$0x160A0] =	vst.add.f32.msk $0xffff, v8  }
0x2af: {  	v8 =	vld [tilespmem:s9+$0xD6A0];
	_ =	sdelay $0x4  }
0x2b0: {  	[tilespmem:s13+$0x16120] =	vst.add.f32.msk $0xffff, v8  }
0x2b1: {  	v8 =	vld [tilespmem:s19+$0xD6A0];
	_ =	sdelay $0x4  }
0x2b2: {  	[tilespmem:s13+$0x161A0] =	vst.add.f32.msk $0xffff, v8  }
0x2b3: {  	v8 =	vld [tilespmem:s0+$0xD6A0];
	_ =	sdelay $0x4  }
0x2b4: {  	[tilespmem:s13+$0x16220] =	vst.add.f32.msk $0xffff, v8  }
0x2b5: {  	v8 =	vld [tilespmem:s1+$0xD6A0];
	_ =	sdelay $0x4  }
0x2b6: {  	[tilespmem:s13+$0x162A0] =	vst.add.f32.msk $0xffff, v8  }
0x2b7: {  	v8 =	vld [tilespmem:s21+$0xD6A0];
	_ =	sdelay $0x4  }
0x2b8: {  	[tilespmem:s13+$0x16320] =	vst.add.f32.msk $0xffff, v8  }
0x2b9: {  	v8 =	vld [tilespmem:s29+$0xD6A0];
	_ =	sdelay $0x4  }
0x2ba: {  	[tilespmem:s13+$0x163A0] =	vst.add.f32.msk $0xffff, v8  }
0x2bb: {  	v8 =	vld [tilespmem:s11+$0xD6A0];
	_ =	sdelay $0x4  }
0x2bc: {  	[tilespmem:s13+$0x16420] =	vst.add.f32.msk $0xffff, v8  }
0x2bd: {  	v8 =	vld [tilespmem:s5+$0xD6A0];
	_ =	sdelay $0x4  }
0x2be: {  	[tilespmem:s13+$0x164A0] =	vst.add.f32.msk $0xffff, v8  }
0x2bf: {  	v8 =	vld [tilespmem:s10+$0xD6A0];
	_ =	sdelay $0x4  }
0x2c0: {  	[tilespmem:s13+$0x16520] =	vst.add.f32.msk $0xffff, v8  }
0x2c1: {  	v8 =	vld [tilespmem:s8+$0xD6A0];
	_ =	sdelay $0x4  }
0x2c2: {  	[tilespmem:s13+$0x165A0] =	vst.add.f32.msk $0xffff, v8  }
0x2c3: {  	v8 =	vld [tilespmem:s7+$0xD6A0];
	_ =	sdelay $0x4  }
0x2c4: {  	[tilespmem:s13+$0x16620] =	vst.add.f32.msk $0xffff, v8  }
0x2c5: {  	v8 =	vld [tilespmem:s3+$0xD6B0];
	_ =	sdelay $0x4  }
0x2c6: {  	[tilespmem:s13+$0x15EB0] =	vst.add.f32.msk $0xffff, v8  }
0x2c7: {  	v8 =	vld [tilespmem:s22+$0xD6B0];
	_ =	sdelay $0x4  }
0x2c8: {  	[tilespmem:s13+$0x15F30] =	vst.add.f32.msk $0xffff, v8  }
0x2c9: {  	v8 =	vld [tilespmem:s28+$0xD6B0];
	_ =	sdelay $0x4  }
0x2ca: {  	[tilespmem:s13+$0x15FB0] =	vst.add.f32.msk $0xffff, v8  }
0x2cb: {  	v8 =	vld [tilespmem:s25+$0xD6B0];
	_ =	sdelay $0x4  }
0x2cc: {  	[tilespmem:s13+$0x16030] =	vst.add.f32.msk $0xffff, v8  }
0x2cd: {  	v8 =	vld [tilespmem:s24+$0xD6B0];
	_ =	sdelay $0x4  }
0x2ce: {  	[tilespmem:s13+$0x160B0] =	vst.add.f32.msk $0xffff, v8  }
0x2cf: {  	v8 =	vld [tilespmem:s9+$0xD6B0];
	_ =	sdelay $0x4  }
0x2d0: {  	[tilespmem:s13+$0x16130] =	vst.add.f32.msk $0xffff, v8  }
0x2d1: {  	v8 =	vld [tilespmem:s19+$0xD6B0];
	_ =	sdelay $0x4  }
0x2d2: {  	[tilespmem:s13+$0x161B0] =	vst.add.f32.msk $0xffff, v8  }
0x2d3: {  	v8 =	vld [tilespmem:s0+$0xD6B0];
	_ =	sdelay $0x4  }
0x2d4: {  	[tilespmem:s13+$0x16230] =	vst.add.f32.msk $0xffff, v8  }
0x2d5: {  	v8 =	vld [tilespmem:s1+$0xD6B0];
	_ =	sdelay $0x4  }
0x2d6: {  	[tilespmem:s13+$0x162B0] =	vst.add.f32.msk $0xffff, v8  }
0x2d7: {  	v8 =	vld [tilespmem:s21+$0xD6B0];
	_ =	sdelay $0x4  }
0x2d8: {  	[tilespmem:s13+$0x16330] =	vst.add.f32.msk $0xffff, v8  }
0x2d9: {  	v8 =	vld [tilespmem:s29+$0xD6B0];
	_ =	sdelay $0x4  }
0x2da: {  	[tilespmem:s13+$0x163B0] =	vst.add.f32.msk $0xffff, v8  }
0x2db: {  	v8 =	vld [tilespmem:s11+$0xD6B0];
	_ =	sdelay $0x4  }
0x2dc: {  	[tilespmem:s13+$0x16430] =	vst.add.f32.msk $0xffff, v8  }
0x2dd: {  	v8 =	vld [tilespmem:s5+$0xD6B0];
	_ =	sdelay $0x4  }
0x2de: {  	[tilespmem:s13+$0x164B0] =	vst.add.f32.msk $0xffff, v8  }
0x2df: {  	v8 =	vld [tilespmem:s10+$0xD6B0];
	_ =	sdelay $0x4  }
0x2e0: {  	[tilespmem:s13+$0x16530] =	vst.add.f32.msk $0xffff, v8  }
0x2e1: {  	v8 =	vld [tilespmem:s8+$0xD6B0];
	_ =	sdelay $0x4  }
0x2e2: {  	[tilespmem:s13+$0x165B0] =	vst.add.f32.msk $0xffff, v8  }
0x2e3: {  	v8 =	vld [tilespmem:s7+$0xD6B0];
	_ =	sdelay $0x4  }
0x2e4: {  	[tilespmem:s13+$0x16630] =	vst.add.f32.msk $0xffff, v8  }
0x2e5: {  	v8 =	vld [tilespmem:s3+$0xD6C0];
	_ =	sdelay $0x4  }
0x2e6: {  	[tilespmem:s13+$0x15EC0] =	vst.add.f32.msk $0xffff, v8  }
0x2e7: {  	v8 =	vld [tilespmem:s22+$0xD6C0];
	_ =	sdelay $0x4  }
0x2e8: {  	[tilespmem:s13+$0x15F40] =	vst.add.f32.msk $0xffff, v8  }
0x2e9: {  	v8 =	vld [tilespmem:s28+$0xD6C0];
	_ =	sdelay $0x4  }
0x2ea: {  	[tilespmem:s13+$0x15FC0] =	vst.add.f32.msk $0xffff, v8  }
0x2eb: {  	v8 =	vld [tilespmem:s25+$0xD6C0];
	_ =	sdelay $0x4  }
0x2ec: {  	[tilespmem:s13+$0x16040] =	vst.add.f32.msk $0xffff, v8  }
0x2ed: {  	v8 =	vld [tilespmem:s24+$0xD6C0];
	_ =	sdelay $0x4  }
0x2ee: {  	[tilespmem:s13+$0x160C0] =	vst.add.f32.msk $0xffff, v8  }
0x2ef: {  	v8 =	vld [tilespmem:s9+$0xD6C0];
	_ =	sdelay $0x4  }
0x2f0: {  	[tilespmem:s13+$0x16140] =	vst.add.f32.msk $0xffff, v8  }
0x2f1: {  	v8 =	vld [tilespmem:s19+$0xD6C0];
	_ =	sdelay $0x4  }
0x2f2: {  	[tilespmem:s13+$0x161C0] =	vst.add.f32.msk $0xffff, v8  }
0x2f3: {  	v8 =	vld [tilespmem:s0+$0xD6C0];
	_ =	sdelay $0x4  }
0x2f4: {  	[tilespmem:s13+$0x16240] =	vst.add.f32.msk $0xffff, v8  }
0x2f5: {  	v8 =	vld [tilespmem:s1+$0xD6C0];
	_ =	sdelay $0x4  }
0x2f6: {  	[tilespmem:s13+$0x162C0] =	vst.add.f32.msk $0xffff, v8  }
0x2f7: {  	v8 =	vld [tilespmem:s21+$0xD6C0];
	_ =	sdelay $0x4  }
0x2f8: {  	[tilespmem:s13+$0x16340] =	vst.add.f32.msk $0xffff, v8  }
0x2f9: {  	v8 =	vld [tilespmem:s29+$0xD6C0];
	_ =	sdelay $0x4  }
0x2fa: {  	[tilespmem:s13+$0x163C0] =	vst.add.f32.msk $0xffff, v8  }
0x2fb: {  	v8 =	vld [tilespmem:s11+$0xD6C0];
	_ =	sdelay $0x4  }
0x2fc: {  	[tilespmem:s13+$0x16440] =	vst.add.f32.msk $0xffff, v8  }
0x2fd: {  	v8 =	vld [tilespmem:s5+$0xD6C0];
	_ =	sdelay $0x4  }
0x2fe: {  	[tilespmem:s13+$0x164C0] =	vst.add.f32.msk $0xffff, v8  }
0x2ff: {  	v8 =	vld [tilespmem:s10+$0xD6C0];
	_ =	sdelay $0x4  }
0x300: {  	[tilespmem:s13+$0x16540] =	vst.add.f32.msk $0xffff, v8  }
0x301: {  	v8 =	vld [tilespmem:s8+$0xD6C0];
	_ =	sdelay $0x4  }
0x302: {  	[tilespmem:s13+$0x165C0] =	vst.add.f32.msk $0xffff, v8  }
0x303: {  	v8 =	vld [tilespmem:s7+$0xD6C0];
	_ =	sdelay $0x4  }
0x304: {  	[tilespmem:s13+$0x16640] =	vst.add.f32.msk $0xffff, v8  }
0x305: {  	v8 =	vld [tilespmem:s3+$0xD6D0];
	_ =	sdelay $0x4  }
0x306: {  	[tilespmem:s13+$0x15ED0] =	vst.add.f32.msk $0xffff, v8  }
0x307: {  	v8 =	vld [tilespmem:s22+$0xD6D0];
	_ =	sdelay $0x4  }
0x308: {  	[tilespmem:s13+$0x15F50] =	vst.add.f32.msk $0xffff, v8  }
0x309: {  	v8 =	vld [tilespmem:s28+$0xD6D0];
	_ =	sdelay $0x4  }
0x30a: {  	[tilespmem:s13+$0x15FD0] =	vst.add.f32.msk $0xffff, v8  }
0x30b: {  	v8 =	vld [tilespmem:s25+$0xD6D0];
	_ =	sdelay $0x4  }
0x30c: {  	[tilespmem:s13+$0x16050] =	vst.add.f32.msk $0xffff, v8  }
0x30d: {  	v8 =	vld [tilespmem:s24+$0xD6D0];
	_ =	sdelay $0x4  }
0x30e: {  	[tilespmem:s13+$0x160D0] =	vst.add.f32.msk $0xffff, v8  }
0x30f: {  	v8 =	vld [tilespmem:s9+$0xD6D0];
	_ =	sdelay $0x4  }
0x310: {  	[tilespmem:s13+$0x16150] =	vst.add.f32.msk $0xffff, v8  }
0x311: {  	v8 =	vld [tilespmem:s19+$0xD6D0];
	_ =	sdelay $0x4  }
0x312: {  	[tilespmem:s13+$0x161D0] =	vst.add.f32.msk $0xffff, v8  }
0x313: {  	v8 =	vld [tilespmem:s0+$0xD6D0];
	_ =	sdelay $0x4  }
0x314: {  	[tilespmem:s13+$0x16250] =	vst.add.f32.msk $0xffff, v8  }
0x315: {  	v8 =	vld [tilespmem:s1+$0xD6D0];
	_ =	sdelay $0x4  }
0x316: {  	[tilespmem:s13+$0x162D0] =	vst.add.f32.msk $0xffff, v8  }
0x317: {  	v8 =	vld [tilespmem:s21+$0xD6D0];
	_ =	sdelay $0x4  }
0x318: {  	[tilespmem:s13+$0x16350] =	vst.add.f32.msk $0xffff, v8  }
0x319: {  	v8 =	vld [tilespmem:s29+$0xD6D0];
	_ =	sdelay $0x4  }
0x31a: {  	[tilespmem:s13+$0x163D0] =	vst.add.f32.msk $0xffff, v8  }
0x31b: {  	v8 =	vld [tilespmem:s11+$0xD6D0];
	_ =	sdelay $0x4  }
0x31c: {  	[tilespmem:s13+$0x16450] =	vst.add.f32.msk $0xffff, v8  }
0x31d: {  	v8 =	vld [tilespmem:s5+$0xD6D0];
	_ =	sdelay $0x4  }
0x31e: {  	[tilespmem:s13+$0x164D0] =	vst.add.f32.msk $0xffff, v8  }
0x31f: {  	v8 =	vld [tilespmem:s10+$0xD6D0];
	_ =	sdelay $0x4  }
0x320: {  	[tilespmem:s13+$0x16550] =	vst.add.f32.msk $0xffff, v8  }
0x321: {  	v8 =	vld [tilespmem:s8+$0xD6D0];
	_ =	sdelay $0x4  }
0x322: {  	[tilespmem:s13+$0x165D0] =	vst.add.f32.msk $0xffff, v8  }
0x323: {  	v8 =	vld [tilespmem:s7+$0xD6D0];
	_ =	sdelay $0x4  }
0x324: {  	[tilespmem:s13+$0x16650] =	vst.add.f32.msk $0xffff, v8  }
0x325: {  	v8 =	vld [tilespmem:s3+$0xD6E0];
	_ =	sdelay $0x4  }
0x326: {  	[tilespmem:s13+$0x15EE0] =	vst.add.f32.msk $0xffff, v8  }
0x327: {  	v8 =	vld [tilespmem:s22+$0xD6E0];
	_ =	sdelay $0x4  }
0x328: {  	[tilespmem:s13+$0x15F60] =	vst.add.f32.msk $0xffff, v8  }
0x329: {  	v8 =	vld [tilespmem:s28+$0xD6E0];
	_ =	sdelay $0x4  }
0x32a: {  	[tilespmem:s13+$0x15FE0] =	vst.add.f32.msk $0xffff, v8  }
0x32b: {  	v8 =	vld [tilespmem:s25+$0xD6E0];
	_ =	sdelay $0x4  }
0x32c: {  	[tilespmem:s13+$0x16060] =	vst.add.f32.msk $0xffff, v8  }
0x32d: {  	v8 =	vld [tilespmem:s24+$0xD6E0];
	_ =	sdelay $0x4  }
0x32e: {  	[tilespmem:s13+$0x160E0] =	vst.add.f32.msk $0xffff, v8  }
0x32f: {  	v8 =	vld [tilespmem:s9+$0xD6E0];
	_ =	sdelay $0x4  }
0x330: {  	[tilespmem:s13+$0x16160] =	vst.add.f32.msk $0xffff, v8  }
0x331: {  	v8 =	vld [tilespmem:s19+$0xD6E0];
	_ =	sdelay $0x4  }
0x332: {  	[tilespmem:s13+$0x161E0] =	vst.add.f32.msk $0xffff, v8  }
0x333: {  	v8 =	vld [tilespmem:s0+$0xD6E0];
	_ =	sdelay $0x4  }
0x334: {  	[tilespmem:s13+$0x16260] =	vst.add.f32.msk $0xffff, v8  }
0x335: {  	v8 =	vld [tilespmem:s1+$0xD6E0];
	_ =	sdelay $0x4  }
0x336: {  	[tilespmem:s13+$0x162E0] =	vst.add.f32.msk $0xffff, v8  }
0x337: {  	v8 =	vld [tilespmem:s21+$0xD6E0];
	_ =	sdelay $0x4  }
0x338: {  	[tilespmem:s13+$0x16360] =	vst.add.f32.msk $0xffff, v8  }
0x339: {  	v8 =	vld [tilespmem:s29+$0xD6E0];
	_ =	sdelay $0x4  }
0x33a: {  	[tilespmem:s13+$0x163E0] =	vst.add.f32.msk $0xffff, v8  }
0x33b: {  	v8 =	vld [tilespmem:s11+$0xD6E0];
	_ =	sdelay $0x4  }
0x33c: {  	[tilespmem:s13+$0x16460] =	vst.add.f32.msk $0xffff, v8  }
0x33d: {  	v8 =	vld [tilespmem:s5+$0xD6E0];
	_ =	sdelay $0x4  }
0x33e: {  	[tilespmem:s13+$0x164E0] =	vst.add.f32.msk $0xffff, v8  }
0x33f: {  	v8 =	vld [tilespmem:s10+$0xD6E0];
	_ =	sdelay $0x4  }
0x340: {  	[tilespmem:s13+$0x16560] =	vst.add.f32.msk $0xffff, v8  }
0x341: {  	v8 =	vld [tilespmem:s8+$0xD6E0];
	_ =	sdelay $0x4  }
0x342: {  	[tilespmem:s13+$0x165E0] =	vst.add.f32.msk $0xffff, v8  }
0x343: {  	v8 =	vld [tilespmem:s7+$0xD6E0];
	_ =	sdelay $0x4  }
0x344: {  	[tilespmem:s13+$0x16660] =	vst.add.f32.msk $0xffff, v8  }
0x345: {  	v8 =	vld [tilespmem:s3+$0xD6F0];
	_ =	sdelay $0x4  }
0x346: {  	[tilespmem:s13+$0x15EF0] =	vst.add.f32.msk $0xffff, v8  }
0x347: {  	v8 =	vld [tilespmem:s22+$0xD6F0];
	_ =	sdelay $0x4  }
0x348: {  	[tilespmem:s13+$0x15F70] =	vst.add.f32.msk $0xffff, v8  }
0x349: {  	v8 =	vld [tilespmem:s28+$0xD6F0];
	_ =	sdelay $0x4  }
0x34a: {  	[tilespmem:s13+$0x15FF0] =	vst.add.f32.msk $0xffff, v8  }
0x34b: {  	v8 =	vld [tilespmem:s25+$0xD6F0];
	_ =	sdelay $0x4  }
0x34c: {  	[tilespmem:s13+$0x16070] =	vst.add.f32.msk $0xffff, v8  }
0x34d: {  	v8 =	vld [tilespmem:s24+$0xD6F0];
	_ =	sdelay $0x4  }
0x34e: {  	[tilespmem:s13+$0x160F0] =	vst.add.f32.msk $0xffff, v8  }
0x34f: {  	v8 =	vld [tilespmem:s9+$0xD6F0];
	_ =	sdelay $0x4  }
0x350: {  	[tilespmem:s13+$0x16170] =	vst.add.f32.msk $0xffff, v8  }
0x351: {  	v8 =	vld [tilespmem:s19+$0xD6F0];
	_ =	sdelay $0x4  }
0x352: {  	[tilespmem:s13+$0x161F0] =	vst.add.f32.msk $0xffff, v8  }
0x353: {  	v8 =	vld [tilespmem:s0+$0xD6F0];
	_ =	sdelay $0x4  }
0x354: {  	[tilespmem:s13+$0x16270] =	vst.add.f32.msk $0xffff, v8  }
0x355: {  	v8 =	vld [tilespmem:s1+$0xD6F0];
	_ =	sdelay $0x4  }
0x356: {  	[tilespmem:s13+$0x162F0] =	vst.add.f32.msk $0xffff, v8  }
0x357: {  	v8 =	vld [tilespmem:s21+$0xD6F0];
	_ =	sdelay $0x4  }
0x358: {  	[tilespmem:s13+$0x16370] =	vst.add.f32.msk $0xffff, v8  }
0x359: {  	v8 =	vld [tilespmem:s29+$0xD6F0];
	_ =	sdelay $0x4  }
0x35a: {  	[tilespmem:s13+$0x163F0] =	vst.add.f32.msk $0xffff, v8  }
0x35b: {  	v8 =	vld [tilespmem:s11+$0xD6F0];
	_ =	sdelay $0x4  }
0x35c: {  	[tilespmem:s13+$0x16470] =	vst.add.f32.msk $0xffff, v8  }
0x35d: {  	v8 =	vld [tilespmem:s5+$0xD6F0];
	_ =	sdelay $0x4  }
0x35e: {  	[tilespmem:s13+$0x164F0] =	vst.add.f32.msk $0xffff, v8  }
0x35f: {  	v8 =	vld [tilespmem:s10+$0xD6F0];
	_ =	sdelay $0x4  }
0x360: {  	[tilespmem:s13+$0x16570] =	vst.add.f32.msk $0xffff, v8  }
0x361: {  	v8 =	vld [tilespmem:s8+$0xD6F0];
	_ =	sdelay $0x4  }
0x362: {  	[tilespmem:s13+$0x165F0] =	vst.add.f32.msk $0xffff, v8  }
0x363: {  	p0 =	sne.s32 s14, $0x6000;
	v8 =	vld [tilespmem:s7+$0xD6F0]  }
.Ltmp13:
0x364: {  	_ = 	snop;
	(pc) =	sbr.rel @p0 .LBB2_19-.Ltmp13, $2  }
0x365: {  	_ =	sdelay $0x2  }
0x366: {  	s6 =	sadd.s32 $0x10, s6;
	s14 =	sadd.s32 $0x2000, s14;
	[tilespmem:s13+$0x16670] =	vst.add.f32.msk $0xffff, v8  }
.Ltmp14:
0x367: {  	(pc) =	sbr.rel .LBB2_21-.Ltmp14, $3  }
0x368: {  	_ =	sdelay $0x1  }
0x369: {  	s0 =	rddreg [dreg:$0x2];
	s1 =	simm.s32 $0x18000;
	s3 =	simm.s32 $0x15E80  }
0x36a: {  	[hbm4b:s0+s20] =	stream.indirect.scatter [tilespmem:s3], [sflag:$0x4], $0x80, s1, s20, $0xb8;
	[tilespmem:$0x1C180] =	vst v63  }
.LBB2_15:
0x36b: {  	s12 =	sor.u32 $0x1, s0  }
0x36c: {  	p0 =	sge.s32 s12, s31  }
0x36d: {  	_ =	swait.ge [sflag:s26], $0x2000;
	p1 =	seq.s32 @!p0 s0, $0x0  }
0x36e: {  	[sflag:s26] =	ssyncset.done $0x0;
	p1 =	por p1, p0  }
0x36f: {  	[sflag:s26] =	ssyncadd.s32 $0xFFFFE000;
	s1 =	simm.s32 @!p1 $0x4  }
0x370: {  	_ =	swait.ge @!p1 [sflag:s1], $0x2000  }
0x371: {  	[sflag:s1] =	ssyncset.done @!p1 $0x0  }
0x372: {  	[sflag:s1] =	ssyncadd.s32 @!p1 $0xFFFFE000;
	s1 =	sshll.u32 @!p0 s12, $0x6  }
0x373: {  	v8 =	vld.idx.msk @!p0 [tilespmem:v7+s1+$0x6600 ss:$0x1], $0xffff;
	_ =	sdelay $0x4  }
0x374: {  	[tilespmem:$0x17F80] =	vst @!p0 v8  }
0x375: {  	v8 =	vld.idx.msk @!p0 [tilespmem:v7+s1+$0x8B80 ss:$0x1], $0xffff;
	_ =	sdelay $0x4  }
0x376: {  	[tilespmem:$0x18000] =	vst @!p0 v8  }
0x377: {  	v8 =	vld.idx.msk @!p0 [tilespmem:v7+s1+$0x6610 ss:$0x1], $0xffff;
	_ =	sdelay $0x4  }
0x378: {  	[tilespmem:$0x17F90] =	vst @!p0 v8  }
0x379: {  	v8 =	vld.idx.msk @!p0 [tilespmem:v7+s1+$0x8B90 ss:$0x1], $0xffff;
	_ =	sdelay $0x4  }
0x37a: {  	[tilespmem:$0x18010] =	vst @!p0 v8  }
0x37b: {  	v8 =	vld.idx.msk @!p0 [tilespmem:v7+s1+$0x6620 ss:$0x1], $0xffff;
	_ =	sdelay $0x4  }
0x37c: {  	[tilespmem:$0x17FA0] =	vst @!p0 v8  }
0x37d: {  	v8 =	vld.idx.msk @!p0 [tilespmem:v7+s1+$0x8BA0 ss:$0x1], $0xffff;
	_ =	sdelay $0x4  }
0x37e: {  	[tilespmem:$0x18020] =	vst @!p0 v8  }
0x37f: {  	v8 =	vld.idx.msk @!p0 [tilespmem:v7+s1+$0x6630 ss:$0x1], $0xffff;
	_ =	sdelay $0x4  }
0x380: {  	[tilespmem:$0x17FB0] =	vst @!p0 v8  }
0x381: {  	v8 =	vld.idx.msk @!p0 [tilespmem:v7+s1+$0x8BB0 ss:$0x1], $0xffff;
	_ =	sdelay $0x2  }
0x382: {  	s29 =	sshll.u32 s0, $0x8  }
0x383: {  	s14 =	simm.s32 $0x0;
	s3 =	simm.s32 @!p0 $0x17F80;
	s0 =	sshra.s32 s29, $0x2  }
0x384: {  	s5 =	simm.s32 @!p0 $0x15E80;
	s6 =	sadd.s32 s0, s2;
	s1 =	simm.s32 @!p0 $0x40;
	[tilespmem:$0x18030] =	vst @!p0 v8  }
0x385: {  	[tilespmem:s5], [sflag:$0x3] =	stream.indirect.gather @!p0 [spmem:s4], $0x80, s3, s1, $0xb8;
	[tilespmem:$0x1C180] =	vst v63  }
.LBB2_16:
0x386: {  	v8 =	vld [tilespmem:s6+$0x0];
	_ =	sdelay $0x4  }
0x387: {  	v8 =	vshll.u32 v8, $0x9  }
0x388: {  	v8 =	vshra.s32 v8, $0x2  }
0x389: {  	(v2sf) =	vpush v8, $0xF  }
0x38a: {  	(v2sf) =	vpush v8, $0xE  }
0x38b: {  	(v2sf) =	vpush v8, $0xD  }
0x38c: {  	(v2sf) =	vpush v8, $0xC  }
0x38d: {  	(v2sf) =	vpush v8, $0xB  }
0x38e: {  	(v2sf) =	vpush v8, $0xA  }
0x38f: {  	(v2sf) =	vpush v8, $0x9  }
0x390: {  	(v2sf) =	vpush v8, $0x8  }
0x391: {  	(v2sf) =	vpush v8, $0x7  }
0x392: {  	(v2sf) =	vpush v8, $0x6  }
0x393: {  	(v2sf) =	vpush v8, $0x5  }
0x394: {  	(v2sf) =	vpush v8, $0x4  }
0x395: {  	(v2sf) =	vpush v8, $0x3  }
0x396: {  	(v2sf) =	vpush v8, $0x2  }
0x397: {  	(v2sf) =	vpush v8, $0x1  }
0x398: {  	s7 =	spop (v2sf);
	(v2sf) =	vpush v8, $0x0  }
0x399: {  	s8 =	spop (v2sf)  }
0x39a: {  	s10 =	spop (v2sf)  }
0x39b: {  	s5 =	spop (v2sf)  }
0x39c: {  	s11 =	spop (v2sf)  }
0x39d: {  	s29 =	spop (v2sf)  }
0x39e: {  	s21 =	spop (v2sf)  }
0x39f: {  	s1 =	spop (v2sf)  }
0x3a0: {  	s0 =	spop (v2sf)  }
0x3a1: {  	s19 =	spop (v2sf)  }
0x3a2: {  	s9 =	spop (v2sf)  }
0x3a3: {  	s24 =	spop (v2sf)  }
0x3a4: {  	s25 =	spop (v2sf)  }
0x3a5: {  	s28 =	spop (v2sf)  }
0x3a6: {  	s22 =	spop (v2sf)  }
0x3a7: {  	s3 =	spop (v2sf)  }
0x3a8: {  	v8 =	vld [tilespmem:s3+$0xD680];
	_ =	sdelay $0x3  }
0x3a9: {  	s13 =	sshra.s32 s14, $0x2  }
0x3aa: {  	[tilespmem:s13+$0x13E80] =	vst.add.f32.msk $0xffff, v8  }
0x3ab: {  	v8 =	vld [tilespmem:s22+$0xD680];
	_ =	sdelay $0x4  }
0x3ac: {  	[tilespmem:s13+$0x13F00] =	vst.add.f32.msk $0xffff, v8  }
0x3ad: {  	v8 =	vld [tilespmem:s28+$0xD680];
	_ =	sdelay $0x4  }
0x3ae: {  	[tilespmem:s13+$0x13F80] =	vst.add.f32.msk $0xffff, v8  }
0x3af: {  	v8 =	vld [tilespmem:s25+$0xD680];
	_ =	sdelay $0x4  }
0x3b0: {  	[tilespmem:s13+$0x14000] =	vst.add.f32.msk $0xffff, v8  }
0x3b1: {  	v8 =	vld [tilespmem:s24+$0xD680];
	_ =	sdelay $0x4  }
0x3b2: {  	[tilespmem:s13+$0x14080] =	vst.add.f32.msk $0xffff, v8  }
0x3b3: {  	v8 =	vld [tilespmem:s9+$0xD680];
	_ =	sdelay $0x4  }
0x3b4: {  	[tilespmem:s13+$0x14100] =	vst.add.f32.msk $0xffff, v8  }
0x3b5: {  	v8 =	vld [tilespmem:s19+$0xD680];
	_ =	sdelay $0x4  }
0x3b6: {  	[tilespmem:s13+$0x14180] =	vst.add.f32.msk $0xffff, v8  }
0x3b7: {  	v8 =	vld [tilespmem:s0+$0xD680];
	_ =	sdelay $0x4  }
0x3b8: {  	[tilespmem:s13+$0x14200] =	vst.add.f32.msk $0xffff, v8  }
0x3b9: {  	v8 =	vld [tilespmem:s1+$0xD680];
	_ =	sdelay $0x4  }
0x3ba: {  	[tilespmem:s13+$0x14280] =	vst.add.f32.msk $0xffff, v8  }
0x3bb: {  	v8 =	vld [tilespmem:s21+$0xD680];
	_ =	sdelay $0x4  }
0x3bc: {  	[tilespmem:s13+$0x14300] =	vst.add.f32.msk $0xffff, v8  }
0x3bd: {  	v8 =	vld [tilespmem:s29+$0xD680];
	_ =	sdelay $0x4  }
0x3be: {  	[tilespmem:s13+$0x14380] =	vst.add.f32.msk $0xffff, v8  }
0x3bf: {  	v8 =	vld [tilespmem:s11+$0xD680];
	_ =	sdelay $0x4  }
0x3c0: {  	[tilespmem:s13+$0x14400] =	vst.add.f32.msk $0xffff, v8  }
0x3c1: {  	v8 =	vld [tilespmem:s5+$0xD680];
	_ =	sdelay $0x4  }
0x3c2: {  	[tilespmem:s13+$0x14480] =	vst.add.f32.msk $0xffff, v8  }
0x3c3: {  	v8 =	vld [tilespmem:s10+$0xD680];
	_ =	sdelay $0x4  }
0x3c4: {  	[tilespmem:s13+$0x14500] =	vst.add.f32.msk $0xffff, v8  }
0x3c5: {  	v8 =	vld [tilespmem:s8+$0xD680];
	_ =	sdelay $0x4  }
0x3c6: {  	[tilespmem:s13+$0x14580] =	vst.add.f32.msk $0xffff, v8  }
0x3c7: {  	v8 =	vld [tilespmem:s7+$0xD680];
	_ =	sdelay $0x4  }
0x3c8: {  	[tilespmem:s13+$0x14600] =	vst.add.f32.msk $0xffff, v8  }
0x3c9: {  	v8 =	vld [tilespmem:s3+$0xD690];
	_ =	sdelay $0x4  }
0x3ca: {  	[tilespmem:s13+$0x13E90] =	vst.add.f32.msk $0xffff, v8  }
0x3cb: {  	v8 =	vld [tilespmem:s22+$0xD690];
	_ =	sdelay $0x4  }
0x3cc: {  	[tilespmem:s13+$0x13F10] =	vst.add.f32.msk $0xffff, v8  }
0x3cd: {  	v8 =	vld [tilespmem:s28+$0xD690];
	_ =	sdelay $0x4  }
0x3ce: {  	[tilespmem:s13+$0x13F90] =	vst.add.f32.msk $0xffff, v8  }
0x3cf: {  	v8 =	vld [tilespmem:s25+$0xD690];
	_ =	sdelay $0x4  }
0x3d0: {  	[tilespmem:s13+$0x14010] =	vst.add.f32.msk $0xffff, v8  }
0x3d1: {  	v8 =	vld [tilespmem:s24+$0xD690];
	_ =	sdelay $0x4  }
0x3d2: {  	[tilespmem:s13+$0x14090] =	vst.add.f32.msk $0xffff, v8  }
0x3d3: {  	v8 =	vld [tilespmem:s9+$0xD690];
	_ =	sdelay $0x4  }
0x3d4: {  	[tilespmem:s13+$0x14110] =	vst.add.f32.msk $0xffff, v8  }
0x3d5: {  	v8 =	vld [tilespmem:s19+$0xD690];
	_ =	sdelay $0x4  }
0x3d6: {  	[tilespmem:s13+$0x14190] =	vst.add.f32.msk $0xffff, v8  }
0x3d7: {  	v8 =	vld [tilespmem:s0+$0xD690];
	_ =	sdelay $0x4  }
0x3d8: {  	[tilespmem:s13+$0x14210] =	vst.add.f32.msk $0xffff, v8  }
0x3d9: {  	v8 =	vld [tilespmem:s1+$0xD690];
	_ =	sdelay $0x4  }
0x3da: {  	[tilespmem:s13+$0x14290] =	vst.add.f32.msk $0xffff, v8  }
0x3db: {  	v8 =	vld [tilespmem:s21+$0xD690];
	_ =	sdelay $0x4  }
0x3dc: {  	[tilespmem:s13+$0x14310] =	vst.add.f32.msk $0xffff, v8  }
0x3dd: {  	v8 =	vld [tilespmem:s29+$0xD690];
	_ =	sdelay $0x4  }
0x3de: {  	[tilespmem:s13+$0x14390] =	vst.add.f32.msk $0xffff, v8  }
0x3df: {  	v8 =	vld [tilespmem:s11+$0xD690];
	_ =	sdelay $0x4  }
0x3e0: {  	[tilespmem:s13+$0x14410] =	vst.add.f32.msk $0xffff, v8  }
0x3e1: {  	v8 =	vld [tilespmem:s5+$0xD690];
	_ =	sdelay $0x4  }
0x3e2: {  	[tilespmem:s13+$0x14490] =	vst.add.f32.msk $0xffff, v8  }
0x3e3: {  	v8 =	vld [tilespmem:s10+$0xD690];
	_ =	sdelay $0x4  }
0x3e4: {  	[tilespmem:s13+$0x14510] =	vst.add.f32.msk $0xffff, v8  }
0x3e5: {  	v8 =	vld [tilespmem:s8+$0xD690];
	_ =	sdelay $0x4  }
0x3e6: {  	[tilespmem:s13+$0x14590] =	vst.add.f32.msk $0xffff, v8  }
0x3e7: {  	v8 =	vld [tilespmem:s7+$0xD690];
	_ =	sdelay $0x4  }
0x3e8: {  	[tilespmem:s13+$0x14610] =	vst.add.f32.msk $0xffff, v8  }
0x3e9: {  	v8 =	vld [tilespmem:s3+$0xD6A0];
	_ =	sdelay $0x4  }
0x3ea: {  	[tilespmem:s13+$0x13EA0] =	vst.add.f32.msk $0xffff, v8  }
0x3eb: {  	v8 =	vld [tilespmem:s22+$0xD6A0];
	_ =	sdelay $0x4  }
0x3ec: {  	[tilespmem:s13+$0x13F20] =	vst.add.f32.msk $0xffff, v8  }
0x3ed: {  	v8 =	vld [tilespmem:s28+$0xD6A0];
	_ =	sdelay $0x4  }
0x3ee: {  	[tilespmem:s13+$0x13FA0] =	vst.add.f32.msk $0xffff, v8  }
0x3ef: {  	v8 =	vld [tilespmem:s25+$0xD6A0];
	_ =	sdelay $0x4  }
0x3f0: {  	[tilespmem:s13+$0x14020] =	vst.add.f32.msk $0xffff, v8  }
0x3f1: {  	v8 =	vld [tilespmem:s24+$0xD6A0];
	_ =	sdelay $0x4  }
0x3f2: {  	[tilespmem:s13+$0x140A0] =	vst.add.f32.msk $0xffff, v8  }
0x3f3: {  	v8 =	vld [tilespmem:s9+$0xD6A0];
	_ =	sdelay $0x4  }
0x3f4: {  	[tilespmem:s13+$0x14120] =	vst.add.f32.msk $0xffff, v8  }
0x3f5: {  	v8 =	vld [tilespmem:s19+$0xD6A0];
	_ =	sdelay $0x4  }
0x3f6: {  	[tilespmem:s13+$0x141A0] =	vst.add.f32.msk $0xffff, v8  }
0x3f7: {  	v8 =	vld [tilespmem:s0+$0xD6A0];
	_ =	sdelay $0x4  }
0x3f8: {  	[tilespmem:s13+$0x14220] =	vst.add.f32.msk $0xffff, v8  }
0x3f9: {  	v8 =	vld [tilespmem:s1+$0xD6A0];
	_ =	sdelay $0x4  }
0x3fa: {  	[tilespmem:s13+$0x142A0] =	vst.add.f32.msk $0xffff, v8  }
0x3fb: {  	v8 =	vld [tilespmem:s21+$0xD6A0];
	_ =	sdelay $0x4  }
0x3fc: {  	[tilespmem:s13+$0x14320] =	vst.add.f32.msk $0xffff, v8  }
0x3fd: {  	v8 =	vld [tilespmem:s29+$0xD6A0];
	_ =	sdelay $0x4  }
0x3fe: {  	[tilespmem:s13+$0x143A0] =	vst.add.f32.msk $0xffff, v8  }
0x3ff: {  	v8 =	vld [tilespmem:s11+$0xD6A0];
	_ =	sdelay $0x4  }
0x400: {  	[tilespmem:s13+$0x14420] =	vst.add.f32.msk $0xffff, v8  }
0x401: {  	v8 =	vld [tilespmem:s5+$0xD6A0];
	_ =	sdelay $0x4  }
0x402: {  	[tilespmem:s13+$0x144A0] =	vst.add.f32.msk $0xffff, v8  }
0x403: {  	v8 =	vld [tilespmem:s10+$0xD6A0];
	_ =	sdelay $0x4  }
0x404: {  	[tilespmem:s13+$0x14520] =	vst.add.f32.msk $0xffff, v8  }
0x405: {  	v8 =	vld [tilespmem:s8+$0xD6A0];
	_ =	sdelay $0x4  }
0x406: {  	[tilespmem:s13+$0x145A0] =	vst.add.f32.msk $0xffff, v8  }
0x407: {  	v8 =	vld [tilespmem:s7+$0xD6A0];
	_ =	sdelay $0x4  }
0x408: {  	[tilespmem:s13+$0x14620] =	vst.add.f32.msk $0xffff, v8  }
0x409: {  	v8 =	vld [tilespmem:s3+$0xD6B0];
	_ =	sdelay $0x4  }
0x40a: {  	[tilespmem:s13+$0x13EB0] =	vst.add.f32.msk $0xffff, v8  }
0x40b: {  	v8 =	vld [tilespmem:s22+$0xD6B0];
	_ =	sdelay $0x4  }
0x40c: {  	[tilespmem:s13+$0x13F30] =	vst.add.f32.msk $0xffff, v8  }
0x40d: {  	v8 =	vld [tilespmem:s28+$0xD6B0];
	_ =	sdelay $0x4  }
0x40e: {  	[tilespmem:s13+$0x13FB0] =	vst.add.f32.msk $0xffff, v8  }
0x40f: {  	v8 =	vld [tilespmem:s25+$0xD6B0];
	_ =	sdelay $0x4  }
0x410: {  	[tilespmem:s13+$0x14030] =	vst.add.f32.msk $0xffff, v8  }
0x411: {  	v8 =	vld [tilespmem:s24+$0xD6B0];
	_ =	sdelay $0x4  }
0x412: {  	[tilespmem:s13+$0x140B0] =	vst.add.f32.msk $0xffff, v8  }
0x413: {  	v8 =	vld [tilespmem:s9+$0xD6B0];
	_ =	sdelay $0x4  }
0x414: {  	[tilespmem:s13+$0x14130] =	vst.add.f32.msk $0xffff, v8  }
0x415: {  	v8 =	vld [tilespmem:s19+$0xD6B0];
	_ =	sdelay $0x4  }
0x416: {  	[tilespmem:s13+$0x141B0] =	vst.add.f32.msk $0xffff, v8  }
0x417: {  	v8 =	vld [tilespmem:s0+$0xD6B0];
	_ =	sdelay $0x4  }
0x418: {  	[tilespmem:s13+$0x14230] =	vst.add.f32.msk $0xffff, v8  }
0x419: {  	v8 =	vld [tilespmem:s1+$0xD6B0];
	_ =	sdelay $0x4  }
0x41a: {  	[tilespmem:s13+$0x142B0] =	vst.add.f32.msk $0xffff, v8  }
0x41b: {  	v8 =	vld [tilespmem:s21+$0xD6B0];
	_ =	sdelay $0x4  }
0x41c: {  	[tilespmem:s13+$0x14330] =	vst.add.f32.msk $0xffff, v8  }
0x41d: {  	v8 =	vld [tilespmem:s29+$0xD6B0];
	_ =	sdelay $0x4  }
0x41e: {  	[tilespmem:s13+$0x143B0] =	vst.add.f32.msk $0xffff, v8  }
0x41f: {  	v8 =	vld [tilespmem:s11+$0xD6B0];
	_ =	sdelay $0x4  }
0x420: {  	[tilespmem:s13+$0x14430] =	vst.add.f32.msk $0xffff, v8  }
0x421: {  	v8 =	vld [tilespmem:s5+$0xD6B0];
	_ =	sdelay $0x4  }
0x422: {  	[tilespmem:s13+$0x144B0] =	vst.add.f32.msk $0xffff, v8  }
0x423: {  	v8 =	vld [tilespmem:s10+$0xD6B0];
	_ =	sdelay $0x4  }
0x424: {  	[tilespmem:s13+$0x14530] =	vst.add.f32.msk $0xffff, v8  }
0x425: {  	v8 =	vld [tilespmem:s8+$0xD6B0];
	_ =	sdelay $0x4  }
0x426: {  	[tilespmem:s13+$0x145B0] =	vst.add.f32.msk $0xffff, v8  }
0x427: {  	v8 =	vld [tilespmem:s7+$0xD6B0];
	_ =	sdelay $0x4  }
0x428: {  	[tilespmem:s13+$0x14630] =	vst.add.f32.msk $0xffff, v8  }
0x429: {  	v8 =	vld [tilespmem:s3+$0xD6C0];
	_ =	sdelay $0x4  }
0x42a: {  	[tilespmem:s13+$0x13EC0] =	vst.add.f32.msk $0xffff, v8  }
0x42b: {  	v8 =	vld [tilespmem:s22+$0xD6C0];
	_ =	sdelay $0x4  }
0x42c: {  	[tilespmem:s13+$0x13F40] =	vst.add.f32.msk $0xffff, v8  }
0x42d: {  	v8 =	vld [tilespmem:s28+$0xD6C0];
	_ =	sdelay $0x4  }
0x42e: {  	[tilespmem:s13+$0x13FC0] =	vst.add.f32.msk $0xffff, v8  }
0x42f: {  	v8 =	vld [tilespmem:s25+$0xD6C0];
	_ =	sdelay $0x4  }
0x430: {  	[tilespmem:s13+$0x14040] =	vst.add.f32.msk $0xffff, v8  }
0x431: {  	v8 =	vld [tilespmem:s24+$0xD6C0];
	_ =	sdelay $0x4  }
0x432: {  	[tilespmem:s13+$0x140C0] =	vst.add.f32.msk $0xffff, v8  }
0x433: {  	v8 =	vld [tilespmem:s9+$0xD6C0];
	_ =	sdelay $0x4  }
0x434: {  	[tilespmem:s13+$0x14140] =	vst.add.f32.msk $0xffff, v8  }
0x435: {  	v8 =	vld [tilespmem:s19+$0xD6C0];
	_ =	sdelay $0x4  }
0x436: {  	[tilespmem:s13+$0x141C0] =	vst.add.f32.msk $0xffff, v8  }
0x437: {  	v8 =	vld [tilespmem:s0+$0xD6C0];
	_ =	sdelay $0x4  }
0x438: {  	[tilespmem:s13+$0x14240] =	vst.add.f32.msk $0xffff, v8  }
0x439: {  	v8 =	vld [tilespmem:s1+$0xD6C0];
	_ =	sdelay $0x4  }
0x43a: {  	[tilespmem:s13+$0x142C0] =	vst.add.f32.msk $0xffff, v8  }
0x43b: {  	v8 =	vld [tilespmem:s21+$0xD6C0];
	_ =	sdelay $0x4  }
0x43c: {  	[tilespmem:s13+$0x14340] =	vst.add.f32.msk $0xffff, v8  }
0x43d: {  	v8 =	vld [tilespmem:s29+$0xD6C0];
	_ =	sdelay $0x4  }
0x43e: {  	[tilespmem:s13+$0x143C0] =	vst.add.f32.msk $0xffff, v8  }
0x43f: {  	v8 =	vld [tilespmem:s11+$0xD6C0];
	_ =	sdelay $0x4  }
0x440: {  	[tilespmem:s13+$0x14440] =	vst.add.f32.msk $0xffff, v8  }
0x441: {  	v8 =	vld [tilespmem:s5+$0xD6C0];
	_ =	sdelay $0x4  }
0x442: {  	[tilespmem:s13+$0x144C0] =	vst.add.f32.msk $0xffff, v8  }
0x443: {  	v8 =	vld [tilespmem:s10+$0xD6C0];
	_ =	sdelay $0x4  }
0x444: {  	[tilespmem:s13+$0x14540] =	vst.add.f32.msk $0xffff, v8  }
0x445: {  	v8 =	vld [tilespmem:s8+$0xD6C0];
	_ =	sdelay $0x4  }
0x446: {  	[tilespmem:s13+$0x145C0] =	vst.add.f32.msk $0xffff, v8  }
0x447: {  	v8 =	vld [tilespmem:s7+$0xD6C0];
	_ =	sdelay $0x4  }
0x448: {  	[tilespmem:s13+$0x14640] =	vst.add.f32.msk $0xffff, v8  }
0x449: {  	v8 =	vld [tilespmem:s3+$0xD6D0];
	_ =	sdelay $0x4  }
0x44a: {  	[tilespmem:s13+$0x13ED0] =	vst.add.f32.msk $0xffff, v8  }
0x44b: {  	v8 =	vld [tilespmem:s22+$0xD6D0];
	_ =	sdelay $0x4  }
0x44c: {  	[tilespmem:s13+$0x13F50] =	vst.add.f32.msk $0xffff, v8  }
0x44d: {  	v8 =	vld [tilespmem:s28+$0xD6D0];
	_ =	sdelay $0x4  }
0x44e: {  	[tilespmem:s13+$0x13FD0] =	vst.add.f32.msk $0xffff, v8  }
0x44f: {  	v8 =	vld [tilespmem:s25+$0xD6D0];
	_ =	sdelay $0x4  }
0x450: {  	[tilespmem:s13+$0x14050] =	vst.add.f32.msk $0xffff, v8  }
0x451: {  	v8 =	vld [tilespmem:s24+$0xD6D0];
	_ =	sdelay $0x4  }
0x452: {  	[tilespmem:s13+$0x140D0] =	vst.add.f32.msk $0xffff, v8  }
0x453: {  	v8 =	vld [tilespmem:s9+$0xD6D0];
	_ =	sdelay $0x4  }
0x454: {  	[tilespmem:s13+$0x14150] =	vst.add.f32.msk $0xffff, v8  }
0x455: {  	v8 =	vld [tilespmem:s19+$0xD6D0];
	_ =	sdelay $0x4  }
0x456: {  	[tilespmem:s13+$0x141D0] =	vst.add.f32.msk $0xffff, v8  }
0x457: {  	v8 =	vld [tilespmem:s0+$0xD6D0];
	_ =	sdelay $0x4  }
0x458: {  	[tilespmem:s13+$0x14250] =	vst.add.f32.msk $0xffff, v8  }
0x459: {  	v8 =	vld [tilespmem:s1+$0xD6D0];
	_ =	sdelay $0x4  }
0x45a: {  	[tilespmem:s13+$0x142D0] =	vst.add.f32.msk $0xffff, v8  }
0x45b: {  	v8 =	vld [tilespmem:s21+$0xD6D0];
	_ =	sdelay $0x4  }
0x45c: {  	[tilespmem:s13+$0x14350] =	vst.add.f32.msk $0xffff, v8  }
0x45d: {  	v8 =	vld [tilespmem:s29+$0xD6D0];
	_ =	sdelay $0x4  }
0x45e: {  	[tilespmem:s13+$0x143D0] =	vst.add.f32.msk $0xffff, v8  }
0x45f: {  	v8 =	vld [tilespmem:s11+$0xD6D0];
	_ =	sdelay $0x4  }
0x460: {  	[tilespmem:s13+$0x14450] =	vst.add.f32.msk $0xffff, v8  }
0x461: {  	v8 =	vld [tilespmem:s5+$0xD6D0];
	_ =	sdelay $0x4  }
0x462: {  	[tilespmem:s13+$0x144D0] =	vst.add.f32.msk $0xffff, v8  }
0x463: {  	v8 =	vld [tilespmem:s10+$0xD6D0];
	_ =	sdelay $0x4  }
0x464: {  	[tilespmem:s13+$0x14550] =	vst.add.f32.msk $0xffff, v8  }
0x465: {  	v8 =	vld [tilespmem:s8+$0xD6D0];
	_ =	sdelay $0x4  }
0x466: {  	[tilespmem:s13+$0x145D0] =	vst.add.f32.msk $0xffff, v8  }
0x467: {  	v8 =	vld [tilespmem:s7+$0xD6D0];
	_ =	sdelay $0x4  }
0x468: {  	[tilespmem:s13+$0x14650] =	vst.add.f32.msk $0xffff, v8  }
0x469: {  	v8 =	vld [tilespmem:s3+$0xD6E0];
	_ =	sdelay $0x4  }
0x46a: {  	[tilespmem:s13+$0x13EE0] =	vst.add.f32.msk $0xffff, v8  }
0x46b: {  	v8 =	vld [tilespmem:s22+$0xD6E0];
	_ =	sdelay $0x4  }
0x46c: {  	[tilespmem:s13+$0x13F60] =	vst.add.f32.msk $0xffff, v8  }
0x46d: {  	v8 =	vld [tilespmem:s28+$0xD6E0];
	_ =	sdelay $0x4  }
0x46e: {  	[tilespmem:s13+$0x13FE0] =	vst.add.f32.msk $0xffff, v8  }
0x46f: {  	v8 =	vld [tilespmem:s25+$0xD6E0];
	_ =	sdelay $0x4  }
0x470: {  	[tilespmem:s13+$0x14060] =	vst.add.f32.msk $0xffff, v8  }
0x471: {  	v8 =	vld [tilespmem:s24+$0xD6E0];
	_ =	sdelay $0x4  }
0x472: {  	[tilespmem:s13+$0x140E0] =	vst.add.f32.msk $0xffff, v8  }
0x473: {  	v8 =	vld [tilespmem:s9+$0xD6E0];
	_ =	sdelay $0x4  }
0x474: {  	[tilespmem:s13+$0x14160] =	vst.add.f32.msk $0xffff, v8  }
0x475: {  	v8 =	vld [tilespmem:s19+$0xD6E0];
	_ =	sdelay $0x4  }
0x476: {  	[tilespmem:s13+$0x141E0] =	vst.add.f32.msk $0xffff, v8  }
0x477: {  	v8 =	vld [tilespmem:s0+$0xD6E0];
	_ =	sdelay $0x4  }
0x478: {  	[tilespmem:s13+$0x14260] =	vst.add.f32.msk $0xffff, v8  }
0x479: {  	v8 =	vld [tilespmem:s1+$0xD6E0];
	_ =	sdelay $0x4  }
0x47a: {  	[tilespmem:s13+$0x142E0] =	vst.add.f32.msk $0xffff, v8  }
0x47b: {  	v8 =	vld [tilespmem:s21+$0xD6E0];
	_ =	sdelay $0x4  }
0x47c: {  	[tilespmem:s13+$0x14360] =	vst.add.f32.msk $0xffff, v8  }
0x47d: {  	v8 =	vld [tilespmem:s29+$0xD6E0];
	_ =	sdelay $0x4  }
0x47e: {  	[tilespmem:s13+$0x143E0] =	vst.add.f32.msk $0xffff, v8  }
0x47f: {  	v8 =	vld [tilespmem:s11+$0xD6E0];
	_ =	sdelay $0x4  }
0x480: {  	[tilespmem:s13+$0x14460] =	vst.add.f32.msk $0xffff, v8  }
0x481: {  	v8 =	vld [tilespmem:s5+$0xD6E0];
	_ =	sdelay $0x4  }
0x482: {  	[tilespmem:s13+$0x144E0] =	vst.add.f32.msk $0xffff, v8  }
0x483: {  	v8 =	vld [tilespmem:s10+$0xD6E0];
	_ =	sdelay $0x4  }
0x484: {  	[tilespmem:s13+$0x14560] =	vst.add.f32.msk $0xffff, v8  }
0x485: {  	v8 =	vld [tilespmem:s8+$0xD6E0];
	_ =	sdelay $0x4  }
0x486: {  	[tilespmem:s13+$0x145E0] =	vst.add.f32.msk $0xffff, v8  }
0x487: {  	v8 =	vld [tilespmem:s7+$0xD6E0];
	_ =	sdelay $0x4  }
0x488: {  	[tilespmem:s13+$0x14660] =	vst.add.f32.msk $0xffff, v8  }
0x489: {  	v8 =	vld [tilespmem:s3+$0xD6F0];
	_ =	sdelay $0x4  }
0x48a: {  	[tilespmem:s13+$0x13EF0] =	vst.add.f32.msk $0xffff, v8  }
0x48b: {  	v8 =	vld [tilespmem:s22+$0xD6F0];
	_ =	sdelay $0x4  }
0x48c: {  	[tilespmem:s13+$0x13F70] =	vst.add.f32.msk $0xffff, v8  }
0x48d: {  	v8 =	vld [tilespmem:s28+$0xD6F0];
	_ =	sdelay $0x4  }
0x48e: {  	[tilespmem:s13+$0x13FF0] =	vst.add.f32.msk $0xffff, v8  }
0x48f: {  	v8 =	vld [tilespmem:s25+$0xD6F0];
	_ =	sdelay $0x4  }
0x490: {  	[tilespmem:s13+$0x14070] =	vst.add.f32.msk $0xffff, v8  }
0x491: {  	v8 =	vld [tilespmem:s24+$0xD6F0];
	_ =	sdelay $0x4  }
0x492: {  	[tilespmem:s13+$0x140F0] =	vst.add.f32.msk $0xffff, v8  }
0x493: {  	v8 =	vld [tilespmem:s9+$0xD6F0];
	_ =	sdelay $0x4  }
0x494: {  	[tilespmem:s13+$0x14170] =	vst.add.f32.msk $0xffff, v8  }
0x495: {  	v8 =	vld [tilespmem:s19+$0xD6F0];
	_ =	sdelay $0x4  }
0x496: {  	[tilespmem:s13+$0x141F0] =	vst.add.f32.msk $0xffff, v8  }
0x497: {  	v8 =	vld [tilespmem:s0+$0xD6F0];
	_ =	sdelay $0x4  }
0x498: {  	[tilespmem:s13+$0x14270] =	vst.add.f32.msk $0xffff, v8  }
0x499: {  	v8 =	vld [tilespmem:s1+$0xD6F0];
	_ =	sdelay $0x4  }
0x49a: {  	[tilespmem:s13+$0x142F0] =	vst.add.f32.msk $0xffff, v8  }
0x49b: {  	v8 =	vld [tilespmem:s21+$0xD6F0];
	_ =	sdelay $0x4  }
0x49c: {  	[tilespmem:s13+$0x14370] =	vst.add.f32.msk $0xffff, v8  }
0x49d: {  	v8 =	vld [tilespmem:s29+$0xD6F0];
	_ =	sdelay $0x4  }
0x49e: {  	[tilespmem:s13+$0x143F0] =	vst.add.f32.msk $0xffff, v8  }
0x49f: {  	v8 =	vld [tilespmem:s11+$0xD6F0];
	_ =	sdelay $0x4  }
0x4a0: {  	[tilespmem:s13+$0x14470] =	vst.add.f32.msk $0xffff, v8  }
0x4a1: {  	v8 =	vld [tilespmem:s5+$0xD6F0];
	_ =	sdelay $0x4  }
0x4a2: {  	[tilespmem:s13+$0x144F0] =	vst.add.f32.msk $0xffff, v8  }
0x4a3: {  	v8 =	vld [tilespmem:s10+$0xD6F0];
	_ =	sdelay $0x4  }
0x4a4: {  	[tilespmem:s13+$0x14570] =	vst.add.f32.msk $0xffff, v8  }
0x4a5: {  	v8 =	vld [tilespmem:s8+$0xD6F0];
	_ =	sdelay $0x4  }
0x4a6: {  	[tilespmem:s13+$0x145F0] =	vst.add.f32.msk $0xffff, v8  }
0x4a7: {  	p0 =	sne.s32 s14, $0x6000;
	v8 =	vld [tilespmem:s7+$0xD6F0]  }
.Ltmp15:
0x4a8: {  	_ = 	snop;
	(pc) =	sbr.rel @p0 .LBB2_16-.Ltmp15, $2  }
0x4a9: {  	_ =	sdelay $0x2  }
0x4aa: {  	s6 =	sadd.s32 $0x10, s6;
	s14 =	sadd.s32 $0x2000, s14;
	[tilespmem:s13+$0x14670] =	vst.add.f32.msk $0xffff, v8  }
.Ltmp16:
0x4ab: {  	_ = 	snop;
	(pc) =	sbr.rel .LBB2_17-.Ltmp16, $1  }
0x4ac: {  	_ =	sdelay $0x3  }
.LBB2_25:
0x4ad: {  	_ =	sfence.sel $0x180000  }
0x4ae: {  	[bflag:$0x0] =	sbarrier.arrive $0xFFFF  }
0x4af: {  	_ =	strace $0x90000047  }
0x4b0: {  	s0 =	stileid.u32;
	[bflag:$0x2] =	sbarrier.arrive $0xFFFF  }
0x4b1: {  	p0 =	sne.s32 s0, $0x0;
	s0 =	rddreg [dreg:$0x4]  }
0x4b2: {  	s0 =	sadd.s32 @!p0 $0x100000, s0  }
0x4b3: {  	[sflag:s0] =	ssyncadd.tile.s32 @!p0 $0x1;
	_ =	shalt  }
.Lfunc_end2:
_tile_overlayer_lowered:
.L_overlay_start_2:
0x4b4: {  	(tag) =	ssettag $0x2  }
0x4b5: {  	s0 =	rddreg [dreg:$0x0];
	s2 =	stileid.u32  }
0x4b6: {  	s1 =	rddreg [dreg:$0x1];
	p0 =	sne.s32 s2, $0x0  }
0x4b7: {  	s3 =	rddreg [dreg:$0x2];
	[bflag:$0x3] =	sbarrier.arrive $0xFFFF;
	s2 =	simm.s32 @!p0 $0x1C06  }
0x4b8: {  	[timem:s3], [sflag:s2] =	dma.local @!p0 [hbm:s0], s1  }
0x4b9: {  	s0 =	simm.s32 @!p0 $0x6  }
0x4ba: {  	_ =	swait.ge @!p0 [sflag:s0], s1  }
0x4bb: {  	s1 =	ssub.s32 @!p0 $0x0, s1;
	[sflag:s0] =	ssyncset.done @!p0 $0x0  }
0x4bc: {  	[sflag:s0] =	ssyncadd.s32 @!p0 s1  }
0x4bd: {  	[bflag:$0x3] =	sbarrier.arrive $0xFFFF  }
0x4be: {  	_ =	shalt  }

</sc_bundles>
